<compile_context>
chip_gen: v7x
topology: tpu7x:2x2x1
jax: 0.10.2.dev20260603
libtpu: 0.0.44.dev20260713+nightly
codegen_flags: <defaults>
</compile_context>

<pallas_src>
import functools

import jax
import jax.numpy as jnp
from jax import lax
from jax.experimental import pallas as pl
from jax.experimental.pallas import tpu as pltpu
from jax.experimental.pallas import tpu_sc as plsc

EPS = 1e-5
NC = 2
NS = 16
NW = NC * NS
CHUNK = 128
PAD_ROWS = 16
STAGE = 400

f32 = jnp.float32



def _prop_body(n, e, d, d_out, k_chunks, chunk, nbuf, table_hbm, src_hbm,
               dst_hbm, out_hbm, acc, src_v, dst_v, rows_v, *sems):
    c = lax.axis_index("c")
    s = lax.axis_index("s")
    w = c * NS + s
    n_stage = n // STAGE

    pltpu.sync_copy(src_hbm.at[w], src_v)
    pltpu.sync_copy(dst_hbm.at[w], dst_v)

    @pl.loop(s, n_stage, step=NS)
    def _init(i):
        r0 = i * STAGE
        pltpu.sync_copy(table_hbm.at[pl.ds(r0, STAGE)], acc.at[pl.ds(r0, STAGE)])

    plsc.subcore_barrier()

    sem_g = sems[:nbuf]
    sem_s = sems[nbuf:]

    def _gwait(jj, b):
        pltpu.make_async_copy(table_hbm.at[src_v.at[jj]], rows_v.at[b],
                              sem_g[b]).wait()

    def _swait(b):
        pltpu.make_async_copy(rows_v.at[b], acc.at[dst_v.at[0]],
                              sem_s[b]).wait()

    for b in range(nbuf - 1):
        pltpu.async_copy(table_hbm.at[src_v.at[b]], rows_v.at[b], sem_g[b])

    @pl.loop(0, k_chunks, step=nbuf)
    def _edges(j):
        for b in range(nbuf):
            jj = j + b
            _gwait(jj, b)
            pltpu.async_copy(rows_v.at[b], acc.at[dst_v.at[jj]], sem_s[b],
                             add=True)
            bn = (b - 1) % nbuf

            @pl.when(jj + nbuf - 1 < k_chunks)
            def _():
                @pl.when(jj >= 1)
                def _():
                    _swait(bn)

                pltpu.async_copy(table_hbm.at[src_v.at[jj + nbuf - 1]],
                                 rows_v.at[bn], sem_g[bn])

    for b in range(nbuf):
        _swait(b)

    plsc.subcore_barrier()

    @pl.loop(s, n_stage, step=NS)
    def _out(i):
        r0 = i * STAGE
        if d_out == d:
            dst = out_hbm.at[c, pl.ds(r0, STAGE)]
        else:
            dst = out_hbm.at[c, pl.ds(r0, STAGE), pl.ds(0, d)]
        pltpu.sync_copy(acc.at[pl.ds(r0, STAGE)], dst)


def _make_prop(n, e, d, k_chunks, chunk, nbuf, d_out=None):
    d_out = d if d_out is None else d_out
    mesh = plsc.VectorSubcoreMesh(
        core_axis_name="c", subcore_axis_name="s",
        num_cores=NC, num_subcores=NS)
    return pl.kernel(
        functools.partial(_prop_body, n, e, d, d_out, k_chunks, chunk, nbuf),
        out_type=jax.ShapeDtypeStruct((NC, n, d_out), f32),
        mesh=mesh,
        scratch_types=[
            pltpu.VMEM_SHARED((n + PAD_ROWS, d), f32),
            pltpu.VMEM((k_chunks, chunk), jnp.int32),
            pltpu.VMEM((k_chunks, chunk), jnp.int32),
            pltpu.VMEM((nbuf, chunk, d), f32),
        ] + [pltpu.SemaphoreType.DMA] * (2 * nbuf),
        compiler_params=pltpu.CompilerParams(use_tc_tiling_on_sc=False),
        name=f"gcn_prop_d{d}",
    )


def _deg_body(n, e, k_chunks, chunk, ones_hbm, dst_hbm, out_hbm,
              acc, dst_v, ones_v, sem):
    c = lax.axis_index("c")
    s = lax.axis_index("s")
    w = c * NS + s
    n_stage = n // STAGE

    pltpu.sync_copy(dst_hbm.at[w], dst_v)
    pltpu.sync_copy(ones_hbm.at[pl.ds(0, chunk)], ones_v)

    @pl.loop(s, n_stage, step=NS)
    def _init(i):
        r0 = i * STAGE
        pltpu.sync_copy(ones_hbm.at[pl.ds(r0, STAGE)], acc.at[pl.ds(r0, STAGE)])

    plsc.subcore_barrier()

    @pl.loop(0, k_chunks, step=8)
    def _edges(j):
        for t in range(8):
            pltpu.async_copy(ones_v, acc.at[dst_v.at[j + t]], sem, add=True)
        for t in range(8):
            pltpu.make_async_copy(ones_v, acc.at[dst_v.at[j]], sem).wait()

    plsc.subcore_barrier()

    @pl.loop(s, n_stage, step=NS)
    def _out(i):
        r0 = i * STAGE
        pltpu.sync_copy(acc.at[pl.ds(r0, STAGE)], out_hbm.at[c, pl.ds(r0, STAGE)])


def _make_deg(n, e, d, k_chunks, chunk):
    mesh = plsc.VectorSubcoreMesh(
        core_axis_name="c", subcore_axis_name="s",
        num_cores=NC, num_subcores=NS)
    return pl.kernel(
        functools.partial(_deg_body, n, e, k_chunks, chunk),
        out_type=jax.ShapeDtypeStruct((NC, n, d), f32),
        mesh=mesh,
        scratch_types=[
            pltpu.VMEM_SHARED((n + PAD_ROWS, d), f32),
            pltpu.VMEM((k_chunks, chunk), jnp.int32),
            pltpu.VMEM((chunk, d), f32),
            pltpu.SemaphoreType.DMA,
        ],
        compiler_params=pltpu.CompilerParams(use_tc_tiling_on_sc=False),
        name="gcn_deg",
    )



def _dinv_block(degp_ref):
    deg = degp_ref[0, :, 0:1] + degp_ref[1, :, 0:1] - 1.0
    return lax.rsqrt(jnp.maximum(deg, 1.0))


def _tc_in_body(x_ref, w_ref, degp_ref, out_ref):
    dinv = _dinv_block(degp_ref)
    h = jnp.dot(x_ref[...], w_ref[...], preferred_element_type=f32)
    out_ref[...] = h * dinv


def _tc_mid_body(p_ref, ht_ref, degp_ref, b_ref, g_ref, be_ref, m_ref,
                 v_ref, w_ref, out_ref):
    dinv = _dinv_block(degp_ref)
    conv = dinv * (p_ref[0] + p_ref[1] - ht_ref[...]) + b_ref[...]
    z = (conv - m_ref[...]) * lax.rsqrt(v_ref[...] + EPS) * g_ref[...] + be_ref[...]
    z = jnp.maximum(z, 0.0)
    out_ref[...] = jnp.dot(z, w_ref[...], preferred_element_type=f32) * dinv


def _tc_head_body(p_ref, ht_ref, degp_ref, b3_ref, fw1_ref, fb1_ref,
                  fw2_ref, fb2_ref, out_ref):
    d = ht_ref.shape[1]
    dinv = _dinv_block(degp_ref)
    conv = dinv * (p_ref[0][:, :d] + p_ref[1][:, :d] - ht_ref[...]) + b3_ref[...]
    r = jnp.dot(conv, fw1_ref[...], preferred_element_type=f32) + fb1_ref[...]
    r = jnp.maximum(r, 0.0)
    o = jnp.dot(r, fw2_ref[...], preferred_element_type=f32) + fb2_ref[...]
    m = jnp.max(o, axis=1, keepdims=True)
    lse = jnp.log(jnp.sum(jnp.exp(o - m), axis=1, keepdims=True)) + m
    out_ref[...] = o - lse


def _row_spec(r, d):
    return pl.BlockSpec((r, d), lambda i: (i, 0))


def _full_spec(*shape):
    nd = len(shape)
    return pl.BlockSpec(shape, lambda i: (0,) * nd)


def _p_spec(r, d):
    return pl.BlockSpec((NC, r, d), lambda i: (0, i, 0))


def _tc_in(x, w, degp, r):
    n, d_in = x.shape
    d_out = w.shape[1]
    return pl.pallas_call(
        _tc_in_body,
        grid=(n // r,),
        in_specs=[_row_spec(r, d_in), _full_spec(d_in, d_out), _p_spec(r, 8)],
        out_specs=_row_spec(r, d_out),
        out_shape=jax.ShapeDtypeStruct((n, d_out), f32),
    )(x, w, degp)


def _tc_mid(p, ht, degp, b, g, be, m, v, w, r):
    n, d = ht.shape
    d_out = w.shape[1]
    vec = _full_spec(1, d)
    return pl.pallas_call(
        _tc_mid_body,
        grid=(n // r,),
        in_specs=[_p_spec(r, d), _row_spec(r, d), _p_spec(r, 8),
                  vec, vec, vec, vec, vec, _full_spec(d, d_out)],
        out_specs=_row_spec(r, d_out),
        out_shape=jax.ShapeDtypeStruct((n, d_out), f32),
    )(p, ht, degp, b.reshape(1, d), g.reshape(1, d), be.reshape(1, d),
      m.reshape(1, d), v.reshape(1, d), w)


def _tc_head(p, ht, degp, b3, fw1, fb1, fw2, fb2, r):
    n, d = ht.shape
    dh = fw1.shape[1]
    return pl.pallas_call(
        _tc_head_body,
        grid=(n // r,),
        in_specs=[_p_spec(r, p.shape[2]), _row_spec(r, d), _p_spec(r, 8),
                  _full_spec(1, d), _full_spec(d, dh), _full_spec(1, dh),
                  _full_spec(dh, d), _full_spec(1, d)],
        out_specs=_row_spec(r, d),
        out_shape=jax.ShapeDtypeStruct((n, d), f32),
    )(p, ht, degp, b3.reshape(1, d), fw1, fb1.reshape(1, dh), fw2,
      fb2.reshape(1, d))



def kernel(x, edge_index, W1, b1, g1, be1, m1, v1, W2, b2, g2, be2, m2, v2,
           W3, b3, fcW1, fcb1, fcW2, fcb2):
    n = x.shape[0]
    e = edge_index.shape[1]
    assert e % NW == 0 and n % STAGE == 0 and STAGE % 8 == 0

    src0 = edge_index[0].astype(jnp.int32)
    dst0 = edge_index[1].astype(jnp.int32)
    epw0 = e // NW

    def chunked(chunk, mult):
        k = -(-epw0 // chunk)
        k = -(-k // mult) * mult
        padn = NW * k * chunk - e
        src, dst = src0, dst0
        if padn:
            col = jnp.arange(padn, dtype=jnp.int32)
            src = jnp.concatenate([src, col * 61 % n])
            dst = jnp.concatenate([dst, n + (col % PAD_ROWS)])
        return k, src.reshape(NW, k, chunk), dst.reshape(NW, k, chunk)

    k80, src80, dst80 = chunked(80, 3)
    k128, src128, dst128 = chunked(128, 8)

    r = 2000
    ones_t = jnp.ones((n, 8), f32)
    degp = _make_deg(n, e, 8, k128, 128)(ones_t, dst128)

    h1t = _tc_in(x, W1, degp, r)
    p1 = _make_prop(n, e, 128, k80, 80, 3)(h1t, src80, dst80)
    h2t = _tc_mid(p1, h1t, degp, b1, g1, be1, m1, v1, W2, r)
    p2 = _make_prop(n, e, 128, k80, 80, 3)(h2t, src80, dst80)
    h3t = _tc_mid(p2, h2t, degp, b2, g2, be2, m2, v2, W3, r)
    p3 = _make_prop(n, e, 40, k128, 128, 4, d_out=128)(h3t, src128, dst128)
    return _tc_head(p3, h3t, degp, b3, fcW1, fcb1, fcW2, fcb2, r)

# --- scband reference (transcript-rebuilt; emitter-appended) ---
"""Pipeline reference for scband-enhanced-gcn-18193481466333 (READ-ONLY COPY).

The authoritative reference and input builder live on the scoring server;
editing this copy changes nothing except your own understanding.
"""

import jax, jax.numpy as jnp
import numpy as np

N = 10000
E = 320000
D_IN = 128
D_H = 128
D_OUT = 40
EPS = 1e-5


def setup_inputs(seed: int = 0) -> dict:
    key = jax.random.key(seed)
    ks = jax.random.split(key, 16)
    x = jax.random.normal(ks[0], (N, D_IN), dtype=jnp.float32)
    edge_index = jax.random.randint(ks[1], (2, E), 0, N)
    s1 = 1.0 / np.sqrt(D_IN)
    s2 = 1.0 / np.sqrt(D_H)
    s3 = 1.0 / np.sqrt(D_OUT)
    return {
        "x": x,
        "edge_index": edge_index,
        "W1": jax.random.normal(ks[2], (D_IN, D_H), dtype=jnp.float32) * s1,
        "b1": jnp.zeros((D_H,), dtype=jnp.float32),
        "g1": jnp.ones((D_H,), dtype=jnp.float32),
        "be1": jnp.zeros((D_H,), dtype=jnp.float32),
        "m1": jnp.zeros((D_H,), dtype=jnp.float32),
        "v1": jnp.ones((D_H,), dtype=jnp.float32),
        "W2": jax.random.normal(ks[3], (D_H, D_H), dtype=jnp.float32) * s2,
        "b2": jnp.zeros((D_H,), dtype=jnp.float32),
        "g2": jnp.ones((D_H,), dtype=jnp.float32),
        "be2": jnp.zeros((D_H,), dtype=jnp.float32),
        "m2": jnp.zeros((D_H,), dtype=jnp.float32),
        "v2": jnp.ones((D_H,), dtype=jnp.float32),
        "W3": jax.random.normal(ks[4], (D_H, D_OUT), dtype=jnp.float32) * s2,
        "b3": jnp.zeros((D_OUT,), dtype=jnp.float32),
        "fcW1": jax.random.normal(ks[5], (D_OUT, D_H), dtype=jnp.float32) * s3,
        "fcb1": jnp.zeros((D_H,), dtype=jnp.float32),
        "fcW2": jax.random.normal(ks[6], (D_H, D_OUT), dtype=jnp.float32) * s2,
        "fcb2": jnp.zeros((D_OUT,), dtype=jnp.float32),
    }


def _gcn_conv(x, src, dst, W, b):
    n = x.shape[0]
    loop = jnp.arange(n, dtype=src.dtype)
    s = jnp.concatenate([src, loop])
    d = jnp.concatenate([dst, loop])
    deg = jax.ops.segment_sum(jnp.ones_like(s, dtype=x.dtype), d, num_segments=n)
    dinv = jax.lax.rsqrt(jnp.maximum(deg, 1.0))
    norm = dinv[s] * dinv[d]
    h = x @ W
    msgs = jnp.take(h, s, axis=0) * norm[:, None]
    out = jax.ops.segment_sum(msgs, d, num_segments=n)
    return out + b


def _bn_eval(x, g, be, m, v):
    return (x - m) * jax.lax.rsqrt(v + EPS) * g + be


def reference(x, edge_index, W1, b1, g1, be1, m1, v1, W2, b2, g2, be2, m2, v2, W3, b3, fcW1, fcb1, fcW2, fcb2):
    src = edge_index[0]
    dst = edge_index[1]
    h = _gcn_conv(x, src, dst, W1, b1)
    h = jax.nn.relu(_bn_eval(h, g1, be1, m1, v1))
    h = _gcn_conv(h, src, dst, W2, b2)
    h = jax.nn.relu(_bn_eval(h, g2, be2, m2, v2))
    h = _gcn_conv(h, src, dst, W3, b3)
    h = jax.nn.relu(h @ fcW1 + fcb1)
    h = h @ fcW2 + fcb2
    return jax.nn.log_softmax(h, axis=1)

if __name__ == "__main__":
    import jax
    _d = setup_inputs()
    print(jax.jit(kernel)(*tuple(_d.values())))

</pallas_src>

<mosaic_0001>
#map = affine_map<(d0, d1) -> (0, 0)>
#map1 = affine_map<(d0, d1) -> (0, 0, 0)>
module attributes {stable_mosaic.version = 14 : i64} {
  func.func @gcn_prop_d40(%arg0: i32, %arg1: i32, %arg2: memref<10000x40xf32, #tpu.memory_space<hbm>>, %arg3: memref<32x80x128xi32, #tpu.memory_space<hbm>>, %arg4: memref<32x80x128xi32, #tpu.memory_space<hbm>>, %arg5: memref<2x10000x128xf32, #tpu.memory_space<hbm>>, %arg6: memref<10016x40xf32, #tpu.memory_space<vmem_shared>>, %arg7: memref<80x128xi32, #tpu.memory_space<vmem>>, %arg8: memref<80x128xi32, #tpu.memory_space<vmem>>, %arg9: memref<4x128x40xf32, #tpu.memory_space<vmem>>, %arg10: memref<!tpu.dma_semaphore, #tpu.memory_space<semaphore_mem>>, %arg11: memref<!tpu.dma_semaphore, #tpu.memory_space<semaphore_mem>>, %arg12: memref<!tpu.dma_semaphore, #tpu.memory_space<semaphore_mem>>, %arg13: memref<!tpu.dma_semaphore, #tpu.memory_space<semaphore_mem>>, %arg14: memref<!tpu.dma_semaphore, #tpu.memory_space<semaphore_mem>>, %arg15: memref<!tpu.dma_semaphore, #tpu.memory_space<semaphore_mem>>, %arg16: memref<!tpu.dma_semaphore, #tpu.memory_space<semaphore_mem>>, %arg17: memref<!tpu.dma_semaphore, #tpu.memory_space<semaphore_mem>>) attributes {dimension_semantics = [#tpu.dimension_semantics<core_parallel>, #tpu.dimension_semantics<subcore_parallel>], iteration_bounds = array<i64: 2, 16>, scalar_prefetch = 0 : i64, scratch_operands = 12 : i64, tpu.core_type = #tpu.core_type<sc_vector_subcore>, window_params = [{transform_indices = #map}, {transform_indices = #map1}, {transform_indices = #map1}, {transform_indices = #map1}]} {
    %mul3A = arith.constant 16 : i32
    %mul3A_0 = arith.muli %arg0, %mul3A : i32
    %add3A = arith.addi %mul3A_0, %arg1 : i32
    "tpu.region"() ({
      %run_scoped3A = tpu.sem_alloc : memref<!tpu.dma_semaphore, #tpu.memory_space<semaphore_mem>>
      %dma_start3A_121 = arith.constant 0 : i32
      %dma_start3A_122 = arith.constant 0 : i32
      %dma_start3A_123 = tpu.memref_slice %arg3[%add3A, %dma_start3A_121, %dma_start3A_122] : memref<32x80x128xi32, #tpu.memory_space<hbm>> -> memref<1x80x128xi32, #tpu.memory_space<hbm>>
      %dma_start3A_124 = tpu.memref_squeeze %dma_start3A_123 : memref<1x80x128xi32, #tpu.memory_space<hbm>> -> memref<80x128xi32, #tpu.memory_space<hbm>>
      %dma_start3A_125 = arith.constant 0 : i32
      %dma_start3A_126 = arith.constant 0 : i32
      %dma_start3A_127 = tpu.memref_slice %arg3[%add3A, %dma_start3A_125, %dma_start3A_126] : memref<32x80x128xi32, #tpu.memory_space<hbm>> -> memref<1x80x128xi32, #tpu.memory_space<hbm>>
      %dma_start3A_128 = tpu.memref_squeeze %dma_start3A_127 : memref<1x80x128xi32, #tpu.memory_space<hbm>> -> memref<80x128xi32, #tpu.memory_space<hbm>>
      tpu.enqueue_dma source(%dma_start3A_128 : memref<80x128xi32, #tpu.memory_space<hbm>>) target(%arg7 : memref<80x128xi32, #tpu.memory_space<vmem>>) target_semaphore(%run_scoped3A : memref<!tpu.dma_semaphore, #tpu.memory_space<semaphore_mem>>)
      %dma_wait3A_129 = arith.constant 0 : i32
      %dma_wait3A_130 = arith.constant 0 : i32
      %dma_wait3A_131 = tpu.memref_slice %arg3[%add3A, %dma_wait3A_129, %dma_wait3A_130] : memref<32x80x128xi32, #tpu.memory_space<hbm>> -> memref<1x80x128xi32, #tpu.memory_space<hbm>>
      %dma_wait3A_132 = tpu.memref_squeeze %dma_wait3A_131 : memref<1x80x128xi32, #tpu.memory_space<hbm>> -> memref<80x128xi32, #tpu.memory_space<hbm>>
      %dma_wait3A_133 = arith.constant 0 : i32
      %dma_wait3A_134 = arith.constant 0 : i32
      %dma_wait3A_135 = tpu.memref_slice %arg3[%add3A, %dma_wait3A_133, %dma_wait3A_134] : memref<32x80x128xi32, #tpu.memory_space<hbm>> -> memref<1x80x128xi32, #tpu.memory_space<hbm>>
      %dma_wait3A_136 = tpu.memref_squeeze %dma_wait3A_135 : memref<1x80x128xi32, #tpu.memory_space<hbm>> -> memref<80x128xi32, #tpu.memory_space<hbm>>
      tpu.wait_dma2 semaphore(%run_scoped3A : memref<!tpu.dma_semaphore, #tpu.memory_space<semaphore_mem>>) src(%dma_wait3A_136 : memref<80x128xi32, #tpu.memory_space<hbm>>) dst(%arg7 : memref<80x128xi32, #tpu.memory_space<vmem>>)
      tpu.yield
    }) : () -> ()
    "tpu.region"() ({
      %run_scoped3A = tpu.sem_alloc : memref<!tpu.dma_semaphore, #tpu.memory_space<semaphore_mem>>
      %dma_start3A_121 = arith.constant 0 : i32
      %dma_start3A_122 = arith.constant 0 : i32
      %dma_start3A_123 = tpu.memref_slice %arg4[%add3A, %dma_start3A_121, %dma_start3A_122] : memref<32x80x128xi32, #tpu.memory_space<hbm>> -> memref<1x80x128xi32, #tpu.memory_space<hbm>>
      %dma_start3A_124 = tpu.memref_squeeze %dma_start3A_123 : memref<1x80x128xi32, #tpu.memory_space<hbm>> -> memref<80x128xi32, #tpu.memory_space<hbm>>
      %dma_start3A_125 = arith.constant 0 : i32
      %dma_start3A_126 = arith.constant 0 : i32
      %dma_start3A_127 = tpu.memref_slice %arg4[%add3A, %dma_start3A_125, %dma_start3A_126] : memref<32x80x128xi32, #tpu.memory_space<hbm>> -> memref<1x80x128xi32, #tpu.memory_space<hbm>>
      %dma_start3A_128 = tpu.memref_squeeze %dma_start3A_127 : memref<1x80x128xi32, #tpu.memory_space<hbm>> -> memref<80x128xi32, #tpu.memory_space<hbm>>
      tpu.enqueue_dma source(%dma_start3A_128 : memref<80x128xi32, #tpu.memory_space<hbm>>) target(%arg8 : memref<80x128xi32, #tpu.memory_space<vmem>>) target_semaphore(%run_scoped3A : memref<!tpu.dma_semaphore, #tpu.memory_space<semaphore_mem>>)
      %dma_wait3A_129 = arith.constant 0 : i32
      %dma_wait3A_130 = arith.constant 0 : i32
      %dma_wait3A_131 = tpu.memref_slice %arg4[%add3A, %dma_wait3A_129, %dma_wait3A_130] : memref<32x80x128xi32, #tpu.memory_space<hbm>> -> memref<1x80x128xi32, #tpu.memory_space<hbm>>
      %dma_wait3A_132 = tpu.memref_squeeze %dma_wait3A_131 : memref<1x80x128xi32, #tpu.memory_space<hbm>> -> memref<80x128xi32, #tpu.memory_space<hbm>>
      %dma_wait3A_133 = arith.constant 0 : i32
      %dma_wait3A_134 = arith.constant 0 : i32
      %dma_wait3A_135 = tpu.memref_slice %arg4[%add3A, %dma_wait3A_133, %dma_wait3A_134] : memref<32x80x128xi32, #tpu.memory_space<hbm>> -> memref<1x80x128xi32, #tpu.memory_space<hbm>>
      %dma_wait3A_136 = tpu.memref_squeeze %dma_wait3A_135 : memref<1x80x128xi32, #tpu.memory_space<hbm>> -> memref<80x128xi32, #tpu.memory_space<hbm>>
      tpu.wait_dma2 semaphore(%run_scoped3A : memref<!tpu.dma_semaphore, #tpu.memory_space<semaphore_mem>>) src(%dma_wait3A_136 : memref<80x128xi32, #tpu.memory_space<hbm>>) dst(%arg8 : memref<80x128xi32, #tpu.memory_space<vmem>>)
      tpu.yield
    }) : () -> ()
    %sub3A = arith.constant 25 : i32
    %sub3A_1 = arith.subi %sub3A, %arg1 : i32
    %sub3A_2 = arith.constant 16 : i32
    %sub3A_3 = arith.constant 1 : i32
    %sub3A_4 = arith.subi %sub3A_2, %sub3A_3 : i32
    %add3A_5 = arith.addi %sub3A_1, %sub3A_4 : i32
    %div3A = arith.constant 16 : i32
    %div3A_6 = arith.divsi %add3A_5, %div3A : i32
    %while3A = arith.constant 16 : i32
    %while3A_7 = arith.constant 0 : i32
    %while3A_8 = arith.subi %div3A_6, %while3A_7 : i32
    %while3A_9 = arith.addi %while3A_7, %while3A_8 : i32
    %while3A_10 = arith.constant 1 : i32
    %while3A_11 = arith.divsi %while3A_8, %while3A_10 : i32
    %while3A_12 = arith.muli %while3A_11, %while3A_10 : i32
    %while3A_13 = arith.addi %while3A_7, %while3A_12 : i32
    %while3A_14 = arith.constant 1 : i32
    scf.for %while3A_121 = %while3A_7 to %while3A_13 step %while3A_14  : i32 {
      %mul3A_122 = arith.muli %while3A_121, %while3A : i32
      %add3A_123 = arith.addi %arg1, %mul3A_122 : i32
      %mul3A_124 = arith.constant 400 : i32
      %mul3A_125 = arith.muli %add3A_123, %mul3A_124 : i32
      "tpu.region"() ({
        %run_scoped3A = tpu.sem_alloc : memref<!tpu.dma_semaphore, #tpu.memory_space<semaphore_mem>>
        %dma_start3A_126 = arith.constant 0 : i32
        %dma_start3A_127 = tpu.memref_slice %arg6[%mul3A_125, %dma_start3A_126] : memref<10016x40xf32, #tpu.memory_space<vmem_shared>> -> memref<400x40xf32, #tpu.memory_space<vmem_shared>>
        %dma_start3A_128 = arith.constant 0 : i32
        %dma_start3A_129 = tpu.memref_slice %arg2[%mul3A_125, %dma_start3A_128] : memref<10000x40xf32, #tpu.memory_space<hbm>> -> memref<400x40xf32, #tpu.memory_space<hbm>>
        tpu.enqueue_dma source(%dma_start3A_129 : memref<400x40xf32, #tpu.memory_space<hbm>>) target(%dma_start3A_127 : memref<400x40xf32, #tpu.memory_space<vmem_shared>>) target_semaphore(%run_scoped3A : memref<!tpu.dma_semaphore, #tpu.memory_space<semaphore_mem>>)
        %dma_wait3A_130 = arith.constant 0 : i32
        %dma_wait3A_131 = tpu.memref_slice %arg6[%mul3A_125, %dma_wait3A_130] : memref<10016x40xf32, #tpu.memory_space<vmem_shared>> -> memref<400x40xf32, #tpu.memory_space<vmem_shared>>
        %dma_wait3A_132 = arith.constant 0 : i32
        %dma_wait3A_133 = tpu.memref_slice %arg2[%mul3A_125, %dma_wait3A_132] : memref<10000x40xf32, #tpu.memory_space<hbm>> -> memref<400x40xf32, #tpu.memory_space<hbm>>
        tpu.wait_dma2 semaphore(%run_scoped3A : memref<!tpu.dma_semaphore, #tpu.memory_space<semaphore_mem>>) src(%dma_wait3A_133 : memref<400x40xf32, #tpu.memory_space<hbm>>) dst(%dma_wait3A_131 : memref<400x40xf32, #tpu.memory_space<vmem_shared>>)
        tpu.yield
      }) : () -> ()
    }
    %while3A_15 = arith.constant 1 : i32
    scf.for %while3A_121 = %while3A_13 to %while3A_9 step %while3A_15  : i32 {
      %mul3A_122 = arith.muli %while3A_121, %while3A : i32
      %add3A_123 = arith.addi %arg1, %mul3A_122 : i32
      %mul3A_124 = arith.constant 400 : i32
      %mul3A_125 = arith.muli %add3A_123, %mul3A_124 : i32
      "tpu.region"() ({
        %run_scoped3A = tpu.sem_alloc : memref<!tpu.dma_semaphore, #tpu.memory_space<semaphore_mem>>
        %dma_start3A_126 = arith.constant 0 : i32
        %dma_start3A_127 = tpu.memref_slice %arg6[%mul3A_125, %dma_start3A_126] : memref<10016x40xf32, #tpu.memory_space<vmem_shared>> -> memref<400x40xf32, #tpu.memory_space<vmem_shared>>
        %dma_start3A_128 = arith.constant 0 : i32
        %dma_start3A_129 = tpu.memref_slice %arg2[%mul3A_125, %dma_start3A_128] : memref<10000x40xf32, #tpu.memory_space<hbm>> -> memref<400x40xf32, #tpu.memory_space<hbm>>
        tpu.enqueue_dma source(%dma_start3A_129 : memref<400x40xf32, #tpu.memory_space<hbm>>) target(%dma_start3A_127 : memref<400x40xf32, #tpu.memory_space<vmem_shared>>) target_semaphore(%run_scoped3A : memref<!tpu.dma_semaphore, #tpu.memory_space<semaphore_mem>>)
        %dma_wait3A_130 = arith.constant 0 : i32
        %dma_wait3A_131 = tpu.memref_slice %arg6[%mul3A_125, %dma_wait3A_130] : memref<10016x40xf32, #tpu.memory_space<vmem_shared>> -> memref<400x40xf32, #tpu.memory_space<vmem_shared>>
        %dma_wait3A_132 = arith.constant 0 : i32
        %dma_wait3A_133 = tpu.memref_slice %arg2[%mul3A_125, %dma_wait3A_132] : memref<10000x40xf32, #tpu.memory_space<hbm>> -> memref<400x40xf32, #tpu.memory_space<hbm>>
        tpu.wait_dma2 semaphore(%run_scoped3A : memref<!tpu.dma_semaphore, #tpu.memory_space<semaphore_mem>>) src(%dma_wait3A_133 : memref<400x40xf32, #tpu.memory_space<hbm>>) dst(%dma_wait3A_131 : memref<400x40xf32, #tpu.memory_space<vmem_shared>>)
        tpu.yield
      }) : () -> ()
    }
    %barrier3A = arith.constant 0 : index
    tpu.barrier barrier_id(%barrier3A)
    %dma_start3A = arith.constant 0 : i32
    %dma_start3A_16 = arith.constant 0 : i32
    %dma_start3A_17 = arith.constant 0 : i32
    %dma_start3A_18 = arith.constant 0 : i32
    %dma_start3A_19 = tpu.memref_slice %arg9[%dma_start3A_16, %dma_start3A_17, %dma_start3A_18] : memref<4x128x40xf32, #tpu.memory_space<vmem>> -> memref<1x128x40xf32, #tpu.memory_space<vmem>>
    %dma_start3A_20 = tpu.memref_squeeze %dma_start3A_19 : memref<1x128x40xf32, #tpu.memory_space<vmem>> -> memref<128x40xf32, #tpu.memory_space<vmem>>
    %dma_start3A_21 = arith.constant 0 : i32
    %dma_start3A_22 = tpu.memref_slice %arg7[%dma_start3A, %dma_start3A_21] : memref<80x128xi32, #tpu.memory_space<vmem>> -> memref<1x128xi32, #tpu.memory_space<vmem>>
    %dma_start3A_23 = tpu.memref_squeeze %dma_start3A_22 : memref<1x128xi32, #tpu.memory_space<vmem>> -> memref<128xi32, #tpu.memory_space<vmem>>
    %dma_start3A_24 = arith.constant 0 : i32
    %dma_start3A_25 = arith.constant 0 : i32
    %dma_start3A_26 = tpu.memref_slice %arg2[%dma_start3A_24, %dma_start3A_25] : memref<10000x40xf32, #tpu.memory_space<hbm>> -> memref<10000x40xf32, #tpu.memory_space<hbm>>
    tpu.enqueue_indirect_dma source(%dma_start3A_26 : memref<10000x40xf32, #tpu.memory_space<hbm>>) target(%dma_start3A_20 : memref<128x40xf32, #tpu.memory_space<vmem>>) offsets(%dma_start3A_23 : memref<128xi32, #tpu.memory_space<vmem>>) semaphore(%arg10 : memref<!tpu.dma_semaphore, #tpu.memory_space<semaphore_mem>>)
    %dma_start3A_27 = arith.constant 1 : i32
    %dma_start3A_28 = arith.constant 1 : i32
    %dma_start3A_29 = arith.constant 0 : i32
    %dma_start3A_30 = arith.constant 0 : i32
    %dma_start3A_31 = tpu.memref_slice %arg9[%dma_start3A_28, %dma_start3A_29, %dma_start3A_30] : memref<4x128x40xf32, #tpu.memory_space<vmem>> -> memref<1x128x40xf32, #tpu.memory_space<vmem>>
    %dma_start3A_32 = tpu.memref_squeeze %dma_start3A_31 : memref<1x128x40xf32, #tpu.memory_space<vmem>> -> memref<128x40xf32, #tpu.memory_space<vmem>>
    %dma_start3A_33 = arith.constant 0 : i32
    %dma_start3A_34 = tpu.memref_slice %arg7[%dma_start3A_27, %dma_start3A_33] : memref<80x128xi32, #tpu.memory_space<vmem>> -> memref<1x128xi32, #tpu.memory_space<vmem>>
    %dma_start3A_35 = tpu.memref_squeeze %dma_start3A_34 : memref<1x128xi32, #tpu.memory_space<vmem>> -> memref<128xi32, #tpu.memory_space<vmem>>
    %dma_start3A_36 = arith.constant 0 : i32
    %dma_start3A_37 = arith.constant 0 : i32
    %dma_start3A_38 = tpu.memref_slice %arg2[%dma_start3A_36, %dma_start3A_37] : memref<10000x40xf32, #tpu.memory_space<hbm>> -> memref<10000x40xf32, #tpu.memory_space<hbm>>
    tpu.enqueue_indirect_dma source(%dma_start3A_38 : memref<10000x40xf32, #tpu.memory_space<hbm>>) target(%dma_start3A_32 : memref<128x40xf32, #tpu.memory_space<vmem>>) offsets(%dma_start3A_35 : memref<128xi32, #tpu.memory_space<vmem>>) semaphore(%arg11 : memref<!tpu.dma_semaphore, #tpu.memory_space<semaphore_mem>>)
    %dma_start3A_39 = arith.constant 2 : i32
    %dma_start3A_40 = arith.constant 2 : i32
    %dma_start3A_41 = arith.constant 0 : i32
    %dma_start3A_42 = arith.constant 0 : i32
    %dma_start3A_43 = tpu.memref_slice %arg9[%dma_start3A_40, %dma_start3A_41, %dma_start3A_42] : memref<4x128x40xf32, #tpu.memory_space<vmem>> -> memref<1x128x40xf32, #tpu.memory_space<vmem>>
    %dma_start3A_44 = tpu.memref_squeeze %dma_start3A_43 : memref<1x128x40xf32, #tpu.memory_space<vmem>> -> memref<128x40xf32, #tpu.memory_space<vmem>>
    %dma_start3A_45 = arith.constant 0 : i32
    %dma_start3A_46 = tpu.memref_slice %arg7[%dma_start3A_39, %dma_start3A_45] : memref<80x128xi32, #tpu.memory_space<vmem>> -> memref<1x128xi32, #tpu.memory_space<vmem>>
    %dma_start3A_47 = tpu.memref_squeeze %dma_start3A_46 : memref<1x128xi32, #tpu.memory_space<vmem>> -> memref<128xi32, #tpu.memory_space<vmem>>
    %dma_start3A_48 = arith.constant 0 : i32
    %dma_start3A_49 = arith.constant 0 : i32
    %dma_start3A_50 = tpu.memref_slice %arg2[%dma_start3A_48, %dma_start3A_49] : memref<10000x40xf32, #tpu.memory_space<hbm>> -> memref<10000x40xf32, #tpu.memory_space<hbm>>
    tpu.enqueue_indirect_dma source(%dma_start3A_50 : memref<10000x40xf32, #tpu.memory_space<hbm>>) target(%dma_start3A_44 : memref<128x40xf32, #tpu.memory_space<vmem>>) offsets(%dma_start3A_47 : memref<128xi32, #tpu.memory_space<vmem>>) semaphore(%arg12 : memref<!tpu.dma_semaphore, #tpu.memory_space<semaphore_mem>>)
    %scan3A = arith.constant 0 : i32
    %scan3A_51 = arith.constant 20 : i32
    %scan3A_52 = arith.addi %scan3A, %scan3A_51 : i32
    %scan3A_53 = arith.constant 1 : i32
    scf.for %scan3A_121 = %scan3A to %scan3A_52 step %scan3A_53  : i32 {
      %mul3A_122 = arith.constant 4 : i32
      %mul3A_123 = arith.muli %scan3A_121, %mul3A_122 : i32
      %add3A_124 = arith.constant 0 : i32
      %add3A_125 = arith.addi %add3A_124, %mul3A_123 : i32
      %add3A_126 = arith.constant 0 : i32
      %add3A_127 = arith.addi %add3A_125, %add3A_126 : i32
      %dma_wait3A_128 = arith.constant 0 : i32
      %dma_wait3A_129 = arith.constant 0 : i32
      %dma_wait3A_130 = arith.constant 0 : i32
      %dma_wait3A_131 = tpu.memref_slice %arg9[%dma_wait3A_128, %dma_wait3A_129, %dma_wait3A_130] : memref<4x128x40xf32, #tpu.memory_space<vmem>> -> memref<1x128x40xf32, #tpu.memory_space<vmem>>
      %dma_wait3A_132 = tpu.memref_squeeze %dma_wait3A_131 : memref<1x128x40xf32, #tpu.memory_space<vmem>> -> memref<128x40xf32, #tpu.memory_space<vmem>>
      %dma_wait3A_133 = arith.constant 0 : i32
      %dma_wait3A_134 = tpu.memref_slice %arg7[%add3A_127, %dma_wait3A_133] : memref<80x128xi32, #tpu.memory_space<vmem>> -> memref<1x128xi32, #tpu.memory_space<vmem>>
      %dma_wait3A_135 = tpu.memref_squeeze %dma_wait3A_134 : memref<1x128xi32, #tpu.memory_space<vmem>> -> memref<128xi32, #tpu.memory_space<vmem>>
      %dma_wait3A_136 = arith.constant 0 : i32
      %dma_wait3A_137 = arith.constant 0 : i32
      %dma_wait3A_138 = tpu.memref_slice %arg2[%dma_wait3A_136, %dma_wait3A_137] : memref<10000x40xf32, #tpu.memory_space<hbm>> -> memref<10000x40xf32, #tpu.memory_space<hbm>>
      tpu.wait_indirect_dma semaphore(%arg10 : memref<!tpu.dma_semaphore, #tpu.memory_space<semaphore_mem>>) src(%dma_wait3A_138 : memref<10000x40xf32, #tpu.memory_space<hbm>>) dst(%dma_wait3A_132 : memref<128x40xf32, #tpu.memory_space<vmem>>)
      %dma_start3A_139 = arith.constant 0 : i32
      %dma_start3A_140 = arith.constant 0 : i32
      %dma_start3A_141 = arith.constant 0 : i32
      %dma_start3A_142 = tpu.memref_slice %arg9[%dma_start3A_139, %dma_start3A_140, %dma_start3A_141] : memref<4x128x40xf32, #tpu.memory_space<vmem>> -> memref<1x128x40xf32, #tpu.memory_space<vmem>>
      %dma_start3A_143 = tpu.memref_squeeze %dma_start3A_142 : memref<1x128x40xf32, #tpu.memory_space<vmem>> -> memref<128x40xf32, #tpu.memory_space<vmem>>
      %dma_start3A_144 = arith.constant 0 : i32
      %dma_start3A_145 = tpu.memref_slice %arg8[%add3A_127, %dma_start3A_144] : memref<80x128xi32, #tpu.memory_space<vmem>> -> memref<1x128xi32, #tpu.memory_space<vmem>>
      %dma_start3A_146 = tpu.memref_squeeze %dma_start3A_145 : memref<1x128xi32, #tpu.memory_space<vmem>> -> memref<128xi32, #tpu.memory_space<vmem>>
      %dma_start3A_147 = arith.constant 0 : i32
      %dma_start3A_148 = arith.constant 0 : i32
      %dma_start3A_149 = tpu.memref_slice %arg6[%dma_start3A_147, %dma_start3A_148] : memref<10016x40xf32, #tpu.memory_space<vmem_shared>> -> memref<10016x40xf32, #tpu.memory_space<vmem_shared>>
      tpu.enqueue_indirect_dma source(%dma_start3A_143 : memref<128x40xf32, #tpu.memory_space<vmem>>) target(%dma_start3A_149 : memref<10016x40xf32, #tpu.memory_space<vmem_shared>>) offsets(%dma_start3A_146 : memref<128xi32, #tpu.memory_space<vmem>>) semaphore(%arg14 : memref<!tpu.dma_semaphore, #tpu.memory_space<semaphore_mem>>) {add = true}
      %add3A_150 = arith.constant 4 : i32
      %add3A_151 = arith.addi %add3A_127, %add3A_150 : i32
      %sub3A_152 = arith.constant 1 : i32
      %sub3A_153 = arith.subi %add3A_151, %sub3A_152 : i32
      %lt3A = arith.constant 80 : i32
      %lt3A_154 = arith.cmpi slt, %sub3A_153, %lt3A : i32
      %convert_element_type3A = arith.extui %lt3A_154 : i1 to i32
      %cond3A = arith.constant 0 : i32
      %cond3A_155 = arith.cmpi ne, %convert_element_type3A, %cond3A : i32
      scf.if %cond3A_155 {
        %ge3A = arith.constant 1 : i32
        %ge3A_255 = arith.cmpi sge, %add3A_127, %ge3A : i32
        %convert_element_type3A_256 = arith.extui %ge3A_255 : i1 to i32
        %cond3A_257 = arith.constant 0 : i32
        %cond3A_258 = arith.cmpi ne, %convert_element_type3A_256, %cond3A_257 : i32
        scf.if %cond3A_258 {
          %dma_wait3A_274 = arith.constant 3 : i32
          %dma_wait3A_275 = arith.constant 0 : i32
          %dma_wait3A_276 = arith.constant 0 : i32
          %dma_wait3A_277 = arith.constant 0 : i32
          %dma_wait3A_278 = tpu.memref_slice %arg9[%dma_wait3A_274, %dma_wait3A_276, %dma_wait3A_277] : memref<4x128x40xf32, #tpu.memory_space<vmem>> -> memref<1x128x40xf32, #tpu.memory_space<vmem>>
          %dma_wait3A_279 = tpu.memref_squeeze %dma_wait3A_278 : memref<1x128x40xf32, #tpu.memory_space<vmem>> -> memref<128x40xf32, #tpu.memory_space<vmem>>
          %dma_wait3A_280 = arith.constant 0 : i32
          %dma_wait3A_281 = tpu.memref_slice %arg8[%dma_wait3A_275, %dma_wait3A_280] : memref<80x128xi32, #tpu.memory_space<vmem>> -> memref<1x128xi32, #tpu.memory_space<vmem>>
          %dma_wait3A_282 = tpu.memref_squeeze %dma_wait3A_281 : memref<1x128xi32, #tpu.memory_space<vmem>> -> memref<128xi32, #tpu.memory_space<vmem>>
          %dma_wait3A_283 = arith.constant 0 : i32
          %dma_wait3A_284 = arith.constant 0 : i32
          %dma_wait3A_285 = tpu.memref_slice %arg6[%dma_wait3A_283, %dma_wait3A_284] : memref<10016x40xf32, #tpu.memory_space<vmem_shared>> -> memref<10016x40xf32, #tpu.memory_space<vmem_shared>>
          tpu.wait_indirect_dma semaphore(%arg17 : memref<!tpu.dma_semaphore, #tpu.memory_space<semaphore_mem>>) src(%dma_wait3A_279 : memref<128x40xf32, #tpu.memory_space<vmem>>) dst(%dma_wait3A_285 : memref<10016x40xf32, #tpu.memory_space<vmem_shared>>)
        } else {
        }
        %add3A_259 = arith.constant 4 : i32
        %add3A_260 = arith.addi %add3A_127, %add3A_259 : i32
        %sub3A_261 = arith.constant 1 : i32
        %sub3A_262 = arith.subi %add3A_260, %sub3A_261 : i32
        %dma_start3A_263 = arith.constant 3 : i32
        %dma_start3A_264 = arith.constant 0 : i32
        %dma_start3A_265 = arith.constant 0 : i32
        %dma_start3A_266 = tpu.memref_slice %arg9[%dma_start3A_263, %dma_start3A_264, %dma_start3A_265] : memref<4x128x40xf32, #tpu.memory_space<vmem>> -> memref<1x128x40xf32, #tpu.memory_space<vmem>>
        %dma_start3A_267 = tpu.memref_squeeze %dma_start3A_266 : memref<1x128x40xf32, #tpu.memory_space<vmem>> -> memref<128x40xf32, #tpu.memory_space<vmem>>
        %dma_start3A_268 = arith.constant 0 : i32
        %dma_start3A_269 = tpu.memref_slice %arg7[%sub3A_262, %dma_start3A_268] : memref<80x128xi32, #tpu.memory_space<vmem>> -> memref<1x128xi32, #tpu.memory_space<vmem>>
        %dma_start3A_270 = tpu.memref_squeeze %dma_start3A_269 : memref<1x128xi32, #tpu.memory_space<vmem>> -> memref<128xi32, #tpu.memory_space<vmem>>
        %dma_start3A_271 = arith.constant 0 : i32
        %dma_start3A_272 = arith.constant 0 : i32
        %dma_start3A_273 = tpu.memref_slice %arg2[%dma_start3A_271, %dma_start3A_272] : memref<10000x40xf32, #tpu.memory_space<hbm>> -> memref<10000x40xf32, #tpu.memory_space<hbm>>
        tpu.enqueue_indirect_dma source(%dma_start3A_273 : memref<10000x40xf32, #tpu.memory_space<hbm>>) target(%dma_start3A_267 : memref<128x40xf32, #tpu.memory_space<vmem>>) offsets(%dma_start3A_270 : memref<128xi32, #tpu.memory_space<vmem>>) semaphore(%arg13 : memref<!tpu.dma_semaphore, #tpu.memory_space<semaphore_mem>>)
      } else {
      }
      %add3A_156 = arith.constant 1 : i32
      %add3A_157 = arith.addi %add3A_125, %add3A_156 : i32
      %dma_wait3A_158 = arith.constant 1 : i32
      %dma_wait3A_159 = arith.constant 0 : i32
      %dma_wait3A_160 = arith.constant 0 : i32
      %dma_wait3A_161 = tpu.memref_slice %arg9[%dma_wait3A_158, %dma_wait3A_159, %dma_wait3A_160] : memref<4x128x40xf32, #tpu.memory_space<vmem>> -> memref<1x128x40xf32, #tpu.memory_space<vmem>>
      %dma_wait3A_162 = tpu.memref_squeeze %dma_wait3A_161 : memref<1x128x40xf32, #tpu.memory_space<vmem>> -> memref<128x40xf32, #tpu.memory_space<vmem>>
      %dma_wait3A_163 = arith.constant 0 : i32
      %dma_wait3A_164 = tpu.memref_slice %arg7[%add3A_157, %dma_wait3A_163] : memref<80x128xi32, #tpu.memory_space<vmem>> -> memref<1x128xi32, #tpu.memory_space<vmem>>
      %dma_wait3A_165 = tpu.memref_squeeze %dma_wait3A_164 : memref<1x128xi32, #tpu.memory_space<vmem>> -> memref<128xi32, #tpu.memory_space<vmem>>
      %dma_wait3A_166 = arith.constant 0 : i32
      %dma_wait3A_167 = arith.constant 0 : i32
      %dma_wait3A_168 = tpu.memref_slice %arg2[%dma_wait3A_166, %dma_wait3A_167] : memref<10000x40xf32, #tpu.memory_space<hbm>> -> memref<10000x40xf32, #tpu.memory_space<hbm>>
      tpu.wait_indirect_dma semaphore(%arg11 : memref<!tpu.dma_semaphore, #tpu.memory_space<semaphore_mem>>) src(%dma_wait3A_168 : memref<10000x40xf32, #tpu.memory_space<hbm>>) dst(%dma_wait3A_162 : memref<128x40xf32, #tpu.memory_space<vmem>>)
      %dma_start3A_169 = arith.constant 1 : i32
      %dma_start3A_170 = arith.constant 0 : i32
      %dma_start3A_171 = arith.constant 0 : i32
      %dma_start3A_172 = tpu.memref_slice %arg9[%dma_start3A_169, %dma_start3A_170, %dma_start3A_171] : memref<4x128x40xf32, #tpu.memory_space<vmem>> -> memref<1x128x40xf32, #tpu.memory_space<vmem>>
      %dma_start3A_173 = tpu.memref_squeeze %dma_start3A_172 : memref<1x128x40xf32, #tpu.memory_space<vmem>> -> memref<128x40xf32, #tpu.memory_space<vmem>>
      %dma_start3A_174 = arith.constant 0 : i32
      %dma_start3A_175 = tpu.memref_slice %arg8[%add3A_157, %dma_start3A_174] : memref<80x128xi32, #tpu.memory_space<vmem>> -> memref<1x128xi32, #tpu.memory_space<vmem>>
      %dma_start3A_176 = tpu.memref_squeeze %dma_start3A_175 : memref<1x128xi32, #tpu.memory_space<vmem>> -> memref<128xi32, #tpu.memory_space<vmem>>
      %dma_start3A_177 = arith.constant 0 : i32
      %dma_start3A_178 = arith.constant 0 : i32
      %dma_start3A_179 = tpu.memref_slice %arg6[%dma_start3A_177, %dma_start3A_178] : memref<10016x40xf32, #tpu.memory_space<vmem_shared>> -> memref<10016x40xf32, #tpu.memory_space<vmem_shared>>
      tpu.enqueue_indirect_dma source(%dma_start3A_173 : memref<128x40xf32, #tpu.memory_space<vmem>>) target(%dma_start3A_179 : memref<10016x40xf32, #tpu.memory_space<vmem_shared>>) offsets(%dma_start3A_176 : memref<128xi32, #tpu.memory_space<vmem>>) semaphore(%arg15 : memref<!tpu.dma_semaphore, #tpu.memory_space<semaphore_mem>>) {add = true}
      %add3A_180 = arith.constant 4 : i32
      %add3A_181 = arith.addi %add3A_157, %add3A_180 : i32
      %sub3A_182 = arith.constant 1 : i32
      %sub3A_183 = arith.subi %add3A_181, %sub3A_182 : i32
      %lt3A_184 = arith.constant 80 : i32
      %lt3A_185 = arith.cmpi slt, %sub3A_183, %lt3A_184 : i32
      %convert_element_type3A_186 = arith.extui %lt3A_185 : i1 to i32
      %cond3A_187 = arith.constant 0 : i32
      %cond3A_188 = arith.cmpi ne, %convert_element_type3A_186, %cond3A_187 : i32
      scf.if %cond3A_188 {
        %ge3A = arith.constant 1 : i32
        %ge3A_255 = arith.cmpi sge, %add3A_157, %ge3A : i32
        %convert_element_type3A_256 = arith.extui %ge3A_255 : i1 to i32
        %cond3A_257 = arith.constant 0 : i32
        %cond3A_258 = arith.cmpi ne, %convert_element_type3A_256, %cond3A_257 : i32
        scf.if %cond3A_258 {
          %dma_wait3A_274 = arith.constant 0 : i32
          %dma_wait3A_275 = arith.constant 0 : i32
          %dma_wait3A_276 = arith.constant 0 : i32
          %dma_wait3A_277 = arith.constant 0 : i32
          %dma_wait3A_278 = tpu.memref_slice %arg9[%dma_wait3A_274, %dma_wait3A_276, %dma_wait3A_277] : memref<4x128x40xf32, #tpu.memory_space<vmem>> -> memref<1x128x40xf32, #tpu.memory_space<vmem>>
          %dma_wait3A_279 = tpu.memref_squeeze %dma_wait3A_278 : memref<1x128x40xf32, #tpu.memory_space<vmem>> -> memref<128x40xf32, #tpu.memory_space<vmem>>
          %dma_wait3A_280 = arith.constant 0 : i32
          %dma_wait3A_281 = tpu.memref_slice %arg8[%dma_wait3A_275, %dma_wait3A_280] : memref<80x128xi32, #tpu.memory_space<vmem>> -> memref<1x128xi32, #tpu.memory_space<vmem>>
          %dma_wait3A_282 = tpu.memref_squeeze %dma_wait3A_281 : memref<1x128xi32, #tpu.memory_space<vmem>> -> memref<128xi32, #tpu.memory_space<vmem>>
          %dma_wait3A_283 = arith.constant 0 : i32
          %dma_wait3A_284 = arith.constant 0 : i32
          %dma_wait3A_285 = tpu.memref_slice %arg6[%dma_wait3A_283, %dma_wait3A_284] : memref<10016x40xf32, #tpu.memory_space<vmem_shared>> -> memref<10016x40xf32, #tpu.memory_space<vmem_shared>>
          tpu.wait_indirect_dma semaphore(%arg14 : memref<!tpu.dma_semaphore, #tpu.memory_space<semaphore_mem>>) src(%dma_wait3A_279 : memref<128x40xf32, #tpu.memory_space<vmem>>) dst(%dma_wait3A_285 : memref<10016x40xf32, #tpu.memory_space<vmem_shared>>)
        } else {
        }
        %add3A_259 = arith.constant 4 : i32
        %add3A_260 = arith.addi %add3A_157, %add3A_259 : i32
        %sub3A_261 = arith.constant 1 : i32
        %sub3A_262 = arith.subi %add3A_260, %sub3A_261 : i32
        %dma_start3A_263 = arith.constant 0 : i32
        %dma_start3A_264 = arith.constant 0 : i32
        %dma_start3A_265 = arith.constant 0 : i32
        %dma_start3A_266 = tpu.memref_slice %arg9[%dma_start3A_263, %dma_start3A_264, %dma_start3A_265] : memref<4x128x40xf32, #tpu.memory_space<vmem>> -> memref<1x128x40xf32, #tpu.memory_space<vmem>>
        %dma_start3A_267 = tpu.memref_squeeze %dma_start3A_266 : memref<1x128x40xf32, #tpu.memory_space<vmem>> -> memref<128x40xf32, #tpu.memory_space<vmem>>
        %dma_start3A_268 = arith.constant 0 : i32
        %dma_start3A_269 = tpu.memref_slice %arg7[%sub3A_262, %dma_start3A_268] : memref<80x128xi32, #tpu.memory_space<vmem>> -> memref<1x128xi32, #tpu.memory_space<vmem>>
        %dma_start3A_270 = tpu.memref_squeeze %dma_start3A_269 : memref<1x128xi32, #tpu.memory_space<vmem>> -> memref<128xi32, #tpu.memory_space<vmem>>
        %dma_start3A_271 = arith.constant 0 : i32
        %dma_start3A_272 = arith.constant 0 : i32
        %dma_start3A_273 = tpu.memref_slice %arg2[%dma_start3A_271, %dma_start3A_272] : memref<10000x40xf32, #tpu.memory_space<hbm>> -> memref<10000x40xf32, #tpu.memory_space<hbm>>
        tpu.enqueue_indirect_dma source(%dma_start3A_273 : memref<10000x40xf32, #tpu.memory_space<hbm>>) target(%dma_start3A_267 : memref<128x40xf32, #tpu.memory_space<vmem>>) offsets(%dma_start3A_270 : memref<128xi32, #tpu.memory_space<vmem>>) semaphore(%arg10 : memref<!tpu.dma_semaphore, #tpu.memory_space<semaphore_mem>>)
      } else {
      }
      %add3A_189 = arith.constant 2 : i32
      %add3A_190 = arith.addi %add3A_125, %add3A_189 : i32
      %dma_wait3A_191 = arith.constant 2 : i32
      %dma_wait3A_192 = arith.constant 0 : i32
      %dma_wait3A_193 = arith.constant 0 : i32
      %dma_wait3A_194 = tpu.memref_slice %arg9[%dma_wait3A_191, %dma_wait3A_192, %dma_wait3A_193] : memref<4x128x40xf32, #tpu.memory_space<vmem>> -> memref<1x128x40xf32, #tpu.memory_space<vmem>>
      %dma_wait3A_195 = tpu.memref_squeeze %dma_wait3A_194 : memref<1x128x40xf32, #tpu.memory_space<vmem>> -> memref<128x40xf32, #tpu.memory_space<vmem>>
      %dma_wait3A_196 = arith.constant 0 : i32
      %dma_wait3A_197 = tpu.memref_slice %arg7[%add3A_190, %dma_wait3A_196] : memref<80x128xi32, #tpu.memory_space<vmem>> -> memref<1x128xi32, #tpu.memory_space<vmem>>
      %dma_wait3A_198 = tpu.memref_squeeze %dma_wait3A_197 : memref<1x128xi32, #tpu.memory_space<vmem>> -> memref<128xi32, #tpu.memory_space<vmem>>
      %dma_wait3A_199 = arith.constant 0 : i32
      %dma_wait3A_200 = arith.constant 0 : i32
      %dma_wait3A_201 = tpu.memref_slice %arg2[%dma_wait3A_199, %dma_wait3A_200] : memref<10000x40xf32, #tpu.memory_space<hbm>> -> memref<10000x40xf32, #tpu.memory_space<hbm>>
      tpu.wait_indirect_dma semaphore(%arg12 : memref<!tpu.dma_semaphore, #tpu.memory_space<semaphore_mem>>) src(%dma_wait3A_201 : memref<10000x40xf32, #tpu.memory_space<hbm>>) dst(%dma_wait3A_195 : memref<128x40xf32, #tpu.memory_space<vmem>>)
      %dma_start3A_202 = arith.constant 2 : i32
      %dma_start3A_203 = arith.constant 0 : i32
      %dma_start3A_204 = arith.constant 0 : i32
      %dma_start3A_205 = tpu.memref_slice %arg9[%dma_start3A_202, %dma_start3A_203, %dma_start3A_204] : memref<4x128x40xf32, #tpu.memory_space<vmem>> -> memref<1x128x40xf32, #tpu.memory_space<vmem>>
      %dma_start3A_206 = tpu.memref_squeeze %dma_start3A_205 : memref<1x128x40xf32, #tpu.memory_space<vmem>> -> memref<128x40xf32, #tpu.memory_space<vmem>>
      %dma_start3A_207 = arith.constant 0 : i32
      %dma_start3A_208 = tpu.memref_slice %arg8[%add3A_190, %dma_start3A_207] : memref<80x128xi32, #tpu.memory_space<vmem>> -> memref<1x128xi32, #tpu.memory_space<vmem>>
      %dma_start3A_209 = tpu.memref_squeeze %dma_start3A_208 : memref<1x128xi32, #tpu.memory_space<vmem>> -> memref<128xi32, #tpu.memory_space<vmem>>
      %dma_start3A_210 = arith.constant 0 : i32
      %dma_start3A_211 = arith.constant 0 : i32
      %dma_start3A_212 = tpu.memref_slice %arg6[%dma_start3A_210, %dma_start3A_211] : memref<10016x40xf32, #tpu.memory_space<vmem_shared>> -> memref<10016x40xf32, #tpu.memory_space<vmem_shared>>
      tpu.enqueue_indirect_dma source(%dma_start3A_206 : memref<128x40xf32, #tpu.memory_space<vmem>>) target(%dma_start3A_212 : memref<10016x40xf32, #tpu.memory_space<vmem_shared>>) offsets(%dma_start3A_209 : memref<128xi32, #tpu.memory_space<vmem>>) semaphore(%arg16 : memref<!tpu.dma_semaphore, #tpu.memory_space<semaphore_mem>>) {add = true}
      %add3A_213 = arith.constant 4 : i32
      %add3A_214 = arith.addi %add3A_190, %add3A_213 : i32
      %sub3A_215 = arith.constant 1 : i32
      %sub3A_216 = arith.subi %add3A_214, %sub3A_215 : i32
      %lt3A_217 = arith.constant 80 : i32
      %lt3A_218 = arith.cmpi slt, %sub3A_216, %lt3A_217 : i32
      %convert_element_type3A_219 = arith.extui %lt3A_218 : i1 to i32
      %cond3A_220 = arith.constant 0 : i32
      %cond3A_221 = arith.cmpi ne, %convert_element_type3A_219, %cond3A_220 : i32
      scf.if %cond3A_221 {
        %ge3A = arith.constant 1 : i32
        %ge3A_255 = arith.cmpi sge, %add3A_190, %ge3A : i32
        %convert_element_type3A_256 = arith.extui %ge3A_255 : i1 to i32
        %cond3A_257 = arith.constant 0 : i32
        %cond3A_258 = arith.cmpi ne, %convert_element_type3A_256, %cond3A_257 : i32
        scf.if %cond3A_258 {
          %dma_wait3A_274 = arith.constant 1 : i32
          %dma_wait3A_275 = arith.constant 0 : i32
          %dma_wait3A_276 = arith.constant 0 : i32
          %dma_wait3A_277 = arith.constant 0 : i32
          %dma_wait3A_278 = tpu.memref_slice %arg9[%dma_wait3A_274, %dma_wait3A_276, %dma_wait3A_277] : memref<4x128x40xf32, #tpu.memory_space<vmem>> -> memref<1x128x40xf32, #tpu.memory_space<vmem>>
          %dma_wait3A_279 = tpu.memref_squeeze %dma_wait3A_278 : memref<1x128x40xf32, #tpu.memory_space<vmem>> -> memref<128x40xf32, #tpu.memory_space<vmem>>
          %dma_wait3A_280 = arith.constant 0 : i32
          %dma_wait3A_281 = tpu.memref_slice %arg8[%dma_wait3A_275, %dma_wait3A_280] : memref<80x128xi32, #tpu.memory_space<vmem>> -> memref<1x128xi32, #tpu.memory_space<vmem>>
          %dma_wait3A_282 = tpu.memref_squeeze %dma_wait3A_281 : memref<1x128xi32, #tpu.memory_space<vmem>> -> memref<128xi32, #tpu.memory_space<vmem>>
          %dma_wait3A_283 = arith.constant 0 : i32
          %dma_wait3A_284 = arith.constant 0 : i32
          %dma_wait3A_285 = tpu.memref_slice %arg6[%dma_wait3A_283, %dma_wait3A_284] : memref<10016x40xf32, #tpu.memory_space<vmem_shared>> -> memref<10016x40xf32, #tpu.memory_space<vmem_shared>>
          tpu.wait_indirect_dma semaphore(%arg15 : memref<!tpu.dma_semaphore, #tpu.memory_space<semaphore_mem>>) src(%dma_wait3A_279 : memref<128x40xf32, #tpu.memory_space<vmem>>) dst(%dma_wait3A_285 : memref<10016x40xf32, #tpu.memory_space<vmem_shared>>)
        } else {
        }
        %add3A_259 = arith.constant 4 : i32
        %add3A_260 = arith.addi %add3A_190, %add3A_259 : i32
        %sub3A_261 = arith.constant 1 : i32
        %sub3A_262 = arith.subi %add3A_260, %sub3A_261 : i32
        %dma_start3A_263 = arith.constant 1 : i32
        %dma_start3A_264 = arith.constant 0 : i32
        %dma_start3A_265 = arith.constant 0 : i32
        %dma_start3A_266 = tpu.memref_slice %arg9[%dma_start3A_263, %dma_start3A_264, %dma_start3A_265] : memref<4x128x40xf32, #tpu.memory_space<vmem>> -> memref<1x128x40xf32, #tpu.memory_space<vmem>>
        %dma_start3A_267 = tpu.memref_squeeze %dma_start3A_266 : memref<1x128x40xf32, #tpu.memory_space<vmem>> -> memref<128x40xf32, #tpu.memory_space<vmem>>
        %dma_start3A_268 = arith.constant 0 : i32
        %dma_start3A_269 = tpu.memref_slice %arg7[%sub3A_262, %dma_start3A_268] : memref<80x128xi32, #tpu.memory_space<vmem>> -> memref<1x128xi32, #tpu.memory_space<vmem>>
        %dma_start3A_270 = tpu.memref_squeeze %dma_start3A_269 : memref<1x128xi32, #tpu.memory_space<vmem>> -> memref<128xi32, #tpu.memory_space<vmem>>
        %dma_start3A_271 = arith.constant 0 : i32
        %dma_start3A_272 = arith.constant 0 : i32
        %dma_start3A_273 = tpu.memref_slice %arg2[%dma_start3A_271, %dma_start3A_272] : memref<10000x40xf32, #tpu.memory_space<hbm>> -> memref<10000x40xf32, #tpu.memory_space<hbm>>
        tpu.enqueue_indirect_dma source(%dma_start3A_273 : memref<10000x40xf32, #tpu.memory_space<hbm>>) target(%dma_start3A_267 : memref<128x40xf32, #tpu.memory_space<vmem>>) offsets(%dma_start3A_270 : memref<128xi32, #tpu.memory_space<vmem>>) semaphore(%arg11 : memref<!tpu.dma_semaphore, #tpu.memory_space<semaphore_mem>>)
      } else {
      }
      %add3A_222 = arith.constant 3 : i32
      %add3A_223 = arith.addi %add3A_125, %add3A_222 : i32
      %dma_wait3A_224 = arith.constant 3 : i32
      %dma_wait3A_225 = arith.constant 0 : i32
      %dma_wait3A_226 = arith.constant 0 : i32
      %dma_wait3A_227 = tpu.memref_slice %arg9[%dma_wait3A_224, %dma_wait3A_225, %dma_wait3A_226] : memref<4x128x40xf32, #tpu.memory_space<vmem>> -> memref<1x128x40xf32, #tpu.memory_space<vmem>>
      %dma_wait3A_228 = tpu.memref_squeeze %dma_wait3A_227 : memref<1x128x40xf32, #tpu.memory_space<vmem>> -> memref<128x40xf32, #tpu.memory_space<vmem>>
      %dma_wait3A_229 = arith.constant 0 : i32
      %dma_wait3A_230 = tpu.memref_slice %arg7[%add3A_223, %dma_wait3A_229] : memref<80x128xi32, #tpu.memory_space<vmem>> -> memref<1x128xi32, #tpu.memory_space<vmem>>
      %dma_wait3A_231 = tpu.memref_squeeze %dma_wait3A_230 : memref<1x128xi32, #tpu.memory_space<vmem>> -> memref<128xi32, #tpu.memory_space<vmem>>
      %dma_wait3A_232 = arith.constant 0 : i32
      %dma_wait3A_233 = arith.constant 0 : i32
      %dma_wait3A_234 = tpu.memref_slice %arg2[%dma_wait3A_232, %dma_wait3A_233] : memref<10000x40xf32, #tpu.memory_space<hbm>> -> memref<10000x40xf32, #tpu.memory_space<hbm>>
      tpu.wait_indirect_dma semaphore(%arg13 : memref<!tpu.dma_semaphore, #tpu.memory_space<semaphore_mem>>) src(%dma_wait3A_234 : memref<10000x40xf32, #tpu.memory_space<hbm>>) dst(%dma_wait3A_228 : memref<128x40xf32, #tpu.memory_space<vmem>>)
      %dma_start3A_235 = arith.constant 3 : i32
      %dma_start3A_236 = arith.constant 0 : i32
      %dma_start3A_237 = arith.constant 0 : i32
      %dma_start3A_238 = tpu.memref_slice %arg9[%dma_start3A_235, %dma_start3A_236, %dma_start3A_237] : memref<4x128x40xf32, #tpu.memory_space<vmem>> -> memref<1x128x40xf32, #tpu.memory_space<vmem>>
      %dma_start3A_239 = tpu.memref_squeeze %dma_start3A_238 : memref<1x128x40xf32, #tpu.memory_space<vmem>> -> memref<128x40xf32, #tpu.memory_space<vmem>>
      %dma_start3A_240 = arith.constant 0 : i32
      %dma_start3A_241 = tpu.memref_slice %arg8[%add3A_223, %dma_start3A_240] : memref<80x128xi32, #tpu.memory_space<vmem>> -> memref<1x128xi32, #tpu.memory_space<vmem>>
      %dma_start3A_242 = tpu.memref_squeeze %dma_start3A_241 : memref<1x128xi32, #tpu.memory_space<vmem>> -> memref<128xi32, #tpu.memory_space<vmem>>
      %dma_start3A_243 = arith.constant 0 : i32
      %dma_start3A_244 = arith.constant 0 : i32
      %dma_start3A_245 = tpu.memref_slice %arg6[%dma_start3A_243, %dma_start3A_244] : memref<10016x40xf32, #tpu.memory_space<vmem_shared>> -> memref<10016x40xf32, #tpu.memory_space<vmem_shared>>
      tpu.enqueue_indirect_dma source(%dma_start3A_239 : memref<128x40xf32, #tpu.memory_space<vmem>>) target(%dma_start3A_245 : memref<10016x40xf32, #tpu.memory_space<vmem_shared>>) offsets(%dma_start3A_242 : memref<128xi32, #tpu.memory_space<vmem>>) semaphore(%arg17 : memref<!tpu.dma_semaphore, #tpu.memory_space<semaphore_mem>>) {add = true}
      %add3A_246 = arith.constant 4 : i32
      %add3A_247 = arith.addi %add3A_223, %add3A_246 : i32
      %sub3A_248 = arith.constant 1 : i32
      %sub3A_249 = arith.subi %add3A_247, %sub3A_248 : i32
      %lt3A_250 = arith.constant 80 : i32
      %lt3A_251 = arith.cmpi slt, %sub3A_249, %lt3A_250 : i32
      %convert_element_type3A_252 = arith.extui %lt3A_251 : i1 to i32
      %cond3A_253 = arith.constant 0 : i32
      %cond3A_254 = arith.cmpi ne, %convert_element_type3A_252, %cond3A_253 : i32
      scf.if %cond3A_254 {
        %ge3A = arith.constant 1 : i32
        %ge3A_255 = arith.cmpi sge, %add3A_223, %ge3A : i32
        %convert_element_type3A_256 = arith.extui %ge3A_255 : i1 to i32
        %cond3A_257 = arith.constant 0 : i32
        %cond3A_258 = arith.cmpi ne, %convert_element_type3A_256, %cond3A_257 : i32
        scf.if %cond3A_258 {
          %dma_wait3A_274 = arith.constant 2 : i32
          %dma_wait3A_275 = arith.constant 0 : i32
          %dma_wait3A_276 = arith.constant 0 : i32
          %dma_wait3A_277 = arith.constant 0 : i32
          %dma_wait3A_278 = tpu.memref_slice %arg9[%dma_wait3A_274, %dma_wait3A_276, %dma_wait3A_277] : memref<4x128x40xf32, #tpu.memory_space<vmem>> -> memref<1x128x40xf32, #tpu.memory_space<vmem>>
          %dma_wait3A_279 = tpu.memref_squeeze %dma_wait3A_278 : memref<1x128x40xf32, #tpu.memory_space<vmem>> -> memref<128x40xf32, #tpu.memory_space<vmem>>
          %dma_wait3A_280 = arith.constant 0 : i32
          %dma_wait3A_281 = tpu.memref_slice %arg8[%dma_wait3A_275, %dma_wait3A_280] : memref<80x128xi32, #tpu.memory_space<vmem>> -> memref<1x128xi32, #tpu.memory_space<vmem>>
          %dma_wait3A_282 = tpu.memref_squeeze %dma_wait3A_281 : memref<1x128xi32, #tpu.memory_space<vmem>> -> memref<128xi32, #tpu.memory_space<vmem>>
          %dma_wait3A_283 = arith.constant 0 : i32
          %dma_wait3A_284 = arith.constant 0 : i32
          %dma_wait3A_285 = tpu.memref_slice %arg6[%dma_wait3A_283, %dma_wait3A_284] : memref<10016x40xf32, #tpu.memory_space<vmem_shared>> -> memref<10016x40xf32, #tpu.memory_space<vmem_shared>>
          tpu.wait_indirect_dma semaphore(%arg16 : memref<!tpu.dma_semaphore, #tpu.memory_space<semaphore_mem>>) src(%dma_wait3A_279 : memref<128x40xf32, #tpu.memory_space<vmem>>) dst(%dma_wait3A_285 : memref<10016x40xf32, #tpu.memory_space<vmem_shared>>)
        } else {
        }
        %add3A_259 = arith.constant 4 : i32
        %add3A_260 = arith.addi %add3A_223, %add3A_259 : i32
        %sub3A_261 = arith.constant 1 : i32
        %sub3A_262 = arith.subi %add3A_260, %sub3A_261 : i32
        %dma_start3A_263 = arith.constant 2 : i32
        %dma_start3A_264 = arith.constant 0 : i32
        %dma_start3A_265 = arith.constant 0 : i32
        %dma_start3A_266 = tpu.memref_slice %arg9[%dma_start3A_263, %dma_start3A_264, %dma_start3A_265] : memref<4x128x40xf32, #tpu.memory_space<vmem>> -> memref<1x128x40xf32, #tpu.memory_space<vmem>>
        %dma_start3A_267 = tpu.memref_squeeze %dma_start3A_266 : memref<1x128x40xf32, #tpu.memory_space<vmem>> -> memref<128x40xf32, #tpu.memory_space<vmem>>
        %dma_start3A_268 = arith.constant 0 : i32
        %dma_start3A_269 = tpu.memref_slice %arg7[%sub3A_262, %dma_start3A_268] : memref<80x128xi32, #tpu.memory_space<vmem>> -> memref<1x128xi32, #tpu.memory_space<vmem>>
        %dma_start3A_270 = tpu.memref_squeeze %dma_start3A_269 : memref<1x128xi32, #tpu.memory_space<vmem>> -> memref<128xi32, #tpu.memory_space<vmem>>
        %dma_start3A_271 = arith.constant 0 : i32
        %dma_start3A_272 = arith.constant 0 : i32
        %dma_start3A_273 = tpu.memref_slice %arg2[%dma_start3A_271, %dma_start3A_272] : memref<10000x40xf32, #tpu.memory_space<hbm>> -> memref<10000x40xf32, #tpu.memory_space<hbm>>
        tpu.enqueue_indirect_dma source(%dma_start3A_273 : memref<10000x40xf32, #tpu.memory_space<hbm>>) target(%dma_start3A_267 : memref<128x40xf32, #tpu.memory_space<vmem>>) offsets(%dma_start3A_270 : memref<128xi32, #tpu.memory_space<vmem>>) semaphore(%arg12 : memref<!tpu.dma_semaphore, #tpu.memory_space<semaphore_mem>>)
      } else {
      }
    }
    %scan3A_54 = arith.constant 20 : i32
    %dma_wait3A = arith.constant 0 : i32
    %dma_wait3A_55 = arith.constant 0 : i32
    %dma_wait3A_56 = arith.constant 0 : i32
    %dma_wait3A_57 = arith.constant 0 : i32
    %dma_wait3A_58 = tpu.memref_slice %arg9[%dma_wait3A, %dma_wait3A_56, %dma_wait3A_57] : memref<4x128x40xf32, #tpu.memory_space<vmem>> -> memref<1x128x40xf32, #tpu.memory_space<vmem>>
    %dma_wait3A_59 = tpu.memref_squeeze %dma_wait3A_58 : memref<1x128x40xf32, #tpu.memory_space<vmem>> -> memref<128x40xf32, #tpu.memory_space<vmem>>
    %dma_wait3A_60 = arith.constant 0 : i32
    %dma_wait3A_61 = tpu.memref_slice %arg8[%dma_wait3A_55, %dma_wait3A_60] : memref<80x128xi32, #tpu.memory_space<vmem>> -> memref<1x128xi32, #tpu.memory_space<vmem>>
    %dma_wait3A_62 = tpu.memref_squeeze %dma_wait3A_61 : memref<1x128xi32, #tpu.memory_space<vmem>> -> memref<128xi32, #tpu.memory_space<vmem>>
    %dma_wait3A_63 = arith.constant 0 : i32
    %dma_wait3A_64 = arith.constant 0 : i32
    %dma_wait3A_65 = tpu.memref_slice %arg6[%dma_wait3A_63, %dma_wait3A_64] : memref<10016x40xf32, #tpu.memory_space<vmem_shared>> -> memref<10016x40xf32, #tpu.memory_space<vmem_shared>>
    tpu.wait_indirect_dma semaphore(%arg14 : memref<!tpu.dma_semaphore, #tpu.memory_space<semaphore_mem>>) src(%dma_wait3A_59 : memref<128x40xf32, #tpu.memory_space<vmem>>) dst(%dma_wait3A_65 : memref<10016x40xf32, #tpu.memory_space<vmem_shared>>)
    %dma_wait3A_66 = arith.constant 1 : i32
    %dma_wait3A_67 = arith.constant 0 : i32
    %dma_wait3A_68 = arith.constant 0 : i32
    %dma_wait3A_69 = arith.constant 0 : i32
    %dma_wait3A_70 = tpu.memref_slice %arg9[%dma_wait3A_66, %dma_wait3A_68, %dma_wait3A_69] : memref<4x128x40xf32, #tpu.memory_space<vmem>> -> memref<1x128x40xf32, #tpu.memory_space<vmem>>
    %dma_wait3A_71 = tpu.memref_squeeze %dma_wait3A_70 : memref<1x128x40xf32, #tpu.memory_space<vmem>> -> memref<128x40xf32, #tpu.memory_space<vmem>>
    %dma_wait3A_72 = arith.constant 0 : i32
    %dma_wait3A_73 = tpu.memref_slice %arg8[%dma_wait3A_67, %dma_wait3A_72] : memref<80x128xi32, #tpu.memory_space<vmem>> -> memref<1x128xi32, #tpu.memory_space<vmem>>
    %dma_wait3A_74 = tpu.memref_squeeze %dma_wait3A_73 : memref<1x128xi32, #tpu.memory_space<vmem>> -> memref<128xi32, #tpu.memory_space<vmem>>
    %dma_wait3A_75 = arith.constant 0 : i32
    %dma_wait3A_76 = arith.constant 0 : i32
    %dma_wait3A_77 = tpu.memref_slice %arg6[%dma_wait3A_75, %dma_wait3A_76] : memref<10016x40xf32, #tpu.memory_space<vmem_shared>> -> memref<10016x40xf32, #tpu.memory_space<vmem_shared>>
    tpu.wait_indirect_dma semaphore(%arg15 : memref<!tpu.dma_semaphore, #tpu.memory_space<semaphore_mem>>) src(%dma_wait3A_71 : memref<128x40xf32, #tpu.memory_space<vmem>>) dst(%dma_wait3A_77 : memref<10016x40xf32, #tpu.memory_space<vmem_shared>>)
    %dma_wait3A_78 = arith.constant 2 : i32
    %dma_wait3A_79 = arith.constant 0 : i32
    %dma_wait3A_80 = arith.constant 0 : i32
    %dma_wait3A_81 = arith.constant 0 : i32
    %dma_wait3A_82 = tpu.memref_slice %arg9[%dma_wait3A_78, %dma_wait3A_80, %dma_wait3A_81] : memref<4x128x40xf32, #tpu.memory_space<vmem>> -> memref<1x128x40xf32, #tpu.memory_space<vmem>>
    %dma_wait3A_83 = tpu.memref_squeeze %dma_wait3A_82 : memref<1x128x40xf32, #tpu.memory_space<vmem>> -> memref<128x40xf32, #tpu.memory_space<vmem>>
    %dma_wait3A_84 = arith.constant 0 : i32
    %dma_wait3A_85 = tpu.memref_slice %arg8[%dma_wait3A_79, %dma_wait3A_84] : memref<80x128xi32, #tpu.memory_space<vmem>> -> memref<1x128xi32, #tpu.memory_space<vmem>>
    %dma_wait3A_86 = tpu.memref_squeeze %dma_wait3A_85 : memref<1x128xi32, #tpu.memory_space<vmem>> -> memref<128xi32, #tpu.memory_space<vmem>>
    %dma_wait3A_87 = arith.constant 0 : i32
    %dma_wait3A_88 = arith.constant 0 : i32
    %dma_wait3A_89 = tpu.memref_slice %arg6[%dma_wait3A_87, %dma_wait3A_88] : memref<10016x40xf32, #tpu.memory_space<vmem_shared>> -> memref<10016x40xf32, #tpu.memory_space<vmem_shared>>
    tpu.wait_indirect_dma semaphore(%arg16 : memref<!tpu.dma_semaphore, #tpu.memory_space<semaphore_mem>>) src(%dma_wait3A_83 : memref<128x40xf32, #tpu.memory_space<vmem>>) dst(%dma_wait3A_89 : memref<10016x40xf32, #tpu.memory_space<vmem_shared>>)
    %dma_wait3A_90 = arith.constant 3 : i32
    %dma_wait3A_91 = arith.constant 0 : i32
    %dma_wait3A_92 = arith.constant 0 : i32
    %dma_wait3A_93 = arith.constant 0 : i32
    %dma_wait3A_94 = tpu.memref_slice %arg9[%dma_wait3A_90, %dma_wait3A_92, %dma_wait3A_93] : memref<4x128x40xf32, #tpu.memory_space<vmem>> -> memref<1x128x40xf32, #tpu.memory_space<vmem>>
    %dma_wait3A_95 = tpu.memref_squeeze %dma_wait3A_94 : memref<1x128x40xf32, #tpu.memory_space<vmem>> -> memref<128x40xf32, #tpu.memory_space<vmem>>
    %dma_wait3A_96 = arith.constant 0 : i32
    %dma_wait3A_97 = tpu.memref_slice %arg8[%dma_wait3A_91, %dma_wait3A_96] : memref<80x128xi32, #tpu.memory_space<vmem>> -> memref<1x128xi32, #tpu.memory_space<vmem>>
    %dma_wait3A_98 = tpu.memref_squeeze %dma_wait3A_97 : memref<1x128xi32, #tpu.memory_space<vmem>> -> memref<128xi32, #tpu.memory_space<vmem>>
    %dma_wait3A_99 = arith.constant 0 : i32
    %dma_wait3A_100 = arith.constant 0 : i32
    %dma_wait3A_101 = tpu.memref_slice %arg6[%dma_wait3A_99, %dma_wait3A_100] : memref<10016x40xf32, #tpu.memory_space<vmem_shared>> -> memref<10016x40xf32, #tpu.memory_space<vmem_shared>>
    tpu.wait_indirect_dma semaphore(%arg17 : memref<!tpu.dma_semaphore, #tpu.memory_space<semaphore_mem>>) src(%dma_wait3A_95 : memref<128x40xf32, #tpu.memory_space<vmem>>) dst(%dma_wait3A_101 : memref<10016x40xf32, #tpu.memory_space<vmem_shared>>)
    %barrier3A_102 = arith.constant 0 : index
    tpu.barrier barrier_id(%barrier3A_102)
    %sub3A_103 = arith.constant 25 : i32
    %sub3A_104 = arith.subi %sub3A_103, %arg1 : i32
    %sub3A_105 = arith.constant 16 : i32
    %sub3A_106 = arith.constant 1 : i32
    %sub3A_107 = arith.subi %sub3A_105, %sub3A_106 : i32
    %add3A_108 = arith.addi %sub3A_104, %sub3A_107 : i32
    %div3A_109 = arith.constant 16 : i32
    %div3A_110 = arith.divsi %add3A_108, %div3A_109 : i32
    %while3A_111 = arith.constant 16 : i32
    %while3A_112 = arith.constant 0 : i32
    %while3A_113 = arith.subi %div3A_110, %while3A_112 : i32
    %while3A_114 = arith.addi %while3A_112, %while3A_113 : i32
    %while3A_115 = arith.constant 1 : i32
    %while3A_116 = arith.divsi %while3A_113, %while3A_115 : i32
    %while3A_117 = arith.muli %while3A_116, %while3A_115 : i32
    %while3A_118 = arith.addi %while3A_112, %while3A_117 : i32
    %while3A_119 = arith.constant 1 : i32
    scf.for %while3A_121 = %while3A_112 to %while3A_118 step %while3A_119  : i32 {
      %mul3A_122 = arith.muli %while3A_121, %while3A_111 : i32
      %add3A_123 = arith.addi %arg1, %mul3A_122 : i32
      %mul3A_124 = arith.constant 400 : i32
      %mul3A_125 = arith.muli %add3A_123, %mul3A_124 : i32
      "tpu.region"() ({
        %run_scoped3A = tpu.sem_alloc : memref<!tpu.dma_semaphore, #tpu.memory_space<semaphore_mem>>
        %dma_start3A_126 = arith.constant 0 : i32
        %dma_start3A_127 = tpu.memref_slice %arg5[%arg0, %mul3A_125, %dma_start3A_126] : memref<2x10000x128xf32, #tpu.memory_space<hbm>> -> memref<1x400x40xf32, #tpu.memory_space<hbm>>
        %dma_start3A_128 = tpu.memref_squeeze %dma_start3A_127 : memref<1x400x40xf32, #tpu.memory_space<hbm>> -> memref<400x40xf32, #tpu.memory_space<hbm>>
        %dma_start3A_129 = arith.constant 0 : i32
        %dma_start3A_130 = tpu.memref_slice %arg6[%mul3A_125, %dma_start3A_129] : memref<10016x40xf32, #tpu.memory_space<vmem_shared>> -> memref<400x40xf32, #tpu.memory_space<vmem_shared>>
        tpu.enqueue_dma source(%dma_start3A_130 : memref<400x40xf32, #tpu.memory_space<vmem_shared>>) target(%dma_start3A_128 : memref<400x40xf32, #tpu.memory_space<hbm>>) target_semaphore(%run_scoped3A : memref<!tpu.dma_semaphore, #tpu.memory_space<semaphore_mem>>)
        %dma_wait3A_131 = arith.constant 0 : i32
        %dma_wait3A_132 = tpu.memref_slice %arg5[%arg0, %mul3A_125, %dma_wait3A_131] : memref<2x10000x128xf32, #tpu.memory_space<hbm>> -> memref<1x400x40xf32, #tpu.memory_space<hbm>>
        %dma_wait3A_133 = tpu.memref_squeeze %dma_wait3A_132 : memref<1x400x40xf32, #tpu.memory_space<hbm>> -> memref<400x40xf32, #tpu.memory_space<hbm>>
        %dma_wait3A_134 = arith.constant 0 : i32
        %dma_wait3A_135 = tpu.memref_slice %arg6[%mul3A_125, %dma_wait3A_134] : memref<10016x40xf32, #tpu.memory_space<vmem_shared>> -> memref<400x40xf32, #tpu.memory_space<vmem_shared>>
        tpu.wait_dma2 semaphore(%run_scoped3A : memref<!tpu.dma_semaphore, #tpu.memory_space<semaphore_mem>>) src(%dma_wait3A_135 : memref<400x40xf32, #tpu.memory_space<vmem_shared>>) dst(%dma_wait3A_133 : memref<400x40xf32, #tpu.memory_space<hbm>>)
        tpu.yield
      }) : () -> ()
    }
    %while3A_120 = arith.constant 1 : i32
    scf.for %while3A_121 = %while3A_118 to %while3A_114 step %while3A_120  : i32 {
      %mul3A_122 = arith.muli %while3A_121, %while3A_111 : i32
      %add3A_123 = arith.addi %arg1, %mul3A_122 : i32
      %mul3A_124 = arith.constant 400 : i32
      %mul3A_125 = arith.muli %add3A_123, %mul3A_124 : i32
      "tpu.region"() ({
        %run_scoped3A = tpu.sem_alloc : memref<!tpu.dma_semaphore, #tpu.memory_space<semaphore_mem>>
        %dma_start3A_126 = arith.constant 0 : i32
        %dma_start3A_127 = tpu.memref_slice %arg5[%arg0, %mul3A_125, %dma_start3A_126] : memref<2x10000x128xf32, #tpu.memory_space<hbm>> -> memref<1x400x40xf32, #tpu.memory_space<hbm>>
        %dma_start3A_128 = tpu.memref_squeeze %dma_start3A_127 : memref<1x400x40xf32, #tpu.memory_space<hbm>> -> memref<400x40xf32, #tpu.memory_space<hbm>>
        %dma_start3A_129 = arith.constant 0 : i32
        %dma_start3A_130 = tpu.memref_slice %arg6[%mul3A_125, %dma_start3A_129] : memref<10016x40xf32, #tpu.memory_space<vmem_shared>> -> memref<400x40xf32, #tpu.memory_space<vmem_shared>>
        tpu.enqueue_dma source(%dma_start3A_130 : memref<400x40xf32, #tpu.memory_space<vmem_shared>>) target(%dma_start3A_128 : memref<400x40xf32, #tpu.memory_space<hbm>>) target_semaphore(%run_scoped3A : memref<!tpu.dma_semaphore, #tpu.memory_space<semaphore_mem>>)
        %dma_wait3A_131 = arith.constant 0 : i32
        %dma_wait3A_132 = tpu.memref_slice %arg5[%arg0, %mul3A_125, %dma_wait3A_131] : memref<2x10000x128xf32, #tpu.memory_space<hbm>> -> memref<1x400x40xf32, #tpu.memory_space<hbm>>
        %dma_wait3A_133 = tpu.memref_squeeze %dma_wait3A_132 : memref<1x400x40xf32, #tpu.memory_space<hbm>> -> memref<400x40xf32, #tpu.memory_space<hbm>>
        %dma_wait3A_134 = arith.constant 0 : i32
        %dma_wait3A_135 = tpu.memref_slice %arg6[%mul3A_125, %dma_wait3A_134] : memref<10016x40xf32, #tpu.memory_space<vmem_shared>> -> memref<400x40xf32, #tpu.memory_space<vmem_shared>>
        tpu.wait_dma2 semaphore(%run_scoped3A : memref<!tpu.dma_semaphore, #tpu.memory_space<semaphore_mem>>) src(%dma_wait3A_135 : memref<400x40xf32, #tpu.memory_space<vmem_shared>>) dst(%dma_wait3A_133 : memref<400x40xf32, #tpu.memory_space<hbm>>)
        tpu.yield
      }) : () -> ()
    }
    return
  }
}

#map = affine_map<(d0, d1) -> (0, 0)>
#map1 = affine_map<(d0, d1) -> (0, 0, 0)>
module attributes {stable_mosaic.version = 14 : i64} {
  func.func @gcn_prop_d128(%arg0: i32, %arg1: i32, %arg2: memref<10000x128xf32, #tpu.memory_space<hbm>>, %arg3: memref<32x126x80xi32, #tpu.memory_space<hbm>>, %arg4: memref<32x126x80xi32, #tpu.memory_space<hbm>>, %arg5: memref<2x10000x128xf32, #tpu.memory_space<hbm>>, %arg6: memref<10016x128xf32, #tpu.memory_space<vmem_shared>>, %arg7: memref<126x80xi32, #tpu.memory_space<vmem>>, %arg8: memref<126x80xi32, #tpu.memory_space<vmem>>, %arg9: memref<3x80x128xf32, #tpu.memory_space<vmem>>, %arg10: memref<!tpu.dma_semaphore, #tpu.memory_space<semaphore_mem>>, %arg11: memref<!tpu.dma_semaphore, #tpu.memory_space<semaphore_mem>>, %arg12: memref<!tpu.dma_semaphore, #tpu.memory_space<semaphore_mem>>, %arg13: memref<!tpu.dma_semaphore, #tpu.memory_space<semaphore_mem>>, %arg14: memref<!tpu.dma_semaphore, #tpu.memory_space<semaphore_mem>>, %arg15: memref<!tpu.dma_semaphore, #tpu.memory_space<semaphore_mem>>) attributes {dimension_semantics = [#tpu.dimension_semantics<core_parallel>, #tpu.dimension_semantics<subcore_parallel>], iteration_bounds = array<i64: 2, 16>, scalar_prefetch = 0 : i64, scratch_operands = 10 : i64, tpu.core_type = #tpu.core_type<sc_vector_subcore>, window_params = [{transform_indices = #map}, {transform_indices = #map1}, {transform_indices = #map1}, {transform_indices = #map1}]} {
    %mul3A = arith.constant 16 : i32
    %mul3A_0 = arith.muli %arg0, %mul3A : i32
    %add3A = arith.addi %mul3A_0, %arg1 : i32
    "tpu.region"() ({
      %run_scoped3A = tpu.sem_alloc : memref<!tpu.dma_semaphore, #tpu.memory_space<semaphore_mem>>
      %dma_start3A_97 = arith.constant 0 : i32
      %dma_start3A_98 = arith.constant 0 : i32
      %dma_start3A_99 = tpu.memref_slice %arg3[%add3A, %dma_start3A_97, %dma_start3A_98] : memref<32x126x80xi32, #tpu.memory_space<hbm>> -> memref<1x126x80xi32, #tpu.memory_space<hbm>>
      %dma_start3A_100 = tpu.memref_squeeze %dma_start3A_99 : memref<1x126x80xi32, #tpu.memory_space<hbm>> -> memref<126x80xi32, #tpu.memory_space<hbm>>
      %dma_start3A_101 = arith.constant 0 : i32
      %dma_start3A_102 = arith.constant 0 : i32
      %dma_start3A_103 = tpu.memref_slice %arg3[%add3A, %dma_start3A_101, %dma_start3A_102] : memref<32x126x80xi32, #tpu.memory_space<hbm>> -> memref<1x126x80xi32, #tpu.memory_space<hbm>>
      %dma_start3A_104 = tpu.memref_squeeze %dma_start3A_103 : memref<1x126x80xi32, #tpu.memory_space<hbm>> -> memref<126x80xi32, #tpu.memory_space<hbm>>
      tpu.enqueue_dma source(%dma_start3A_104 : memref<126x80xi32, #tpu.memory_space<hbm>>) target(%arg7 : memref<126x80xi32, #tpu.memory_space<vmem>>) target_semaphore(%run_scoped3A : memref<!tpu.dma_semaphore, #tpu.memory_space<semaphore_mem>>)
      %dma_wait3A_105 = arith.constant 0 : i32
      %dma_wait3A_106 = arith.constant 0 : i32
      %dma_wait3A_107 = tpu.memref_slice %arg3[%add3A, %dma_wait3A_105, %dma_wait3A_106] : memref<32x126x80xi32, #tpu.memory_space<hbm>> -> memref<1x126x80xi32, #tpu.memory_space<hbm>>
      %dma_wait3A_108 = tpu.memref_squeeze %dma_wait3A_107 : memref<1x126x80xi32, #tpu.memory_space<hbm>> -> memref<126x80xi32, #tpu.memory_space<hbm>>
      %dma_wait3A_109 = arith.constant 0 : i32
      %dma_wait3A_110 = arith.constant 0 : i32
      %dma_wait3A_111 = tpu.memref_slice %arg3[%add3A, %dma_wait3A_109, %dma_wait3A_110] : memref<32x126x80xi32, #tpu.memory_space<hbm>> -> memref<1x126x80xi32, #tpu.memory_space<hbm>>
      %dma_wait3A_112 = tpu.memref_squeeze %dma_wait3A_111 : memref<1x126x80xi32, #tpu.memory_space<hbm>> -> memref<126x80xi32, #tpu.memory_space<hbm>>
      tpu.wait_dma2 semaphore(%run_scoped3A : memref<!tpu.dma_semaphore, #tpu.memory_space<semaphore_mem>>) src(%dma_wait3A_112 : memref<126x80xi32, #tpu.memory_space<hbm>>) dst(%arg7 : memref<126x80xi32, #tpu.memory_space<vmem>>)
      tpu.yield
    }) : () -> ()
    "tpu.region"() ({
      %run_scoped3A = tpu.sem_alloc : memref<!tpu.dma_semaphore, #tpu.memory_space<semaphore_mem>>
      %dma_start3A_97 = arith.constant 0 : i32
      %dma_start3A_98 = arith.constant 0 : i32
      %dma_start3A_99 = tpu.memref_slice %arg4[%add3A, %dma_start3A_97, %dma_start3A_98] : memref<32x126x80xi32, #tpu.memory_space<hbm>> -> memref<1x126x80xi32, #tpu.memory_space<hbm>>
      %dma_start3A_100 = tpu.memref_squeeze %dma_start3A_99 : memref<1x126x80xi32, #tpu.memory_space<hbm>> -> memref<126x80xi32, #tpu.memory_space<hbm>>
      %dma_start3A_101 = arith.constant 0 : i32
      %dma_start3A_102 = arith.constant 0 : i32
      %dma_start3A_103 = tpu.memref_slice %arg4[%add3A, %dma_start3A_101, %dma_start3A_102] : memref<32x126x80xi32, #tpu.memory_space<hbm>> -> memref<1x126x80xi32, #tpu.memory_space<hbm>>
      %dma_start3A_104 = tpu.memref_squeeze %dma_start3A_103 : memref<1x126x80xi32, #tpu.memory_space<hbm>> -> memref<126x80xi32, #tpu.memory_space<hbm>>
      tpu.enqueue_dma source(%dma_start3A_104 : memref<126x80xi32, #tpu.memory_space<hbm>>) target(%arg8 : memref<126x80xi32, #tpu.memory_space<vmem>>) target_semaphore(%run_scoped3A : memref<!tpu.dma_semaphore, #tpu.memory_space<semaphore_mem>>)
      %dma_wait3A_105 = arith.constant 0 : i32
      %dma_wait3A_106 = arith.constant 0 : i32
      %dma_wait3A_107 = tpu.memref_slice %arg4[%add3A, %dma_wait3A_105, %dma_wait3A_106] : memref<32x126x80xi32, #tpu.memory_space<hbm>> -> memref<1x126x80xi32, #tpu.memory_space<hbm>>
      %dma_wait3A_108 = tpu.memref_squeeze %dma_wait3A_107 : memref<1x126x80xi32, #tpu.memory_space<hbm>> -> memref<126x80xi32, #tpu.memory_space<hbm>>
      %dma_wait3A_109 = arith.constant 0 : i32
      %dma_wait3A_110 = arith.constant 0 : i32
      %dma_wait3A_111 = tpu.memref_slice %arg4[%add3A, %dma_wait3A_109, %dma_wait3A_110] : memref<32x126x80xi32, #tpu.memory_space<hbm>> -> memref<1x126x80xi32, #tpu.memory_space<hbm>>
      %dma_wait3A_112 = tpu.memref_squeeze %dma_wait3A_111 : memref<1x126x80xi32, #tpu.memory_space<hbm>> -> memref<126x80xi32, #tpu.memory_space<hbm>>
      tpu.wait_dma2 semaphore(%run_scoped3A : memref<!tpu.dma_semaphore, #tpu.memory_space<semaphore_mem>>) src(%dma_wait3A_112 : memref<126x80xi32, #tpu.memory_space<hbm>>) dst(%arg8 : memref<126x80xi32, #tpu.memory_space<vmem>>)
      tpu.yield
    }) : () -> ()
    %sub3A = arith.constant 25 : i32
    %sub3A_1 = arith.subi %sub3A, %arg1 : i32
    %sub3A_2 = arith.constant 16 : i32
    %sub3A_3 = arith.constant 1 : i32
    %sub3A_4 = arith.subi %sub3A_2, %sub3A_3 : i32
    %add3A_5 = arith.addi %sub3A_1, %sub3A_4 : i32
    %div3A = arith.constant 16 : i32
    %div3A_6 = arith.divsi %add3A_5, %div3A : i32
    %while3A = arith.constant 16 : i32
    %while3A_7 = arith.constant 0 : i32
    %while3A_8 = arith.subi %div3A_6, %while3A_7 : i32
    %while3A_9 = arith.addi %while3A_7, %while3A_8 : i32
    %while3A_10 = arith.constant 1 : i32
    %while3A_11 = arith.divsi %while3A_8, %while3A_10 : i32
    %while3A_12 = arith.muli %while3A_11, %while3A_10 : i32
    %while3A_13 = arith.addi %while3A_7, %while3A_12 : i32
    %while3A_14 = arith.constant 1 : i32
    scf.for %while3A_97 = %while3A_7 to %while3A_13 step %while3A_14  : i32 {
      %mul3A_98 = arith.muli %while3A_97, %while3A : i32
      %add3A_99 = arith.addi %arg1, %mul3A_98 : i32
      %mul3A_100 = arith.constant 400 : i32
      %mul3A_101 = arith.muli %add3A_99, %mul3A_100 : i32
      "tpu.region"() ({
        %run_scoped3A = tpu.sem_alloc : memref<!tpu.dma_semaphore, #tpu.memory_space<semaphore_mem>>
        %dma_start3A_102 = arith.constant 0 : i32
        %dma_start3A_103 = tpu.memref_slice %arg6[%mul3A_101, %dma_start3A_102] : memref<10016x128xf32, #tpu.memory_space<vmem_shared>> -> memref<400x128xf32, #tpu.memory_space<vmem_shared>>
        %dma_start3A_104 = arith.constant 0 : i32
        %dma_start3A_105 = tpu.memref_slice %arg2[%mul3A_101, %dma_start3A_104] : memref<10000x128xf32, #tpu.memory_space<hbm>> -> memref<400x128xf32, #tpu.memory_space<hbm>>
        tpu.enqueue_dma source(%dma_start3A_105 : memref<400x128xf32, #tpu.memory_space<hbm>>) target(%dma_start3A_103 : memref<400x128xf32, #tpu.memory_space<vmem_shared>>) target_semaphore(%run_scoped3A : memref<!tpu.dma_semaphore, #tpu.memory_space<semaphore_mem>>)
        %dma_wait3A_106 = arith.constant 0 : i32
        %dma_wait3A_107 = tpu.memref_slice %arg6[%mul3A_101, %dma_wait3A_106] : memref<10016x128xf32, #tpu.memory_space<vmem_shared>> -> memref<400x128xf32, #tpu.memory_space<vmem_shared>>
        %dma_wait3A_108 = arith.constant 0 : i32
        %dma_wait3A_109 = tpu.memref_slice %arg2[%mul3A_101, %dma_wait3A_108] : memref<10000x128xf32, #tpu.memory_space<hbm>> -> memref<400x128xf32, #tpu.memory_space<hbm>>
        tpu.wait_dma2 semaphore(%run_scoped3A : memref<!tpu.dma_semaphore, #tpu.memory_space<semaphore_mem>>) src(%dma_wait3A_109 : memref<400x128xf32, #tpu.memory_space<hbm>>) dst(%dma_wait3A_107 : memref<400x128xf32, #tpu.memory_space<vmem_shared>>)
        tpu.yield
      }) : () -> ()
    }
    %while3A_15 = arith.constant 1 : i32
    scf.for %while3A_97 = %while3A_13 to %while3A_9 step %while3A_15  : i32 {
      %mul3A_98 = arith.muli %while3A_97, %while3A : i32
      %add3A_99 = arith.addi %arg1, %mul3A_98 : i32
      %mul3A_100 = arith.constant 400 : i32
      %mul3A_101 = arith.muli %add3A_99, %mul3A_100 : i32
      "tpu.region"() ({
        %run_scoped3A = tpu.sem_alloc : memref<!tpu.dma_semaphore, #tpu.memory_space<semaphore_mem>>
        %dma_start3A_102 = arith.constant 0 : i32
        %dma_start3A_103 = tpu.memref_slice %arg6[%mul3A_101, %dma_start3A_102] : memref<10016x128xf32, #tpu.memory_space<vmem_shared>> -> memref<400x128xf32, #tpu.memory_space<vmem_shared>>
        %dma_start3A_104 = arith.constant 0 : i32
        %dma_start3A_105 = tpu.memref_slice %arg2[%mul3A_101, %dma_start3A_104] : memref<10000x128xf32, #tpu.memory_space<hbm>> -> memref<400x128xf32, #tpu.memory_space<hbm>>
        tpu.enqueue_dma source(%dma_start3A_105 : memref<400x128xf32, #tpu.memory_space<hbm>>) target(%dma_start3A_103 : memref<400x128xf32, #tpu.memory_space<vmem_shared>>) target_semaphore(%run_scoped3A : memref<!tpu.dma_semaphore, #tpu.memory_space<semaphore_mem>>)
        %dma_wait3A_106 = arith.constant 0 : i32
        %dma_wait3A_107 = tpu.memref_slice %arg6[%mul3A_101, %dma_wait3A_106] : memref<10016x128xf32, #tpu.memory_space<vmem_shared>> -> memref<400x128xf32, #tpu.memory_space<vmem_shared>>
        %dma_wait3A_108 = arith.constant 0 : i32
        %dma_wait3A_109 = tpu.memref_slice %arg2[%mul3A_101, %dma_wait3A_108] : memref<10000x128xf32, #tpu.memory_space<hbm>> -> memref<400x128xf32, #tpu.memory_space<hbm>>
        tpu.wait_dma2 semaphore(%run_scoped3A : memref<!tpu.dma_semaphore, #tpu.memory_space<semaphore_mem>>) src(%dma_wait3A_109 : memref<400x128xf32, #tpu.memory_space<hbm>>) dst(%dma_wait3A_107 : memref<400x128xf32, #tpu.memory_space<vmem_shared>>)
        tpu.yield
      }) : () -> ()
    }
    %barrier3A = arith.constant 0 : index
    tpu.barrier barrier_id(%barrier3A)
    %dma_start3A = arith.constant 0 : i32
    %dma_start3A_16 = arith.constant 0 : i32
    %dma_start3A_17 = arith.constant 0 : i32
    %dma_start3A_18 = arith.constant 0 : i32
    %dma_start3A_19 = tpu.memref_slice %arg9[%dma_start3A_16, %dma_start3A_17, %dma_start3A_18] : memref<3x80x128xf32, #tpu.memory_space<vmem>> -> memref<1x80x128xf32, #tpu.memory_space<vmem>>
    %dma_start3A_20 = tpu.memref_squeeze %dma_start3A_19 : memref<1x80x128xf32, #tpu.memory_space<vmem>> -> memref<80x128xf32, #tpu.memory_space<vmem>>
    %dma_start3A_21 = arith.constant 0 : i32
    %dma_start3A_22 = tpu.memref_slice %arg7[%dma_start3A, %dma_start3A_21] : memref<126x80xi32, #tpu.memory_space<vmem>> -> memref<1x80xi32, #tpu.memory_space<vmem>>
    %dma_start3A_23 = tpu.memref_squeeze %dma_start3A_22 : memref<1x80xi32, #tpu.memory_space<vmem>> -> memref<80xi32, #tpu.memory_space<vmem>>
    %dma_start3A_24 = arith.constant 0 : i32
    %dma_start3A_25 = arith.constant 0 : i32
    %dma_start3A_26 = tpu.memref_slice %arg2[%dma_start3A_24, %dma_start3A_25] : memref<10000x128xf32, #tpu.memory_space<hbm>> -> memref<10000x128xf32, #tpu.memory_space<hbm>>
    tpu.enqueue_indirect_dma source(%dma_start3A_26 : memref<10000x128xf32, #tpu.memory_space<hbm>>) target(%dma_start3A_20 : memref<80x128xf32, #tpu.memory_space<vmem>>) offsets(%dma_start3A_23 : memref<80xi32, #tpu.memory_space<vmem>>) semaphore(%arg10 : memref<!tpu.dma_semaphore, #tpu.memory_space<semaphore_mem>>)
    %dma_start3A_27 = arith.constant 1 : i32
    %dma_start3A_28 = arith.constant 1 : i32
    %dma_start3A_29 = arith.constant 0 : i32
    %dma_start3A_30 = arith.constant 0 : i32
    %dma_start3A_31 = tpu.memref_slice %arg9[%dma_start3A_28, %dma_start3A_29, %dma_start3A_30] : memref<3x80x128xf32, #tpu.memory_space<vmem>> -> memref<1x80x128xf32, #tpu.memory_space<vmem>>
    %dma_start3A_32 = tpu.memref_squeeze %dma_start3A_31 : memref<1x80x128xf32, #tpu.memory_space<vmem>> -> memref<80x128xf32, #tpu.memory_space<vmem>>
    %dma_start3A_33 = arith.constant 0 : i32
    %dma_start3A_34 = tpu.memref_slice %arg7[%dma_start3A_27, %dma_start3A_33] : memref<126x80xi32, #tpu.memory_space<vmem>> -> memref<1x80xi32, #tpu.memory_space<vmem>>
    %dma_start3A_35 = tpu.memref_squeeze %dma_start3A_34 : memref<1x80xi32, #tpu.memory_space<vmem>> -> memref<80xi32, #tpu.memory_space<vmem>>
    %dma_start3A_36 = arith.constant 0 : i32
    %dma_start3A_37 = arith.constant 0 : i32
    %dma_start3A_38 = tpu.memref_slice %arg2[%dma_start3A_36, %dma_start3A_37] : memref<10000x128xf32, #tpu.memory_space<hbm>> -> memref<10000x128xf32, #tpu.memory_space<hbm>>
    tpu.enqueue_indirect_dma source(%dma_start3A_38 : memref<10000x128xf32, #tpu.memory_space<hbm>>) target(%dma_start3A_32 : memref<80x128xf32, #tpu.memory_space<vmem>>) offsets(%dma_start3A_35 : memref<80xi32, #tpu.memory_space<vmem>>) semaphore(%arg11 : memref<!tpu.dma_semaphore, #tpu.memory_space<semaphore_mem>>)
    %scan3A = arith.constant 0 : i32
    %scan3A_39 = arith.constant 42 : i32
    %scan3A_40 = arith.addi %scan3A, %scan3A_39 : i32
    %scan3A_41 = arith.constant 1 : i32
    scf.for %scan3A_97 = %scan3A to %scan3A_40 step %scan3A_41  : i32 {
      %mul3A_98 = arith.constant 3 : i32
      %mul3A_99 = arith.muli %scan3A_97, %mul3A_98 : i32
      %add3A_100 = arith.constant 0 : i32
      %add3A_101 = arith.addi %add3A_100, %mul3A_99 : i32
      %add3A_102 = arith.constant 0 : i32
      %add3A_103 = arith.addi %add3A_101, %add3A_102 : i32
      %dma_wait3A_104 = arith.constant 0 : i32
      %dma_wait3A_105 = arith.constant 0 : i32
      %dma_wait3A_106 = arith.constant 0 : i32
      %dma_wait3A_107 = tpu.memref_slice %arg9[%dma_wait3A_104, %dma_wait3A_105, %dma_wait3A_106] : memref<3x80x128xf32, #tpu.memory_space<vmem>> -> memref<1x80x128xf32, #tpu.memory_space<vmem>>
      %dma_wait3A_108 = tpu.memref_squeeze %dma_wait3A_107 : memref<1x80x128xf32, #tpu.memory_space<vmem>> -> memref<80x128xf32, #tpu.memory_space<vmem>>
      %dma_wait3A_109 = arith.constant 0 : i32
      %dma_wait3A_110 = tpu.memref_slice %arg7[%add3A_103, %dma_wait3A_109] : memref<126x80xi32, #tpu.memory_space<vmem>> -> memref<1x80xi32, #tpu.memory_space<vmem>>
      %dma_wait3A_111 = tpu.memref_squeeze %dma_wait3A_110 : memref<1x80xi32, #tpu.memory_space<vmem>> -> memref<80xi32, #tpu.memory_space<vmem>>
      %dma_wait3A_112 = arith.constant 0 : i32
      %dma_wait3A_113 = arith.constant 0 : i32
      %dma_wait3A_114 = tpu.memref_slice %arg2[%dma_wait3A_112, %dma_wait3A_113] : memref<10000x128xf32, #tpu.memory_space<hbm>> -> memref<10000x128xf32, #tpu.memory_space<hbm>>
      tpu.wait_indirect_dma semaphore(%arg10 : memref<!tpu.dma_semaphore, #tpu.memory_space<semaphore_mem>>) src(%dma_wait3A_114 : memref<10000x128xf32, #tpu.memory_space<hbm>>) dst(%dma_wait3A_108 : memref<80x128xf32, #tpu.memory_space<vmem>>)
      %dma_start3A_115 = arith.constant 0 : i32
      %dma_start3A_116 = arith.constant 0 : i32
      %dma_start3A_117 = arith.constant 0 : i32
      %dma_start3A_118 = tpu.memref_slice %arg9[%dma_start3A_115, %dma_start3A_116, %dma_start3A_117] : memref<3x80x128xf32, #tpu.memory_space<vmem>> -> memref<1x80x128xf32, #tpu.memory_space<vmem>>
      %dma_start3A_119 = tpu.memref_squeeze %dma_start3A_118 : memref<1x80x128xf32, #tpu.memory_space<vmem>> -> memref<80x128xf32, #tpu.memory_space<vmem>>
      %dma_start3A_120 = arith.constant 0 : i32
      %dma_start3A_121 = tpu.memref_slice %arg8[%add3A_103, %dma_start3A_120] : memref<126x80xi32, #tpu.memory_space<vmem>> -> memref<1x80xi32, #tpu.memory_space<vmem>>
      %dma_start3A_122 = tpu.memref_squeeze %dma_start3A_121 : memref<1x80xi32, #tpu.memory_space<vmem>> -> memref<80xi32, #tpu.memory_space<vmem>>
      %dma_start3A_123 = arith.constant 0 : i32
      %dma_start3A_124 = arith.constant 0 : i32
      %dma_start3A_125 = tpu.memref_slice %arg6[%dma_start3A_123, %dma_start3A_124] : memref<10016x128xf32, #tpu.memory_space<vmem_shared>> -> memref<10016x128xf32, #tpu.memory_space<vmem_shared>>
      tpu.enqueue_indirect_dma source(%dma_start3A_119 : memref<80x128xf32, #tpu.memory_space<vmem>>) target(%dma_start3A_125 : memref<10016x128xf32, #tpu.memory_space<vmem_shared>>) offsets(%dma_start3A_122 : memref<80xi32, #tpu.memory_space<vmem>>) semaphore(%arg13 : memref<!tpu.dma_semaphore, #tpu.memory_space<semaphore_mem>>) {add = true}
      %add3A_126 = arith.constant 3 : i32
      %add3A_127 = arith.addi %add3A_103, %add3A_126 : i32
      %sub3A_128 = arith.constant 1 : i32
      %sub3A_129 = arith.subi %add3A_127, %sub3A_128 : i32
      %lt3A = arith.constant 126 : i32
      %lt3A_130 = arith.cmpi slt, %sub3A_129, %lt3A : i32
      %convert_element_type3A = arith.extui %lt3A_130 : i1 to i32
      %cond3A = arith.constant 0 : i32
      %cond3A_131 = arith.cmpi ne, %convert_element_type3A, %cond3A : i32
      scf.if %cond3A_131 {
        %ge3A = arith.constant 1 : i32
        %ge3A_198 = arith.cmpi sge, %add3A_103, %ge3A : i32
        %convert_element_type3A_199 = arith.extui %ge3A_198 : i1 to i32
        %cond3A_200 = arith.constant 0 : i32
        %cond3A_201 = arith.cmpi ne, %convert_element_type3A_199, %cond3A_200 : i32
        scf.if %cond3A_201 {
          %dma_wait3A_217 = arith.constant 2 : i32
          %dma_wait3A_218 = arith.constant 0 : i32
          %dma_wait3A_219 = arith.constant 0 : i32
          %dma_wait3A_220 = arith.constant 0 : i32
          %dma_wait3A_221 = tpu.memref_slice %arg9[%dma_wait3A_217, %dma_wait3A_219, %dma_wait3A_220] : memref<3x80x128xf32, #tpu.memory_space<vmem>> -> memref<1x80x128xf32, #tpu.memory_space<vmem>>
          %dma_wait3A_222 = tpu.memref_squeeze %dma_wait3A_221 : memref<1x80x128xf32, #tpu.memory_space<vmem>> -> memref<80x128xf32, #tpu.memory_space<vmem>>
          %dma_wait3A_223 = arith.constant 0 : i32
          %dma_wait3A_224 = tpu.memref_slice %arg8[%dma_wait3A_218, %dma_wait3A_223] : memref<126x80xi32, #tpu.memory_space<vmem>> -> memref<1x80xi32, #tpu.memory_space<vmem>>
          %dma_wait3A_225 = tpu.memref_squeeze %dma_wait3A_224 : memref<1x80xi32, #tpu.memory_space<vmem>> -> memref<80xi32, #tpu.memory_space<vmem>>
          %dma_wait3A_226 = arith.constant 0 : i32
          %dma_wait3A_227 = arith.constant 0 : i32
          %dma_wait3A_228 = tpu.memref_slice %arg6[%dma_wait3A_226, %dma_wait3A_227] : memref<10016x128xf32, #tpu.memory_space<vmem_shared>> -> memref<10016x128xf32, #tpu.memory_space<vmem_shared>>
          tpu.wait_indirect_dma semaphore(%arg15 : memref<!tpu.dma_semaphore, #tpu.memory_space<semaphore_mem>>) src(%dma_wait3A_222 : memref<80x128xf32, #tpu.memory_space<vmem>>) dst(%dma_wait3A_228 : memref<10016x128xf32, #tpu.memory_space<vmem_shared>>)
        } else {
        }
        %add3A_202 = arith.constant 3 : i32
        %add3A_203 = arith.addi %add3A_103, %add3A_202 : i32
        %sub3A_204 = arith.constant 1 : i32
        %sub3A_205 = arith.subi %add3A_203, %sub3A_204 : i32
        %dma_start3A_206 = arith.constant 2 : i32
        %dma_start3A_207 = arith.constant 0 : i32
        %dma_start3A_208 = arith.constant 0 : i32
        %dma_start3A_209 = tpu.memref_slice %arg9[%dma_start3A_206, %dma_start3A_207, %dma_start3A_208] : memref<3x80x128xf32, #tpu.memory_space<vmem>> -> memref<1x80x128xf32, #tpu.memory_space<vmem>>
        %dma_start3A_210 = tpu.memref_squeeze %dma_start3A_209 : memref<1x80x128xf32, #tpu.memory_space<vmem>> -> memref<80x128xf32, #tpu.memory_space<vmem>>
        %dma_start3A_211 = arith.constant 0 : i32
        %dma_start3A_212 = tpu.memref_slice %arg7[%sub3A_205, %dma_start3A_211] : memref<126x80xi32, #tpu.memory_space<vmem>> -> memref<1x80xi32, #tpu.memory_space<vmem>>
        %dma_start3A_213 = tpu.memref_squeeze %dma_start3A_212 : memref<1x80xi32, #tpu.memory_space<vmem>> -> memref<80xi32, #tpu.memory_space<vmem>>
        %dma_start3A_214 = arith.constant 0 : i32
        %dma_start3A_215 = arith.constant 0 : i32
        %dma_start3A_216 = tpu.memref_slice %arg2[%dma_start3A_214, %dma_start3A_215] : memref<10000x128xf32, #tpu.memory_space<hbm>> -> memref<10000x128xf32, #tpu.memory_space<hbm>>
        tpu.enqueue_indirect_dma source(%dma_start3A_216 : memref<10000x128xf32, #tpu.memory_space<hbm>>) target(%dma_start3A_210 : memref<80x128xf32, #tpu.memory_space<vmem>>) offsets(%dma_start3A_213 : memref<80xi32, #tpu.memory_space<vmem>>) semaphore(%arg12 : memref<!tpu.dma_semaphore, #tpu.memory_space<semaphore_mem>>)
      } else {
      }
      %add3A_132 = arith.constant 1 : i32
      %add3A_133 = arith.addi %add3A_101, %add3A_132 : i32
      %dma_wait3A_134 = arith.constant 1 : i32
      %dma_wait3A_135 = arith.constant 0 : i32
      %dma_wait3A_136 = arith.constant 0 : i32
      %dma_wait3A_137 = tpu.memref_slice %arg9[%dma_wait3A_134, %dma_wait3A_135, %dma_wait3A_136] : memref<3x80x128xf32, #tpu.memory_space<vmem>> -> memref<1x80x128xf32, #tpu.memory_space<vmem>>
      %dma_wait3A_138 = tpu.memref_squeeze %dma_wait3A_137 : memref<1x80x128xf32, #tpu.memory_space<vmem>> -> memref<80x128xf32, #tpu.memory_space<vmem>>
      %dma_wait3A_139 = arith.constant 0 : i32
      %dma_wait3A_140 = tpu.memref_slice %arg7[%add3A_133, %dma_wait3A_139] : memref<126x80xi32, #tpu.memory_space<vmem>> -> memref<1x80xi32, #tpu.memory_space<vmem>>
      %dma_wait3A_141 = tpu.memref_squeeze %dma_wait3A_140 : memref<1x80xi32, #tpu.memory_space<vmem>> -> memref<80xi32, #tpu.memory_space<vmem>>
      %dma_wait3A_142 = arith.constant 0 : i32
      %dma_wait3A_143 = arith.constant 0 : i32
      %dma_wait3A_144 = tpu.memref_slice %arg2[%dma_wait3A_142, %dma_wait3A_143] : memref<10000x128xf32, #tpu.memory_space<hbm>> -> memref<10000x128xf32, #tpu.memory_space<hbm>>
      tpu.wait_indirect_dma semaphore(%arg11 : memref<!tpu.dma_semaphore, #tpu.memory_space<semaphore_mem>>) src(%dma_wait3A_144 : memref<10000x128xf32, #tpu.memory_space<hbm>>) dst(%dma_wait3A_138 : memref<80x128xf32, #tpu.memory_space<vmem>>)
      %dma_start3A_145 = arith.constant 1 : i32
      %dma_start3A_146 = arith.constant 0 : i32
      %dma_start3A_147 = arith.constant 0 : i32
      %dma_start3A_148 = tpu.memref_slice %arg9[%dma_start3A_145, %dma_start3A_146, %dma_start3A_147] : memref<3x80x128xf32, #tpu.memory_space<vmem>> -> memref<1x80x128xf32, #tpu.memory_space<vmem>>
      %dma_start3A_149 = tpu.memref_squeeze %dma_start3A_148 : memref<1x80x128xf32, #tpu.memory_space<vmem>> -> memref<80x128xf32, #tpu.memory_space<vmem>>
      %dma_start3A_150 = arith.constant 0 : i32
      %dma_start3A_151 = tpu.memref_slice %arg8[%add3A_133, %dma_start3A_150] : memref<126x80xi32, #tpu.memory_space<vmem>> -> memref<1x80xi32, #tpu.memory_space<vmem>>
      %dma_start3A_152 = tpu.memref_squeeze %dma_start3A_151 : memref<1x80xi32, #tpu.memory_space<vmem>> -> memref<80xi32, #tpu.memory_space<vmem>>
      %dma_start3A_153 = arith.constant 0 : i32
      %dma_start3A_154 = arith.constant 0 : i32
      %dma_start3A_155 = tpu.memref_slice %arg6[%dma_start3A_153, %dma_start3A_154] : memref<10016x128xf32, #tpu.memory_space<vmem_shared>> -> memref<10016x128xf32, #tpu.memory_space<vmem_shared>>
      tpu.enqueue_indirect_dma source(%dma_start3A_149 : memref<80x128xf32, #tpu.memory_space<vmem>>) target(%dma_start3A_155 : memref<10016x128xf32, #tpu.memory_space<vmem_shared>>) offsets(%dma_start3A_152 : memref<80xi32, #tpu.memory_space<vmem>>) semaphore(%arg14 : memref<!tpu.dma_semaphore, #tpu.memory_space<semaphore_mem>>) {add = true}
      %add3A_156 = arith.constant 3 : i32
      %add3A_157 = arith.addi %add3A_133, %add3A_156 : i32
      %sub3A_158 = arith.constant 1 : i32
      %sub3A_159 = arith.subi %add3A_157, %sub3A_158 : i32
      %lt3A_160 = arith.constant 126 : i32
      %lt3A_161 = arith.cmpi slt, %sub3A_159, %lt3A_160 : i32
      %convert_element_type3A_162 = arith.extui %lt3A_161 : i1 to i32
      %cond3A_163 = arith.constant 0 : i32
      %cond3A_164 = arith.cmpi ne, %convert_element_type3A_162, %cond3A_163 : i32
      scf.if %cond3A_164 {
        %ge3A = arith.constant 1 : i32
        %ge3A_198 = arith.cmpi sge, %add3A_133, %ge3A : i32
        %convert_element_type3A_199 = arith.extui %ge3A_198 : i1 to i32
        %cond3A_200 = arith.constant 0 : i32
        %cond3A_201 = arith.cmpi ne, %convert_element_type3A_199, %cond3A_200 : i32
        scf.if %cond3A_201 {
          %dma_wait3A_217 = arith.constant 0 : i32
          %dma_wait3A_218 = arith.constant 0 : i32
          %dma_wait3A_219 = arith.constant 0 : i32
          %dma_wait3A_220 = arith.constant 0 : i32
          %dma_wait3A_221 = tpu.memref_slice %arg9[%dma_wait3A_217, %dma_wait3A_219, %dma_wait3A_220] : memref<3x80x128xf32, #tpu.memory_space<vmem>> -> memref<1x80x128xf32, #tpu.memory_space<vmem>>
          %dma_wait3A_222 = tpu.memref_squeeze %dma_wait3A_221 : memref<1x80x128xf32, #tpu.memory_space<vmem>> -> memref<80x128xf32, #tpu.memory_space<vmem>>
          %dma_wait3A_223 = arith.constant 0 : i32
          %dma_wait3A_224 = tpu.memref_slice %arg8[%dma_wait3A_218, %dma_wait3A_223] : memref<126x80xi32, #tpu.memory_space<vmem>> -> memref<1x80xi32, #tpu.memory_space<vmem>>
          %dma_wait3A_225 = tpu.memref_squeeze %dma_wait3A_224 : memref<1x80xi32, #tpu.memory_space<vmem>> -> memref<80xi32, #tpu.memory_space<vmem>>
          %dma_wait3A_226 = arith.constant 0 : i32
          %dma_wait3A_227 = arith.constant 0 : i32
          %dma_wait3A_228 = tpu.memref_slice %arg6[%dma_wait3A_226, %dma_wait3A_227] : memref<10016x128xf32, #tpu.memory_space<vmem_shared>> -> memref<10016x128xf32, #tpu.memory_space<vmem_shared>>
          tpu.wait_indirect_dma semaphore(%arg13 : memref<!tpu.dma_semaphore, #tpu.memory_space<semaphore_mem>>) src(%dma_wait3A_222 : memref<80x128xf32, #tpu.memory_space<vmem>>) dst(%dma_wait3A_228 : memref<10016x128xf32, #tpu.memory_space<vmem_shared>>)
        } else {
        }
        %add3A_202 = arith.constant 3 : i32
        %add3A_203 = arith.addi %add3A_133, %add3A_202 : i32
        %sub3A_204 = arith.constant 1 : i32
        %sub3A_205 = arith.subi %add3A_203, %sub3A_204 : i32
        %dma_start3A_206 = arith.constant 0 : i32
        %dma_start3A_207 = arith.constant 0 : i32
        %dma_start3A_208 = arith.constant 0 : i32
        %dma_start3A_209 = tpu.memref_slice %arg9[%dma_start3A_206, %dma_start3A_207, %dma_start3A_208] : memref<3x80x128xf32, #tpu.memory_space<vmem>> -> memref<1x80x128xf32, #tpu.memory_space<vmem>>
        %dma_start3A_210 = tpu.memref_squeeze %dma_start3A_209 : memref<1x80x128xf32, #tpu.memory_space<vmem>> -> memref<80x128xf32, #tpu.memory_space<vmem>>
        %dma_start3A_211 = arith.constant 0 : i32
        %dma_start3A_212 = tpu.memref_slice %arg7[%sub3A_205, %dma_start3A_211] : memref<126x80xi32, #tpu.memory_space<vmem>> -> memref<1x80xi32, #tpu.memory_space<vmem>>
        %dma_start3A_213 = tpu.memref_squeeze %dma_start3A_212 : memref<1x80xi32, #tpu.memory_space<vmem>> -> memref<80xi32, #tpu.memory_space<vmem>>
        %dma_start3A_214 = arith.constant 0 : i32
        %dma_start3A_215 = arith.constant 0 : i32
        %dma_start3A_216 = tpu.memref_slice %arg2[%dma_start3A_214, %dma_start3A_215] : memref<10000x128xf32, #tpu.memory_space<hbm>> -> memref<10000x128xf32, #tpu.memory_space<hbm>>
        tpu.enqueue_indirect_dma source(%dma_start3A_216 : memref<10000x128xf32, #tpu.memory_space<hbm>>) target(%dma_start3A_210 : memref<80x128xf32, #tpu.memory_space<vmem>>) offsets(%dma_start3A_213 : memref<80xi32, #tpu.memory_space<vmem>>) semaphore(%arg10 : memref<!tpu.dma_semaphore, #tpu.memory_space<semaphore_mem>>)
      } else {
      }
      %add3A_165 = arith.constant 2 : i32
      %add3A_166 = arith.addi %add3A_101, %add3A_165 : i32
      %dma_wait3A_167 = arith.constant 2 : i32
      %dma_wait3A_168 = arith.constant 0 : i32
      %dma_wait3A_169 = arith.constant 0 : i32
      %dma_wait3A_170 = tpu.memref_slice %arg9[%dma_wait3A_167, %dma_wait3A_168, %dma_wait3A_169] : memref<3x80x128xf32, #tpu.memory_space<vmem>> -> memref<1x80x128xf32, #tpu.memory_space<vmem>>
      %dma_wait3A_171 = tpu.memref_squeeze %dma_wait3A_170 : memref<1x80x128xf32, #tpu.memory_space<vmem>> -> memref<80x128xf32, #tpu.memory_space<vmem>>
      %dma_wait3A_172 = arith.constant 0 : i32
      %dma_wait3A_173 = tpu.memref_slice %arg7[%add3A_166, %dma_wait3A_172] : memref<126x80xi32, #tpu.memory_space<vmem>> -> memref<1x80xi32, #tpu.memory_space<vmem>>
      %dma_wait3A_174 = tpu.memref_squeeze %dma_wait3A_173 : memref<1x80xi32, #tpu.memory_space<vmem>> -> memref<80xi32, #tpu.memory_space<vmem>>
      %dma_wait3A_175 = arith.constant 0 : i32
      %dma_wait3A_176 = arith.constant 0 : i32
      %dma_wait3A_177 = tpu.memref_slice %arg2[%dma_wait3A_175, %dma_wait3A_176] : memref<10000x128xf32, #tpu.memory_space<hbm>> -> memref<10000x128xf32, #tpu.memory_space<hbm>>
      tpu.wait_indirect_dma semaphore(%arg12 : memref<!tpu.dma_semaphore, #tpu.memory_space<semaphore_mem>>) src(%dma_wait3A_177 : memref<10000x128xf32, #tpu.memory_space<hbm>>) dst(%dma_wait3A_171 : memref<80x128xf32, #tpu.memory_space<vmem>>)
      %dma_start3A_178 = arith.constant 2 : i32
      %dma_start3A_179 = arith.constant 0 : i32
      %dma_start3A_180 = arith.constant 0 : i32
      %dma_start3A_181 = tpu.memref_slice %arg9[%dma_start3A_178, %dma_start3A_179, %dma_start3A_180] : memref<3x80x128xf32, #tpu.memory_space<vmem>> -> memref<1x80x128xf32, #tpu.memory_space<vmem>>
      %dma_start3A_182 = tpu.memref_squeeze %dma_start3A_181 : memref<1x80x128xf32, #tpu.memory_space<vmem>> -> memref<80x128xf32, #tpu.memory_space<vmem>>
      %dma_start3A_183 = arith.constant 0 : i32
      %dma_start3A_184 = tpu.memref_slice %arg8[%add3A_166, %dma_start3A_183] : memref<126x80xi32, #tpu.memory_space<vmem>> -> memref<1x80xi32, #tpu.memory_space<vmem>>
      %dma_start3A_185 = tpu.memref_squeeze %dma_start3A_184 : memref<1x80xi32, #tpu.memory_space<vmem>> -> memref<80xi32, #tpu.memory_space<vmem>>
      %dma_start3A_186 = arith.constant 0 : i32
      %dma_start3A_187 = arith.constant 0 : i32
      %dma_start3A_188 = tpu.memref_slice %arg6[%dma_start3A_186, %dma_start3A_187] : memref<10016x128xf32, #tpu.memory_space<vmem_shared>> -> memref<10016x128xf32, #tpu.memory_space<vmem_shared>>
      tpu.enqueue_indirect_dma source(%dma_start3A_182 : memref<80x128xf32, #tpu.memory_space<vmem>>) target(%dma_start3A_188 : memref<10016x128xf32, #tpu.memory_space<vmem_shared>>) offsets(%dma_start3A_185 : memref<80xi32, #tpu.memory_space<vmem>>) semaphore(%arg15 : memref<!tpu.dma_semaphore, #tpu.memory_space<semaphore_mem>>) {add = true}
      %add3A_189 = arith.constant 3 : i32
      %add3A_190 = arith.addi %add3A_166, %add3A_189 : i32
      %sub3A_191 = arith.constant 1 : i32
      %sub3A_192 = arith.subi %add3A_190, %sub3A_191 : i32
      %lt3A_193 = arith.constant 126 : i32
      %lt3A_194 = arith.cmpi slt, %sub3A_192, %lt3A_193 : i32
      %convert_element_type3A_195 = arith.extui %lt3A_194 : i1 to i32
      %cond3A_196 = arith.constant 0 : i32
      %cond3A_197 = arith.cmpi ne, %convert_element_type3A_195, %cond3A_196 : i32
      scf.if %cond3A_197 {
        %ge3A = arith.constant 1 : i32
        %ge3A_198 = arith.cmpi sge, %add3A_166, %ge3A : i32
        %convert_element_type3A_199 = arith.extui %ge3A_198 : i1 to i32
        %cond3A_200 = arith.constant 0 : i32
        %cond3A_201 = arith.cmpi ne, %convert_element_type3A_199, %cond3A_200 : i32
        scf.if %cond3A_201 {
          %dma_wait3A_217 = arith.constant 1 : i32
          %dma_wait3A_218 = arith.constant 0 : i32
          %dma_wait3A_219 = arith.constant 0 : i32
          %dma_wait3A_220 = arith.constant 0 : i32
          %dma_wait3A_221 = tpu.memref_slice %arg9[%dma_wait3A_217, %dma_wait3A_219, %dma_wait3A_220] : memref<3x80x128xf32, #tpu.memory_space<vmem>> -> memref<1x80x128xf32, #tpu.memory_space<vmem>>
          %dma_wait3A_222 = tpu.memref_squeeze %dma_wait3A_221 : memref<1x80x128xf32, #tpu.memory_space<vmem>> -> memref<80x128xf32, #tpu.memory_space<vmem>>
          %dma_wait3A_223 = arith.constant 0 : i32
          %dma_wait3A_224 = tpu.memref_slice %arg8[%dma_wait3A_218, %dma_wait3A_223] : memref<126x80xi32, #tpu.memory_space<vmem>> -> memref<1x80xi32, #tpu.memory_space<vmem>>
          %dma_wait3A_225 = tpu.memref_squeeze %dma_wait3A_224 : memref<1x80xi32, #tpu.memory_space<vmem>> -> memref<80xi32, #tpu.memory_space<vmem>>
          %dma_wait3A_226 = arith.constant 0 : i32
          %dma_wait3A_227 = arith.constant 0 : i32
          %dma_wait3A_228 = tpu.memref_slice %arg6[%dma_wait3A_226, %dma_wait3A_227] : memref<10016x128xf32, #tpu.memory_space<vmem_shared>> -> memref<10016x128xf32, #tpu.memory_space<vmem_shared>>
          tpu.wait_indirect_dma semaphore(%arg14 : memref<!tpu.dma_semaphore, #tpu.memory_space<semaphore_mem>>) src(%dma_wait3A_222 : memref<80x128xf32, #tpu.memory_space<vmem>>) dst(%dma_wait3A_228 : memref<10016x128xf32, #tpu.memory_space<vmem_shared>>)
        } else {
        }
        %add3A_202 = arith.constant 3 : i32
        %add3A_203 = arith.addi %add3A_166, %add3A_202 : i32
        %sub3A_204 = arith.constant 1 : i32
        %sub3A_205 = arith.subi %add3A_203, %sub3A_204 : i32
        %dma_start3A_206 = arith.constant 1 : i32
        %dma_start3A_207 = arith.constant 0 : i32
        %dma_start3A_208 = arith.constant 0 : i32
        %dma_start3A_209 = tpu.memref_slice %arg9[%dma_start3A_206, %dma_start3A_207, %dma_start3A_208] : memref<3x80x128xf32, #tpu.memory_space<vmem>> -> memref<1x80x128xf32, #tpu.memory_space<vmem>>
        %dma_start3A_210 = tpu.memref_squeeze %dma_start3A_209 : memref<1x80x128xf32, #tpu.memory_space<vmem>> -> memref<80x128xf32, #tpu.memory_space<vmem>>
        %dma_start3A_211 = arith.constant 0 : i32
        %dma_start3A_212 = tpu.memref_slice %arg7[%sub3A_205, %dma_start3A_211] : memref<126x80xi32, #tpu.memory_space<vmem>> -> memref<1x80xi32, #tpu.memory_space<vmem>>
        %dma_start3A_213 = tpu.memref_squeeze %dma_start3A_212 : memref<1x80xi32, #tpu.memory_space<vmem>> -> memref<80xi32, #tpu.memory_space<vmem>>
        %dma_start3A_214 = arith.constant 0 : i32
        %dma_start3A_215 = arith.constant 0 : i32
        %dma_start3A_216 = tpu.memref_slice %arg2[%dma_start3A_214, %dma_start3A_215] : memref<10000x128xf32, #tpu.memory_space<hbm>> -> memref<10000x128xf32, #tpu.memory_space<hbm>>
        tpu.enqueue_indirect_dma source(%dma_start3A_216 : memref<10000x128xf32, #tpu.memory_space<hbm>>) target(%dma_start3A_210 : memref<80x128xf32, #tpu.memory_space<vmem>>) offsets(%dma_start3A_213 : memref<80xi32, #tpu.memory_space<vmem>>) semaphore(%arg11 : memref<!tpu.dma_semaphore, #tpu.memory_space<semaphore_mem>>)
      } else {
      }
    }
    %scan3A_42 = arith.constant 42 : i32
    %dma_wait3A = arith.constant 0 : i32
    %dma_wait3A_43 = arith.constant 0 : i32
    %dma_wait3A_44 = arith.constant 0 : i32
    %dma_wait3A_45 = arith.constant 0 : i32
    %dma_wait3A_46 = tpu.memref_slice %arg9[%dma_wait3A, %dma_wait3A_44, %dma_wait3A_45] : memref<3x80x128xf32, #tpu.memory_space<vmem>> -> memref<1x80x128xf32, #tpu.memory_space<vmem>>
    %dma_wait3A_47 = tpu.memref_squeeze %dma_wait3A_46 : memref<1x80x128xf32, #tpu.memory_space<vmem>> -> memref<80x128xf32, #tpu.memory_space<vmem>>
    %dma_wait3A_48 = arith.constant 0 : i32
    %dma_wait3A_49 = tpu.memref_slice %arg8[%dma_wait3A_43, %dma_wait3A_48] : memref<126x80xi32, #tpu.memory_space<vmem>> -> memref<1x80xi32, #tpu.memory_space<vmem>>
    %dma_wait3A_50 = tpu.memref_squeeze %dma_wait3A_49 : memref<1x80xi32, #tpu.memory_space<vmem>> -> memref<80xi32, #tpu.memory_space<vmem>>
    %dma_wait3A_51 = arith.constant 0 : i32
    %dma_wait3A_52 = arith.constant 0 : i32
    %dma_wait3A_53 = tpu.memref_slice %arg6[%dma_wait3A_51, %dma_wait3A_52] : memref<10016x128xf32, #tpu.memory_space<vmem_shared>> -> memref<10016x128xf32, #tpu.memory_space<vmem_shared>>
    tpu.wait_indirect_dma semaphore(%arg13 : memref<!tpu.dma_semaphore, #tpu.memory_space<semaphore_mem>>) src(%dma_wait3A_47 : memref<80x128xf32, #tpu.memory_space<vmem>>) dst(%dma_wait3A_53 : memref<10016x128xf32, #tpu.memory_space<vmem_shared>>)
    %dma_wait3A_54 = arith.constant 1 : i32
    %dma_wait3A_55 = arith.constant 0 : i32
    %dma_wait3A_56 = arith.constant 0 : i32
    %dma_wait3A_57 = arith.constant 0 : i32
    %dma_wait3A_58 = tpu.memref_slice %arg9[%dma_wait3A_54, %dma_wait3A_56, %dma_wait3A_57] : memref<3x80x128xf32, #tpu.memory_space<vmem>> -> memref<1x80x128xf32, #tpu.memory_space<vmem>>
    %dma_wait3A_59 = tpu.memref_squeeze %dma_wait3A_58 : memref<1x80x128xf32, #tpu.memory_space<vmem>> -> memref<80x128xf32, #tpu.memory_space<vmem>>
    %dma_wait3A_60 = arith.constant 0 : i32
    %dma_wait3A_61 = tpu.memref_slice %arg8[%dma_wait3A_55, %dma_wait3A_60] : memref<126x80xi32, #tpu.memory_space<vmem>> -> memref<1x80xi32, #tpu.memory_space<vmem>>
    %dma_wait3A_62 = tpu.memref_squeeze %dma_wait3A_61 : memref<1x80xi32, #tpu.memory_space<vmem>> -> memref<80xi32, #tpu.memory_space<vmem>>
    %dma_wait3A_63 = arith.constant 0 : i32
    %dma_wait3A_64 = arith.constant 0 : i32
    %dma_wait3A_65 = tpu.memref_slice %arg6[%dma_wait3A_63, %dma_wait3A_64] : memref<10016x128xf32, #tpu.memory_space<vmem_shared>> -> memref<10016x128xf32, #tpu.memory_space<vmem_shared>>
    tpu.wait_indirect_dma semaphore(%arg14 : memref<!tpu.dma_semaphore, #tpu.memory_space<semaphore_mem>>) src(%dma_wait3A_59 : memref<80x128xf32, #tpu.memory_space<vmem>>) dst(%dma_wait3A_65 : memref<10016x128xf32, #tpu.memory_space<vmem_shared>>)
    %dma_wait3A_66 = arith.constant 2 : i32
    %dma_wait3A_67 = arith.constant 0 : i32
    %dma_wait3A_68 = arith.constant 0 : i32
    %dma_wait3A_69 = arith.constant 0 : i32
    %dma_wait3A_70 = tpu.memref_slice %arg9[%dma_wait3A_66, %dma_wait3A_68, %dma_wait3A_69] : memref<3x80x128xf32, #tpu.memory_space<vmem>> -> memref<1x80x128xf32, #tpu.memory_space<vmem>>
    %dma_wait3A_71 = tpu.memref_squeeze %dma_wait3A_70 : memref<1x80x128xf32, #tpu.memory_space<vmem>> -> memref<80x128xf32, #tpu.memory_space<vmem>>
    %dma_wait3A_72 = arith.constant 0 : i32
    %dma_wait3A_73 = tpu.memref_slice %arg8[%dma_wait3A_67, %dma_wait3A_72] : memref<126x80xi32, #tpu.memory_space<vmem>> -> memref<1x80xi32, #tpu.memory_space<vmem>>
    %dma_wait3A_74 = tpu.memref_squeeze %dma_wait3A_73 : memref<1x80xi32, #tpu.memory_space<vmem>> -> memref<80xi32, #tpu.memory_space<vmem>>
    %dma_wait3A_75 = arith.constant 0 : i32
    %dma_wait3A_76 = arith.constant 0 : i32
    %dma_wait3A_77 = tpu.memref_slice %arg6[%dma_wait3A_75, %dma_wait3A_76] : memref<10016x128xf32, #tpu.memory_space<vmem_shared>> -> memref<10016x128xf32, #tpu.memory_space<vmem_shared>>
    tpu.wait_indirect_dma semaphore(%arg15 : memref<!tpu.dma_semaphore, #tpu.memory_space<semaphore_mem>>) src(%dma_wait3A_71 : memref<80x128xf32, #tpu.memory_space<vmem>>) dst(%dma_wait3A_77 : memref<10016x128xf32, #tpu.memory_space<vmem_shared>>)
    %barrier3A_78 = arith.constant 0 : index
    tpu.barrier barrier_id(%barrier3A_78)
    %sub3A_79 = arith.constant 25 : i32
    %sub3A_80 = arith.subi %sub3A_79, %arg1 : i32
    %sub3A_81 = arith.constant 16 : i32
    %sub3A_82 = arith.constant 1 : i32
    %sub3A_83 = arith.subi %sub3A_81, %sub3A_82 : i32
    %add3A_84 = arith.addi %sub3A_80, %sub3A_83 : i32
    %div3A_85 = arith.constant 16 : i32
    %div3A_86 = arith.divsi %add3A_84, %div3A_85 : i32
    %while3A_87 = arith.constant 16 : i32
    %while3A_88 = arith.constant 0 : i32
    %while3A_89 = arith.subi %div3A_86, %while3A_88 : i32
    %while3A_90 = arith.addi %while3A_88, %while3A_89 : i32
    %while3A_91 = arith.constant 1 : i32
    %while3A_92 = arith.divsi %while3A_89, %while3A_91 : i32
    %while3A_93 = arith.muli %while3A_92, %while3A_91 : i32
    %while3A_94 = arith.addi %while3A_88, %while3A_93 : i32
    %while3A_95 = arith.constant 1 : i32
    scf.for %while3A_97 = %while3A_88 to %while3A_94 step %while3A_95  : i32 {
      %mul3A_98 = arith.muli %while3A_97, %while3A_87 : i32
      %add3A_99 = arith.addi %arg1, %mul3A_98 : i32
      %mul3A_100 = arith.constant 400 : i32
      %mul3A_101 = arith.muli %add3A_99, %mul3A_100 : i32
      "tpu.region"() ({
        %run_scoped3A = tpu.sem_alloc : memref<!tpu.dma_semaphore, #tpu.memory_space<semaphore_mem>>
        %dma_start3A_102 = arith.constant 0 : i32
        %dma_start3A_103 = tpu.memref_slice %arg5[%arg0, %mul3A_101, %dma_start3A_102] : memref<2x10000x128xf32, #tpu.memory_space<hbm>> -> memref<1x400x128xf32, #tpu.memory_space<hbm>>
        %dma_start3A_104 = tpu.memref_squeeze %dma_start3A_103 : memref<1x400x128xf32, #tpu.memory_space<hbm>> -> memref<400x128xf32, #tpu.memory_space<hbm>>
        %dma_start3A_105 = arith.constant 0 : i32
        %dma_start3A_106 = tpu.memref_slice %arg6[%mul3A_101, %dma_start3A_105] : memref<10016x128xf32, #tpu.memory_space<vmem_shared>> -> memref<400x128xf32, #tpu.memory_space<vmem_shared>>
        tpu.enqueue_dma source(%dma_start3A_106 : memref<400x128xf32, #tpu.memory_space<vmem_shared>>) target(%dma_start3A_104 : memref<400x128xf32, #tpu.memory_space<hbm>>) target_semaphore(%run_scoped3A : memref<!tpu.dma_semaphore, #tpu.memory_space<semaphore_mem>>)
        %dma_wait3A_107 = arith.constant 0 : i32
        %dma_wait3A_108 = tpu.memref_slice %arg5[%arg0, %mul3A_101, %dma_wait3A_107] : memref<2x10000x128xf32, #tpu.memory_space<hbm>> -> memref<1x400x128xf32, #tpu.memory_space<hbm>>
        %dma_wait3A_109 = tpu.memref_squeeze %dma_wait3A_108 : memref<1x400x128xf32, #tpu.memory_space<hbm>> -> memref<400x128xf32, #tpu.memory_space<hbm>>
        %dma_wait3A_110 = arith.constant 0 : i32
        %dma_wait3A_111 = tpu.memref_slice %arg6[%mul3A_101, %dma_wait3A_110] : memref<10016x128xf32, #tpu.memory_space<vmem_shared>> -> memref<400x128xf32, #tpu.memory_space<vmem_shared>>
        tpu.wait_dma2 semaphore(%run_scoped3A : memref<!tpu.dma_semaphore, #tpu.memory_space<semaphore_mem>>) src(%dma_wait3A_111 : memref<400x128xf32, #tpu.memory_space<vmem_shared>>) dst(%dma_wait3A_109 : memref<400x128xf32, #tpu.memory_space<hbm>>)
        tpu.yield
      }) : () -> ()
    }
    %while3A_96 = arith.constant 1 : i32
    scf.for %while3A_97 = %while3A_94 to %while3A_90 step %while3A_96  : i32 {
      %mul3A_98 = arith.muli %while3A_97, %while3A_87 : i32
      %add3A_99 = arith.addi %arg1, %mul3A_98 : i32
      %mul3A_100 = arith.constant 400 : i32
      %mul3A_101 = arith.muli %add3A_99, %mul3A_100 : i32
      "tpu.region"() ({
        %run_scoped3A = tpu.sem_alloc : memref<!tpu.dma_semaphore, #tpu.memory_space<semaphore_mem>>
        %dma_start3A_102 = arith.constant 0 : i32
        %dma_start3A_103 = tpu.memref_slice %arg5[%arg0, %mul3A_101, %dma_start3A_102] : memref<2x10000x128xf32, #tpu.memory_space<hbm>> -> memref<1x400x128xf32, #tpu.memory_space<hbm>>
        %dma_start3A_104 = tpu.memref_squeeze %dma_start3A_103 : memref<1x400x128xf32, #tpu.memory_space<hbm>> -> memref<400x128xf32, #tpu.memory_space<hbm>>
        %dma_start3A_105 = arith.constant 0 : i32
        %dma_start3A_106 = tpu.memref_slice %arg6[%mul3A_101, %dma_start3A_105] : memref<10016x128xf32, #tpu.memory_space<vmem_shared>> -> memref<400x128xf32, #tpu.memory_space<vmem_shared>>
        tpu.enqueue_dma source(%dma_start3A_106 : memref<400x128xf32, #tpu.memory_space<vmem_shared>>) target(%dma_start3A_104 : memref<400x128xf32, #tpu.memory_space<hbm>>) target_semaphore(%run_scoped3A : memref<!tpu.dma_semaphore, #tpu.memory_space<semaphore_mem>>)
        %dma_wait3A_107 = arith.constant 0 : i32
        %dma_wait3A_108 = tpu.memref_slice %arg5[%arg0, %mul3A_101, %dma_wait3A_107] : memref<2x10000x128xf32, #tpu.memory_space<hbm>> -> memref<1x400x128xf32, #tpu.memory_space<hbm>>
        %dma_wait3A_109 = tpu.memref_squeeze %dma_wait3A_108 : memref<1x400x128xf32, #tpu.memory_space<hbm>> -> memref<400x128xf32, #tpu.memory_space<hbm>>
        %dma_wait3A_110 = arith.constant 0 : i32
        %dma_wait3A_111 = tpu.memref_slice %arg6[%mul3A_101, %dma_wait3A_110] : memref<10016x128xf32, #tpu.memory_space<vmem_shared>> -> memref<400x128xf32, #tpu.memory_space<vmem_shared>>
        tpu.wait_dma2 semaphore(%run_scoped3A : memref<!tpu.dma_semaphore, #tpu.memory_space<semaphore_mem>>) src(%dma_wait3A_111 : memref<400x128xf32, #tpu.memory_space<vmem_shared>>) dst(%dma_wait3A_109 : memref<400x128xf32, #tpu.memory_space<hbm>>)
        tpu.yield
      }) : () -> ()
    }
    return
  }
}

#map = affine_map<(d0, d1) -> (0, 0)>
#map1 = affine_map<(d0, d1) -> (0, 0, 0)>
module attributes {stable_mosaic.version = 14 : i64} {
  func.func @gcn_deg(%arg0: i32, %arg1: i32, %arg2: memref<10000x8xf32, #tpu.memory_space<hbm>>, %arg3: memref<32x80x128xi32, #tpu.memory_space<hbm>>, %arg4: memref<2x10000x8xf32, #tpu.memory_space<hbm>>, %arg5: memref<10016x8xf32, #tpu.memory_space<vmem_shared>>, %arg6: memref<80x128xi32, #tpu.memory_space<vmem>>, %arg7: memref<128x8xf32, #tpu.memory_space<vmem>>, %arg8: memref<!tpu.dma_semaphore, #tpu.memory_space<semaphore_mem>>) attributes {dimension_semantics = [#tpu.dimension_semantics<core_parallel>, #tpu.dimension_semantics<subcore_parallel>], iteration_bounds = array<i64: 2, 16>, scalar_prefetch = 0 : i64, scratch_operands = 4 : i64, tpu.core_type = #tpu.core_type<sc_vector_subcore>, window_params = [{transform_indices = #map}, {transform_indices = #map1}, {transform_indices = #map1}]} {
    %mul3A = arith.constant 16 : i32
    %mul3A_0 = arith.muli %arg0, %mul3A : i32
    %add3A = arith.addi %mul3A_0, %arg1 : i32
    "tpu.region"() ({
      %run_scoped3A = tpu.sem_alloc : memref<!tpu.dma_semaphore, #tpu.memory_space<semaphore_mem>>
      %dma_start3A = arith.constant 0 : i32
      %dma_start3A_39 = arith.constant 0 : i32
      %dma_start3A_40 = tpu.memref_slice %arg3[%add3A, %dma_start3A, %dma_start3A_39] : memref<32x80x128xi32, #tpu.memory_space<hbm>> -> memref<1x80x128xi32, #tpu.memory_space<hbm>>
      %dma_start3A_41 = tpu.memref_squeeze %dma_start3A_40 : memref<1x80x128xi32, #tpu.memory_space<hbm>> -> memref<80x128xi32, #tpu.memory_space<hbm>>
      %dma_start3A_42 = arith.constant 0 : i32
      %dma_start3A_43 = arith.constant 0 : i32
      %dma_start3A_44 = tpu.memref_slice %arg3[%add3A, %dma_start3A_42, %dma_start3A_43] : memref<32x80x128xi32, #tpu.memory_space<hbm>> -> memref<1x80x128xi32, #tpu.memory_space<hbm>>
      %dma_start3A_45 = tpu.memref_squeeze %dma_start3A_44 : memref<1x80x128xi32, #tpu.memory_space<hbm>> -> memref<80x128xi32, #tpu.memory_space<hbm>>
      tpu.enqueue_dma source(%dma_start3A_45 : memref<80x128xi32, #tpu.memory_space<hbm>>) target(%arg6 : memref<80x128xi32, #tpu.memory_space<vmem>>) target_semaphore(%run_scoped3A : memref<!tpu.dma_semaphore, #tpu.memory_space<semaphore_mem>>)
      %dma_wait3A = arith.constant 0 : i32
      %dma_wait3A_46 = arith.constant 0 : i32
      %dma_wait3A_47 = tpu.memref_slice %arg3[%add3A, %dma_wait3A, %dma_wait3A_46] : memref<32x80x128xi32, #tpu.memory_space<hbm>> -> memref<1x80x128xi32, #tpu.memory_space<hbm>>
      %dma_wait3A_48 = tpu.memref_squeeze %dma_wait3A_47 : memref<1x80x128xi32, #tpu.memory_space<hbm>> -> memref<80x128xi32, #tpu.memory_space<hbm>>
      %dma_wait3A_49 = arith.constant 0 : i32
      %dma_wait3A_50 = arith.constant 0 : i32
      %dma_wait3A_51 = tpu.memref_slice %arg3[%add3A, %dma_wait3A_49, %dma_wait3A_50] : memref<32x80x128xi32, #tpu.memory_space<hbm>> -> memref<1x80x128xi32, #tpu.memory_space<hbm>>
      %dma_wait3A_52 = tpu.memref_squeeze %dma_wait3A_51 : memref<1x80x128xi32, #tpu.memory_space<hbm>> -> memref<80x128xi32, #tpu.memory_space<hbm>>
      tpu.wait_dma2 semaphore(%run_scoped3A : memref<!tpu.dma_semaphore, #tpu.memory_space<semaphore_mem>>) src(%dma_wait3A_52 : memref<80x128xi32, #tpu.memory_space<hbm>>) dst(%arg6 : memref<80x128xi32, #tpu.memory_space<vmem>>)
      tpu.yield
    }) : () -> ()
    "tpu.region"() ({
      %run_scoped3A = tpu.sem_alloc : memref<!tpu.dma_semaphore, #tpu.memory_space<semaphore_mem>>
      %dma_start3A = arith.constant 0 : i32
      %dma_start3A_39 = arith.constant 0 : i32
      %dma_start3A_40 = tpu.memref_slice %arg2[%dma_start3A, %dma_start3A_39] : memref<10000x8xf32, #tpu.memory_space<hbm>> -> memref<128x8xf32, #tpu.memory_space<hbm>>
      %dma_start3A_41 = arith.constant 0 : i32
      %dma_start3A_42 = arith.constant 0 : i32
      %dma_start3A_43 = tpu.memref_slice %arg2[%dma_start3A_41, %dma_start3A_42] : memref<10000x8xf32, #tpu.memory_space<hbm>> -> memref<128x8xf32, #tpu.memory_space<hbm>>
      tpu.enqueue_dma source(%dma_start3A_43 : memref<128x8xf32, #tpu.memory_space<hbm>>) target(%arg7 : memref<128x8xf32, #tpu.memory_space<vmem>>) target_semaphore(%run_scoped3A : memref<!tpu.dma_semaphore, #tpu.memory_space<semaphore_mem>>)
      %dma_wait3A = arith.constant 0 : i32
      %dma_wait3A_44 = arith.constant 0 : i32
      %dma_wait3A_45 = tpu.memref_slice %arg2[%dma_wait3A, %dma_wait3A_44] : memref<10000x8xf32, #tpu.memory_space<hbm>> -> memref<128x8xf32, #tpu.memory_space<hbm>>
      %dma_wait3A_46 = arith.constant 0 : i32
      %dma_wait3A_47 = arith.constant 0 : i32
      %dma_wait3A_48 = tpu.memref_slice %arg2[%dma_wait3A_46, %dma_wait3A_47] : memref<10000x8xf32, #tpu.memory_space<hbm>> -> memref<128x8xf32, #tpu.memory_space<hbm>>
      tpu.wait_dma2 semaphore(%run_scoped3A : memref<!tpu.dma_semaphore, #tpu.memory_space<semaphore_mem>>) src(%dma_wait3A_48 : memref<128x8xf32, #tpu.memory_space<hbm>>) dst(%arg7 : memref<128x8xf32, #tpu.memory_space<vmem>>)
      tpu.yield
    }) : () -> ()
    %sub3A = arith.constant 25 : i32
    %sub3A_1 = arith.subi %sub3A, %arg1 : i32
    %sub3A_2 = arith.constant 16 : i32
    %sub3A_3 = arith.constant 1 : i32
    %sub3A_4 = arith.subi %sub3A_2, %sub3A_3 : i32
    %add3A_5 = arith.addi %sub3A_1, %sub3A_4 : i32
    %div3A = arith.constant 16 : i32
    %div3A_6 = arith.divsi %add3A_5, %div3A : i32
    %while3A = arith.constant 16 : i32
    %while3A_7 = arith.constant 0 : i32
    %while3A_8 = arith.subi %div3A_6, %while3A_7 : i32
    %while3A_9 = arith.addi %while3A_7, %while3A_8 : i32
    %while3A_10 = arith.constant 1 : i32
    %while3A_11 = arith.divsi %while3A_8, %while3A_10 : i32
    %while3A_12 = arith.muli %while3A_11, %while3A_10 : i32
    %while3A_13 = arith.addi %while3A_7, %while3A_12 : i32
    %while3A_14 = arith.constant 1 : i32
    scf.for %while3A_39 = %while3A_7 to %while3A_13 step %while3A_14  : i32 {
      %mul3A_40 = arith.muli %while3A_39, %while3A : i32
      %add3A_41 = arith.addi %arg1, %mul3A_40 : i32
      %mul3A_42 = arith.constant 400 : i32
      %mul3A_43 = arith.muli %add3A_41, %mul3A_42 : i32
      "tpu.region"() ({
        %run_scoped3A = tpu.sem_alloc : memref<!tpu.dma_semaphore, #tpu.memory_space<semaphore_mem>>
        %dma_start3A = arith.constant 0 : i32
        %dma_start3A_44 = tpu.memref_slice %arg5[%mul3A_43, %dma_start3A] : memref<10016x8xf32, #tpu.memory_space<vmem_shared>> -> memref<400x8xf32, #tpu.memory_space<vmem_shared>>
        %dma_start3A_45 = arith.constant 0 : i32
        %dma_start3A_46 = tpu.memref_slice %arg2[%mul3A_43, %dma_start3A_45] : memref<10000x8xf32, #tpu.memory_space<hbm>> -> memref<400x8xf32, #tpu.memory_space<hbm>>
        tpu.enqueue_dma source(%dma_start3A_46 : memref<400x8xf32, #tpu.memory_space<hbm>>) target(%dma_start3A_44 : memref<400x8xf32, #tpu.memory_space<vmem_shared>>) target_semaphore(%run_scoped3A : memref<!tpu.dma_semaphore, #tpu.memory_space<semaphore_mem>>)
        %dma_wait3A = arith.constant 0 : i32
        %dma_wait3A_47 = tpu.memref_slice %arg5[%mul3A_43, %dma_wait3A] : memref<10016x8xf32, #tpu.memory_space<vmem_shared>> -> memref<400x8xf32, #tpu.memory_space<vmem_shared>>
        %dma_wait3A_48 = arith.constant 0 : i32
        %dma_wait3A_49 = tpu.memref_slice %arg2[%mul3A_43, %dma_wait3A_48] : memref<10000x8xf32, #tpu.memory_space<hbm>> -> memref<400x8xf32, #tpu.memory_space<hbm>>
        tpu.wait_dma2 semaphore(%run_scoped3A : memref<!tpu.dma_semaphore, #tpu.memory_space<semaphore_mem>>) src(%dma_wait3A_49 : memref<400x8xf32, #tpu.memory_space<hbm>>) dst(%dma_wait3A_47 : memref<400x8xf32, #tpu.memory_space<vmem_shared>>)
        tpu.yield
      }) : () -> ()
    }
    %while3A_15 = arith.constant 1 : i32
    scf.for %while3A_39 = %while3A_13 to %while3A_9 step %while3A_15  : i32 {
      %mul3A_40 = arith.muli %while3A_39, %while3A : i32
      %add3A_41 = arith.addi %arg1, %mul3A_40 : i32
      %mul3A_42 = arith.constant 400 : i32
      %mul3A_43 = arith.muli %add3A_41, %mul3A_42 : i32
      "tpu.region"() ({
        %run_scoped3A = tpu.sem_alloc : memref<!tpu.dma_semaphore, #tpu.memory_space<semaphore_mem>>
        %dma_start3A = arith.constant 0 : i32
        %dma_start3A_44 = tpu.memref_slice %arg5[%mul3A_43, %dma_start3A] : memref<10016x8xf32, #tpu.memory_space<vmem_shared>> -> memref<400x8xf32, #tpu.memory_space<vmem_shared>>
        %dma_start3A_45 = arith.constant 0 : i32
        %dma_start3A_46 = tpu.memref_slice %arg2[%mul3A_43, %dma_start3A_45] : memref<10000x8xf32, #tpu.memory_space<hbm>> -> memref<400x8xf32, #tpu.memory_space<hbm>>
        tpu.enqueue_dma source(%dma_start3A_46 : memref<400x8xf32, #tpu.memory_space<hbm>>) target(%dma_start3A_44 : memref<400x8xf32, #tpu.memory_space<vmem_shared>>) target_semaphore(%run_scoped3A : memref<!tpu.dma_semaphore, #tpu.memory_space<semaphore_mem>>)
        %dma_wait3A = arith.constant 0 : i32
        %dma_wait3A_47 = tpu.memref_slice %arg5[%mul3A_43, %dma_wait3A] : memref<10016x8xf32, #tpu.memory_space<vmem_shared>> -> memref<400x8xf32, #tpu.memory_space<vmem_shared>>
        %dma_wait3A_48 = arith.constant 0 : i32
        %dma_wait3A_49 = tpu.memref_slice %arg2[%mul3A_43, %dma_wait3A_48] : memref<10000x8xf32, #tpu.memory_space<hbm>> -> memref<400x8xf32, #tpu.memory_space<hbm>>
        tpu.wait_dma2 semaphore(%run_scoped3A : memref<!tpu.dma_semaphore, #tpu.memory_space<semaphore_mem>>) src(%dma_wait3A_49 : memref<400x8xf32, #tpu.memory_space<hbm>>) dst(%dma_wait3A_47 : memref<400x8xf32, #tpu.memory_space<vmem_shared>>)
        tpu.yield
      }) : () -> ()
    }
    %barrier3A = arith.constant 0 : index
    tpu.barrier barrier_id(%barrier3A)
    %scan3A = arith.constant 0 : i32
    %scan3A_16 = arith.constant 10 : i32
    %scan3A_17 = arith.addi %scan3A, %scan3A_16 : i32
    %scan3A_18 = arith.constant 1 : i32
    scf.for %scan3A_39 = %scan3A to %scan3A_17 step %scan3A_18  : i32 {
      %mul3A_40 = arith.constant 8 : i32
      %mul3A_41 = arith.muli %scan3A_39, %mul3A_40 : i32
      %add3A_42 = arith.constant 0 : i32
      %add3A_43 = arith.addi %add3A_42, %mul3A_41 : i32
      %add3A_44 = arith.constant 0 : i32
      %add3A_45 = arith.addi %add3A_43, %add3A_44 : i32
      %dma_start3A = arith.constant 0 : i32
      %dma_start3A_46 = tpu.memref_slice %arg6[%add3A_45, %dma_start3A] : memref<80x128xi32, #tpu.memory_space<vmem>> -> memref<1x128xi32, #tpu.memory_space<vmem>>
      %dma_start3A_47 = tpu.memref_squeeze %dma_start3A_46 : memref<1x128xi32, #tpu.memory_space<vmem>> -> memref<128xi32, #tpu.memory_space<vmem>>
      %dma_start3A_48 = arith.constant 0 : i32
      %dma_start3A_49 = arith.constant 0 : i32
      %dma_start3A_50 = tpu.memref_slice %arg5[%dma_start3A_48, %dma_start3A_49] : memref<10016x8xf32, #tpu.memory_space<vmem_shared>> -> memref<10016x8xf32, #tpu.memory_space<vmem_shared>>
      tpu.enqueue_indirect_dma source(%arg7 : memref<128x8xf32, #tpu.memory_space<vmem>>) target(%dma_start3A_50 : memref<10016x8xf32, #tpu.memory_space<vmem_shared>>) offsets(%dma_start3A_47 : memref<128xi32, #tpu.memory_space<vmem>>) semaphore(%arg8 : memref<!tpu.dma_semaphore, #tpu.memory_space<semaphore_mem>>) {add = true}
      %add3A_51 = arith.constant 1 : i32
      %add3A_52 = arith.addi %add3A_43, %add3A_51 : i32
      %dma_start3A_53 = arith.constant 0 : i32
      %dma_start3A_54 = tpu.memref_slice %arg6[%add3A_52, %dma_start3A_53] : memref<80x128xi32, #tpu.memory_space<vmem>> -> memref<1x128xi32, #tpu.memory_space<vmem>>
      %dma_start3A_55 = tpu.memref_squeeze %dma_start3A_54 : memref<1x128xi32, #tpu.memory_space<vmem>> -> memref<128xi32, #tpu.memory_space<vmem>>
      %dma_start3A_56 = arith.constant 0 : i32
      %dma_start3A_57 = arith.constant 0 : i32
      %dma_start3A_58 = tpu.memref_slice %arg5[%dma_start3A_56, %dma_start3A_57] : memref<10016x8xf32, #tpu.memory_space<vmem_shared>> -> memref<10016x8xf32, #tpu.memory_space<vmem_shared>>
      tpu.enqueue_indirect_dma source(%arg7 : memref<128x8xf32, #tpu.memory_space<vmem>>) target(%dma_start3A_58 : memref<10016x8xf32, #tpu.memory_space<vmem_shared>>) offsets(%dma_start3A_55 : memref<128xi32, #tpu.memory_space<vmem>>) semaphore(%arg8 : memref<!tpu.dma_semaphore, #tpu.memory_space<semaphore_mem>>) {add = true}
      %add3A_59 = arith.constant 2 : i32
      %add3A_60 = arith.addi %add3A_43, %add3A_59 : i32
      %dma_start3A_61 = arith.constant 0 : i32
      %dma_start3A_62 = tpu.memref_slice %arg6[%add3A_60, %dma_start3A_61] : memref<80x128xi32, #tpu.memory_space<vmem>> -> memref<1x128xi32, #tpu.memory_space<vmem>>
      %dma_start3A_63 = tpu.memref_squeeze %dma_start3A_62 : memref<1x128xi32, #tpu.memory_space<vmem>> -> memref<128xi32, #tpu.memory_space<vmem>>
      %dma_start3A_64 = arith.constant 0 : i32
      %dma_start3A_65 = arith.constant 0 : i32
      %dma_start3A_66 = tpu.memref_slice %arg5[%dma_start3A_64, %dma_start3A_65] : memref<10016x8xf32, #tpu.memory_space<vmem_shared>> -> memref<10016x8xf32, #tpu.memory_space<vmem_shared>>
      tpu.enqueue_indirect_dma source(%arg7 : memref<128x8xf32, #tpu.memory_space<vmem>>) target(%dma_start3A_66 : memref<10016x8xf32, #tpu.memory_space<vmem_shared>>) offsets(%dma_start3A_63 : memref<128xi32, #tpu.memory_space<vmem>>) semaphore(%arg8 : memref<!tpu.dma_semaphore, #tpu.memory_space<semaphore_mem>>) {add = true}
      %add3A_67 = arith.constant 3 : i32
      %add3A_68 = arith.addi %add3A_43, %add3A_67 : i32
      %dma_start3A_69 = arith.constant 0 : i32
      %dma_start3A_70 = tpu.memref_slice %arg6[%add3A_68, %dma_start3A_69] : memref<80x128xi32, #tpu.memory_space<vmem>> -> memref<1x128xi32, #tpu.memory_space<vmem>>
      %dma_start3A_71 = tpu.memref_squeeze %dma_start3A_70 : memref<1x128xi32, #tpu.memory_space<vmem>> -> memref<128xi32, #tpu.memory_space<vmem>>
      %dma_start3A_72 = arith.constant 0 : i32
      %dma_start3A_73 = arith.constant 0 : i32
      %dma_start3A_74 = tpu.memref_slice %arg5[%dma_start3A_72, %dma_start3A_73] : memref<10016x8xf32, #tpu.memory_space<vmem_shared>> -> memref<10016x8xf32, #tpu.memory_space<vmem_shared>>
      tpu.enqueue_indirect_dma source(%arg7 : memref<128x8xf32, #tpu.memory_space<vmem>>) target(%dma_start3A_74 : memref<10016x8xf32, #tpu.memory_space<vmem_shared>>) offsets(%dma_start3A_71 : memref<128xi32, #tpu.memory_space<vmem>>) semaphore(%arg8 : memref<!tpu.dma_semaphore, #tpu.memory_space<semaphore_mem>>) {add = true}
      %add3A_75 = arith.constant 4 : i32
      %add3A_76 = arith.addi %add3A_43, %add3A_75 : i32
      %dma_start3A_77 = arith.constant 0 : i32
      %dma_start3A_78 = tpu.memref_slice %arg6[%add3A_76, %dma_start3A_77] : memref<80x128xi32, #tpu.memory_space<vmem>> -> memref<1x128xi32, #tpu.memory_space<vmem>>
      %dma_start3A_79 = tpu.memref_squeeze %dma_start3A_78 : memref<1x128xi32, #tpu.memory_space<vmem>> -> memref<128xi32, #tpu.memory_space<vmem>>
      %dma_start3A_80 = arith.constant 0 : i32
      %dma_start3A_81 = arith.constant 0 : i32
      %dma_start3A_82 = tpu.memref_slice %arg5[%dma_start3A_80, %dma_start3A_81] : memref<10016x8xf32, #tpu.memory_space<vmem_shared>> -> memref<10016x8xf32, #tpu.memory_space<vmem_shared>>
      tpu.enqueue_indirect_dma source(%arg7 : memref<128x8xf32, #tpu.memory_space<vmem>>) target(%dma_start3A_82 : memref<10016x8xf32, #tpu.memory_space<vmem_shared>>) offsets(%dma_start3A_79 : memref<128xi32, #tpu.memory_space<vmem>>) semaphore(%arg8 : memref<!tpu.dma_semaphore, #tpu.memory_space<semaphore_mem>>) {add = true}
      %add3A_83 = arith.constant 5 : i32
      %add3A_84 = arith.addi %add3A_43, %add3A_83 : i32
      %dma_start3A_85 = arith.constant 0 : i32
      %dma_start3A_86 = tpu.memref_slice %arg6[%add3A_84, %dma_start3A_85] : memref<80x128xi32, #tpu.memory_space<vmem>> -> memref<1x128xi32, #tpu.memory_space<vmem>>
      %dma_start3A_87 = tpu.memref_squeeze %dma_start3A_86 : memref<1x128xi32, #tpu.memory_space<vmem>> -> memref<128xi32, #tpu.memory_space<vmem>>
      %dma_start3A_88 = arith.constant 0 : i32
      %dma_start3A_89 = arith.constant 0 : i32
      %dma_start3A_90 = tpu.memref_slice %arg5[%dma_start3A_88, %dma_start3A_89] : memref<10016x8xf32, #tpu.memory_space<vmem_shared>> -> memref<10016x8xf32, #tpu.memory_space<vmem_shared>>
      tpu.enqueue_indirect_dma source(%arg7 : memref<128x8xf32, #tpu.memory_space<vmem>>) target(%dma_start3A_90 : memref<10016x8xf32, #tpu.memory_space<vmem_shared>>) offsets(%dma_start3A_87 : memref<128xi32, #tpu.memory_space<vmem>>) semaphore(%arg8 : memref<!tpu.dma_semaphore, #tpu.memory_space<semaphore_mem>>) {add = true}
      %add3A_91 = arith.constant 6 : i32
      %add3A_92 = arith.addi %add3A_43, %add3A_91 : i32
      %dma_start3A_93 = arith.constant 0 : i32
      %dma_start3A_94 = tpu.memref_slice %arg6[%add3A_92, %dma_start3A_93] : memref<80x128xi32, #tpu.memory_space<vmem>> -> memref<1x128xi32, #tpu.memory_space<vmem>>
      %dma_start3A_95 = tpu.memref_squeeze %dma_start3A_94 : memref<1x128xi32, #tpu.memory_space<vmem>> -> memref<128xi32, #tpu.memory_space<vmem>>
      %dma_start3A_96 = arith.constant 0 : i32
      %dma_start3A_97 = arith.constant 0 : i32
      %dma_start3A_98 = tpu.memref_slice %arg5[%dma_start3A_96, %dma_start3A_97] : memref<10016x8xf32, #tpu.memory_space<vmem_shared>> -> memref<10016x8xf32, #tpu.memory_space<vmem_shared>>
      tpu.enqueue_indirect_dma source(%arg7 : memref<128x8xf32, #tpu.memory_space<vmem>>) target(%dma_start3A_98 : memref<10016x8xf32, #tpu.memory_space<vmem_shared>>) offsets(%dma_start3A_95 : memref<128xi32, #tpu.memory_space<vmem>>) semaphore(%arg8 : memref<!tpu.dma_semaphore, #tpu.memory_space<semaphore_mem>>) {add = true}
      %add3A_99 = arith.constant 7 : i32
      %add3A_100 = arith.addi %add3A_43, %add3A_99 : i32
      %dma_start3A_101 = arith.constant 0 : i32
      %dma_start3A_102 = tpu.memref_slice %arg6[%add3A_100, %dma_start3A_101] : memref<80x128xi32, #tpu.memory_space<vmem>> -> memref<1x128xi32, #tpu.memory_space<vmem>>
      %dma_start3A_103 = tpu.memref_squeeze %dma_start3A_102 : memref<1x128xi32, #tpu.memory_space<vmem>> -> memref<128xi32, #tpu.memory_space<vmem>>
      %dma_start3A_104 = arith.constant 0 : i32
      %dma_start3A_105 = arith.constant 0 : i32
      %dma_start3A_106 = tpu.memref_slice %arg5[%dma_start3A_104, %dma_start3A_105] : memref<10016x8xf32, #tpu.memory_space<vmem_shared>> -> memref<10016x8xf32, #tpu.memory_space<vmem_shared>>
      tpu.enqueue_indirect_dma source(%arg7 : memref<128x8xf32, #tpu.memory_space<vmem>>) target(%dma_start3A_106 : memref<10016x8xf32, #tpu.memory_space<vmem_shared>>) offsets(%dma_start3A_103 : memref<128xi32, #tpu.memory_space<vmem>>) semaphore(%arg8 : memref<!tpu.dma_semaphore, #tpu.memory_space<semaphore_mem>>) {add = true}
      %dma_wait3A = arith.constant 0 : i32
      %dma_wait3A_107 = tpu.memref_slice %arg6[%add3A_43, %dma_wait3A] : memref<80x128xi32, #tpu.memory_space<vmem>> -> memref<1x128xi32, #tpu.memory_space<vmem>>
      %dma_wait3A_108 = tpu.memref_squeeze %dma_wait3A_107 : memref<1x128xi32, #tpu.memory_space<vmem>> -> memref<128xi32, #tpu.memory_space<vmem>>
      %dma_wait3A_109 = arith.constant 0 : i32
      %dma_wait3A_110 = arith.constant 0 : i32
      %dma_wait3A_111 = tpu.memref_slice %arg5[%dma_wait3A_109, %dma_wait3A_110] : memref<10016x8xf32, #tpu.memory_space<vmem_shared>> -> memref<10016x8xf32, #tpu.memory_space<vmem_shared>>
      tpu.wait_indirect_dma semaphore(%arg8 : memref<!tpu.dma_semaphore, #tpu.memory_space<semaphore_mem>>) src(%arg7 : memref<128x8xf32, #tpu.memory_space<vmem>>) dst(%dma_wait3A_111 : memref<10016x8xf32, #tpu.memory_space<vmem_shared>>)
      %dma_wait3A_112 = arith.constant 0 : i32
      %dma_wait3A_113 = tpu.memref_slice %arg6[%add3A_43, %dma_wait3A_112] : memref<80x128xi32, #tpu.memory_space<vmem>> -> memref<1x128xi32, #tpu.memory_space<vmem>>
      %dma_wait3A_114 = tpu.memref_squeeze %dma_wait3A_113 : memref<1x128xi32, #tpu.memory_space<vmem>> -> memref<128xi32, #tpu.memory_space<vmem>>
      %dma_wait3A_115 = arith.constant 0 : i32
      %dma_wait3A_116 = arith.constant 0 : i32
      %dma_wait3A_117 = tpu.memref_slice %arg5[%dma_wait3A_115, %dma_wait3A_116] : memref<10016x8xf32, #tpu.memory_space<vmem_shared>> -> memref<10016x8xf32, #tpu.memory_space<vmem_shared>>
      tpu.wait_indirect_dma semaphore(%arg8 : memref<!tpu.dma_semaphore, #tpu.memory_space<semaphore_mem>>) src(%arg7 : memref<128x8xf32, #tpu.memory_space<vmem>>) dst(%dma_wait3A_117 : memref<10016x8xf32, #tpu.memory_space<vmem_shared>>)
      %dma_wait3A_118 = arith.constant 0 : i32
      %dma_wait3A_119 = tpu.memref_slice %arg6[%add3A_43, %dma_wait3A_118] : memref<80x128xi32, #tpu.memory_space<vmem>> -> memref<1x128xi32, #tpu.memory_space<vmem>>
      %dma_wait3A_120 = tpu.memref_squeeze %dma_wait3A_119 : memref<1x128xi32, #tpu.memory_space<vmem>> -> memref<128xi32, #tpu.memory_space<vmem>>
      %dma_wait3A_121 = arith.constant 0 : i32
      %dma_wait3A_122 = arith.constant 0 : i32
      %dma_wait3A_123 = tpu.memref_slice %arg5[%dma_wait3A_121, %dma_wait3A_122] : memref<10016x8xf32, #tpu.memory_space<vmem_shared>> -> memref<10016x8xf32, #tpu.memory_space<vmem_shared>>
      tpu.wait_indirect_dma semaphore(%arg8 : memref<!tpu.dma_semaphore, #tpu.memory_space<semaphore_mem>>) src(%arg7 : memref<128x8xf32, #tpu.memory_space<vmem>>) dst(%dma_wait3A_123 : memref<10016x8xf32, #tpu.memory_space<vmem_shared>>)
      %dma_wait3A_124 = arith.constant 0 : i32
      %dma_wait3A_125 = tpu.memref_slice %arg6[%add3A_43, %dma_wait3A_124] : memref<80x128xi32, #tpu.memory_space<vmem>> -> memref<1x128xi32, #tpu.memory_space<vmem>>
      %dma_wait3A_126 = tpu.memref_squeeze %dma_wait3A_125 : memref<1x128xi32, #tpu.memory_space<vmem>> -> memref<128xi32, #tpu.memory_space<vmem>>
      %dma_wait3A_127 = arith.constant 0 : i32
      %dma_wait3A_128 = arith.constant 0 : i32
      %dma_wait3A_129 = tpu.memref_slice %arg5[%dma_wait3A_127, %dma_wait3A_128] : memref<10016x8xf32, #tpu.memory_space<vmem_shared>> -> memref<10016x8xf32, #tpu.memory_space<vmem_shared>>
      tpu.wait_indirect_dma semaphore(%arg8 : memref<!tpu.dma_semaphore, #tpu.memory_space<semaphore_mem>>) src(%arg7 : memref<128x8xf32, #tpu.memory_space<vmem>>) dst(%dma_wait3A_129 : memref<10016x8xf32, #tpu.memory_space<vmem_shared>>)
      %dma_wait3A_130 = arith.constant 0 : i32
      %dma_wait3A_131 = tpu.memref_slice %arg6[%add3A_43, %dma_wait3A_130] : memref<80x128xi32, #tpu.memory_space<vmem>> -> memref<1x128xi32, #tpu.memory_space<vmem>>
      %dma_wait3A_132 = tpu.memref_squeeze %dma_wait3A_131 : memref<1x128xi32, #tpu.memory_space<vmem>> -> memref<128xi32, #tpu.memory_space<vmem>>
      %dma_wait3A_133 = arith.constant 0 : i32
      %dma_wait3A_134 = arith.constant 0 : i32
      %dma_wait3A_135 = tpu.memref_slice %arg5[%dma_wait3A_133, %dma_wait3A_134] : memref<10016x8xf32, #tpu.memory_space<vmem_shared>> -> memref<10016x8xf32, #tpu.memory_space<vmem_shared>>
      tpu.wait_indirect_dma semaphore(%arg8 : memref<!tpu.dma_semaphore, #tpu.memory_space<semaphore_mem>>) src(%arg7 : memref<128x8xf32, #tpu.memory_space<vmem>>) dst(%dma_wait3A_135 : memref<10016x8xf32, #tpu.memory_space<vmem_shared>>)
      %dma_wait3A_136 = arith.constant 0 : i32
      %dma_wait3A_137 = tpu.memref_slice %arg6[%add3A_43, %dma_wait3A_136] : memref<80x128xi32, #tpu.memory_space<vmem>> -> memref<1x128xi32, #tpu.memory_space<vmem>>
      %dma_wait3A_138 = tpu.memref_squeeze %dma_wait3A_137 : memref<1x128xi32, #tpu.memory_space<vmem>> -> memref<128xi32, #tpu.memory_space<vmem>>
      %dma_wait3A_139 = arith.constant 0 : i32
      %dma_wait3A_140 = arith.constant 0 : i32
      %dma_wait3A_141 = tpu.memref_slice %arg5[%dma_wait3A_139, %dma_wait3A_140] : memref<10016x8xf32, #tpu.memory_space<vmem_shared>> -> memref<10016x8xf32, #tpu.memory_space<vmem_shared>>
      tpu.wait_indirect_dma semaphore(%arg8 : memref<!tpu.dma_semaphore, #tpu.memory_space<semaphore_mem>>) src(%arg7 : memref<128x8xf32, #tpu.memory_space<vmem>>) dst(%dma_wait3A_141 : memref<10016x8xf32, #tpu.memory_space<vmem_shared>>)
      %dma_wait3A_142 = arith.constant 0 : i32
      %dma_wait3A_143 = tpu.memref_slice %arg6[%add3A_43, %dma_wait3A_142] : memref<80x128xi32, #tpu.memory_space<vmem>> -> memref<1x128xi32, #tpu.memory_space<vmem>>
      %dma_wait3A_144 = tpu.memref_squeeze %dma_wait3A_143 : memref<1x128xi32, #tpu.memory_space<vmem>> -> memref<128xi32, #tpu.memory_space<vmem>>
      %dma_wait3A_145 = arith.constant 0 : i32
      %dma_wait3A_146 = arith.constant 0 : i32
      %dma_wait3A_147 = tpu.memref_slice %arg5[%dma_wait3A_145, %dma_wait3A_146] : memref<10016x8xf32, #tpu.memory_space<vmem_shared>> -> memref<10016x8xf32, #tpu.memory_space<vmem_shared>>
      tpu.wait_indirect_dma semaphore(%arg8 : memref<!tpu.dma_semaphore, #tpu.memory_space<semaphore_mem>>) src(%arg7 : memref<128x8xf32, #tpu.memory_space<vmem>>) dst(%dma_wait3A_147 : memref<10016x8xf32, #tpu.memory_space<vmem_shared>>)
      %dma_wait3A_148 = arith.constant 0 : i32
      %dma_wait3A_149 = tpu.memref_slice %arg6[%add3A_43, %dma_wait3A_148] : memref<80x128xi32, #tpu.memory_space<vmem>> -> memref<1x128xi32, #tpu.memory_space<vmem>>
      %dma_wait3A_150 = tpu.memref_squeeze %dma_wait3A_149 : memref<1x128xi32, #tpu.memory_space<vmem>> -> memref<128xi32, #tpu.memory_space<vmem>>
      %dma_wait3A_151 = arith.constant 0 : i32
      %dma_wait3A_152 = arith.constant 0 : i32
      %dma_wait3A_153 = tpu.memref_slice %arg5[%dma_wait3A_151, %dma_wait3A_152] : memref<10016x8xf32, #tpu.memory_space<vmem_shared>> -> memref<10016x8xf32, #tpu.memory_space<vmem_shared>>
      tpu.wait_indirect_dma semaphore(%arg8 : memref<!tpu.dma_semaphore, #tpu.memory_space<semaphore_mem>>) src(%arg7 : memref<128x8xf32, #tpu.memory_space<vmem>>) dst(%dma_wait3A_153 : memref<10016x8xf32, #tpu.memory_space<vmem_shared>>)
    }
    %scan3A_19 = arith.constant 10 : i32
    %barrier3A_20 = arith.constant 0 : index
    tpu.barrier barrier_id(%barrier3A_20)
    %sub3A_21 = arith.constant 25 : i32
    %sub3A_22 = arith.subi %sub3A_21, %arg1 : i32
    %sub3A_23 = arith.constant 16 : i32
    %sub3A_24 = arith.constant 1 : i32
    %sub3A_25 = arith.subi %sub3A_23, %sub3A_24 : i32
    %add3A_26 = arith.addi %sub3A_22, %sub3A_25 : i32
    %div3A_27 = arith.constant 16 : i32
    %div3A_28 = arith.divsi %add3A_26, %div3A_27 : i32
    %while3A_29 = arith.constant 16 : i32
    %while3A_30 = arith.constant 0 : i32
    %while3A_31 = arith.subi %div3A_28, %while3A_30 : i32
    %while3A_32 = arith.addi %while3A_30, %while3A_31 : i32
    %while3A_33 = arith.constant 1 : i32
    %while3A_34 = arith.divsi %while3A_31, %while3A_33 : i32
    %while3A_35 = arith.muli %while3A_34, %while3A_33 : i32
    %while3A_36 = arith.addi %while3A_30, %while3A_35 : i32
    %while3A_37 = arith.constant 1 : i32
    scf.for %while3A_39 = %while3A_30 to %while3A_36 step %while3A_37  : i32 {
      %mul3A_40 = arith.muli %while3A_39, %while3A_29 : i32
      %add3A_41 = arith.addi %arg1, %mul3A_40 : i32
      %mul3A_42 = arith.constant 400 : i32
      %mul3A_43 = arith.muli %add3A_41, %mul3A_42 : i32
      "tpu.region"() ({
        %run_scoped3A = tpu.sem_alloc : memref<!tpu.dma_semaphore, #tpu.memory_space<semaphore_mem>>
        %dma_start3A = arith.constant 0 : i32
        %dma_start3A_44 = tpu.memref_slice %arg4[%arg0, %mul3A_43, %dma_start3A] : memref<2x10000x8xf32, #tpu.memory_space<hbm>> -> memref<1x400x8xf32, #tpu.memory_space<hbm>>
        %dma_start3A_45 = tpu.memref_squeeze %dma_start3A_44 : memref<1x400x8xf32, #tpu.memory_space<hbm>> -> memref<400x8xf32, #tpu.memory_space<hbm>>
        %dma_start3A_46 = arith.constant 0 : i32
        %dma_start3A_47 = tpu.memref_slice %arg5[%mul3A_43, %dma_start3A_46] : memref<10016x8xf32, #tpu.memory_space<vmem_shared>> -> memref<400x8xf32, #tpu.memory_space<vmem_shared>>
        tpu.enqueue_dma source(%dma_start3A_47 : memref<400x8xf32, #tpu.memory_space<vmem_shared>>) target(%dma_start3A_45 : memref<400x8xf32, #tpu.memory_space<hbm>>) target_semaphore(%run_scoped3A : memref<!tpu.dma_semaphore, #tpu.memory_space<semaphore_mem>>)
        %dma_wait3A = arith.constant 0 : i32
        %dma_wait3A_48 = tpu.memref_slice %arg4[%arg0, %mul3A_43, %dma_wait3A] : memref<2x10000x8xf32, #tpu.memory_space<hbm>> -> memref<1x400x8xf32, #tpu.memory_space<hbm>>
        %dma_wait3A_49 = tpu.memref_squeeze %dma_wait3A_48 : memref<1x400x8xf32, #tpu.memory_space<hbm>> -> memref<400x8xf32, #tpu.memory_space<hbm>>
        %dma_wait3A_50 = arith.constant 0 : i32
        %dma_wait3A_51 = tpu.memref_slice %arg5[%mul3A_43, %dma_wait3A_50] : memref<10016x8xf32, #tpu.memory_space<vmem_shared>> -> memref<400x8xf32, #tpu.memory_space<vmem_shared>>
        tpu.wait_dma2 semaphore(%run_scoped3A : memref<!tpu.dma_semaphore, #tpu.memory_space<semaphore_mem>>) src(%dma_wait3A_51 : memref<400x8xf32, #tpu.memory_space<vmem_shared>>) dst(%dma_wait3A_49 : memref<400x8xf32, #tpu.memory_space<hbm>>)
        tpu.yield
      }) : () -> ()
    }
    %while3A_38 = arith.constant 1 : i32
    scf.for %while3A_39 = %while3A_36 to %while3A_32 step %while3A_38  : i32 {
      %mul3A_40 = arith.muli %while3A_39, %while3A_29 : i32
      %add3A_41 = arith.addi %arg1, %mul3A_40 : i32
      %mul3A_42 = arith.constant 400 : i32
      %mul3A_43 = arith.muli %add3A_41, %mul3A_42 : i32
      "tpu.region"() ({
        %run_scoped3A = tpu.sem_alloc : memref<!tpu.dma_semaphore, #tpu.memory_space<semaphore_mem>>
        %dma_start3A = arith.constant 0 : i32
        %dma_start3A_44 = tpu.memref_slice %arg4[%arg0, %mul3A_43, %dma_start3A] : memref<2x10000x8xf32, #tpu.memory_space<hbm>> -> memref<1x400x8xf32, #tpu.memory_space<hbm>>
        %dma_start3A_45 = tpu.memref_squeeze %dma_start3A_44 : memref<1x400x8xf32, #tpu.memory_space<hbm>> -> memref<400x8xf32, #tpu.memory_space<hbm>>
        %dma_start3A_46 = arith.constant 0 : i32
        %dma_start3A_47 = tpu.memref_slice %arg5[%mul3A_43, %dma_start3A_46] : memref<10016x8xf32, #tpu.memory_space<vmem_shared>> -> memref<400x8xf32, #tpu.memory_space<vmem_shared>>
        tpu.enqueue_dma source(%dma_start3A_47 : memref<400x8xf32, #tpu.memory_space<vmem_shared>>) target(%dma_start3A_45 : memref<400x8xf32, #tpu.memory_space<hbm>>) target_semaphore(%run_scoped3A : memref<!tpu.dma_semaphore, #tpu.memory_space<semaphore_mem>>)
        %dma_wait3A = arith.constant 0 : i32
        %dma_wait3A_48 = tpu.memref_slice %arg4[%arg0, %mul3A_43, %dma_wait3A] : memref<2x10000x8xf32, #tpu.memory_space<hbm>> -> memref<1x400x8xf32, #tpu.memory_space<hbm>>
        %dma_wait3A_49 = tpu.memref_squeeze %dma_wait3A_48 : memref<1x400x8xf32, #tpu.memory_space<hbm>> -> memref<400x8xf32, #tpu.memory_space<hbm>>
        %dma_wait3A_50 = arith.constant 0 : i32
        %dma_wait3A_51 = tpu.memref_slice %arg5[%mul3A_43, %dma_wait3A_50] : memref<10016x8xf32, #tpu.memory_space<vmem_shared>> -> memref<400x8xf32, #tpu.memory_space<vmem_shared>>
        tpu.wait_dma2 semaphore(%run_scoped3A : memref<!tpu.dma_semaphore, #tpu.memory_space<semaphore_mem>>) src(%dma_wait3A_51 : memref<400x8xf32, #tpu.memory_space<vmem_shared>>) dst(%dma_wait3A_49 : memref<400x8xf32, #tpu.memory_space<hbm>>)
        tpu.yield
      }) : () -> ()
    }
    return
  }
}

#map = affine_map<(d0, d1) -> (0, 0)>
#map1 = affine_map<(d0, d1) -> (0, 0, 0)>
module attributes {stable_mosaic.version = 14 : i64} {
  func.func @gcn_prop_d128(%arg0: i32, %arg1: i32, %arg2: memref<10000x128xf32, #tpu.memory_space<hbm>>, %arg3: memref<32x126x80xi32, #tpu.memory_space<hbm>>, %arg4: memref<32x126x80xi32, #tpu.memory_space<hbm>>, %arg5: memref<2x10000x128xf32, #tpu.memory_space<hbm>>, %arg6: memref<10016x128xf32, #tpu.memory_space<vmem_shared>>, %arg7: memref<126x80xi32, #tpu.memory_space<vmem>>, %arg8: memref<126x80xi32, #tpu.memory_space<vmem>>, %arg9: memref<3x80x128xf32, #tpu.memory_space<vmem>>, %arg10: memref<!tpu.dma_semaphore, #tpu.memory_space<semaphore_mem>>, %arg11: memref<!tpu.dma_semaphore, #tpu.memory_space<semaphore_mem>>, %arg12: memref<!tpu.dma_semaphore, #tpu.memory_space<semaphore_mem>>, %arg13: memref<!tpu.dma_semaphore, #tpu.memory_space<semaphore_mem>>, %arg14: memref<!tpu.dma_semaphore, #tpu.memory_space<semaphore_mem>>, %arg15: memref<!tpu.dma_semaphore, #tpu.memory_space<semaphore_mem>>) attributes {dimension_semantics = [#tpu.dimension_semantics<core_parallel>, #tpu.dimension_semantics<subcore_parallel>], iteration_bounds = array<i64: 2, 16>, scalar_prefetch = 0 : i64, scratch_operands = 10 : i64, tpu.core_type = #tpu.core_type<sc_vector_subcore>, window_params = [{transform_indices = #map}, {transform_indices = #map1}, {transform_indices = #map1}, {transform_indices = #map1}]} {
    %mul3A = arith.constant 16 : i32
    %mul3A_0 = arith.muli %arg0, %mul3A : i32
    %add3A = arith.addi %mul3A_0, %arg1 : i32
    "tpu.region"() ({
      %run_scoped3A = tpu.sem_alloc : memref<!tpu.dma_semaphore, #tpu.memory_space<semaphore_mem>>
      %dma_start3A_97 = arith.constant 0 : i32
      %dma_start3A_98 = arith.constant 0 : i32
      %dma_start3A_99 = tpu.memref_slice %arg3[%add3A, %dma_start3A_97, %dma_start3A_98] : memref<32x126x80xi32, #tpu.memory_space<hbm>> -> memref<1x126x80xi32, #tpu.memory_space<hbm>>
      %dma_start3A_100 = tpu.memref_squeeze %dma_start3A_99 : memref<1x126x80xi32, #tpu.memory_space<hbm>> -> memref<126x80xi32, #tpu.memory_space<hbm>>
      %dma_start3A_101 = arith.constant 0 : i32
      %dma_start3A_102 = arith.constant 0 : i32
      %dma_start3A_103 = tpu.memref_slice %arg3[%add3A, %dma_start3A_101, %dma_start3A_102] : memref<32x126x80xi32, #tpu.memory_space<hbm>> -> memref<1x126x80xi32, #tpu.memory_space<hbm>>
      %dma_start3A_104 = tpu.memref_squeeze %dma_start3A_103 : memref<1x126x80xi32, #tpu.memory_space<hbm>> -> memref<126x80xi32, #tpu.memory_space<hbm>>
      tpu.enqueue_dma source(%dma_start3A_104 : memref<126x80xi32, #tpu.memory_space<hbm>>) target(%arg7 : memref<126x80xi32, #tpu.memory_space<vmem>>) target_semaphore(%run_scoped3A : memref<!tpu.dma_semaphore, #tpu.memory_space<semaphore_mem>>)
      %dma_wait3A_105 = arith.constant 0 : i32
      %dma_wait3A_106 = arith.constant 0 : i32
      %dma_wait3A_107 = tpu.memref_slice %arg3[%add3A, %dma_wait3A_105, %dma_wait3A_106] : memref<32x126x80xi32, #tpu.memory_space<hbm>> -> memref<1x126x80xi32, #tpu.memory_space<hbm>>
      %dma_wait3A_108 = tpu.memref_squeeze %dma_wait3A_107 : memref<1x126x80xi32, #tpu.memory_space<hbm>> -> memref<126x80xi32, #tpu.memory_space<hbm>>
      %dma_wait3A_109 = arith.constant 0 : i32
      %dma_wait3A_110 = arith.constant 0 : i32
      %dma_wait3A_111 = tpu.memref_slice %arg3[%add3A, %dma_wait3A_109, %dma_wait3A_110] : memref<32x126x80xi32, #tpu.memory_space<hbm>> -> memref<1x126x80xi32, #tpu.memory_space<hbm>>
      %dma_wait3A_112 = tpu.memref_squeeze %dma_wait3A_111 : memref<1x126x80xi32, #tpu.memory_space<hbm>> -> memref<126x80xi32, #tpu.memory_space<hbm>>
      tpu.wait_dma2 semaphore(%run_scoped3A : memref<!tpu.dma_semaphore, #tpu.memory_space<semaphore_mem>>) src(%dma_wait3A_112 : memref<126x80xi32, #tpu.memory_space<hbm>>) dst(%arg7 : memref<126x80xi32, #tpu.memory_space<vmem>>)
      tpu.yield
    }) : () -> ()
    "tpu.region"() ({
      %run_scoped3A = tpu.sem_alloc : memref<!tpu.dma_semaphore, #tpu.memory_space<semaphore_mem>>
      %dma_start3A_97 = arith.constant 0 : i32
      %dma_start3A_98 = arith.constant 0 : i32
      %dma_start3A_99 = tpu.memref_slice %arg4[%add3A, %dma_start3A_97, %dma_start3A_98] : memref<32x126x80xi32, #tpu.memory_space<hbm>> -> memref<1x126x80xi32, #tpu.memory_space<hbm>>
      %dma_start3A_100 = tpu.memref_squeeze %dma_start3A_99 : memref<1x126x80xi32, #tpu.memory_space<hbm>> -> memref<126x80xi32, #tpu.memory_space<hbm>>
      %dma_start3A_101 = arith.constant 0 : i32
      %dma_start3A_102 = arith.constant 0 : i32
      %dma_start3A_103 = tpu.memref_slice %arg4[%add3A, %dma_start3A_101, %dma_start3A_102] : memref<32x126x80xi32, #tpu.memory_space<hbm>> -> memref<1x126x80xi32, #tpu.memory_space<hbm>>
      %dma_start3A_104 = tpu.memref_squeeze %dma_start3A_103 : memref<1x126x80xi32, #tpu.memory_space<hbm>> -> memref<126x80xi32, #tpu.memory_space<hbm>>
      tpu.enqueue_dma source(%dma_start3A_104 : memref<126x80xi32, #tpu.memory_space<hbm>>) target(%arg8 : memref<126x80xi32, #tpu.memory_space<vmem>>) target_semaphore(%run_scoped3A : memref<!tpu.dma_semaphore, #tpu.memory_space<semaphore_mem>>)
      %dma_wait3A_105 = arith.constant 0 : i32
      %dma_wait3A_106 = arith.constant 0 : i32
      %dma_wait3A_107 = tpu.memref_slice %arg4[%add3A, %dma_wait3A_105, %dma_wait3A_106] : memref<32x126x80xi32, #tpu.memory_space<hbm>> -> memref<1x126x80xi32, #tpu.memory_space<hbm>>
      %dma_wait3A_108 = tpu.memref_squeeze %dma_wait3A_107 : memref<1x126x80xi32, #tpu.memory_space<hbm>> -> memref<126x80xi32, #tpu.memory_space<hbm>>
      %dma_wait3A_109 = arith.constant 0 : i32
      %dma_wait3A_110 = arith.constant 0 : i32
      %dma_wait3A_111 = tpu.memref_slice %arg4[%add3A, %dma_wait3A_109, %dma_wait3A_110] : memref<32x126x80xi32, #tpu.memory_space<hbm>> -> memref<1x126x80xi32, #tpu.memory_space<hbm>>
      %dma_wait3A_112 = tpu.memref_squeeze %dma_wait3A_111 : memref<1x126x80xi32, #tpu.memory_space<hbm>> -> memref<126x80xi32, #tpu.memory_space<hbm>>
      tpu.wait_dma2 semaphore(%run_scoped3A : memref<!tpu.dma_semaphore, #tpu.memory_space<semaphore_mem>>) src(%dma_wait3A_112 : memref<126x80xi32, #tpu.memory_space<hbm>>) dst(%arg8 : memref<126x80xi32, #tpu.memory_space<vmem>>)
      tpu.yield
    }) : () -> ()
    %sub3A = arith.constant 25 : i32
    %sub3A_1 = arith.subi %sub3A, %arg1 : i32
    %sub3A_2 = arith.constant 16 : i32
    %sub3A_3 = arith.constant 1 : i32
    %sub3A_4 = arith.subi %sub3A_2, %sub3A_3 : i32
    %add3A_5 = arith.addi %sub3A_1, %sub3A_4 : i32
    %div3A = arith.constant 16 : i32
    %div3A_6 = arith.divsi %add3A_5, %div3A : i32
    %while3A = arith.constant 16 : i32
    %while3A_7 = arith.constant 0 : i32
    %while3A_8 = arith.subi %div3A_6, %while3A_7 : i32
    %while3A_9 = arith.addi %while3A_7, %while3A_8 : i32
    %while3A_10 = arith.constant 1 : i32
    %while3A_11 = arith.divsi %while3A_8, %while3A_10 : i32
    %while3A_12 = arith.muli %while3A_11, %while3A_10 : i32
    %while3A_13 = arith.addi %while3A_7, %while3A_12 : i32
    %while3A_14 = arith.constant 1 : i32
    scf.for %while3A_97 = %while3A_7 to %while3A_13 step %while3A_14  : i32 {
      %mul3A_98 = arith.muli %while3A_97, %while3A : i32
      %add3A_99 = arith.addi %arg1, %mul3A_98 : i32
      %mul3A_100 = arith.constant 400 : i32
      %mul3A_101 = arith.muli %add3A_99, %mul3A_100 : i32
      "tpu.region"() ({
        %run_scoped3A = tpu.sem_alloc : memref<!tpu.dma_semaphore, #tpu.memory_space<semaphore_mem>>
        %dma_start3A_102 = arith.constant 0 : i32
        %dma_start3A_103 = tpu.memref_slice %arg6[%mul3A_101, %dma_start3A_102] : memref<10016x128xf32, #tpu.memory_space<vmem_shared>> -> memref<400x128xf32, #tpu.memory_space<vmem_shared>>
        %dma_start3A_104 = arith.constant 0 : i32
        %dma_start3A_105 = tpu.memref_slice %arg2[%mul3A_101, %dma_start3A_104] : memref<10000x128xf32, #tpu.memory_space<hbm>> -> memref<400x128xf32, #tpu.memory_space<hbm>>
        tpu.enqueue_dma source(%dma_start3A_105 : memref<400x128xf32, #tpu.memory_space<hbm>>) target(%dma_start3A_103 : memref<400x128xf32, #tpu.memory_space<vmem_shared>>) target_semaphore(%run_scoped3A : memref<!tpu.dma_semaphore, #tpu.memory_space<semaphore_mem>>)
        %dma_wait3A_106 = arith.constant 0 : i32
        %dma_wait3A_107 = tpu.memref_slice %arg6[%mul3A_101, %dma_wait3A_106] : memref<10016x128xf32, #tpu.memory_space<vmem_shared>> -> memref<400x128xf32, #tpu.memory_space<vmem_shared>>
        %dma_wait3A_108 = arith.constant 0 : i32
        %dma_wait3A_109 = tpu.memref_slice %arg2[%mul3A_101, %dma_wait3A_108] : memref<10000x128xf32, #tpu.memory_space<hbm>> -> memref<400x128xf32, #tpu.memory_space<hbm>>
        tpu.wait_dma2 semaphore(%run_scoped3A : memref<!tpu.dma_semaphore, #tpu.memory_space<semaphore_mem>>) src(%dma_wait3A_109 : memref<400x128xf32, #tpu.memory_space<hbm>>) dst(%dma_wait3A_107 : memref<400x128xf32, #tpu.memory_space<vmem_shared>>)
        tpu.yield
      }) : () -> ()
    }
    %while3A_15 = arith.constant 1 : i32
    scf.for %while3A_97 = %while3A_13 to %while3A_9 step %while3A_15  : i32 {
      %mul3A_98 = arith.muli %while3A_97, %while3A : i32
      %add3A_99 = arith.addi %arg1, %mul3A_98 : i32
      %mul3A_100 = arith.constant 400 : i32
      %mul3A_101 = arith.muli %add3A_99, %mul3A_100 : i32
      "tpu.region"() ({
        %run_scoped3A = tpu.sem_alloc : memref<!tpu.dma_semaphore, #tpu.memory_space<semaphore_mem>>
        %dma_start3A_102 = arith.constant 0 : i32
        %dma_start3A_103 = tpu.memref_slice %arg6[%mul3A_101, %dma_start3A_102] : memref<10016x128xf32, #tpu.memory_space<vmem_shared>> -> memref<400x128xf32, #tpu.memory_space<vmem_shared>>
        %dma_start3A_104 = arith.constant 0 : i32
        %dma_start3A_105 = tpu.memref_slice %arg2[%mul3A_101, %dma_start3A_104] : memref<10000x128xf32, #tpu.memory_space<hbm>> -> memref<400x128xf32, #tpu.memory_space<hbm>>
        tpu.enqueue_dma source(%dma_start3A_105 : memref<400x128xf32, #tpu.memory_space<hbm>>) target(%dma_start3A_103 : memref<400x128xf32, #tpu.memory_space<vmem_shared>>) target_semaphore(%run_scoped3A : memref<!tpu.dma_semaphore, #tpu.memory_space<semaphore_mem>>)
        %dma_wait3A_106 = arith.constant 0 : i32
        %dma_wait3A_107 = tpu.memref_slice %arg6[%mul3A_101, %dma_wait3A_106] : memref<10016x128xf32, #tpu.memory_space<vmem_shared>> -> memref<400x128xf32, #tpu.memory_space<vmem_shared>>
        %dma_wait3A_108 = arith.constant 0 : i32
        %dma_wait3A_109 = tpu.memref_slice %arg2[%mul3A_101, %dma_wait3A_108] : memref<10000x128xf32, #tpu.memory_space<hbm>> -> memref<400x128xf32, #tpu.memory_space<hbm>>
        tpu.wait_dma2 semaphore(%run_scoped3A : memref<!tpu.dma_semaphore, #tpu.memory_space<semaphore_mem>>) src(%dma_wait3A_109 : memref<400x128xf32, #tpu.memory_space<hbm>>) dst(%dma_wait3A_107 : memref<400x128xf32, #tpu.memory_space<vmem_shared>>)
        tpu.yield
      }) : () -> ()
    }
    %barrier3A = arith.constant 0 : index
    tpu.barrier barrier_id(%barrier3A)
    %dma_start3A = arith.constant 0 : i32
    %dma_start3A_16 = arith.constant 0 : i32
    %dma_start3A_17 = arith.constant 0 : i32
    %dma_start3A_18 = arith.constant 0 : i32
    %dma_start3A_19 = tpu.memref_slice %arg9[%dma_start3A_16, %dma_start3A_17, %dma_start3A_18] : memref<3x80x128xf32, #tpu.memory_space<vmem>> -> memref<1x80x128xf32, #tpu.memory_space<vmem>>
    %dma_start3A_20 = tpu.memref_squeeze %dma_start3A_19 : memref<1x80x128xf32, #tpu.memory_space<vmem>> -> memref<80x128xf32, #tpu.memory_space<vmem>>
    %dma_start3A_21 = arith.constant 0 : i32
    %dma_start3A_22 = tpu.memref_slice %arg7[%dma_start3A, %dma_start3A_21] : memref<126x80xi32, #tpu.memory_space<vmem>> -> memref<1x80xi32, #tpu.memory_space<vmem>>
    %dma_start3A_23 = tpu.memref_squeeze %dma_start3A_22 : memref<1x80xi32, #tpu.memory_space<vmem>> -> memref<80xi32, #tpu.memory_space<vmem>>
    %dma_start3A_24 = arith.constant 0 : i32
    %dma_start3A_25 = arith.constant 0 : i32
    %dma_start3A_26 = tpu.memref_slice %arg2[%dma_start3A_24, %dma_start3A_25] : memref<10000x128xf32, #tpu.memory_space<hbm>> -> memref<10000x128xf32, #tpu.memory_space<hbm>>
    tpu.enqueue_indirect_dma source(%dma_start3A_26 : memref<10000x128xf32, #tpu.memory_space<hbm>>) target(%dma_start3A_20 : memref<80x128xf32, #tpu.memory_space<vmem>>) offsets(%dma_start3A_23 : memref<80xi32, #tpu.memory_space<vmem>>) semaphore(%arg10 : memref<!tpu.dma_semaphore, #tpu.memory_space<semaphore_mem>>)
    %dma_start3A_27 = arith.constant 1 : i32
    %dma_start3A_28 = arith.constant 1 : i32
    %dma_start3A_29 = arith.constant 0 : i32
    %dma_start3A_30 = arith.constant 0 : i32
    %dma_start3A_31 = tpu.memref_slice %arg9[%dma_start3A_28, %dma_start3A_29, %dma_start3A_30] : memref<3x80x128xf32, #tpu.memory_space<vmem>> -> memref<1x80x128xf32, #tpu.memory_space<vmem>>
    %dma_start3A_32 = tpu.memref_squeeze %dma_start3A_31 : memref<1x80x128xf32, #tpu.memory_space<vmem>> -> memref<80x128xf32, #tpu.memory_space<vmem>>
    %dma_start3A_33 = arith.constant 0 : i32
    %dma_start3A_34 = tpu.memref_slice %arg7[%dma_start3A_27, %dma_start3A_33] : memref<126x80xi32, #tpu.memory_space<vmem>> -> memref<1x80xi32, #tpu.memory_space<vmem>>
    %dma_start3A_35 = tpu.memref_squeeze %dma_start3A_34 : memref<1x80xi32, #tpu.memory_space<vmem>> -> memref<80xi32, #tpu.memory_space<vmem>>
    %dma_start3A_36 = arith.constant 0 : i32
    %dma_start3A_37 = arith.constant 0 : i32
    %dma_start3A_38 = tpu.memref_slice %arg2[%dma_start3A_36, %dma_start3A_37] : memref<10000x128xf32, #tpu.memory_space<hbm>> -> memref<10000x128xf32, #tpu.memory_space<hbm>>
    tpu.enqueue_indirect_dma source(%dma_start3A_38 : memref<10000x128xf32, #tpu.memory_space<hbm>>) target(%dma_start3A_32 : memref<80x128xf32, #tpu.memory_space<vmem>>) offsets(%dma_start3A_35 : memref<80xi32, #tpu.memory_space<vmem>>) semaphore(%arg11 : memref<!tpu.dma_semaphore, #tpu.memory_space<semaphore_mem>>)
    %scan3A = arith.constant 0 : i32
    %scan3A_39 = arith.constant 42 : i32
    %scan3A_40 = arith.addi %scan3A, %scan3A_39 : i32
    %scan3A_41 = arith.constant 1 : i32
    scf.for %scan3A_97 = %scan3A to %scan3A_40 step %scan3A_41  : i32 {
      %mul3A_98 = arith.constant 3 : i32
      %mul3A_99 = arith.muli %scan3A_97, %mul3A_98 : i32
      %add3A_100 = arith.constant 0 : i32
      %add3A_101 = arith.addi %add3A_100, %mul3A_99 : i32
      %add3A_102 = arith.constant 0 : i32
      %add3A_103 = arith.addi %add3A_101, %add3A_102 : i32
      %dma_wait3A_104 = arith.constant 0 : i32
      %dma_wait3A_105 = arith.constant 0 : i32
      %dma_wait3A_106 = arith.constant 0 : i32
      %dma_wait3A_107 = tpu.memref_slice %arg9[%dma_wait3A_104, %dma_wait3A_105, %dma_wait3A_106] : memref<3x80x128xf32, #tpu.memory_space<vmem>> -> memref<1x80x128xf32, #tpu.memory_space<vmem>>
      %dma_wait3A_108 = tpu.memref_squeeze %dma_wait3A_107 : memref<1x80x128xf32, #tpu.memory_space<vmem>> -> memref<80x128xf32, #tpu.memory_space<vmem>>
      %dma_wait3A_109 = arith.constant 0 : i32
      %dma_wait3A_110 = tpu.memref_slice %arg7[%add3A_103, %dma_wait3A_109] : memref<126x80xi32, #tpu.memory_space<vmem>> -> memref<1x80xi32, #tpu.memory_space<vmem>>
      %dma_wait3A_111 = tpu.memref_squeeze %dma_wait3A_110 : memref<1x80xi32, #tpu.memory_space<vmem>> -> memref<80xi32, #tpu.memory_space<vmem>>
      %dma_wait3A_112 = arith.constant 0 : i32
      %dma_wait3A_113 = arith.constant 0 : i32
      %dma_wait3A_114 = tpu.memref_slice %arg2[%dma_wait3A_112, %dma_wait3A_113] : memref<10000x128xf32, #tpu.memory_space<hbm>> -> memref<10000x128xf32, #tpu.memory_space<hbm>>
      tpu.wait_indirect_dma semaphore(%arg10 : memref<!tpu.dma_semaphore, #tpu.memory_space<semaphore_mem>>) src(%dma_wait3A_114 : memref<10000x128xf32, #tpu.memory_space<hbm>>) dst(%dma_wait3A_108 : memref<80x128xf32, #tpu.memory_space<vmem>>)
      %dma_start3A_115 = arith.constant 0 : i32
      %dma_start3A_116 = arith.constant 0 : i32
      %dma_start3A_117 = arith.constant 0 : i32
      %dma_start3A_118 = tpu.memref_slice %arg9[%dma_start3A_115, %dma_start3A_116, %dma_start3A_117] : memref<3x80x128xf32, #tpu.memory_space<vmem>> -> memref<1x80x128xf32, #tpu.memory_space<vmem>>
      %dma_start3A_119 = tpu.memref_squeeze %dma_start3A_118 : memref<1x80x128xf32, #tpu.memory_space<vmem>> -> memref<80x128xf32, #tpu.memory_space<vmem>>
      %dma_start3A_120 = arith.constant 0 : i32
      %dma_start3A_121 = tpu.memref_slice %arg8[%add3A_103, %dma_start3A_120] : memref<126x80xi32, #tpu.memory_space<vmem>> -> memref<1x80xi32, #tpu.memory_space<vmem>>
      %dma_start3A_122 = tpu.memref_squeeze %dma_start3A_121 : memref<1x80xi32, #tpu.memory_space<vmem>> -> memref<80xi32, #tpu.memory_space<vmem>>
      %dma_start3A_123 = arith.constant 0 : i32
      %dma_start3A_124 = arith.constant 0 : i32
      %dma_start3A_125 = tpu.memref_slice %arg6[%dma_start3A_123, %dma_start3A_124] : memref<10016x128xf32, #tpu.memory_space<vmem_shared>> -> memref<10016x128xf32, #tpu.memory_space<vmem_shared>>
      tpu.enqueue_indirect_dma source(%dma_start3A_119 : memref<80x128xf32, #tpu.memory_space<vmem>>) target(%dma_start3A_125 : memref<10016x128xf32, #tpu.memory_space<vmem_shared>>) offsets(%dma_start3A_122 : memref<80xi32, #tpu.memory_space<vmem>>) semaphore(%arg13 : memref<!tpu.dma_semaphore, #tpu.memory_space<semaphore_mem>>) {add = true}
      %add3A_126 = arith.constant 3 : i32
      %add3A_127 = arith.addi %add3A_103, %add3A_126 : i32
      %sub3A_128 = arith.constant 1 : i32
      %sub3A_129 = arith.subi %add3A_127, %sub3A_128 : i32
      %lt3A = arith.constant 126 : i32
      %lt3A_130 = arith.cmpi slt, %sub3A_129, %lt3A : i32
      %convert_element_type3A = arith.extui %lt3A_130 : i1 to i32
      %cond3A = arith.constant 0 : i32
      %cond3A_131 = arith.cmpi ne, %convert_element_type3A, %cond3A : i32
      scf.if %cond3A_131 {
        %ge3A = arith.constant 1 : i32
        %ge3A_198 = arith.cmpi sge, %add3A_103, %ge3A : i32
        %convert_element_type3A_199 = arith.extui %ge3A_198 : i1 to i32
        %cond3A_200 = arith.constant 0 : i32
        %cond3A_201 = arith.cmpi ne, %convert_element_type3A_199, %cond3A_200 : i32
        scf.if %cond3A_201 {
          %dma_wait3A_217 = arith.constant 2 : i32
          %dma_wait3A_218 = arith.constant 0 : i32
          %dma_wait3A_219 = arith.constant 0 : i32
          %dma_wait3A_220 = arith.constant 0 : i32
          %dma_wait3A_221 = tpu.memref_slice %arg9[%dma_wait3A_217, %dma_wait3A_219, %dma_wait3A_220] : memref<3x80x128xf32, #tpu.memory_space<vmem>> -> memref<1x80x128xf32, #tpu.memory_space<vmem>>
          %dma_wait3A_222 = tpu.memref_squeeze %dma_wait3A_221 : memref<1x80x128xf32, #tpu.memory_space<vmem>> -> memref<80x128xf32, #tpu.memory_space<vmem>>
          %dma_wait3A_223 = arith.constant 0 : i32
          %dma_wait3A_224 = tpu.memref_slice %arg8[%dma_wait3A_218, %dma_wait3A_223] : memref<126x80xi32, #tpu.memory_space<vmem>> -> memref<1x80xi32, #tpu.memory_space<vmem>>
          %dma_wait3A_225 = tpu.memref_squeeze %dma_wait3A_224 : memref<1x80xi32, #tpu.memory_space<vmem>> -> memref<80xi32, #tpu.memory_space<vmem>>
          %dma_wait3A_226 = arith.constant 0 : i32
          %dma_wait3A_227 = arith.constant 0 : i32
          %dma_wait3A_228 = tpu.memref_slice %arg6[%dma_wait3A_226, %dma_wait3A_227] : memref<10016x128xf32, #tpu.memory_space<vmem_shared>> -> memref<10016x128xf32, #tpu.memory_space<vmem_shared>>
          tpu.wait_indirect_dma semaphore(%arg15 : memref<!tpu.dma_semaphore, #tpu.memory_space<semaphore_mem>>) src(%dma_wait3A_222 : memref<80x128xf32, #tpu.memory_space<vmem>>) dst(%dma_wait3A_228 : memref<10016x128xf32, #tpu.memory_space<vmem_shared>>)
        } else {
        }
        %add3A_202 = arith.constant 3 : i32
        %add3A_203 = arith.addi %add3A_103, %add3A_202 : i32
        %sub3A_204 = arith.constant 1 : i32
        %sub3A_205 = arith.subi %add3A_203, %sub3A_204 : i32
        %dma_start3A_206 = arith.constant 2 : i32
        %dma_start3A_207 = arith.constant 0 : i32
        %dma_start3A_208 = arith.constant 0 : i32
        %dma_start3A_209 = tpu.memref_slice %arg9[%dma_start3A_206, %dma_start3A_207, %dma_start3A_208] : memref<3x80x128xf32, #tpu.memory_space<vmem>> -> memref<1x80x128xf32, #tpu.memory_space<vmem>>
        %dma_start3A_210 = tpu.memref_squeeze %dma_start3A_209 : memref<1x80x128xf32, #tpu.memory_space<vmem>> -> memref<80x128xf32, #tpu.memory_space<vmem>>
        %dma_start3A_211 = arith.constant 0 : i32
        %dma_start3A_212 = tpu.memref_slice %arg7[%sub3A_205, %dma_start3A_211] : memref<126x80xi32, #tpu.memory_space<vmem>> -> memref<1x80xi32, #tpu.memory_space<vmem>>
        %dma_start3A_213 = tpu.memref_squeeze %dma_start3A_212 : memref<1x80xi32, #tpu.memory_space<vmem>> -> memref<80xi32, #tpu.memory_space<vmem>>
        %dma_start3A_214 = arith.constant 0 : i32
        %dma_start3A_215 = arith.constant 0 : i32
        %dma_start3A_216 = tpu.memref_slice %arg2[%dma_start3A_214, %dma_start3A_215] : memref<10000x128xf32, #tpu.memory_space<hbm>> -> memref<10000x128xf32, #tpu.memory_space<hbm>>
        tpu.enqueue_indirect_dma source(%dma_start3A_216 : memref<10000x128xf32, #tpu.memory_space<hbm>>) target(%dma_start3A_210 : memref<80x128xf32, #tpu.memory_space<vmem>>) offsets(%dma_start3A_213 : memref<80xi32, #tpu.memory_space<vmem>>) semaphore(%arg12 : memref<!tpu.dma_semaphore, #tpu.memory_space<semaphore_mem>>)
      } else {
      }
      %add3A_132 = arith.constant 1 : i32
      %add3A_133 = arith.addi %add3A_101, %add3A_132 : i32
      %dma_wait3A_134 = arith.constant 1 : i32
      %dma_wait3A_135 = arith.constant 0 : i32
      %dma_wait3A_136 = arith.constant 0 : i32
      %dma_wait3A_137 = tpu.memref_slice %arg9[%dma_wait3A_134, %dma_wait3A_135, %dma_wait3A_136] : memref<3x80x128xf32, #tpu.memory_space<vmem>> -> memref<1x80x128xf32, #tpu.memory_space<vmem>>
      %dma_wait3A_138 = tpu.memref_squeeze %dma_wait3A_137 : memref<1x80x128xf32, #tpu.memory_space<vmem>> -> memref<80x128xf32, #tpu.memory_space<vmem>>
      %dma_wait3A_139 = arith.constant 0 : i32
      %dma_wait3A_140 = tpu.memref_slice %arg7[%add3A_133, %dma_wait3A_139] : memref<126x80xi32, #tpu.memory_space<vmem>> -> memref<1x80xi32, #tpu.memory_space<vmem>>
      %dma_wait3A_141 = tpu.memref_squeeze %dma_wait3A_140 : memref<1x80xi32, #tpu.memory_space<vmem>> -> memref<80xi32, #tpu.memory_space<vmem>>
      %dma_wait3A_142 = arith.constant 0 : i32
      %dma_wait3A_143 = arith.constant 0 : i32
      %dma_wait3A_144 = tpu.memref_slice %arg2[%dma_wait3A_142, %dma_wait3A_143] : memref<10000x128xf32, #tpu.memory_space<hbm>> -> memref<10000x128xf32, #tpu.memory_space<hbm>>
      tpu.wait_indirect_dma semaphore(%arg11 : memref<!tpu.dma_semaphore, #tpu.memory_space<semaphore_mem>>) src(%dma_wait3A_144 : memref<10000x128xf32, #tpu.memory_space<hbm>>) dst(%dma_wait3A_138 : memref<80x128xf32, #tpu.memory_space<vmem>>)
      %dma_start3A_145 = arith.constant 1 : i32
      %dma_start3A_146 = arith.constant 0 : i32
      %dma_start3A_147 = arith.constant 0 : i32
      %dma_start3A_148 = tpu.memref_slice %arg9[%dma_start3A_145, %dma_start3A_146, %dma_start3A_147] : memref<3x80x128xf32, #tpu.memory_space<vmem>> -> memref<1x80x128xf32, #tpu.memory_space<vmem>>
      %dma_start3A_149 = tpu.memref_squeeze %dma_start3A_148 : memref<1x80x128xf32, #tpu.memory_space<vmem>> -> memref<80x128xf32, #tpu.memory_space<vmem>>
      %dma_start3A_150 = arith.constant 0 : i32
      %dma_start3A_151 = tpu.memref_slice %arg8[%add3A_133, %dma_start3A_150] : memref<126x80xi32, #tpu.memory_space<vmem>> -> memref<1x80xi32, #tpu.memory_space<vmem>>
      %dma_start3A_152 = tpu.memref_squeeze %dma_start3A_151 : memref<1x80xi32, #tpu.memory_space<vmem>> -> memref<80xi32, #tpu.memory_space<vmem>>
      %dma_start3A_153 = arith.constant 0 : i32
      %dma_start3A_154 = arith.constant 0 : i32
      %dma_start3A_155 = tpu.memref_slice %arg6[%dma_start3A_153, %dma_start3A_154] : memref<10016x128xf32, #tpu.memory_space<vmem_shared>> -> memref<10016x128xf32, #tpu.memory_space<vmem_shared>>
      tpu.enqueue_indirect_dma source(%dma_start3A_149 : memref<80x128xf32, #tpu.memory_space<vmem>>) target(%dma_start3A_155 : memref<10016x128xf32, #tpu.memory_space<vmem_shared>>) offsets(%dma_start3A_152 : memref<80xi32, #tpu.memory_space<vmem>>) semaphore(%arg14 : memref<!tpu.dma_semaphore, #tpu.memory_space<semaphore_mem>>) {add = true}
      %add3A_156 = arith.constant 3 : i32
      %add3A_157 = arith.addi %add3A_133, %add3A_156 : i32
      %sub3A_158 = arith.constant 1 : i32
      %sub3A_159 = arith.subi %add3A_157, %sub3A_158 : i32
      %lt3A_160 = arith.constant 126 : i32
      %lt3A_161 = arith.cmpi slt, %sub3A_159, %lt3A_160 : i32
      %convert_element_type3A_162 = arith.extui %lt3A_161 : i1 to i32
      %cond3A_163 = arith.constant 0 : i32
      %cond3A_164 = arith.cmpi ne, %convert_element_type3A_162, %cond3A_163 : i32
      scf.if %cond3A_164 {
        %ge3A = arith.constant 1 : i32
        %ge3A_198 = arith.cmpi sge, %add3A_133, %ge3A : i32
        %convert_element_type3A_199 = arith.extui %ge3A_198 : i1 to i32
        %cond3A_200 = arith.constant 0 : i32
        %cond3A_201 = arith.cmpi ne, %convert_element_type3A_199, %cond3A_200 : i32
        scf.if %cond3A_201 {
          %dma_wait3A_217 = arith.constant 0 : i32
          %dma_wait3A_218 = arith.constant 0 : i32
          %dma_wait3A_219 = arith.constant 0 : i32
          %dma_wait3A_220 = arith.constant 0 : i32
          %dma_wait3A_221 = tpu.memref_slice %arg9[%dma_wait3A_217, %dma_wait3A_219, %dma_wait3A_220] : memref<3x80x128xf32, #tpu.memory_space<vmem>> -> memref<1x80x128xf32, #tpu.memory_space<vmem>>
          %dma_wait3A_222 = tpu.memref_squeeze %dma_wait3A_221 : memref<1x80x128xf32, #tpu.memory_space<vmem>> -> memref<80x128xf32, #tpu.memory_space<vmem>>
          %dma_wait3A_223 = arith.constant 0 : i32
          %dma_wait3A_224 = tpu.memref_slice %arg8[%dma_wait3A_218, %dma_wait3A_223] : memref<126x80xi32, #tpu.memory_space<vmem>> -> memref<1x80xi32, #tpu.memory_space<vmem>>
          %dma_wait3A_225 = tpu.memref_squeeze %dma_wait3A_224 : memref<1x80xi32, #tpu.memory_space<vmem>> -> memref<80xi32, #tpu.memory_space<vmem>>
          %dma_wait3A_226 = arith.constant 0 : i32
          %dma_wait3A_227 = arith.constant 0 : i32
          %dma_wait3A_228 = tpu.memref_slice %arg6[%dma_wait3A_226, %dma_wait3A_227] : memref<10016x128xf32, #tpu.memory_space<vmem_shared>> -> memref<10016x128xf32, #tpu.memory_space<vmem_shared>>
          tpu.wait_indirect_dma semaphore(%arg13 : memref<!tpu.dma_semaphore, #tpu.memory_space<semaphore_mem>>) src(%dma_wait3A_222 : memref<80x128xf32, #tpu.memory_space<vmem>>) dst(%dma_wait3A_228 : memref<10016x128xf32, #tpu.memory_space<vmem_shared>>)
        } else {
        }
        %add3A_202 = arith.constant 3 : i32
        %add3A_203 = arith.addi %add3A_133, %add3A_202 : i32
        %sub3A_204 = arith.constant 1 : i32
        %sub3A_205 = arith.subi %add3A_203, %sub3A_204 : i32
        %dma_start3A_206 = arith.constant 0 : i32
        %dma_start3A_207 = arith.constant 0 : i32
        %dma_start3A_208 = arith.constant 0 : i32
        %dma_start3A_209 = tpu.memref_slice %arg9[%dma_start3A_206, %dma_start3A_207, %dma_start3A_208] : memref<3x80x128xf32, #tpu.memory_space<vmem>> -> memref<1x80x128xf32, #tpu.memory_space<vmem>>
        %dma_start3A_210 = tpu.memref_squeeze %dma_start3A_209 : memref<1x80x128xf32, #tpu.memory_space<vmem>> -> memref<80x128xf32, #tpu.memory_space<vmem>>
        %dma_start3A_211 = arith.constant 0 : i32
        %dma_start3A_212 = tpu.memref_slice %arg7[%sub3A_205, %dma_start3A_211] : memref<126x80xi32, #tpu.memory_space<vmem>> -> memref<1x80xi32, #tpu.memory_space<vmem>>
        %dma_start3A_213 = tpu.memref_squeeze %dma_start3A_212 : memref<1x80xi32, #tpu.memory_space<vmem>> -> memref<80xi32, #tpu.memory_space<vmem>>
        %dma_start3A_214 = arith.constant 0 : i32
        %dma_start3A_215 = arith.constant 0 : i32
        %dma_start3A_216 = tpu.memref_slice %arg2[%dma_start3A_214, %dma_start3A_215] : memref<10000x128xf32, #tpu.memory_space<hbm>> -> memref<10000x128xf32, #tpu.memory_space<hbm>>
        tpu.enqueue_indirect_dma source(%dma_start3A_216 : memref<10000x128xf32, #tpu.memory_space<hbm>>) target(%dma_start3A_210 : memref<80x128xf32, #tpu.memory_space<vmem>>) offsets(%dma_start3A_213 : memref<80xi32, #tpu.memory_space<vmem>>) semaphore(%arg10 : memref<!tpu.dma_semaphore, #tpu.memory_space<semaphore_mem>>)
      } else {
      }
      %add3A_165 = arith.constant 2 : i32
      %add3A_166 = arith.addi %add3A_101, %add3A_165 : i32
      %dma_wait3A_167 = arith.constant 2 : i32
      %dma_wait3A_168 = arith.constant 0 : i32
      %dma_wait3A_169 = arith.constant 0 : i32
      %dma_wait3A_170 = tpu.memref_slice %arg9[%dma_wait3A_167, %dma_wait3A_168, %dma_wait3A_169] : memref<3x80x128xf32, #tpu.memory_space<vmem>> -> memref<1x80x128xf32, #tpu.memory_space<vmem>>
      %dma_wait3A_171 = tpu.memref_squeeze %dma_wait3A_170 : memref<1x80x128xf32, #tpu.memory_space<vmem>> -> memref<80x128xf32, #tpu.memory_space<vmem>>
      %dma_wait3A_172 = arith.constant 0 : i32
      %dma_wait3A_173 = tpu.memref_slice %arg7[%add3A_166, %dma_wait3A_172] : memref<126x80xi32, #tpu.memory_space<vmem>> -> memref<1x80xi32, #tpu.memory_space<vmem>>
      %dma_wait3A_174 = tpu.memref_squeeze %dma_wait3A_173 : memref<1x80xi32, #tpu.memory_space<vmem>> -> memref<80xi32, #tpu.memory_space<vmem>>
      %dma_wait3A_175 = arith.constant 0 : i32
      %dma_wait3A_176 = arith.constant 0 : i32
      %dma_wait3A_177 = tpu.memref_slice %arg2[%dma_wait3A_175, %dma_wait3A_176] : memref<10000x128xf32, #tpu.memory_space<hbm>> -> memref<10000x128xf32, #tpu.memory_space<hbm>>
      tpu.wait_indirect_dma semaphore(%arg12 : memref<!tpu.dma_semaphore, #tpu.memory_space<semaphore_mem>>) src(%dma_wait3A_177 : memref<10000x128xf32, #tpu.memory_space<hbm>>) dst(%dma_wait3A_171 : memref<80x128xf32, #tpu.memory_space<vmem>>)
      %dma_start3A_178 = arith.constant 2 : i32
      %dma_start3A_179 = arith.constant 0 : i32
      %dma_start3A_180 = arith.constant 0 : i32
      %dma_start3A_181 = tpu.memref_slice %arg9[%dma_start3A_178, %dma_start3A_179, %dma_start3A_180] : memref<3x80x128xf32, #tpu.memory_space<vmem>> -> memref<1x80x128xf32, #tpu.memory_space<vmem>>
      %dma_start3A_182 = tpu.memref_squeeze %dma_start3A_181 : memref<1x80x128xf32, #tpu.memory_space<vmem>> -> memref<80x128xf32, #tpu.memory_space<vmem>>
      %dma_start3A_183 = arith.constant 0 : i32
      %dma_start3A_184 = tpu.memref_slice %arg8[%add3A_166, %dma_start3A_183] : memref<126x80xi32, #tpu.memory_space<vmem>> -> memref<1x80xi32, #tpu.memory_space<vmem>>
      %dma_start3A_185 = tpu.memref_squeeze %dma_start3A_184 : memref<1x80xi32, #tpu.memory_space<vmem>> -> memref<80xi32, #tpu.memory_space<vmem>>
      %dma_start3A_186 = arith.constant 0 : i32
      %dma_start3A_187 = arith.constant 0 : i32
      %dma_start3A_188 = tpu.memref_slice %arg6[%dma_start3A_186, %dma_start3A_187] : memref<10016x128xf32, #tpu.memory_space<vmem_shared>> -> memref<10016x128xf32, #tpu.memory_space<vmem_shared>>
      tpu.enqueue_indirect_dma source(%dma_start3A_182 : memref<80x128xf32, #tpu.memory_space<vmem>>) target(%dma_start3A_188 : memref<10016x128xf32, #tpu.memory_space<vmem_shared>>) offsets(%dma_start3A_185 : memref<80xi32, #tpu.memory_space<vmem>>) semaphore(%arg15 : memref<!tpu.dma_semaphore, #tpu.memory_space<semaphore_mem>>) {add = true}
      %add3A_189 = arith.constant 3 : i32
      %add3A_190 = arith.addi %add3A_166, %add3A_189 : i32
      %sub3A_191 = arith.constant 1 : i32
      %sub3A_192 = arith.subi %add3A_190, %sub3A_191 : i32
      %lt3A_193 = arith.constant 126 : i32
      %lt3A_194 = arith.cmpi slt, %sub3A_192, %lt3A_193 : i32
      %convert_element_type3A_195 = arith.extui %lt3A_194 : i1 to i32
      %cond3A_196 = arith.constant 0 : i32
      %cond3A_197 = arith.cmpi ne, %convert_element_type3A_195, %cond3A_196 : i32
      scf.if %cond3A_197 {
        %ge3A = arith.constant 1 : i32
        %ge3A_198 = arith.cmpi sge, %add3A_166, %ge3A : i32
        %convert_element_type3A_199 = arith.extui %ge3A_198 : i1 to i32
        %cond3A_200 = arith.constant 0 : i32
        %cond3A_201 = arith.cmpi ne, %convert_element_type3A_199, %cond3A_200 : i32
        scf.if %cond3A_201 {
          %dma_wait3A_217 = arith.constant 1 : i32
          %dma_wait3A_218 = arith.constant 0 : i32
          %dma_wait3A_219 = arith.constant 0 : i32
          %dma_wait3A_220 = arith.constant 0 : i32
          %dma_wait3A_221 = tpu.memref_slice %arg9[%dma_wait3A_217, %dma_wait3A_219, %dma_wait3A_220] : memref<3x80x128xf32, #tpu.memory_space<vmem>> -> memref<1x80x128xf32, #tpu.memory_space<vmem>>
          %dma_wait3A_222 = tpu.memref_squeeze %dma_wait3A_221 : memref<1x80x128xf32, #tpu.memory_space<vmem>> -> memref<80x128xf32, #tpu.memory_space<vmem>>
          %dma_wait3A_223 = arith.constant 0 : i32
          %dma_wait3A_224 = tpu.memref_slice %arg8[%dma_wait3A_218, %dma_wait3A_223] : memref<126x80xi32, #tpu.memory_space<vmem>> -> memref<1x80xi32, #tpu.memory_space<vmem>>
          %dma_wait3A_225 = tpu.memref_squeeze %dma_wait3A_224 : memref<1x80xi32, #tpu.memory_space<vmem>> -> memref<80xi32, #tpu.memory_space<vmem>>
          %dma_wait3A_226 = arith.constant 0 : i32
          %dma_wait3A_227 = arith.constant 0 : i32
          %dma_wait3A_228 = tpu.memref_slice %arg6[%dma_wait3A_226, %dma_wait3A_227] : memref<10016x128xf32, #tpu.memory_space<vmem_shared>> -> memref<10016x128xf32, #tpu.memory_space<vmem_shared>>
          tpu.wait_indirect_dma semaphore(%arg14 : memref<!tpu.dma_semaphore, #tpu.memory_space<semaphore_mem>>) src(%dma_wait3A_222 : memref<80x128xf32, #tpu.memory_space<vmem>>) dst(%dma_wait3A_228 : memref<10016x128xf32, #tpu.memory_space<vmem_shared>>)
        } else {
        }
        %add3A_202 = arith.constant 3 : i32
        %add3A_203 = arith.addi %add3A_166, %add3A_202 : i32
        %sub3A_204 = arith.constant 1 : i32
        %sub3A_205 = arith.subi %add3A_203, %sub3A_204 : i32
        %dma_start3A_206 = arith.constant 1 : i32
        %dma_start3A_207 = arith.constant 0 : i32
        %dma_start3A_208 = arith.constant 0 : i32
        %dma_start3A_209 = tpu.memref_slice %arg9[%dma_start3A_206, %dma_start3A_207, %dma_start3A_208] : memref<3x80x128xf32, #tpu.memory_space<vmem>> -> memref<1x80x128xf32, #tpu.memory_space<vmem>>
        %dma_start3A_210 = tpu.memref_squeeze %dma_start3A_209 : memref<1x80x128xf32, #tpu.memory_space<vmem>> -> memref<80x128xf32, #tpu.memory_space<vmem>>
        %dma_start3A_211 = arith.constant 0 : i32
        %dma_start3A_212 = tpu.memref_slice %arg7[%sub3A_205, %dma_start3A_211] : memref<126x80xi32, #tpu.memory_space<vmem>> -> memref<1x80xi32, #tpu.memory_space<vmem>>
        %dma_start3A_213 = tpu.memref_squeeze %dma_start3A_212 : memref<1x80xi32, #tpu.memory_space<vmem>> -> memref<80xi32, #tpu.memory_space<vmem>>
        %dma_start3A_214 = arith.constant 0 : i32
        %dma_start3A_215 = arith.constant 0 : i32
        %dma_start3A_216 = tpu.memref_slice %arg2[%dma_start3A_214, %dma_start3A_215] : memref<10000x128xf32, #tpu.memory_space<hbm>> -> memref<10000x128xf32, #tpu.memory_space<hbm>>
        tpu.enqueue_indirect_dma source(%dma_start3A_216 : memref<10000x128xf32, #tpu.memory_space<hbm>>) target(%dma_start3A_210 : memref<80x128xf32, #tpu.memory_space<vmem>>) offsets(%dma_start3A_213 : memref<80xi32, #tpu.memory_space<vmem>>) semaphore(%arg11 : memref<!tpu.dma_semaphore, #tpu.memory_space<semaphore_mem>>)
      } else {
      }
    }
    %scan3A_42 = arith.constant 42 : i32
    %dma_wait3A = arith.constant 0 : i32
    %dma_wait3A_43 = arith.constant 0 : i32
    %dma_wait3A_44 = arith.constant 0 : i32
    %dma_wait3A_45 = arith.constant 0 : i32
    %dma_wait3A_46 = tpu.memref_slice %arg9[%dma_wait3A, %dma_wait3A_44, %dma_wait3A_45] : memref<3x80x128xf32, #tpu.memory_space<vmem>> -> memref<1x80x128xf32, #tpu.memory_space<vmem>>
    %dma_wait3A_47 = tpu.memref_squeeze %dma_wait3A_46 : memref<1x80x128xf32, #tpu.memory_space<vmem>> -> memref<80x128xf32, #tpu.memory_space<vmem>>
    %dma_wait3A_48 = arith.constant 0 : i32
    %dma_wait3A_49 = tpu.memref_slice %arg8[%dma_wait3A_43, %dma_wait3A_48] : memref<126x80xi32, #tpu.memory_space<vmem>> -> memref<1x80xi32, #tpu.memory_space<vmem>>
    %dma_wait3A_50 = tpu.memref_squeeze %dma_wait3A_49 : memref<1x80xi32, #tpu.memory_space<vmem>> -> memref<80xi32, #tpu.memory_space<vmem>>
    %dma_wait3A_51 = arith.constant 0 : i32
    %dma_wait3A_52 = arith.constant 0 : i32
    %dma_wait3A_53 = tpu.memref_slice %arg6[%dma_wait3A_51, %dma_wait3A_52] : memref<10016x128xf32, #tpu.memory_space<vmem_shared>> -> memref<10016x128xf32, #tpu.memory_space<vmem_shared>>
    tpu.wait_indirect_dma semaphore(%arg13 : memref<!tpu.dma_semaphore, #tpu.memory_space<semaphore_mem>>) src(%dma_wait3A_47 : memref<80x128xf32, #tpu.memory_space<vmem>>) dst(%dma_wait3A_53 : memref<10016x128xf32, #tpu.memory_space<vmem_shared>>)
    %dma_wait3A_54 = arith.constant 1 : i32
    %dma_wait3A_55 = arith.constant 0 : i32
    %dma_wait3A_56 = arith.constant 0 : i32
    %dma_wait3A_57 = arith.constant 0 : i32
    %dma_wait3A_58 = tpu.memref_slice %arg9[%dma_wait3A_54, %dma_wait3A_56, %dma_wait3A_57] : memref<3x80x128xf32, #tpu.memory_space<vmem>> -> memref<1x80x128xf32, #tpu.memory_space<vmem>>
    %dma_wait3A_59 = tpu.memref_squeeze %dma_wait3A_58 : memref<1x80x128xf32, #tpu.memory_space<vmem>> -> memref<80x128xf32, #tpu.memory_space<vmem>>
    %dma_wait3A_60 = arith.constant 0 : i32
    %dma_wait3A_61 = tpu.memref_slice %arg8[%dma_wait3A_55, %dma_wait3A_60] : memref<126x80xi32, #tpu.memory_space<vmem>> -> memref<1x80xi32, #tpu.memory_space<vmem>>
    %dma_wait3A_62 = tpu.memref_squeeze %dma_wait3A_61 : memref<1x80xi32, #tpu.memory_space<vmem>> -> memref<80xi32, #tpu.memory_space<vmem>>
    %dma_wait3A_63 = arith.constant 0 : i32
    %dma_wait3A_64 = arith.constant 0 : i32
    %dma_wait3A_65 = tpu.memref_slice %arg6[%dma_wait3A_63, %dma_wait3A_64] : memref<10016x128xf32, #tpu.memory_space<vmem_shared>> -> memref<10016x128xf32, #tpu.memory_space<vmem_shared>>
    tpu.wait_indirect_dma semaphore(%arg14 : memref<!tpu.dma_semaphore, #tpu.memory_space<semaphore_mem>>) src(%dma_wait3A_59 : memref<80x128xf32, #tpu.memory_space<vmem>>) dst(%dma_wait3A_65 : memref<10016x128xf32, #tpu.memory_space<vmem_shared>>)
    %dma_wait3A_66 = arith.constant 2 : i32
    %dma_wait3A_67 = arith.constant 0 : i32
    %dma_wait3A_68 = arith.constant 0 : i32
    %dma_wait3A_69 = arith.constant 0 : i32
    %dma_wait3A_70 = tpu.memref_slice %arg9[%dma_wait3A_66, %dma_wait3A_68, %dma_wait3A_69] : memref<3x80x128xf32, #tpu.memory_space<vmem>> -> memref<1x80x128xf32, #tpu.memory_space<vmem>>
    %dma_wait3A_71 = tpu.memref_squeeze %dma_wait3A_70 : memref<1x80x128xf32, #tpu.memory_space<vmem>> -> memref<80x128xf32, #tpu.memory_space<vmem>>
    %dma_wait3A_72 = arith.constant 0 : i32
    %dma_wait3A_73 = tpu.memref_slice %arg8[%dma_wait3A_67, %dma_wait3A_72] : memref<126x80xi32, #tpu.memory_space<vmem>> -> memref<1x80xi32, #tpu.memory_space<vmem>>
    %dma_wait3A_74 = tpu.memref_squeeze %dma_wait3A_73 : memref<1x80xi32, #tpu.memory_space<vmem>> -> memref<80xi32, #tpu.memory_space<vmem>>
    %dma_wait3A_75 = arith.constant 0 : i32
    %dma_wait3A_76 = arith.constant 0 : i32
    %dma_wait3A_77 = tpu.memref_slice %arg6[%dma_wait3A_75, %dma_wait3A_76] : memref<10016x128xf32, #tpu.memory_space<vmem_shared>> -> memref<10016x128xf32, #tpu.memory_space<vmem_shared>>
    tpu.wait_indirect_dma semaphore(%arg15 : memref<!tpu.dma_semaphore, #tpu.memory_space<semaphore_mem>>) src(%dma_wait3A_71 : memref<80x128xf32, #tpu.memory_space<vmem>>) dst(%dma_wait3A_77 : memref<10016x128xf32, #tpu.memory_space<vmem_shared>>)
    %barrier3A_78 = arith.constant 0 : index
    tpu.barrier barrier_id(%barrier3A_78)
    %sub3A_79 = arith.constant 25 : i32
    %sub3A_80 = arith.subi %sub3A_79, %arg1 : i32
    %sub3A_81 = arith.constant 16 : i32
    %sub3A_82 = arith.constant 1 : i32
    %sub3A_83 = arith.subi %sub3A_81, %sub3A_82 : i32
    %add3A_84 = arith.addi %sub3A_80, %sub3A_83 : i32
    %div3A_85 = arith.constant 16 : i32
    %div3A_86 = arith.divsi %add3A_84, %div3A_85 : i32
    %while3A_87 = arith.constant 16 : i32
    %while3A_88 = arith.constant 0 : i32
    %while3A_89 = arith.subi %div3A_86, %while3A_88 : i32
    %while3A_90 = arith.addi %while3A_88, %while3A_89 : i32
    %while3A_91 = arith.constant 1 : i32
    %while3A_92 = arith.divsi %while3A_89, %while3A_91 : i32
    %while3A_93 = arith.muli %while3A_92, %while3A_91 : i32
    %while3A_94 = arith.addi %while3A_88, %while3A_93 : i32
    %while3A_95 = arith.constant 1 : i32
    scf.for %while3A_97 = %while3A_88 to %while3A_94 step %while3A_95  : i32 {
      %mul3A_98 = arith.muli %while3A_97, %while3A_87 : i32
      %add3A_99 = arith.addi %arg1, %mul3A_98 : i32
      %mul3A_100 = arith.constant 400 : i32
      %mul3A_101 = arith.muli %add3A_99, %mul3A_100 : i32
      "tpu.region"() ({
        %run_scoped3A = tpu.sem_alloc : memref<!tpu.dma_semaphore, #tpu.memory_space<semaphore_mem>>
        %dma_start3A_102 = arith.constant 0 : i32
        %dma_start3A_103 = tpu.memref_slice %arg5[%arg0, %mul3A_101, %dma_start3A_102] : memref<2x10000x128xf32, #tpu.memory_space<hbm>> -> memref<1x400x128xf32, #tpu.memory_space<hbm>>
        %dma_start3A_104 = tpu.memref_squeeze %dma_start3A_103 : memref<1x400x128xf32, #tpu.memory_space<hbm>> -> memref<400x128xf32, #tpu.memory_space<hbm>>
        %dma_start3A_105 = arith.constant 0 : i32
        %dma_start3A_106 = tpu.memref_slice %arg6[%mul3A_101, %dma_start3A_105] : memref<10016x128xf32, #tpu.memory_space<vmem_shared>> -> memref<400x128xf32, #tpu.memory_space<vmem_shared>>
        tpu.enqueue_dma source(%dma_start3A_106 : memref<400x128xf32, #tpu.memory_space<vmem_shared>>) target(%dma_start3A_104 : memref<400x128xf32, #tpu.memory_space<hbm>>) target_semaphore(%run_scoped3A : memref<!tpu.dma_semaphore, #tpu.memory_space<semaphore_mem>>)
        %dma_wait3A_107 = arith.constant 0 : i32
        %dma_wait3A_108 = tpu.memref_slice %arg5[%arg0, %mul3A_101, %dma_wait3A_107] : memref<2x10000x128xf32, #tpu.memory_space<hbm>> -> memref<1x400x128xf32, #tpu.memory_space<hbm>>
        %dma_wait3A_109 = tpu.memref_squeeze %dma_wait3A_108 : memref<1x400x128xf32, #tpu.memory_space<hbm>> -> memref<400x128xf32, #tpu.memory_space<hbm>>
        %dma_wait3A_110 = arith.constant 0 : i32
        %dma_wait3A_111 = tpu.memref_slice %arg6[%mul3A_101, %dma_wait3A_110] : memref<10016x128xf32, #tpu.memory_space<vmem_shared>> -> memref<400x128xf32, #tpu.memory_space<vmem_shared>>
        tpu.wait_dma2 semaphore(%run_scoped3A : memref<!tpu.dma_semaphore, #tpu.memory_space<semaphore_mem>>) src(%dma_wait3A_111 : memref<400x128xf32, #tpu.memory_space<vmem_shared>>) dst(%dma_wait3A_109 : memref<400x128xf32, #tpu.memory_space<hbm>>)
        tpu.yield
      }) : () -> ()
    }
    %while3A_96 = arith.constant 1 : i32
    scf.for %while3A_97 = %while3A_94 to %while3A_90 step %while3A_96  : i32 {
      %mul3A_98 = arith.muli %while3A_97, %while3A_87 : i32
      %add3A_99 = arith.addi %arg1, %mul3A_98 : i32
      %mul3A_100 = arith.constant 400 : i32
      %mul3A_101 = arith.muli %add3A_99, %mul3A_100 : i32
      "tpu.region"() ({
        %run_scoped3A = tpu.sem_alloc : memref<!tpu.dma_semaphore, #tpu.memory_space<semaphore_mem>>
        %dma_start3A_102 = arith.constant 0 : i32
        %dma_start3A_103 = tpu.memref_slice %arg5[%arg0, %mul3A_101, %dma_start3A_102] : memref<2x10000x128xf32, #tpu.memory_space<hbm>> -> memref<1x400x128xf32, #tpu.memory_space<hbm>>
        %dma_start3A_104 = tpu.memref_squeeze %dma_start3A_103 : memref<1x400x128xf32, #tpu.memory_space<hbm>> -> memref<400x128xf32, #tpu.memory_space<hbm>>
        %dma_start3A_105 = arith.constant 0 : i32
        %dma_start3A_106 = tpu.memref_slice %arg6[%mul3A_101, %dma_start3A_105] : memref<10016x128xf32, #tpu.memory_space<vmem_shared>> -> memref<400x128xf32, #tpu.memory_space<vmem_shared>>
        tpu.enqueue_dma source(%dma_start3A_106 : memref<400x128xf32, #tpu.memory_space<vmem_shared>>) target(%dma_start3A_104 : memref<400x128xf32, #tpu.memory_space<hbm>>) target_semaphore(%run_scoped3A : memref<!tpu.dma_semaphore, #tpu.memory_space<semaphore_mem>>)
        %dma_wait3A_107 = arith.constant 0 : i32
        %dma_wait3A_108 = tpu.memref_slice %arg5[%arg0, %mul3A_101, %dma_wait3A_107] : memref<2x10000x128xf32, #tpu.memory_space<hbm>> -> memref<1x400x128xf32, #tpu.memory_space<hbm>>
        %dma_wait3A_109 = tpu.memref_squeeze %dma_wait3A_108 : memref<1x400x128xf32, #tpu.memory_space<hbm>> -> memref<400x128xf32, #tpu.memory_space<hbm>>
        %dma_wait3A_110 = arith.constant 0 : i32
        %dma_wait3A_111 = tpu.memref_slice %arg6[%mul3A_101, %dma_wait3A_110] : memref<10016x128xf32, #tpu.memory_space<vmem_shared>> -> memref<400x128xf32, #tpu.memory_space<vmem_shared>>
        tpu.wait_dma2 semaphore(%run_scoped3A : memref<!tpu.dma_semaphore, #tpu.memory_space<semaphore_mem>>) src(%dma_wait3A_111 : memref<400x128xf32, #tpu.memory_space<vmem_shared>>) dst(%dma_wait3A_109 : memref<400x128xf32, #tpu.memory_space<hbm>>)
        tpu.yield
      }) : () -> ()
    }
    return
  }
}

module attributes {stable_mosaic.version = 14 : i64} {
  func.func @_tc_in_body(%arg0: i32, %arg1: memref<2000x128xf32, #tpu.memory_space<vmem>>, %arg2: memref<128x128xf32, #tpu.memory_space<vmem>>, %arg3: memref<2x2000x8xf32, #tpu.memory_space<vmem>>, %arg4: memref<2000x128xf32, #tpu.memory_space<vmem>>) attributes {dimension_semantics = [#tpu.dimension_semantics<arbitrary>], iteration_bounds = array<i64: 5>, scalar_prefetch = 0 : i64, scratch_operands = 0 : i64, tpu.core_type = #tpu.core_type<tc>, window_params = [{transform_indices = @transform_0, window_bounds = array<i64: 2000, 128>}, {pipeline_mode = #tpu.pipeline_mode<synchronous>, transform_indices = @transform_1, window_bounds = array<i64: 128, 128>}, {transform_indices = @transform_2, window_bounds = array<i64: 2, 2000, 8>}, {transform_indices = @transform_3, window_bounds = array<i64: 2000, 128>}]} {
    %get3A = arith.constant 0 : index
    %get3A_0 = arith.constant 0 : index
    %get3A_1 = arith.constant 0 : index
    %get3A_2 = vector.load %arg3[%get3A, %get3A_0, %get3A_1] : memref<2x2000x8xf32, #tpu.memory_space<vmem>>, vector<1x2000x1xf32>
    %get3A_3 = vector.shape_cast %get3A_2 : vector<1x2000x1xf32> to vector<2000x1xf32>
    %get3A_4 = arith.constant 1 : index
    %get3A_5 = arith.constant 0 : index
    %get3A_6 = arith.constant 0 : index
    %get3A_7 = vector.load %arg3[%get3A_4, %get3A_5, %get3A_6] : memref<2x2000x8xf32, #tpu.memory_space<vmem>>, vector<1x2000x1xf32>
    %get3A_8 = vector.shape_cast %get3A_7 : vector<1x2000x1xf32> to vector<2000x1xf32>
    %add3A = arith.addf %get3A_3, %get3A_8 : vector<2000x1xf32>
    %sub3A = arith.constant 1.000000e+00 : f32
    %sub3A_9 = vector.broadcast %sub3A : f32 to vector<2000x1xf32>
    %sub3A_10 = arith.subf %add3A, %sub3A_9 : vector<2000x1xf32>
    %max3A = arith.constant 1.000000e+00 : f32
    %max3A_11 = vector.broadcast %max3A : f32 to vector<2000x1xf32>
    %max3A_12 = arith.maximumf %sub3A_10, %max3A_11 : vector<2000x1xf32>
    %rsqrt3A = math.rsqrt %max3A_12 : vector<2000x1xf32>
    %get3A_13 = arith.constant 0 : index
    %get3A_14 = arith.constant 0 : index
    %get3A_15 = vector.load %arg1[%get3A_13, %get3A_14] : memref<2000x128xf32, #tpu.memory_space<vmem>>, vector<2000x128xf32>
    %get3A_16 = arith.constant 0 : index
    %get3A_17 = arith.constant 0 : index
    %get3A_18 = vector.load %arg2[%get3A_16, %get3A_17] : memref<128x128xf32, #tpu.memory_space<vmem>>, vector<128x128xf32>
    %dot_general3A = arith.constant dense<0.000000e+00> : vector<2000x128xf32>
    %dot_general3A_19 = tpu.matmul %get3A_15, %get3A_18, %dot_general3A {dimension_numbers = #tpu.dot_dimension_numbers<[1], [0], [0], [1], [0, 0, 1, 1], [], []>, transpose_lhs_hint = false} : vector<2000x128xf32>, vector<128x128xf32>, vector<2000x128xf32> -> vector<2000x128xf32>
    %mul3A = vector.broadcast %rsqrt3A : vector<2000x1xf32> to vector<2000x128xf32>
    %mul3A_20 = arith.mulf %dot_general3A_19, %mul3A : vector<2000x128xf32>
    %swap3A = arith.constant 0 : index
    %swap3A_21 = arith.constant 0 : index
    %swap3A_22 = vector.load %arg4[%swap3A, %swap3A_21] : memref<2000x128xf32, #tpu.memory_space<vmem>>, vector<2000x128xf32>
    tpu.vector_store %arg4[%swap3A, %swap3A_21], %mul3A_20 {strides = array<i32>} : memref<2000x128xf32, #tpu.memory_space<vmem>>, vector<2000x128xf32>,
    return
  }
  func.func @transform_0(%arg0: i32) -> (i32, i32) {
    %c0_i32 = arith.constant 0 : i32
    %c0_i32_0 = arith.constant 0 : i32
    return %arg0, %c0_i32 : i32, i32
  }
  func.func @transform_1(%arg0: i32) -> (i32, i32) {
    %c0_i32 = arith.constant 0 : i32
    %c0_i32_0 = arith.constant 0 : i32
    %c0_i32_1 = arith.constant 0 : i32
    return %c0_i32, %c0_i32_0 : i32, i32
  }
  func.func @transform_2(%arg0: i32) -> (i32, i32, i32) {
    %c0_i32 = arith.constant 0 : i32
    %c0_i32_0 = arith.constant 0 : i32
    %c0_i32_1 = arith.constant 0 : i32
    return %c0_i32, %arg0, %c0_i32_0 : i32, i32, i32
  }
  func.func @transform_3(%arg0: i32) -> (i32, i32) {
    %c0_i32 = arith.constant 0 : i32
    %c0_i32_0 = arith.constant 0 : i32
    return %arg0, %c0_i32 : i32, i32
  }
}

module attributes {stable_mosaic.version = 14 : i64} {
  func.func @_tc_mid_body(%arg0: i32, %arg1: memref<2x2000x128xf32, #tpu.memory_space<vmem>>, %arg2: memref<2000x128xf32, #tpu.memory_space<vmem>>, %arg3: memref<2x2000x8xf32, #tpu.memory_space<vmem>>, %arg4: memref<1x128xf32, #tpu.memory_space<vmem>>, %arg5: memref<1x128xf32, #tpu.memory_space<vmem>>, %arg6: memref<1x128xf32, #tpu.memory_space<vmem>>, %arg7: memref<1x128xf32, #tpu.memory_space<vmem>>, %arg8: memref<1x128xf32, #tpu.memory_space<vmem>>, %arg9: memref<128x128xf32, #tpu.memory_space<vmem>>, %arg10: memref<2000x128xf32, #tpu.memory_space<vmem>>) attributes {dimension_semantics = [#tpu.dimension_semantics<arbitrary>], iteration_bounds = array<i64: 5>, scalar_prefetch = 0 : i64, scratch_operands = 0 : i64, tpu.core_type = #tpu.core_type<tc>, window_params = [{transform_indices = @transform_0, window_bounds = array<i64: 2, 2000, 128>}, {transform_indices = @transform_1, window_bounds = array<i64: 2000, 128>}, {transform_indices = @transform_2, window_bounds = array<i64: 2, 2000, 8>}, {pipeline_mode = #tpu.pipeline_mode<synchronous>, transform_indices = @transform_3, window_bounds = array<i64: 1, 128>}, {pipeline_mode = #tpu.pipeline_mode<synchronous>, transform_indices = @transform_4, window_bounds = array<i64: 1, 128>}, {pipeline_mode = #tpu.pipeline_mode<synchronous>, transform_indices = @transform_5, window_bounds = array<i64: 1, 128>}, {pipeline_mode = #tpu.pipeline_mode<synchronous>, transform_indices = @transform_6, window_bounds = array<i64: 1, 128>}, {pipeline_mode = #tpu.pipeline_mode<synchronous>, transform_indices = @transform_7, window_bounds = array<i64: 1, 128>}, {pipeline_mode = #tpu.pipeline_mode<synchronous>, transform_indices = @transform_8, window_bounds = array<i64: 128, 128>}, {transform_indices = @transform_9, window_bounds = array<i64: 2000, 128>}]} {
    %get3A = arith.constant 0 : index
    %get3A_0 = arith.constant 0 : index
    %get3A_1 = arith.constant 0 : index
    %get3A_2 = vector.load %arg3[%get3A, %get3A_0, %get3A_1] : memref<2x2000x8xf32, #tpu.memory_space<vmem>>, vector<1x2000x1xf32>
    %get3A_3 = vector.shape_cast %get3A_2 : vector<1x2000x1xf32> to vector<2000x1xf32>
    %get3A_4 = arith.constant 1 : index
    %get3A_5 = arith.constant 0 : index
    %get3A_6 = arith.constant 0 : index
    %get3A_7 = vector.load %arg3[%get3A_4, %get3A_5, %get3A_6] : memref<2x2000x8xf32, #tpu.memory_space<vmem>>, vector<1x2000x1xf32>
    %get3A_8 = vector.shape_cast %get3A_7 : vector<1x2000x1xf32> to vector<2000x1xf32>
    %add3A = arith.addf %get3A_3, %get3A_8 : vector<2000x1xf32>
    %sub3A = arith.constant 1.000000e+00 : f32
    %sub3A_9 = vector.broadcast %sub3A : f32 to vector<2000x1xf32>
    %sub3A_10 = arith.subf %add3A, %sub3A_9 : vector<2000x1xf32>
    %max3A = arith.constant 1.000000e+00 : f32
    %max3A_11 = vector.broadcast %max3A : f32 to vector<2000x1xf32>
    %max3A_12 = arith.maximumf %sub3A_10, %max3A_11 : vector<2000x1xf32>
    %rsqrt3A = math.rsqrt %max3A_12 : vector<2000x1xf32>
    %get3A_13 = arith.constant 0 : index
    %get3A_14 = arith.constant 0 : index
    %get3A_15 = arith.constant 0 : index
    %get3A_16 = vector.load %arg1[%get3A_13, %get3A_14, %get3A_15] : memref<2x2000x128xf32, #tpu.memory_space<vmem>>, vector<1x2000x128xf32>
    %get3A_17 = vector.shape_cast %get3A_16 : vector<1x2000x128xf32> to vector<2000x128xf32>
    %get3A_18 = arith.constant 1 : index
    %get3A_19 = arith.constant 0 : index
    %get3A_20 = arith.constant 0 : index
    %get3A_21 = vector.load %arg1[%get3A_18, %get3A_19, %get3A_20] : memref<2x2000x128xf32, #tpu.memory_space<vmem>>, vector<1x2000x128xf32>
    %get3A_22 = vector.shape_cast %get3A_21 : vector<1x2000x128xf32> to vector<2000x128xf32>
    %add3A_23 = arith.addf %get3A_17, %get3A_22 : vector<2000x128xf32>
    %get3A_24 = arith.constant 0 : index
    %get3A_25 = arith.constant 0 : index
    %get3A_26 = vector.load %arg2[%get3A_24, %get3A_25] : memref<2000x128xf32, #tpu.memory_space<vmem>>, vector<2000x128xf32>
    %sub3A_27 = arith.subf %add3A_23, %get3A_26 : vector<2000x128xf32>
    %mul3A = vector.broadcast %rsqrt3A : vector<2000x1xf32> to vector<2000x128xf32>
    %mul3A_28 = arith.mulf %mul3A, %sub3A_27 : vector<2000x128xf32>
    %get3A_29 = arith.constant 0 : index
    %get3A_30 = arith.constant 0 : index
    %get3A_31 = vector.load %arg4[%get3A_29, %get3A_30] : memref<1x128xf32, #tpu.memory_space<vmem>>, vector<1x128xf32>
    %add3A_32 = vector.broadcast %get3A_31 : vector<1x128xf32> to vector<2000x128xf32>
    %add3A_33 = arith.addf %mul3A_28, %add3A_32 : vector<2000x128xf32>
    %get3A_34 = arith.constant 0 : index
    %get3A_35 = arith.constant 0 : index
    %get3A_36 = vector.load %arg7[%get3A_34, %get3A_35] : memref<1x128xf32, #tpu.memory_space<vmem>>, vector<1x128xf32>
    %sub3A_37 = vector.broadcast %get3A_36 : vector<1x128xf32> to vector<2000x128xf32>
    %sub3A_38 = arith.subf %add3A_33, %sub3A_37 : vector<2000x128xf32>
    %get3A_39 = arith.constant 0 : index
    %get3A_40 = arith.constant 0 : index
    %get3A_41 = vector.load %arg8[%get3A_39, %get3A_40] : memref<1x128xf32, #tpu.memory_space<vmem>>, vector<1x128xf32>
    %add3A_42 = arith.constant 9.99999974E-6 : f32
    %add3A_43 = vector.broadcast %add3A_42 : f32 to vector<1x128xf32>
    %add3A_44 = arith.addf %get3A_41, %add3A_43 : vector<1x128xf32>
    %rsqrt3A_45 = math.rsqrt %add3A_44 : vector<1x128xf32>
    %mul3A_46 = vector.broadcast %rsqrt3A_45 : vector<1x128xf32> to vector<2000x128xf32>
    %mul3A_47 = arith.mulf %sub3A_38, %mul3A_46 : vector<2000x128xf32>
    %get3A_48 = arith.constant 0 : index
    %get3A_49 = arith.constant 0 : index
    %get3A_50 = vector.load %arg5[%get3A_48, %get3A_49] : memref<1x128xf32, #tpu.memory_space<vmem>>, vector<1x128xf32>
    %mul3A_51 = vector.broadcast %get3A_50 : vector<1x128xf32> to vector<2000x128xf32>
    %mul3A_52 = arith.mulf %mul3A_47, %mul3A_51 : vector<2000x128xf32>
    %get3A_53 = arith.constant 0 : index
    %get3A_54 = arith.constant 0 : index
    %get3A_55 = vector.load %arg6[%get3A_53, %get3A_54] : memref<1x128xf32, #tpu.memory_space<vmem>>, vector<1x128xf32>
    %add3A_56 = vector.broadcast %get3A_55 : vector<1x128xf32> to vector<2000x128xf32>
    %add3A_57 = arith.addf %mul3A_52, %add3A_56 : vector<2000x128xf32>
    %max3A_58 = arith.constant 0.000000e+00 : f32
    %max3A_59 = vector.broadcast %max3A_58 : f32 to vector<2000x128xf32>
    %max3A_60 = arith.maximumf %add3A_57, %max3A_59 : vector<2000x128xf32>
    %get3A_61 = arith.constant 0 : index
    %get3A_62 = arith.constant 0 : index
    %get3A_63 = vector.load %arg9[%get3A_61, %get3A_62] : memref<128x128xf32, #tpu.memory_space<vmem>>, vector<128x128xf32>
    %dot_general3A = arith.constant dense<0.000000e+00> : vector<2000x128xf32>
    %dot_general3A_64 = tpu.matmul %max3A_60, %get3A_63, %dot_general3A {dimension_numbers = #tpu.dot_dimension_numbers<[1], [0], [0], [1], [0, 0, 1, 1], [], []>, transpose_lhs_hint = false} : vector<2000x128xf32>, vector<128x128xf32>, vector<2000x128xf32> -> vector<2000x128xf32>
    %mul3A_65 = vector.broadcast %rsqrt3A : vector<2000x1xf32> to vector<2000x128xf32>
    %mul3A_66 = arith.mulf %dot_general3A_64, %mul3A_65 : vector<2000x128xf32>
    %swap3A = arith.constant 0 : index
    %swap3A_67 = arith.constant 0 : index
    %swap3A_68 = vector.load %arg10[%swap3A, %swap3A_67] : memref<2000x128xf32, #tpu.memory_space<vmem>>, vector<2000x128xf32>
    tpu.vector_store %arg10[%swap3A, %swap3A_67], %mul3A_66 {strides = array<i32>} : memref<2000x128xf32, #tpu.memory_space<vmem>>, vector<2000x128xf32>,
    return
  }
  func.func @transform_0(%arg0: i32) -> (i32, i32, i32) {
    %c0_i32 = arith.constant 0 : i32
    %c0_i32_0 = arith.constant 0 : i32
    %c0_i32_1 = arith.constant 0 : i32
    return %c0_i32, %arg0, %c0_i32_0 : i32, i32, i32
  }
  func.func @transform_1(%arg0: i32) -> (i32, i32) {
    %c0_i32 = arith.constant 0 : i32
    %c0_i32_0 = arith.constant 0 : i32
    return %arg0, %c0_i32 : i32, i32
  }
  func.func @transform_2(%arg0: i32) -> (i32, i32, i32) {
    %c0_i32 = arith.constant 0 : i32
    %c0_i32_0 = arith.constant 0 : i32
    %c0_i32_1 = arith.constant 0 : i32
    return %c0_i32, %arg0, %c0_i32_0 : i32, i32, i32
  }
  func.func @transform_3(%arg0: i32) -> (i32, i32) {
    %c0_i32 = arith.constant 0 : i32
    %c0_i32_0 = arith.constant 0 : i32
    %c0_i32_1 = arith.constant 0 : i32
    return %c0_i32, %c0_i32_0 : i32, i32
  }
  func.func @transform_4(%arg0: i32) -> (i32, i32) {
    %c0_i32 = arith.constant 0 : i32
    %c0_i32_0 = arith.constant 0 : i32
    %c0_i32_1 = arith.constant 0 : i32
    return %c0_i32, %c0_i32_0 : i32, i32
  }
  func.func @transform_5(%arg0: i32) -> (i32, i32) {
    %c0_i32 = arith.constant 0 : i32
    %c0_i32_0 = arith.constant 0 : i32
    %c0_i32_1 = arith.constant 0 : i32
    return %c0_i32, %c0_i32_0 : i32, i32
  }
  func.func @transform_6(%arg0: i32) -> (i32, i32) {
    %c0_i32 = arith.constant 0 : i32
    %c0_i32_0 = arith.constant 0 : i32
    %c0_i32_1 = arith.constant 0 : i32
    return %c0_i32, %c0_i32_0 : i32, i32
  }
  func.func @transform_7(%arg0: i32) -> (i32, i32) {
    %c0_i32 = arith.constant 0 : i32
    %c0_i32_0 = arith.constant 0 : i32
    %c0_i32_1 = arith.constant 0 : i32
    return %c0_i32, %c0_i32_0 : i32, i32
  }
  func.func @transform_8(%arg0: i32) -> (i32, i32) {
    %c0_i32 = arith.constant 0 : i32
    %c0_i32_0 = arith.constant 0 : i32
    %c0_i32_1 = arith.constant 0 : i32
    return %c0_i32, %c0_i32_0 : i32, i32
  }
  func.func @transform_9(%arg0: i32) -> (i32, i32) {
    %c0_i32 = arith.constant 0 : i32
    %c0_i32_0 = arith.constant 0 : i32
    return %arg0, %c0_i32 : i32, i32
  }
}

module attributes {stable_mosaic.version = 14 : i64} {
  func.func @_tc_mid_body(%arg0: i32, %arg1: memref<2x2000x128xf32, #tpu.memory_space<vmem>>, %arg2: memref<2000x128xf32, #tpu.memory_space<vmem>>, %arg3: memref<2x2000x8xf32, #tpu.memory_space<vmem>>, %arg4: memref<1x128xf32, #tpu.memory_space<vmem>>, %arg5: memref<1x128xf32, #tpu.memory_space<vmem>>, %arg6: memref<1x128xf32, #tpu.memory_space<vmem>>, %arg7: memref<1x128xf32, #tpu.memory_space<vmem>>, %arg8: memref<1x128xf32, #tpu.memory_space<vmem>>, %arg9: memref<128x40xf32, #tpu.memory_space<vmem>>, %arg10: memref<2000x40xf32, #tpu.memory_space<vmem>>) attributes {dimension_semantics = [#tpu.dimension_semantics<arbitrary>], iteration_bounds = array<i64: 5>, scalar_prefetch = 0 : i64, scratch_operands = 0 : i64, tpu.core_type = #tpu.core_type<tc>, window_params = [{transform_indices = @transform_0, window_bounds = array<i64: 2, 2000, 128>}, {transform_indices = @transform_1, window_bounds = array<i64: 2000, 128>}, {transform_indices = @transform_2, window_bounds = array<i64: 2, 2000, 8>}, {pipeline_mode = #tpu.pipeline_mode<synchronous>, transform_indices = @transform_3, window_bounds = array<i64: 1, 128>}, {pipeline_mode = #tpu.pipeline_mode<synchronous>, transform_indices = @transform_4, window_bounds = array<i64: 1, 128>}, {pipeline_mode = #tpu.pipeline_mode<synchronous>, transform_indices = @transform_5, window_bounds = array<i64: 1, 128>}, {pipeline_mode = #tpu.pipeline_mode<synchronous>, transform_indices = @transform_6, window_bounds = array<i64: 1, 128>}, {pipeline_mode = #tpu.pipeline_mode<synchronous>, transform_indices = @transform_7, window_bounds = array<i64: 1, 128>}, {pipeline_mode = #tpu.pipeline_mode<synchronous>, transform_indices = @transform_8, window_bounds = array<i64: 128, 40>}, {transform_indices = @transform_9, window_bounds = array<i64: 2000, 40>}]} {
    %get3A = arith.constant 0 : index
    %get3A_0 = arith.constant 0 : index
    %get3A_1 = arith.constant 0 : index
    %get3A_2 = vector.load %arg3[%get3A, %get3A_0, %get3A_1] : memref<2x2000x8xf32, #tpu.memory_space<vmem>>, vector<1x2000x1xf32>
    %get3A_3 = vector.shape_cast %get3A_2 : vector<1x2000x1xf32> to vector<2000x1xf32>
    %get3A_4 = arith.constant 1 : index
    %get3A_5 = arith.constant 0 : index
    %get3A_6 = arith.constant 0 : index
    %get3A_7 = vector.load %arg3[%get3A_4, %get3A_5, %get3A_6] : memref<2x2000x8xf32, #tpu.memory_space<vmem>>, vector<1x2000x1xf32>
    %get3A_8 = vector.shape_cast %get3A_7 : vector<1x2000x1xf32> to vector<2000x1xf32>
    %add3A = arith.addf %get3A_3, %get3A_8 : vector<2000x1xf32>
    %sub3A = arith.constant 1.000000e+00 : f32
    %sub3A_9 = vector.broadcast %sub3A : f32 to vector<2000x1xf32>
    %sub3A_10 = arith.subf %add3A, %sub3A_9 : vector<2000x1xf32>
    %max3A = arith.constant 1.000000e+00 : f32
    %max3A_11 = vector.broadcast %max3A : f32 to vector<2000x1xf32>
    %max3A_12 = arith.maximumf %sub3A_10, %max3A_11 : vector<2000x1xf32>
    %rsqrt3A = math.rsqrt %max3A_12 : vector<2000x1xf32>
    %get3A_13 = arith.constant 0 : index
    %get3A_14 = arith.constant 0 : index
    %get3A_15 = arith.constant 0 : index
    %get3A_16 = vector.load %arg1[%get3A_13, %get3A_14, %get3A_15] : memref<2x2000x128xf32, #tpu.memory_space<vmem>>, vector<1x2000x128xf32>
    %get3A_17 = vector.shape_cast %get3A_16 : vector<1x2000x128xf32> to vector<2000x128xf32>
    %get3A_18 = arith.constant 1 : index
    %get3A_19 = arith.constant 0 : index
    %get3A_20 = arith.constant 0 : index
    %get3A_21 = vector.load %arg1[%get3A_18, %get3A_19, %get3A_20] : memref<2x2000x128xf32, #tpu.memory_space<vmem>>, vector<1x2000x128xf32>
    %get3A_22 = vector.shape_cast %get3A_21 : vector<1x2000x128xf32> to vector<2000x128xf32>
    %add3A_23 = arith.addf %get3A_17, %get3A_22 : vector<2000x128xf32>
    %get3A_24 = arith.constant 0 : index
    %get3A_25 = arith.constant 0 : index
    %get3A_26 = vector.load %arg2[%get3A_24, %get3A_25] : memref<2000x128xf32, #tpu.memory_space<vmem>>, vector<2000x128xf32>
    %sub3A_27 = arith.subf %add3A_23, %get3A_26 : vector<2000x128xf32>
    %mul3A = vector.broadcast %rsqrt3A : vector<2000x1xf32> to vector<2000x128xf32>
    %mul3A_28 = arith.mulf %mul3A, %sub3A_27 : vector<2000x128xf32>
    %get3A_29 = arith.constant 0 : index
    %get3A_30 = arith.constant 0 : index
    %get3A_31 = vector.load %arg4[%get3A_29, %get3A_30] : memref<1x128xf32, #tpu.memory_space<vmem>>, vector<1x128xf32>
    %add3A_32 = vector.broadcast %get3A_31 : vector<1x128xf32> to vector<2000x128xf32>
    %add3A_33 = arith.addf %mul3A_28, %add3A_32 : vector<2000x128xf32>
    %get3A_34 = arith.constant 0 : index
    %get3A_35 = arith.constant 0 : index
    %get3A_36 = vector.load %arg7[%get3A_34, %get3A_35] : memref<1x128xf32, #tpu.memory_space<vmem>>, vector<1x128xf32>
    %sub3A_37 = vector.broadcast %get3A_36 : vector<1x128xf32> to vector<2000x128xf32>
    %sub3A_38 = arith.subf %add3A_33, %sub3A_37 : vector<2000x128xf32>
    %get3A_39 = arith.constant 0 : index
    %get3A_40 = arith.constant 0 : index
    %get3A_41 = vector.load %arg8[%get3A_39, %get3A_40] : memref<1x128xf32, #tpu.memory_space<vmem>>, vector<1x128xf32>
    %add3A_42 = arith.constant 9.99999974E-6 : f32
    %add3A_43 = vector.broadcast %add3A_42 : f32 to vector<1x128xf32>
    %add3A_44 = arith.addf %get3A_41, %add3A_43 : vector<1x128xf32>
    %rsqrt3A_45 = math.rsqrt %add3A_44 : vector<1x128xf32>
    %mul3A_46 = vector.broadcast %rsqrt3A_45 : vector<1x128xf32> to vector<2000x128xf32>
    %mul3A_47 = arith.mulf %sub3A_38, %mul3A_46 : vector<2000x128xf32>
    %get3A_48 = arith.constant 0 : index
    %get3A_49 = arith.constant 0 : index
    %get3A_50 = vector.load %arg5[%get3A_48, %get3A_49] : memref<1x128xf32, #tpu.memory_space<vmem>>, vector<1x128xf32>
    %mul3A_51 = vector.broadcast %get3A_50 : vector<1x128xf32> to vector<2000x128xf32>
    %mul3A_52 = arith.mulf %mul3A_47, %mul3A_51 : vector<2000x128xf32>
    %get3A_53 = arith.constant 0 : index
    %get3A_54 = arith.constant 0 : index
    %get3A_55 = vector.load %arg6[%get3A_53, %get3A_54] : memref<1x128xf32, #tpu.memory_space<vmem>>, vector<1x128xf32>
    %add3A_56 = vector.broadcast %get3A_55 : vector<1x128xf32> to vector<2000x128xf32>
    %add3A_57 = arith.addf %mul3A_52, %add3A_56 : vector<2000x128xf32>
    %max3A_58 = arith.constant 0.000000e+00 : f32
    %max3A_59 = vector.broadcast %max3A_58 : f32 to vector<2000x128xf32>
    %max3A_60 = arith.maximumf %add3A_57, %max3A_59 : vector<2000x128xf32>
    %get3A_61 = arith.constant 0 : index
    %get3A_62 = arith.constant 0 : index
    %get3A_63 = vector.load %arg9[%get3A_61, %get3A_62] : memref<128x40xf32, #tpu.memory_space<vmem>>, vector<128x40xf32>
    %dot_general3A = arith.constant dense<0.000000e+00> : vector<2000x40xf32>
    %dot_general3A_64 = tpu.matmul %max3A_60, %get3A_63, %dot_general3A {dimension_numbers = #tpu.dot_dimension_numbers<[1], [0], [0], [1], [0, 0, 1, 1], [], []>, transpose_lhs_hint = false} : vector<2000x128xf32>, vector<128x40xf32>, vector<2000x40xf32> -> vector<2000x40xf32>
    %mul3A_65 = vector.broadcast %rsqrt3A : vector<2000x1xf32> to vector<2000x40xf32>
    %mul3A_66 = arith.mulf %dot_general3A_64, %mul3A_65 : vector<2000x40xf32>
    %swap3A = arith.constant 0 : index
    %swap3A_67 = arith.constant 0 : index
    %swap3A_68 = vector.load %arg10[%swap3A, %swap3A_67] : memref<2000x40xf32, #tpu.memory_space<vmem>>, vector<2000x40xf32>
    tpu.vector_store %arg10[%swap3A, %swap3A_67], %mul3A_66 {strides = array<i32>} : memref<2000x40xf32, #tpu.memory_space<vmem>>, vector<2000x40xf32>,
    return
  }
  func.func @transform_0(%arg0: i32) -> (i32, i32, i32) {
    %c0_i32 = arith.constant 0 : i32
    %c0_i32_0 = arith.constant 0 : i32
    %c0_i32_1 = arith.constant 0 : i32
    return %c0_i32, %arg0, %c0_i32_0 : i32, i32, i32
  }
  func.func @transform_1(%arg0: i32) -> (i32, i32) {
    %c0_i32 = arith.constant 0 : i32
    %c0_i32_0 = arith.constant 0 : i32
    return %arg0, %c0_i32 : i32, i32
  }
  func.func @transform_2(%arg0: i32) -> (i32, i32, i32) {
    %c0_i32 = arith.constant 0 : i32
    %c0_i32_0 = arith.constant 0 : i32
    %c0_i32_1 = arith.constant 0 : i32
    return %c0_i32, %arg0, %c0_i32_0 : i32, i32, i32
  }
  func.func @transform_3(%arg0: i32) -> (i32, i32) {
    %c0_i32 = arith.constant 0 : i32
    %c0_i32_0 = arith.constant 0 : i32
    %c0_i32_1 = arith.constant 0 : i32
    return %c0_i32, %c0_i32_0 : i32, i32
  }
  func.func @transform_4(%arg0: i32) -> (i32, i32) {
    %c0_i32 = arith.constant 0 : i32
    %c0_i32_0 = arith.constant 0 : i32
    %c0_i32_1 = arith.constant 0 : i32
    return %c0_i32, %c0_i32_0 : i32, i32
  }
  func.func @transform_5(%arg0: i32) -> (i32, i32) {
    %c0_i32 = arith.constant 0 : i32
    %c0_i32_0 = arith.constant 0 : i32
    %c0_i32_1 = arith.constant 0 : i32
    return %c0_i32, %c0_i32_0 : i32, i32
  }
  func.func @transform_6(%arg0: i32) -> (i32, i32) {
    %c0_i32 = arith.constant 0 : i32
    %c0_i32_0 = arith.constant 0 : i32
    %c0_i32_1 = arith.constant 0 : i32
    return %c0_i32, %c0_i32_0 : i32, i32
  }
  func.func @transform_7(%arg0: i32) -> (i32, i32) {
    %c0_i32 = arith.constant 0 : i32
    %c0_i32_0 = arith.constant 0 : i32
    %c0_i32_1 = arith.constant 0 : i32
    return %c0_i32, %c0_i32_0 : i32, i32
  }
  func.func @transform_8(%arg0: i32) -> (i32, i32) {
    %c0_i32 = arith.constant 0 : i32
    %c0_i32_0 = arith.constant 0 : i32
    %c0_i32_1 = arith.constant 0 : i32
    return %c0_i32, %c0_i32_0 : i32, i32
  }
  func.func @transform_9(%arg0: i32) -> (i32, i32) {
    %c0_i32 = arith.constant 0 : i32
    %c0_i32_0 = arith.constant 0 : i32
    return %arg0, %c0_i32 : i32, i32
  }
}

module attributes {stable_mosaic.version = 14 : i64} {
  func.func @_tc_head_body(%arg0: i32, %arg1: memref<2x2000x128xf32, #tpu.memory_space<vmem>>, %arg2: memref<2000x40xf32, #tpu.memory_space<vmem>>, %arg3: memref<2x2000x8xf32, #tpu.memory_space<vmem>>, %arg4: memref<1x40xf32, #tpu.memory_space<vmem>>, %arg5: memref<40x128xf32, #tpu.memory_space<vmem>>, %arg6: memref<1x128xf32, #tpu.memory_space<vmem>>, %arg7: memref<128x40xf32, #tpu.memory_space<vmem>>, %arg8: memref<1x40xf32, #tpu.memory_space<vmem>>, %arg9: memref<2000x40xf32, #tpu.memory_space<vmem>>) attributes {dimension_semantics = [#tpu.dimension_semantics<arbitrary>], iteration_bounds = array<i64: 5>, scalar_prefetch = 0 : i64, scratch_operands = 0 : i64, tpu.core_type = #tpu.core_type<tc>, window_params = [{transform_indices = @transform_0, window_bounds = array<i64: 2, 2000, 128>}, {transform_indices = @transform_1, window_bounds = array<i64: 2000, 40>}, {transform_indices = @transform_2, window_bounds = array<i64: 2, 2000, 8>}, {pipeline_mode = #tpu.pipeline_mode<synchronous>, transform_indices = @transform_3, window_bounds = array<i64: 1, 40>}, {pipeline_mode = #tpu.pipeline_mode<synchronous>, transform_indices = @transform_4, window_bounds = array<i64: 40, 128>}, {pipeline_mode = #tpu.pipeline_mode<synchronous>, transform_indices = @transform_5, window_bounds = array<i64: 1, 128>}, {pipeline_mode = #tpu.pipeline_mode<synchronous>, transform_indices = @transform_6, window_bounds = array<i64: 128, 40>}, {pipeline_mode = #tpu.pipeline_mode<synchronous>, transform_indices = @transform_7, window_bounds = array<i64: 1, 40>}, {transform_indices = @transform_8, window_bounds = array<i64: 2000, 40>}]} {
    %get3A = arith.constant 0 : index
    %get3A_0 = arith.constant 0 : index
    %get3A_1 = arith.constant 0 : index
    %get3A_2 = vector.load %arg3[%get3A, %get3A_0, %get3A_1] : memref<2x2000x8xf32, #tpu.memory_space<vmem>>, vector<1x2000x1xf32>
    %get3A_3 = vector.shape_cast %get3A_2 : vector<1x2000x1xf32> to vector<2000x1xf32>
    %get3A_4 = arith.constant 1 : index
    %get3A_5 = arith.constant 0 : index
    %get3A_6 = arith.constant 0 : index
    %get3A_7 = vector.load %arg3[%get3A_4, %get3A_5, %get3A_6] : memref<2x2000x8xf32, #tpu.memory_space<vmem>>, vector<1x2000x1xf32>
    %get3A_8 = vector.shape_cast %get3A_7 : vector<1x2000x1xf32> to vector<2000x1xf32>
    %add3A = arith.addf %get3A_3, %get3A_8 : vector<2000x1xf32>
    %sub3A = arith.constant 1.000000e+00 : f32
    %sub3A_9 = vector.broadcast %sub3A : f32 to vector<2000x1xf32>
    %sub3A_10 = arith.subf %add3A, %sub3A_9 : vector<2000x1xf32>
    %max3A = arith.constant 1.000000e+00 : f32
    %max3A_11 = vector.broadcast %max3A : f32 to vector<2000x1xf32>
    %max3A_12 = arith.maximumf %sub3A_10, %max3A_11 : vector<2000x1xf32>
    %rsqrt3A = math.rsqrt %max3A_12 : vector<2000x1xf32>
    %get3A_13 = arith.constant 0 : index
    %get3A_14 = arith.constant 0 : index
    %get3A_15 = arith.constant 0 : index
    %get3A_16 = vector.load %arg1[%get3A_13, %get3A_14, %get3A_15] : memref<2x2000x128xf32, #tpu.memory_space<vmem>>, vector<1x2000x128xf32>
    %get3A_17 = vector.shape_cast %get3A_16 : vector<1x2000x128xf32> to vector<2000x128xf32>
    %slice3A = vector.extract_strided_slice %get3A_17 {offsets = [0, 0], sizes = [2000, 40], strides = [1, 1]} : vector<2000x128xf32> to vector<2000x40xf32>
    %get3A_18 = arith.constant 1 : index
    %get3A_19 = arith.constant 0 : index
    %get3A_20 = arith.constant 0 : index
    %get3A_21 = vector.load %arg1[%get3A_18, %get3A_19, %get3A_20] : memref<2x2000x128xf32, #tpu.memory_space<vmem>>, vector<1x2000x128xf32>
    %get3A_22 = vector.shape_cast %get3A_21 : vector<1x2000x128xf32> to vector<2000x128xf32>
    %slice3A_23 = vector.extract_strided_slice %get3A_22 {offsets = [0, 0], sizes = [2000, 40], strides = [1, 1]} : vector<2000x128xf32> to vector<2000x40xf32>
    %add3A_24 = arith.addf %slice3A, %slice3A_23 : vector<2000x40xf32>
    %get3A_25 = arith.constant 0 : index
    %get3A_26 = arith.constant 0 : index
    %get3A_27 = vector.load %arg2[%get3A_25, %get3A_26] : memref<2000x40xf32, #tpu.memory_space<vmem>>, vector<2000x40xf32>
    %sub3A_28 = arith.subf %add3A_24, %get3A_27 : vector<2000x40xf32>
    %mul3A = vector.broadcast %rsqrt3A : vector<2000x1xf32> to vector<2000x40xf32>
    %mul3A_29 = arith.mulf %mul3A, %sub3A_28 : vector<2000x40xf32>
    %get3A_30 = arith.constant 0 : index
    %get3A_31 = arith.constant 0 : index
    %get3A_32 = vector.load %arg4[%get3A_30, %get3A_31] : memref<1x40xf32, #tpu.memory_space<vmem>>, vector<1x40xf32>
    %add3A_33 = vector.broadcast %get3A_32 : vector<1x40xf32> to vector<2000x40xf32>
    %add3A_34 = arith.addf %mul3A_29, %add3A_33 : vector<2000x40xf32>
    %get3A_35 = arith.constant 0 : index
    %get3A_36 = arith.constant 0 : index
    %get3A_37 = vector.load %arg5[%get3A_35, %get3A_36] : memref<40x128xf32, #tpu.memory_space<vmem>>, vector<40x128xf32>
    %dot_general3A = arith.constant dense<0.000000e+00> : vector<2000x128xf32>
    %dot_general3A_38 = tpu.matmul %add3A_34, %get3A_37, %dot_general3A {dimension_numbers = #tpu.dot_dimension_numbers<[1], [0], [0], [1], [0, 0, 1, 1], [], []>, transpose_lhs_hint = false} : vector<2000x40xf32>, vector<40x128xf32>, vector<2000x128xf32> -> vector<2000x128xf32>
    %get3A_39 = arith.constant 0 : index
    %get3A_40 = arith.constant 0 : index
    %get3A_41 = vector.load %arg6[%get3A_39, %get3A_40] : memref<1x128xf32, #tpu.memory_space<vmem>>, vector<1x128xf32>
    %add3A_42 = vector.broadcast %get3A_41 : vector<1x128xf32> to vector<2000x128xf32>
    %add3A_43 = arith.addf %dot_general3A_38, %add3A_42 : vector<2000x128xf32>
    %max3A_44 = arith.constant 0.000000e+00 : f32
    %max3A_45 = vector.broadcast %max3A_44 : f32 to vector<2000x128xf32>
    %max3A_46 = arith.maximumf %add3A_43, %max3A_45 : vector<2000x128xf32>
    %get3A_47 = arith.constant 0 : index
    %get3A_48 = arith.constant 0 : index
    %get3A_49 = vector.load %arg7[%get3A_47, %get3A_48] : memref<128x40xf32, #tpu.memory_space<vmem>>, vector<128x40xf32>
    %dot_general3A_50 = arith.constant dense<0.000000e+00> : vector<2000x40xf32>
    %dot_general3A_51 = tpu.matmul %max3A_46, %get3A_49, %dot_general3A_50 {dimension_numbers = #tpu.dot_dimension_numbers<[1], [0], [0], [1], [0, 0, 1, 1], [], []>, transpose_lhs_hint = false} : vector<2000x128xf32>, vector<128x40xf32>, vector<2000x40xf32> -> vector<2000x40xf32>
    %get3A_52 = arith.constant 0 : index
    %get3A_53 = arith.constant 0 : index
    %get3A_54 = vector.load %arg8[%get3A_52, %get3A_53] : memref<1x40xf32, #tpu.memory_space<vmem>>, vector<1x40xf32>
    %add3A_55 = vector.broadcast %get3A_54 : vector<1x40xf32> to vector<2000x40xf32>
    %add3A_56 = arith.addf %dot_general3A_51, %add3A_55 : vector<2000x40xf32>
    %reduce_max3A = arith.constant dense<0xFF800000> : vector<2000xf32>
    %reduce_max3A_57 = vector.multi_reduction <maximumf>, %add3A_56, %reduce_max3A [1] : vector<2000x40xf32> to vector<2000xf32>
    %broadcast_in_dim3A = vector.shape_cast %reduce_max3A_57 : vector<2000xf32> to vector<2000x1xf32>
    %sub3A_58 = vector.broadcast %broadcast_in_dim3A : vector<2000x1xf32> to vector<2000x40xf32>
    %sub3A_59 = arith.subf %add3A_56, %sub3A_58 : vector<2000x40xf32>
    %exp3A = math.exp %sub3A_59 : vector<2000x40xf32>
    %reduce_sum3A = arith.constant dense<0.000000e+00> : vector<2000xf32>
    %reduce_sum3A_60 = vector.multi_reduction <add>, %exp3A, %reduce_sum3A [1] : vector<2000x40xf32> to vector<2000xf32>
    %broadcast_in_dim3A_61 = vector.shape_cast %reduce_sum3A_60 : vector<2000xf32> to vector<2000x1xf32>
    %log3A = math.log %broadcast_in_dim3A_61 : vector<2000x1xf32>
    %add3A_62 = arith.addf %log3A, %broadcast_in_dim3A : vector<2000x1xf32>
    %sub3A_63 = vector.broadcast %add3A_62 : vector<2000x1xf32> to vector<2000x40xf32>
    %sub3A_64 = arith.subf %add3A_56, %sub3A_63 : vector<2000x40xf32>
    %swap3A = arith.constant 0 : index
    %swap3A_65 = arith.constant 0 : index
    %swap3A_66 = vector.load %arg9[%swap3A, %swap3A_65] : memref<2000x40xf32, #tpu.memory_space<vmem>>, vector<2000x40xf32>
    tpu.vector_store %arg9[%swap3A, %swap3A_65], %sub3A_64 {strides = array<i32>} : memref<2000x40xf32, #tpu.memory_space<vmem>>, vector<2000x40xf32>,
    return
  }
  func.func @transform_0(%arg0: i32) -> (i32, i32, i32) {
    %c0_i32 = arith.constant 0 : i32
    %c0_i32_0 = arith.constant 0 : i32
    %c0_i32_1 = arith.constant 0 : i32
    return %c0_i32, %arg0, %c0_i32_0 : i32, i32, i32
  }
  func.func @transform_1(%arg0: i32) -> (i32, i32) {
    %c0_i32 = arith.constant 0 : i32
    %c0_i32_0 = arith.constant 0 : i32
    return %arg0, %c0_i32 : i32, i32
  }
  func.func @transform_2(%arg0: i32) -> (i32, i32, i32) {
    %c0_i32 = arith.constant 0 : i32
    %c0_i32_0 = arith.constant 0 : i32
    %c0_i32_1 = arith.constant 0 : i32
    return %c0_i32, %arg0, %c0_i32_0 : i32, i32, i32
  }
  func.func @transform_3(%arg0: i32) -> (i32, i32) {
    %c0_i32 = arith.constant 0 : i32
    %c0_i32_0 = arith.constant 0 : i32
    %c0_i32_1 = arith.constant 0 : i32
    return %c0_i32, %c0_i32_0 : i32, i32
  }
  func.func @transform_4(%arg0: i32) -> (i32, i32) {
    %c0_i32 = arith.constant 0 : i32
    %c0_i32_0 = arith.constant 0 : i32
    %c0_i32_1 = arith.constant 0 : i32
    return %c0_i32, %c0_i32_0 : i32, i32
  }
  func.func @transform_5(%arg0: i32) -> (i32, i32) {
    %c0_i32 = arith.constant 0 : i32
    %c0_i32_0 = arith.constant 0 : i32
    %c0_i32_1 = arith.constant 0 : i32
    return %c0_i32, %c0_i32_0 : i32, i32
  }
  func.func @transform_6(%arg0: i32) -> (i32, i32) {
    %c0_i32 = arith.constant 0 : i32
    %c0_i32_0 = arith.constant 0 : i32
    %c0_i32_1 = arith.constant 0 : i32
    return %c0_i32, %c0_i32_0 : i32, i32
  }
  func.func @transform_7(%arg0: i32) -> (i32, i32) {
    %c0_i32 = arith.constant 0 : i32
    %c0_i32_0 = arith.constant 0 : i32
    %c0_i32_1 = arith.constant 0 : i32
    return %c0_i32, %c0_i32_0 : i32, i32
  }
  func.func @transform_8(%arg0: i32) -> (i32, i32) {
    %c0_i32 = arith.constant 0 : i32
    %c0_i32_0 = arith.constant 0 : i32
    return %arg0, %c0_i32 : i32, i32
  }
}

</mosaic_0001>

<sc_bundles>
// kernel: gcn_deg.3.cloned.1.call-start
scs
__scs_entry_jumppad:
0x0: {  	(pc) =	sbr.rel $0x88, $3  }
0x1: {  	(tag) =	ssettag $0x0;
	lr =	simm.s32 $0x1  }
0x2: {  	[smem:$0x3F8D] =	sst lr;
	_ =	strace $0xD0000000  }
0x3: {  	_ = 	snop  }
0x4: {  	_ = 	snop  }
0x5: {  	_ = 	snop  }
0x6: {  	_ = 	snop  }
0x7: {  	_ = 	snop  }
__scs_overlays_trampoline_lowered:
0x8: {  	[smem:$0x3F9C] =	sst s0  }
0x9: {  	[smem:$0x3F9D] =	sst s1  }
0xa: {  	[smem:$0x3F9E] =	sst s2  }
0xb: {  	[smem:$0x3F9F] =	sst s3  }
0xc: {  	[smem:$0x3FA0] =	sst s4  }
0xd: {  	[smem:$0x3FA1] =	sst s5  }
0xe: {  	[smem:$0x3FA2] =	sst s6  }
0xf: {  	[smem:$0x3FA3] =	sst s7  }
0x10: {  	[smem:$0x3FA4] =	sst s8  }
0x11: {  	[smem:$0x3FA5] =	sst s9;
	s0 =	simm.s32 @!p0 $0x0  }
0x12: {  	s1 =	sld [smem:$0x3F8B];
	s0 =	simm.s32 @p0 $0x1  }
0x13: {  	[smem:$0x3FA6] =	sst s0;
	s0 =	simm.s32 @!p1 $0x0  }
0x14: {  	s2 =	sld [smem:$0x3F8A];
	s0 =	simm.s32 @p1 $0x1  }
0x15: {  	[smem:$0x3FA7] =	sst s0;
	s0 =	simm.s32 @!p2 $0x0  }
0x16: {  	s3 =	sld [smem:$0x3FDB];
	s0 =	simm.s32 @p2 $0x1  }
0x17: {  	s4 =	simm.s32 $0x1BF5;
	[smem:$0x3FA9] =	sst s0  }
0x18: {  	s0 =	sld [smem:$0x3F8C];
	_ =	swait.ge [sflag:s4], $0x0  }
0x19: {  	s7 =	sld [smem:$0x3F8D]  }
0x1a: {  	s8 =	sadd.s32 $0xFFFFE003, lr  }
0x1b: {  	s9 =	sadd.s32 $0xFFFFFEF7, lr;
	s5 =	simm.s32 $0xFFFFFFFF;
	p2 =	slt.u32 s8, $0xFFFFF086  }
0x1c: {  	p1 =	slt.u32 s9, $0xF7A;
	s5 =	simm.s32 @!p2 $0x0  }
0x1d: {  	s5 =	simm.s32 @p1 $0x1;
	p0 =	seq.s32 s7, s2  }
0x1e: {  	s7 =	smul.u32 @!p0 $0xF7A, s2;
	p2 =	seq.s32 @!p0 s5, $0x0  }
0x1f: {  	s9 =	smul.u32 $0xF7A, s1;
	s8 =	simm.s32 @!p0 $0x1BF5;
	p2 =	por !p2, p0  }
0x20: {  	[sflag:s8] =	ssyncset.s32 @!p0 $0xFFFFF086;
	s6 =	sadd.s32 @!p0 s3, s7;
	s7 =	simm.s32 @!p0 $0x108  }
0x21: {  	s3 =	sadd.s32 s3, s9;
	s6 =	sadd.s32 @!p0 $0x88, s6;
	s7 =	simm.s32 @p2 $0x1082  }
0x22: {  	[simem:s7], [sflag:s8] =	dma.local @!p0 [hbm:s6], $0xF7A  }
0x23: {  	s9 =	sor.u32 $0xD0000000, s2;
	s6 =	simm.s32 $0x108;
	_ =	swait.ge @!p0 [sflag:s8], $0x0  }
0x24: {  	s3 =	sadd.s32 $0x88, s3;
	s6 =	simm.s32 @!p1 $0x1082;
	[sflag:s4] =	ssyncset.s32 $0xFFFFF086  }
0x25: {  	[simem:s6], [sflag:s4] =	dma.local [hbm:s3], $0xF7A  }
0x26: {  	[smem:$0x3F8D] =	sst s1;
	(tag) =	ssettag s2;
	_ =	strace s9  }
0x27: {  	s1 =	sld [smem:$0x3F9D]  }
0x28: {  	s2 =	sld [smem:$0x3F9E]  }
0x29: {  	s4 =	sld [smem:$0x3FA0]  }
0x2a: {  	p0 =	seq.s32 s5, $0x0;
	s5 =	sld [smem:$0x3FA1]  }
0x2b: {  	s6 =	sld [smem:$0x3FA2]  }
0x2c: {  	s7 =	sld [smem:$0x3FA3]  }
0x2d: {  	s3 =	simm.s32 $0x108;
	s8 =	sld [smem:$0x3FA4]  }
0x2e: {  	s3 =	simm.s32 @!p0 $0x1082;
	s9 =	sld [smem:$0x3FA5]  }
0x2f: {  	lr =	sadd.s32 s0, s3;
	s0 =	sld [smem:$0x3F9C]  }
0x30: {  	s3 =	sld [smem:$0x3F9F]  }
0x31: {  	[smem:$0x3FA8] =	sst s10  }
0x32: {  	s10 =	sld [smem:$0x3FA6];
	_ =	sdelay $0x3  }
0x33: {  	p0 =	seq.s32 s10, $0x1;
	s10 =	sld [smem:$0x3FA8];
	_ =	sdelay $0x3  }
0x34: {  	[smem:$0x3FA8] =	sst s10  }
0x35: {  	s10 =	sld [smem:$0x3FA7];
	_ =	sdelay $0x3  }
0x36: {  	p1 =	seq.s32 s10, $0x1;
	s10 =	sld [smem:$0x3FA8];
	_ =	sdelay $0x3  }
0x37: {  	[smem:$0x3FA8] =	sst s10  }
0x38: {  	s10 =	sld [smem:$0x3FA9]  }
0x39: {  	_ = 	snop;
	(pc) =	sbr.ind lr, $3  }
0x3a: {  	_ = 	snop  }
0x3b: {  	_ = 	snop  }
0x3c: {  	p2 =	seq.s32 s10, $0x1;
	s10 =	sld [smem:$0x3FA8]  }
0x3d: {  	_ =	shalt  }
0x3e: {  	_ =	shalt  }
0x3f: {  	_ =	shalt  }
0x40: {  	_ =	shalt  }
0x41: {  	_ =	shalt  }
0x42: {  	_ =	shalt  }
0x43: {  	_ =	shalt  }
0x44: {  	_ =	shalt  }
0x45: {  	_ =	shalt  }
0x46: {  	_ =	shalt  }
0x47: {  	_ =	shalt  }
0x48: {  	_ =	shalt  }
0x49: {  	_ =	shalt  }
0x4a: {  	_ =	shalt  }
0x4b: {  	_ =	shalt  }
0x4c: {  	_ =	shalt  }
0x4d: {  	_ =	shalt  }
0x4e: {  	_ =	shalt  }
0x4f: {  	_ =	shalt  }
0x50: {  	_ =	shalt  }
0x51: {  	_ =	shalt  }
0x52: {  	_ =	shalt  }
0x53: {  	_ =	shalt  }
0x54: {  	_ =	shalt  }
0x55: {  	_ =	shalt  }
0x56: {  	_ =	shalt  }
0x57: {  	_ =	shalt  }
0x58: {  	_ =	shalt  }
0x59: {  	_ =	shalt  }
0x5a: {  	_ =	shalt  }
0x5b: {  	_ =	shalt  }
0x5c: {  	_ =	shalt  }
0x5d: {  	_ =	shalt  }
0x5e: {  	_ =	shalt  }
0x5f: {  	_ =	shalt  }
0x60: {  	_ =	shalt  }
0x61: {  	_ =	shalt  }
0x62: {  	_ =	shalt  }
0x63: {  	_ =	shalt  }
0x64: {  	_ =	shalt  }
0x65: {  	_ =	shalt  }
0x66: {  	_ =	shalt  }
0x67: {  	_ =	shalt  }
0x68: {  	_ =	shalt  }
0x69: {  	_ =	shalt  }
0x6a: {  	_ =	shalt  }
0x6b: {  	_ =	shalt  }
0x6c: {  	_ =	shalt  }
0x6d: {  	_ =	shalt  }
0x6e: {  	_ =	shalt  }
0x6f: {  	_ =	shalt  }
0x70: {  	_ =	shalt  }
0x71: {  	_ =	shalt  }
0x72: {  	_ =	shalt  }
0x73: {  	_ =	shalt  }
0x74: {  	_ =	shalt  }
0x75: {  	_ =	shalt  }
0x76: {  	_ =	shalt  }
0x77: {  	_ =	shalt  }
0x78: {  	_ =	shalt  }
0x79: {  	_ =	shalt  }
0x7a: {  	_ =	shalt  }
0x7b: {  	_ =	shalt  }
0x7c: {  	_ =	shalt  }
0x7d: {  	_ =	shalt  }
0x7e: {  	_ =	shalt  }
0x7f: {  	_ =	shalt  }
0x80: {  	_ =	shalt  }
0x81: {  	_ =	shalt  }
0x82: {  	_ =	shalt  }
0x83: {  	_ =	shalt  }
0x84: {  	_ =	shalt  }
0x85: {  	_ =	shalt  }
0x86: {  	_ =	shalt  }
0x87: {  	_ =	shalt  }
.Lfunc_end0:
.L_simem_size_0:
called_computation_lowered:
.L_overlay_start_0:
0x88: {  	s2 =	sld [smem:$0x3FD9]  }
0x89: {  	s3 =	sld [smem:$0x3FFE];
	_ =	sdelay $0x1  }
0x8a: {  	s1 =	srdreg.scid  }
0x8b: {  	s0 =	sand.u32 $0x1, s1  }
0x8c: {  	s16 =	sshll.u32 s0, $0xA;
	s2 =	sadd.s32 s3, s2  }
0x8d: {  	s2 =	sadd.s32 s2, s16  }
0x8e: {  	[smem:$0x3FB4] =	sst s2  }
0x8f: {  	_ = 	snop  }
0x90: {  	(tm) =	ssettm $0x1  }
0x91: {  	s17 =	sld [smem:$0x3FFB];
	_ =	sdelay $0x3  }
0x92: {  	_ =	strace s17  }
0x93: {  	s2 =	sld [smem:$0x3FFC];
	_ =	sdelay $0x3  }
0x94: {  	_ =	strace s2  }
0x95: {  	s2 =	sld [smem:$0x3FFD];
	_ =	sdelay $0x3  }
0x96: {  	_ =	strace s2  }
0x97: {  	_ =	strace $0x8FFFFFFF  }
0x98: {  	s18 =	sld [smem:$0x3FDB];
	_ =	sdelay $0x1  }
0x99: {  	s19 =	simm.s32 $_scs_section_size  }
0x9a: {  	s4 =	simm.s32 $_size__tile_overlayer_lowered;
	s5 =	simm.s32 $_tile_overlayer_lowered  }
0x9b: {  	s22 =	simm.s32 $0x1BFF;
	s21 =	sshll.u32 s5, $0x1;
	s2 =	sadd.s32 s19, s18  }
0x9c: {  	s6 =	simm.s32 $0x0;
	s20 =	sshll.u32 s4, $0x1;
	s4 =	sadd.s32 s21, s2  }
0x9d: {  	[timem:s6], [sflag:s22] =	dma.local [hbm:s4], s20  }
0x9e: {  	_ =	swait.ge [sflag:s22], s20  }
0x9f: {  	s3 =	ssub.s32 $0x0, s20;
	[sflag:s22] =	ssyncset.done $0x0  }
0xa0: {  	[sflag:s22] =	ssyncadd.s32 s3;
	_ =	sdelay $0x1  }
0xa1: {  	s23 =	simm.s32 $0x1B8B  }
0xa2: {  	_ =	swait.ge [sflag:s23], $0x1  }
0xa3: {  	[sflag:s23] =	ssyncset.done $0x0  }
0xa4: {  	s25 =	simm.s32 $0x1B8E;
	s24 =	sld [smem:$0x3FFE];
	[sflag:s23] =	ssyncadd.s32 $0xFFFFFFFF  }
0xa5: {  	s26 =	simm.s32 $execute0_lowered;
	[smem:$0x3FD2] =	sst s25  }
0xa6: {  	s4 =	sshll.u32 s26, $0x1;
	_ =	strace $0x80000046;
	[dreg:$0x1] =	wrdreg $0xFFFFFFFF  }
0xa7: {  	s28 =	simm.s32 $_size_execute0_lowered;
	s2 =	sadd.s32 s2, s4;
	[dreg:$0x0] =	wrdreg $0x0  }
0xa8: {  	s4 =	sshll.u32 s28, $0x1;
	[dreg:$0x2] =	wrdreg s2  }
0xa9: {  	[dreg:$0x3] =	wrdreg s4  }
0xaa: {  	[dreg:$0x4] =	wrdreg $0xC0  }
0xab: {  	_ =	task [dreg:s6], $0x5FFFF  }
0xac: {  	[dreg:$0x1] =	wrdreg $0xFFFFFFFF  }
0xad: {  	[dreg:$0x0] =	wrdreg $0x60  }
0xae: {  	[dreg:$0x2] =	wrdreg s24  }
0xaf: {  	[dreg:$0x3] =	wrdreg $0x0  }
0xb0: {  	[dreg:$0x4] =	wrdreg $0x9  }
0xb1: {  	_ =	task.clear_ibuf [dreg:s6], $0x5FFFF;
	_ =	strace $0x90000046  }
0xb2: {  	s29 =	simm.s32 $0x9;
	_ =	strace $0x80000048  }
0xb3: {  	_ =	swait.ge [sflag:s29], $0x1  }
0xb4: {  	[sflag:s29] =	ssyncadd.s32 $0xFFFFFFFF  }
0xb5: {  	_ =	strace $0x90000048  }
0xb6: {  	_ =	sfence  }
0xb7: {  	s30 =	sld [smem:$0x0];
	_ =	sdelay $0x2  }
0xb8: {  	s31 =	sshll.u32 s1, $0xD;
	s1 =	sshrl.u32 s1, $0x2  }
0xb9: {  	s3 =	sand.u32 $0x4000, s31;
	s1 =	sadd.s32 s1, s30  }
0xba: {  	s0 =	sor.u32 s3, s0;
	s1 =	sshll.u32 s1, $0x11  }
0xbb: {  	s0 =	sor.u32 s1, s0  }
0xbc: {  	s0 =	sadd.s32 $0x8F2B, s0  }
0xbd: {  	[sflag:s0] =	ssyncadd.remote.s32 $0x1  }
0xbe: {  	_ =	sfence.sel $0xFFFF  }
0xbf: {  	[dreg:$0x0] =	wrdreg $0xFFFFFFFF;
	(pc) =	sbr.abs _section_cstart, $3  }
0xc0: {  	[dreg:$0x1] =	wrdreg $0xFFFFFFFF  }
0xc1: {  	_ =	task.clear_ibuf [dreg:s6], $0x2FFFF;
	_ =	strace $0x9FFFFFFF  }
0xc2: {  	(tm) =	ssettm $0x7FFFFFFF  }
0xc3: {  	_ =	shalt  }
tec
execute0_lowered:
.L_overlay_start_1:
0x0: {  	(tag) =	ssettag $0x1  }
0x1: {  	s5 =	rddreg [dreg:$0x0]  }
0x2: {  	s2 =	rddreg [dreg:$0x1]  }
0x3: {  	s1 =	srdreg.scid;
	s0 =	rddreg [dreg:$0x2]  }
0x4: {  	s3 =	simm.s32 $0x0;
	s13 =	simm.s32 $0x3B90;
	s15 =	simm.s32 $0x80  }
0x5: {  	s16 =	simm.s32 $0x1;
	s6 =	sand.u32 $0x1, s1;
	s1 =	stileid.u32  }
0x6: {  	s17 =	simm.s32 $0x0;
	[smem:$0x7FF] =	sst s3;
	s7 =	smul.u32 $0x13880, s6  }
0x7: {  	s4 =	sshll.u32 s6, $0x4;
	s8 =	smul.u32 $0xC80, s1;
	_ =	strace $0x80000047  }
0x8: {  	s6 =	ssub.s32 $0x2, s6;
	s29 =	smul.u32 $0x3200, s1;
	s31 =	ssub.s32 $0x28, s1  }
0x9: {  	s11 =	smul.u32 $0x190, s1;
	s14 =	sshll.u32 s1, $0x6;
	s4 =	sor.u32 s1, s4  }
0xa: {  	s28 =	sshrl.u32 s6, $0x1;
	s14 =	sor.u32 $0x1C02, s14;
	s9 =	smul.u32 $0x500, s4  }
0xb: {  	s4 =	sadd.s32 $0x19400, s5;
	s7 =	sadd.s32 s8, s7;
	s30 =	ssub.s32 s6, s28  }
0xc: {  	s6 =	sshrl.u32 s31, $0x4;
	s12 =	sshrl.u32 s29, $0x2;
	s7 =	sshrl.u32 s7, $0x3  }
0xd: {  	s8 =	sadd.s32 s11, s4;
	s11 =	simm.s32 $0x1390;
	s26 =	sadd.s32 s9, s5  }
0xe: {  	s10 =	sadd.s32 s7, s5;
	s7 =	smax.u32 s30, $0x1;
	s9 =	sadd.s32 s12, s2  }
0xf: {  	s12 =	simm.s32 $0x2;
	s5 =	sadd.s32 $0x5400, s26;
	s10 =	sadd.s32 $0x1BC00, s10  }
.LBB2_1:
0x10: {  	[tilespmem:s11], [sflag:$0x2] =	stream.linear.gather [hbm4b:s5+s3], $0x2800, $0x38;
	[tilespmem:$0x3F90] =	vst v63  }
0x11: {  	_ =	swait.ge [sflag:s12], $0x2800  }
0x12: {  	[sflag:s12] =	ssyncset.done $0x0  }
0x13: {  	[sflag:s12] =	ssyncadd.s32 $0xFFFFD800  }
0x14: {  	[tilespmem:s13], [sflag:$0x2] =	stream.linear.gather [hbm4b:s4+s3], $0x400, $0x38;
	[tilespmem:$0x3F90] =	vst v63  }
0x15: {  	p0 =	sne.s32 s6, $0x1;
	_ =	swait.ge [sflag:s12], $0x400  }
.Ltmp0:
0x16: {  	[sflag:s12] =	ssyncset.done $0x0;
	(pc) =	sbr.rel @!p0 .LBB2_3-.Ltmp0, $4  }
0x17: {  	s18 =	sshrl.u32 s9, $0x3;
	[sflag:s12] =	ssyncadd.s32 $0xFFFFFC00  }
0x18: {  	[spmem:s18], [sflag:s14] =	dma.local [hbm:s8], $0x190  }
0x19: {  	s19 =	sadd.s32 $0xFFFFFFFF, s6;
	_ =	swait.ge [sflag:s12], $0x190  }
0x1a: {  	s20 =	sadd.s32 $0xC800, s9;
	s21 =	smov.u32 s8;
	[sflag:s12] =	ssyncset.done $0x0  }
.LBB2_2:
0x1b: {  	s22 =	sshrl.u32 s20, $0x3  }
0x1c: {  	[sflag:s12] =	ssyncadd.s32 $0xFFFFFE70;
	s21 =	sadd.s32 $0x1900, s21;
	p1 =	sne.s32 s19, $0x1  }
0x1d: {  	[spmem:s22], [sflag:s14] =	dma.local [hbm:s21], $0x190  }
.Ltmp1:
0x1e: {  	_ = 	snop;
	(pc) =	sbr.rel @p1 .LBB2_2-.Ltmp1, $4  }
0x1f: {  	_ = 	snop  }
0x20: {  	s19 =	sadd.s32 $0xFFFFFFFF, s19  }
0x21: {  	_ =	swait.ge [sflag:s12], $0x190  }
0x22: {  	s20 =	sadd.s32 $0xC800, s20;
	[sflag:s12] =	ssyncset.done $0x0  }
.LBB2_3:
0x23: {  	[sflag:s12] =	ssyncadd.s32 $0xFFFFFE70  }
0x24: {  	s19 =	simm.s32 $0x1390;
	[bflag:$0x0] =	sbarrier.arrive $0xFFFF  }
0x25: {  	[spmem:s2] =	stream.indirect.scatter.add.f32 [tilespmem:s13], [sflag:$0x1], $0x8, s19, s15, $0xb8;
	[tilespmem:$0x3F90] =	vst v63  }
0x26: {  	s24 =	simm.s32 $0x1410  }
0x27: {  	[spmem:s2] =	stream.indirect.scatter.add.f32 [tilespmem:s13], [sflag:$0x1], $0x8, s24, s15, $0xb8;
	[tilespmem:$0x3F90] =	vst v63  }
0x28: {  	s25 =	simm.s32 $0x1490  }
0x29: {  	[spmem:s2] =	stream.indirect.scatter.add.f32 [tilespmem:s13], [sflag:$0x1], $0x8, s25, s15, $0xb8;
	[tilespmem:$0x3F90] =	vst v63  }
0x2a: {  	s26 =	simm.s32 $0x1510  }
0x2b: {  	[spmem:s2] =	stream.indirect.scatter.add.f32 [tilespmem:s13], [sflag:$0x1], $0x8, s26, s15, $0xb8;
	[tilespmem:$0x3F90] =	vst v63  }
0x2c: {  	s28 =	simm.s32 $0x1590  }
0x2d: {  	[spmem:s2] =	stream.indirect.scatter.add.f32 [tilespmem:s13], [sflag:$0x1], $0x8, s28, s15, $0xb8;
	[tilespmem:$0x3F90] =	vst v63  }
0x2e: {  	s29 =	simm.s32 $0x1610  }
0x2f: {  	[spmem:s2] =	stream.indirect.scatter.add.f32 [tilespmem:s13], [sflag:$0x1], $0x8, s29, s15, $0xb8;
	[tilespmem:$0x3F90] =	vst v63  }
0x30: {  	s30 =	simm.s32 $0x1690  }
0x31: {  	[spmem:s2] =	stream.indirect.scatter.add.f32 [tilespmem:s13], [sflag:$0x1], $0x8, s30, s15, $0xb8;
	[tilespmem:$0x3F90] =	vst v63  }
0x32: {  	s31 =	simm.s32 $0x1710  }
0x33: {  	[spmem:s2] =	stream.indirect.scatter.add.f32 [tilespmem:s13], [sflag:$0x1], $0x8, s31, s15, $0xb8;
	[tilespmem:$0x3F90] =	vst v63  }
0x34: {  	_ =	swait.ge [sflag:s16], $0x400  }
0x35: {  	[sflag:s16] =	ssyncset.done $0x0  }
0x36: {  	[sflag:s16] =	ssyncadd.s32 $0xFFFFFC00  }
0x37: {  	_ =	swait.ge [sflag:s16], $0x400  }
0x38: {  	[sflag:s16] =	ssyncset.done $0x0  }
0x39: {  	[sflag:s16] =	ssyncadd.s32 $0xFFFFFC00  }
0x3a: {  	_ =	swait.ge [sflag:s16], $0x400  }
0x3b: {  	[sflag:s16] =	ssyncset.done $0x0  }
0x3c: {  	[sflag:s16] =	ssyncadd.s32 $0xFFFFFC00  }
0x3d: {  	_ =	swait.ge [sflag:s16], $0x400  }
0x3e: {  	[sflag:s16] =	ssyncset.done $0x0  }
0x3f: {  	[sflag:s16] =	ssyncadd.s32 $0xFFFFFC00  }
0x40: {  	_ =	swait.ge [sflag:s16], $0x400  }
0x41: {  	[sflag:s16] =	ssyncset.done $0x0  }
0x42: {  	[sflag:s16] =	ssyncadd.s32 $0xFFFFFC00  }
0x43: {  	_ =	swait.ge [sflag:s16], $0x400  }
0x44: {  	[sflag:s16] =	ssyncset.done $0x0  }
0x45: {  	[sflag:s16] =	ssyncadd.s32 $0xFFFFFC00  }
0x46: {  	_ =	swait.ge [sflag:s16], $0x400  }
0x47: {  	[sflag:s16] =	ssyncset.done $0x0  }
0x48: {  	[sflag:s16] =	ssyncadd.s32 $0xFFFFFC00  }
0x49: {  	_ =	swait.ge [sflag:s16], $0x400  }
0x4a: {  	s22 =	simm.s32 $0x2000;
	s21 =	simm.s32 $0x400;
	[sflag:s16] =	ssyncset.done $0x0  }
.LBB2_4:
0x4b: {  	s23 =	sadd.s32 $0x1390, s21  }
0x4c: {  	[sflag:s16] =	ssyncadd.s32 $0xFFFFFC00;
	s20 =	smov.u32 s22;
	s19 =	sadd.s32 $0x1000, s22  }
0x4d: {  	[spmem:s2] =	stream.indirect.scatter.add.f32 [tilespmem:s13], [sflag:$0x1], $0x8, s23, s15, $0xb8;
	[tilespmem:$0x3F90] =	vst v63  }
0x4e: {  	p1 =	sne.s32 s22, $0x9000;
	s22 =	sadd.s32 $0x1410, s21  }
0x4f: {  	[spmem:s2] =	stream.indirect.scatter.add.f32 [tilespmem:s13], [sflag:$0x1], $0x8, s22, s15, $0xb8;
	[tilespmem:$0x3F90] =	vst v63  }
0x50: {  	s22 =	sadd.s32 $0x1490, s21  }
0x51: {  	[spmem:s2] =	stream.indirect.scatter.add.f32 [tilespmem:s13], [sflag:$0x1], $0x8, s22, s15, $0xb8;
	[tilespmem:$0x3F90] =	vst v63  }
0x52: {  	s22 =	sadd.s32 $0x1510, s21  }
0x53: {  	[spmem:s2] =	stream.indirect.scatter.add.f32 [tilespmem:s13], [sflag:$0x1], $0x8, s22, s15, $0xb8;
	[tilespmem:$0x3F90] =	vst v63  }
0x54: {  	s22 =	sadd.s32 $0x1590, s21  }
0x55: {  	[spmem:s2] =	stream.indirect.scatter.add.f32 [tilespmem:s13], [sflag:$0x1], $0x8, s22, s15, $0xb8;
	[tilespmem:$0x3F90] =	vst v63  }
0x56: {  	s22 =	sadd.s32 $0x1610, s21  }
0x57: {  	[spmem:s2] =	stream.indirect.scatter.add.f32 [tilespmem:s13], [sflag:$0x1], $0x8, s22, s15, $0xb8;
	[tilespmem:$0x3F90] =	vst v63  }
0x58: {  	s22 =	sadd.s32 $0x1690, s21  }
0x59: {  	[spmem:s2] =	stream.indirect.scatter.add.f32 [tilespmem:s13], [sflag:$0x1], $0x8, s22, s15, $0xb8;
	[tilespmem:$0x3F90] =	vst v63  }
0x5a: {  	s21 =	sadd.s32 $0x1710, s21  }
0x5b: {  	[spmem:s2] =	stream.indirect.scatter.add.f32 [tilespmem:s13], [sflag:$0x1], $0x8, s21, s15, $0xb8;
	[tilespmem:$0x3F90] =	vst v63  }
0x5c: {  	_ =	swait.ge [sflag:s16], $0x400  }
0x5d: {  	[sflag:s16] =	ssyncset.done $0x0  }
0x5e: {  	[sflag:s16] =	ssyncadd.s32 $0xFFFFFC00  }
0x5f: {  	_ =	swait.ge [sflag:s16], $0x400  }
0x60: {  	[sflag:s16] =	ssyncset.done $0x0  }
0x61: {  	[sflag:s16] =	ssyncadd.s32 $0xFFFFFC00  }
0x62: {  	_ =	swait.ge [sflag:s16], $0x400  }
0x63: {  	[sflag:s16] =	ssyncset.done $0x0  }
0x64: {  	[sflag:s16] =	ssyncadd.s32 $0xFFFFFC00  }
0x65: {  	_ =	swait.ge [sflag:s16], $0x400  }
0x66: {  	[sflag:s16] =	ssyncset.done $0x0  }
0x67: {  	[sflag:s16] =	ssyncadd.s32 $0xFFFFFC00  }
0x68: {  	_ =	swait.ge [sflag:s16], $0x400  }
0x69: {  	[sflag:s16] =	ssyncset.done $0x0  }
0x6a: {  	[sflag:s16] =	ssyncadd.s32 $0xFFFFFC00  }
0x6b: {  	_ =	swait.ge [sflag:s16], $0x400  }
0x6c: {  	[sflag:s16] =	ssyncset.done $0x0  }
0x6d: {  	[sflag:s16] =	ssyncadd.s32 $0xFFFFFC00  }
.Ltmp2:
0x6e: {  	_ =	swait.ge [sflag:s16], $0x400;
	(pc) =	sbr.rel @p1 .LBB2_4-.Ltmp2, $4  }
0x6f: {  	[sflag:s16] =	ssyncset.done $0x0  }
0x70: {  	[sflag:s16] =	ssyncadd.s32 $0xFFFFFC00  }
0x71: {  	_ =	swait.ge [sflag:s16], $0x400  }
0x72: {  	s22 =	smov.u32 s19;
	s21 =	sshra.s32 s20, $0x2;
	[sflag:s16] =	ssyncset.done $0x0  }
0x73: {  	s19 =	sadd.s32 $0x1390, s21;
	[sflag:s16] =	ssyncadd.s32 $0xFFFFFC00  }
0x74: {  	[spmem:s2] =	stream.indirect.scatter.add.f32 [tilespmem:s13], [sflag:$0x1], $0x8, s19, s15, $0xb8;
	[tilespmem:$0x3F90] =	vst v63  }
0x75: {  	s24 =	sadd.s32 $0x1410, s21  }
0x76: {  	[spmem:s2] =	stream.indirect.scatter.add.f32 [tilespmem:s13], [sflag:$0x1], $0x8, s24, s15, $0xb8;
	[tilespmem:$0x3F90] =	vst v63  }
0x77: {  	s25 =	sadd.s32 $0x1490, s21  }
0x78: {  	[spmem:s2] =	stream.indirect.scatter.add.f32 [tilespmem:s13], [sflag:$0x1], $0x8, s25, s15, $0xb8;
	[tilespmem:$0x3F90] =	vst v63  }
0x79: {  	s26 =	sadd.s32 $0x1510, s21  }
0x7a: {  	[spmem:s2] =	stream.indirect.scatter.add.f32 [tilespmem:s13], [sflag:$0x1], $0x8, s26, s15, $0xb8;
	[tilespmem:$0x3F90] =	vst v63  }
0x7b: {  	s28 =	sadd.s32 $0x1590, s21  }
0x7c: {  	[spmem:s2] =	stream.indirect.scatter.add.f32 [tilespmem:s13], [sflag:$0x1], $0x8, s28, s15, $0xb8;
	[tilespmem:$0x3F90] =	vst v63  }
0x7d: {  	s29 =	sadd.s32 $0x1610, s21  }
0x7e: {  	[spmem:s2] =	stream.indirect.scatter.add.f32 [tilespmem:s13], [sflag:$0x1], $0x8, s29, s15, $0xb8;
	[tilespmem:$0x3F90] =	vst v63  }
0x7f: {  	s30 =	sadd.s32 $0x1690, s21  }
0x80: {  	[spmem:s2] =	stream.indirect.scatter.add.f32 [tilespmem:s13], [sflag:$0x1], $0x8, s30, s15, $0xb8;
	[tilespmem:$0x3F90] =	vst v63  }
0x81: {  	s31 =	sadd.s32 $0x1710, s21  }
0x82: {  	[spmem:s2] =	stream.indirect.scatter.add.f32 [tilespmem:s13], [sflag:$0x1], $0x8, s31, s15, $0xb8;
	[tilespmem:$0x3F90] =	vst v63  }
0x83: {  	_ =	swait.ge [sflag:s16], $0x400  }
0x84: {  	[sflag:s16] =	ssyncset.done $0x0  }
0x85: {  	[sflag:s16] =	ssyncadd.s32 $0xFFFFFC00  }
0x86: {  	_ =	swait.ge [sflag:s16], $0x400  }
0x87: {  	[sflag:s16] =	ssyncset.done $0x0  }
0x88: {  	[sflag:s16] =	ssyncadd.s32 $0xFFFFFC00  }
0x89: {  	_ =	swait.ge [sflag:s16], $0x400  }
0x8a: {  	[sflag:s16] =	ssyncset.done $0x0  }
0x8b: {  	[sflag:s16] =	ssyncadd.s32 $0xFFFFFC00  }
0x8c: {  	_ =	swait.ge [sflag:s16], $0x400  }
0x8d: {  	[sflag:s16] =	ssyncset.done $0x0  }
0x8e: {  	[sflag:s16] =	ssyncadd.s32 $0xFFFFFC00  }
0x8f: {  	_ =	swait.ge [sflag:s16], $0x400  }
0x90: {  	[sflag:s16] =	ssyncset.done $0x0  }
0x91: {  	[sflag:s16] =	ssyncadd.s32 $0xFFFFFC00  }
0x92: {  	_ =	swait.ge [sflag:s16], $0x400  }
0x93: {  	[sflag:s16] =	ssyncset.done $0x0  }
0x94: {  	[sflag:s16] =	ssyncadd.s32 $0xFFFFFC00  }
0x95: {  	_ =	swait.ge [sflag:s16], $0x400  }
0x96: {  	[sflag:s16] =	ssyncset.done $0x0  }
0x97: {  	[sflag:s16] =	ssyncadd.s32 $0xFFFFFC00  }
0x98: {  	_ =	swait.ge [sflag:s16], $0x400  }
0x99: {  	[sflag:s16] =	ssyncset.done $0x0  }
.Ltmp3:
0x9a: {  	[sflag:s16] =	ssyncadd.s32 $0xFFFFFC00;
	(pc) =	sbr.rel @!p0 .LBB2_7-.Ltmp3, $4  }
0x9b: {  	[bflag:$0x0] =	sbarrier.arrive $0xFFFF  }
0x9c: {  	[hbm:s10], [sflag:s14] =	dma.local [spmem:s18], $0x190  }
0x9d: {  	s20 =	smov.u32 s10;
	_ =	swait.ge [sflag:s12], $0x190  }
0x9e: {  	s19 =	sadd.s32 $0xC800, s9;
	s18 =	sadd.s32 $0xFFFFFFFF, s6;
	[sflag:s12] =	ssyncset.done $0x0  }
.LBB2_6:
0x9f: {  	s21 =	sshrl.u32 s19, $0x3  }
0xa0: {  	[sflag:s12] =	ssyncadd.s32 $0xFFFFFE70;
	s20 =	sadd.s32 $0x1900, s20;
	p0 =	sne.s32 s18, $0x1  }
0xa1: {  	[hbm:s20], [sflag:s14] =	dma.local [spmem:s21], $0x190  }
.Ltmp4:
0xa2: {  	_ = 	snop;
	(pc) =	sbr.rel @p0 .LBB2_6-.Ltmp4, $4  }
0xa3: {  	_ = 	snop  }
0xa4: {  	s18 =	sadd.s32 $0xFFFFFFFF, s18  }
0xa5: {  	_ =	swait.ge [sflag:s12], $0x190  }
0xa6: {  	s19 =	sadd.s32 $0xC800, s19;
	[sflag:s12] =	ssyncset.done $0x0  }
.LBB2_7:
0xa7: {  	s17 =	sadd.s32 $0x1, s17  }
0xa8: {  	p0 =	sne.s32 s17, s7  }
.Ltmp5:
0xa9: {  	_ = 	snop;
	(pc) =	sbr.rel @p0 .LBB2_1-.Ltmp5, $2  }
0xaa: {  	_ =	sdelay $0x2  }
0xab: {  	[sflag:s12] =	ssyncadd.s32 $0xFFFFFE70  }
0xac: {  	_ =	sfence.sel $0x180000  }
0xad: {  	[bflag:$0x0] =	sbarrier.arrive $0xFFFF  }
0xae: {  	p0 =	sne.s32 s1, $0x0;
	_ =	strace $0x90000047  }
0xaf: {  	s0 =	sadd.s32 @!p0 $0x100000, s0;
	[bflag:$0x2] =	sbarrier.arrive $0xFFFF  }
0xb0: {  	[sflag:s0] =	ssyncadd.tile.s32 @!p0 $0x1;
	_ =	shalt  }
.Lfunc_end2:
_tile_overlayer_lowered:
.L_overlay_start_2:
0xb1: {  	(tag) =	ssettag $0x2  }
0xb2: {  	s0 =	rddreg [dreg:$0x0];
	s2 =	stileid.u32  }
0xb3: {  	s1 =	rddreg [dreg:$0x1];
	p0 =	sne.s32 s2, $0x0  }
0xb4: {  	s3 =	rddreg [dreg:$0x2];
	[bflag:$0x3] =	sbarrier.arrive $0xFFFF;
	s2 =	simm.s32 @!p0 $0x1C02  }
0xb5: {  	[timem:s3], [sflag:s2] =	dma.local @!p0 [hbm:s0], s1  }
0xb6: {  	s0 =	simm.s32 @!p0 $0x2  }
0xb7: {  	_ =	swait.ge @!p0 [sflag:s0], s1  }
0xb8: {  	s1 =	ssub.s32 @!p0 $0x0, s1;
	[sflag:s0] =	ssyncset.done @!p0 $0x0  }
0xb9: {  	[sflag:s0] =	ssyncadd.s32 @!p0 s1  }
0xba: {  	[bflag:$0x3] =	sbarrier.arrive $0xFFFF  }
0xbb: {  	_ =	shalt  }

// kernel: gcn_prop_d128.4.cloned.1.call-start
scs
__scs_entry_jumppad:
0x0: {  	(pc) =	sbr.rel $0x88, $3  }
0x1: {  	(tag) =	ssettag $0x0;
	lr =	simm.s32 $0x1  }
0x2: {  	[smem:$0x3F8D] =	sst lr;
	_ =	strace $0xD0000000  }
0x3: {  	_ = 	snop  }
0x4: {  	_ = 	snop  }
0x5: {  	_ = 	snop  }
0x6: {  	_ = 	snop  }
0x7: {  	_ = 	snop  }
__scs_overlays_trampoline_lowered:
0x8: {  	[smem:$0x3F9C] =	sst s0  }
0x9: {  	[smem:$0x3F9D] =	sst s1  }
0xa: {  	[smem:$0x3F9E] =	sst s2  }
0xb: {  	[smem:$0x3F9F] =	sst s3  }
0xc: {  	[smem:$0x3FA0] =	sst s4  }
0xd: {  	[smem:$0x3FA1] =	sst s5  }
0xe: {  	[smem:$0x3FA2] =	sst s6  }
0xf: {  	[smem:$0x3FA3] =	sst s7  }
0x10: {  	[smem:$0x3FA4] =	sst s8  }
0x11: {  	[smem:$0x3FA5] =	sst s9;
	s0 =	simm.s32 @!p0 $0x0  }
0x12: {  	s1 =	sld [smem:$0x3F8B];
	s0 =	simm.s32 @p0 $0x1  }
0x13: {  	[smem:$0x3FA6] =	sst s0;
	s0 =	simm.s32 @!p1 $0x0  }
0x14: {  	s2 =	sld [smem:$0x3F8A];
	s0 =	simm.s32 @p1 $0x1  }
0x15: {  	[smem:$0x3FA7] =	sst s0;
	s0 =	simm.s32 @!p2 $0x0  }
0x16: {  	s3 =	sld [smem:$0x3FDB];
	s0 =	simm.s32 @p2 $0x1  }
0x17: {  	s4 =	simm.s32 $0x1BF5;
	[smem:$0x3FA9] =	sst s0  }
0x18: {  	s0 =	sld [smem:$0x3F8C];
	_ =	swait.ge [sflag:s4], $0x0  }
0x19: {  	s7 =	sld [smem:$0x3F8D]  }
0x1a: {  	s8 =	sadd.s32 $0xFFFFE003, lr  }
0x1b: {  	s9 =	sadd.s32 $0xFFFFFEF7, lr;
	s5 =	simm.s32 $0xFFFFFFFF;
	p2 =	slt.u32 s8, $0xFFFFF086  }
0x1c: {  	p1 =	slt.u32 s9, $0xF7A;
	s5 =	simm.s32 @!p2 $0x0  }
0x1d: {  	s5 =	simm.s32 @p1 $0x1;
	p0 =	seq.s32 s7, s2  }
0x1e: {  	s7 =	smul.u32 @!p0 $0xF7A, s2;
	p2 =	seq.s32 @!p0 s5, $0x0  }
0x1f: {  	s9 =	smul.u32 $0xF7A, s1;
	s8 =	simm.s32 @!p0 $0x1BF5;
	p2 =	por !p2, p0  }
0x20: {  	[sflag:s8] =	ssyncset.s32 @!p0 $0xFFFFF086;
	s6 =	sadd.s32 @!p0 s3, s7;
	s7 =	simm.s32 @!p0 $0x108  }
0x21: {  	s3 =	sadd.s32 s3, s9;
	s6 =	sadd.s32 @!p0 $0x88, s6;
	s7 =	simm.s32 @p2 $0x1082  }
0x22: {  	[simem:s7], [sflag:s8] =	dma.local @!p0 [hbm:s6], $0xF7A  }
0x23: {  	s9 =	sor.u32 $0xD0000000, s2;
	s6 =	simm.s32 $0x108;
	_ =	swait.ge @!p0 [sflag:s8], $0x0  }
0x24: {  	s3 =	sadd.s32 $0x88, s3;
	s6 =	simm.s32 @!p1 $0x1082;
	[sflag:s4] =	ssyncset.s32 $0xFFFFF086  }
0x25: {  	[simem:s6], [sflag:s4] =	dma.local [hbm:s3], $0xF7A  }
0x26: {  	[smem:$0x3F8D] =	sst s1;
	(tag) =	ssettag s2;
	_ =	strace s9  }
0x27: {  	s1 =	sld [smem:$0x3F9D]  }
0x28: {  	s2 =	sld [smem:$0x3F9E]  }
0x29: {  	s4 =	sld [smem:$0x3FA0]  }
0x2a: {  	p0 =	seq.s32 s5, $0x0;
	s5 =	sld [smem:$0x3FA1]  }
0x2b: {  	s6 =	sld [smem:$0x3FA2]  }
0x2c: {  	s7 =	sld [smem:$0x3FA3]  }
0x2d: {  	s3 =	simm.s32 $0x108;
	s8 =	sld [smem:$0x3FA4]  }
0x2e: {  	s3 =	simm.s32 @!p0 $0x1082;
	s9 =	sld [smem:$0x3FA5]  }
0x2f: {  	lr =	sadd.s32 s0, s3;
	s0 =	sld [smem:$0x3F9C]  }
0x30: {  	s3 =	sld [smem:$0x3F9F]  }
0x31: {  	[smem:$0x3FA8] =	sst s10  }
0x32: {  	s10 =	sld [smem:$0x3FA6];
	_ =	sdelay $0x3  }
0x33: {  	p0 =	seq.s32 s10, $0x1;
	s10 =	sld [smem:$0x3FA8];
	_ =	sdelay $0x3  }
0x34: {  	[smem:$0x3FA8] =	sst s10  }
0x35: {  	s10 =	sld [smem:$0x3FA7];
	_ =	sdelay $0x3  }
0x36: {  	p1 =	seq.s32 s10, $0x1;
	s10 =	sld [smem:$0x3FA8];
	_ =	sdelay $0x3  }
0x37: {  	[smem:$0x3FA8] =	sst s10  }
0x38: {  	s10 =	sld [smem:$0x3FA9]  }
0x39: {  	_ = 	snop;
	(pc) =	sbr.ind lr, $3  }
0x3a: {  	_ = 	snop  }
0x3b: {  	_ = 	snop  }
0x3c: {  	p2 =	seq.s32 s10, $0x1;
	s10 =	sld [smem:$0x3FA8]  }
0x3d: {  	_ =	shalt  }
0x3e: {  	_ =	shalt  }
0x3f: {  	_ =	shalt  }
0x40: {  	_ =	shalt  }
0x41: {  	_ =	shalt  }
0x42: {  	_ =	shalt  }
0x43: {  	_ =	shalt  }
0x44: {  	_ =	shalt  }
0x45: {  	_ =	shalt  }
0x46: {  	_ =	shalt  }
0x47: {  	_ =	shalt  }
0x48: {  	_ =	shalt  }
0x49: {  	_ =	shalt  }
0x4a: {  	_ =	shalt  }
0x4b: {  	_ =	shalt  }
0x4c: {  	_ =	shalt  }
0x4d: {  	_ =	shalt  }
0x4e: {  	_ =	shalt  }
0x4f: {  	_ =	shalt  }
0x50: {  	_ =	shalt  }
0x51: {  	_ =	shalt  }
0x52: {  	_ =	shalt  }
0x53: {  	_ =	shalt  }
0x54: {  	_ =	shalt  }
0x55: {  	_ =	shalt  }
0x56: {  	_ =	shalt  }
0x57: {  	_ =	shalt  }
0x58: {  	_ =	shalt  }
0x59: {  	_ =	shalt  }
0x5a: {  	_ =	shalt  }
0x5b: {  	_ =	shalt  }
0x5c: {  	_ =	shalt  }
0x5d: {  	_ =	shalt  }
0x5e: {  	_ =	shalt  }
0x5f: {  	_ =	shalt  }
0x60: {  	_ =	shalt  }
0x61: {  	_ =	shalt  }
0x62: {  	_ =	shalt  }
0x63: {  	_ =	shalt  }
0x64: {  	_ =	shalt  }
0x65: {  	_ =	shalt  }
0x66: {  	_ =	shalt  }
0x67: {  	_ =	shalt  }
0x68: {  	_ =	shalt  }
0x69: {  	_ =	shalt  }
0x6a: {  	_ =	shalt  }
0x6b: {  	_ =	shalt  }
0x6c: {  	_ =	shalt  }
0x6d: {  	_ =	shalt  }
0x6e: {  	_ =	shalt  }
0x6f: {  	_ =	shalt  }
0x70: {  	_ =	shalt  }
0x71: {  	_ =	shalt  }
0x72: {  	_ =	shalt  }
0x73: {  	_ =	shalt  }
0x74: {  	_ =	shalt  }
0x75: {  	_ =	shalt  }
0x76: {  	_ =	shalt  }
0x77: {  	_ =	shalt  }
0x78: {  	_ =	shalt  }
0x79: {  	_ =	shalt  }
0x7a: {  	_ =	shalt  }
0x7b: {  	_ =	shalt  }
0x7c: {  	_ =	shalt  }
0x7d: {  	_ =	shalt  }
0x7e: {  	_ =	shalt  }
0x7f: {  	_ =	shalt  }
0x80: {  	_ =	shalt  }
0x81: {  	_ =	shalt  }
0x82: {  	_ =	shalt  }
0x83: {  	_ =	shalt  }
0x84: {  	_ =	shalt  }
0x85: {  	_ =	shalt  }
0x86: {  	_ =	shalt  }
0x87: {  	_ =	shalt  }
.Lfunc_end0:
.L_simem_size_0:
called_computation.1_lowered:
.L_overlay_start_0:
0x88: {  	s2 =	sld [smem:$0x3FD9]  }
0x89: {  	s3 =	sld [smem:$0x3FFE];
	_ =	sdelay $0x1  }
0x8a: {  	s1 =	srdreg.scid  }
0x8b: {  	s0 =	sand.u32 $0x1, s1  }
0x8c: {  	s17 =	sshll.u32 s0, $0xA;
	s2 =	sadd.s32 s3, s2  }
0x8d: {  	s2 =	sadd.s32 s2, s17  }
0x8e: {  	[smem:$0x3FB4] =	sst s2  }
0x8f: {  	_ = 	snop  }
0x90: {  	s2 =	sld [smem:$0x3FD0];
	(tm) =	ssettm $0x1  }
0x91: {  	s18 =	sld [smem:$0x3FFB];
	_ =	sdelay $0x3  }
0x92: {  	_ =	strace s18  }
0x93: {  	s3 =	sld [smem:$0x3FFC];
	_ =	sdelay $0x3  }
0x94: {  	_ =	strace s3  }
0x95: {  	s3 =	sld [smem:$0x3FFD];
	_ =	sdelay $0x3  }
0x96: {  	_ =	strace s3  }
0x97: {  	_ =	strace $0x8FFFFFFF  }
0x98: {  	s19 =	sld [smem:$0x3FDB];
	_ =	sdelay $0x1  }
0x99: {  	s4 =	simm.s32 $_scs_section_size  }
0x9a: {  	s5 =	simm.s32 $_size__tile_overlayer_lowered;
	s6 =	simm.s32 $_tile_overlayer_lowered  }
0x9b: {  	s22 =	simm.s32 $0x1BFF;
	s21 =	sshll.u32 s6, $0x1;
	s3 =	sadd.s32 s4, s19  }
0x9c: {  	s7 =	simm.s32 $0x0;
	s20 =	sshll.u32 s5, $0x1;
	s5 =	sadd.s32 s21, s3  }
0x9d: {  	[timem:s7], [sflag:s22] =	dma.local [hbm:s5], s20  }
0x9e: {  	_ =	swait.ge [sflag:s22], s20  }
0x9f: {  	s4 =	ssub.s32 $0x0, s20;
	[sflag:s22] =	ssyncset.done $0x0  }
0xa0: {  	[sflag:s22] =	ssyncadd.s32 s4;
	_ =	sdelay $0x1  }
0xa1: {  	s23 =	simm.s32 $0x1B8B  }
0xa2: {  	_ =	swait.ge [sflag:s23], $0x1  }
0xa3: {  	[sflag:s23] =	ssyncset.done $0x0  }
0xa4: {  	s25 =	simm.s32 $0x1B8E;
	s24 =	sld [smem:$0x3FFE];
	[sflag:s23] =	ssyncadd.s32 $0xFFFFFFFF  }
0xa5: {  	s26 =	simm.s32 $execute0_lowered;
	[smem:$0x3FD2] =	sst s25  }
0xa6: {  	s5 =	sshll.u32 s26, $0x1;
	_ =	strace $0x80000049;
	[dreg:$0x1] =	wrdreg $0xFFFFFFFF  }
0xa7: {  	s28 =	simm.s32 $_size_execute0_lowered;
	s3 =	sadd.s32 s3, s5;
	[dreg:$0x0] =	wrdreg $0x0  }
0xa8: {  	s5 =	sshll.u32 s28, $0x1;
	[dreg:$0x2] =	wrdreg s3  }
0xa9: {  	[dreg:$0x3] =	wrdreg s5  }
0xaa: {  	[dreg:$0x4] =	wrdreg $0xC0  }
0xab: {  	_ =	task [dreg:s7], $0x5FFFF  }
0xac: {  	[dreg:$0x1] =	wrdreg $0xFFFFFFFF  }
0xad: {  	[dreg:$0x0] =	wrdreg $0x60  }
0xae: {  	[dreg:$0x2] =	wrdreg s24  }
0xaf: {  	[dreg:$0x3] =	wrdreg s2  }
0xb0: {  	[dreg:$0x4] =	wrdreg $0x0  }
0xb1: {  	[dreg:$0x5] =	wrdreg $0x9  }
0xb2: {  	_ =	task.clear_ibuf [dreg:s7], $0x6FFFF;
	_ =	strace $0x90000049  }
0xb3: {  	s29 =	simm.s32 $0x9;
	_ =	strace $0x8000004B  }
0xb4: {  	_ =	swait.ge [sflag:s29], $0x1  }
0xb5: {  	[sflag:s29] =	ssyncadd.s32 $0xFFFFFFFF  }
0xb6: {  	_ =	strace $0x9000004B  }
0xb7: {  	_ =	sfence  }
0xb8: {  	s30 =	sld [smem:$0x0];
	_ =	sdelay $0x2  }
0xb9: {  	s31 =	sshll.u32 s1, $0xD;
	s1 =	sshrl.u32 s1, $0x2  }
0xba: {  	s3 =	sand.u32 $0x4000, s31;
	s1 =	sadd.s32 s1, s30  }
0xbb: {  	s0 =	sor.u32 s3, s0;
	s1 =	sshll.u32 s1, $0x11  }
0xbc: {  	s0 =	sor.u32 s1, s0  }
0xbd: {  	s0 =	sadd.s32 $0x8F2B, s0  }
0xbe: {  	[sflag:s0] =	ssyncadd.remote.s32 $0x1  }
0xbf: {  	_ =	sfence.sel $0xFFFF  }
0xc0: {  	[dreg:$0x0] =	wrdreg $0xFFFFFFFF;
	(pc) =	sbr.abs _section_cstart, $3  }
0xc1: {  	[dreg:$0x1] =	wrdreg $0xFFFFFFFF  }
0xc2: {  	_ =	task.clear_ibuf [dreg:s7], $0x2FFFF;
	_ =	strace $0x9FFFFFFF  }
0xc3: {  	(tm) =	ssettm $0x7FFFFFFF  }
tec
execute0_lowered:
.L_overlay_start_1:
0x0: {  	(tag) =	ssettag $0x1  }
0x1: {  	s0 =	rddreg [dreg:$0x0]  }
0x2: {  	s1 =	rddreg [dreg:$0x1]  }
0x3: {  	s2 =	rddreg [dreg:$0x2]  }
0x4: {  	s3 =	srdreg.scid;
	s15 =	stileid.u32  }
0x5: {  	s13 =	simm.s32 $0x7;
	s14 =	simm.s32 $0x16060;
	s16 =	simm.s32 $0x50  }
0x6: {  	s17 =	simm.s32 $0x187C0;
	s19 =	simm.s32 $0x1AFC0;
	s20 =	simm.s32 $0x1  }
0x7: {  	s22 =	simm.s32 $0x1D7C0;
	s23 =	simm.s32 $0x2;
	s28 =	simm.s32 $0x3  }
0x8: {  	s30 =	simm.s32 $0x5;
	s21 =	simm.s32 $0x161A0;
	s7 =	smul.u32 $0xC800, s15  }
0x9: {  	s24 =	simm.s32 $0x0;
	s5 =	sand.u32 $0x1, s3;
	s10 =	smul.u32 $0x1900, s15  }
0xa: {  	s3 =	simm.s32 $0x0;
	s11 =	ssub.s32 $0x28, s15;
	s12 =	smul.u32 $0x32000, s15  }
0xb: {  	s31 =	sshll.u32 s15, $0x6;
	s4 =	sshll.u32 s5, $0x4;
	s6 =	smul.u32 $0x138800, s5  }
0xc: {  	[smem:$0x7FF] =	sst s3;
	s5 =	ssub.s32 $0x2, s5;
	s4 =	sor.u32 s15, s4  }
0xd: {  	_ =	strace $0x8000004A;
	s26 =	sshrl.u32 s5, $0x1;
	s29 =	sshrl.u32 s12, $0x2  }
0xe: {  	s12 =	simm.s32 $0x13900;
	s8 =	smul.u32 $0x4EC, s4;
	s6 =	sadd.s32 s7, s6  }
0xf: {  	s15 =	sor.u32 $0x1C07, s31;
	s4 =	sadd.s32 $0x78C00, s0;
	s6 =	sshrl.u32 s6, $0x3  }
0x10: {  	s7 =	sshrl.u32 s11, $0x4;
	s25 =	sadd.s32 s8, s0;
	s9 =	sadd.s32 s6, s0  }
0x11: {  	s0 =	ssub.s32 s5, s26;
	s5 =	sadd.s32 s1, s8;
	s1 =	simm.s32 $0x6  }
0x12: {  	s6 =	sadd.s32 $0x20C00, s25;
	s8 =	smax.u32 s0, $0x1;
	s0 =	sadd.s32 s10, s4  }
0x13: {  	s10 =	sadd.s32 s29, s2;
	s11 =	sadd.s32 $0x9FE00, s9;
	s25 =	simm.s32 $0x4  }
.LBB2_1:
0x14: {  	[tilespmem:s12], [sflag:$0x7] =	stream.linear.gather [hbm4b:s5+s3], $0x2760, $0x38;
	v63 =	vld [tilespmem:$0x0]  }
0x15: {  	_ =	swait.ge [sflag:s13], $0x2760  }
0x16: {  	[sflag:s13] =	ssyncset.done $0x0  }
0x17: {  	[sflag:s13] =	ssyncadd.s32 $0xFFFFD8A0  }
0x18: {  	[tilespmem:s14], [sflag:$0x7] =	stream.linear.gather [hbm4b:s6+s3], $0x2760, $0x38;
	v63 =	vld [tilespmem:$0x0]  }
0x19: {  	p0 =	sne.s32 s7, $0x1;
	_ =	swait.ge [sflag:s13], $0x2760  }
.Ltmp0:
0x1a: {  	[sflag:s13] =	ssyncset.done $0x0;
	(pc) =	sbr.rel @!p0 .LBB2_3-.Ltmp0, $4  }
0x1b: {  	s26 =	sshrl.u32 s10, $0x3;
	[sflag:s13] =	ssyncadd.s32 $0xFFFFD8A0  }
0x1c: {  	[spmem:s26], [sflag:s15] =	dma.local [hbm:s0], $0x1900  }
0x1d: {  	s29 =	sadd.s32 $0xFFFFFFFF, s7;
	_ =	swait.ge [sflag:s13], $0x1900  }
0x1e: {  	s31 =	sadd.s32 $0xC8000, s10;
	s9 =	smov.u32 s0;
	[sflag:s13] =	ssyncset.done $0x0  }
.LBB2_2:
0x1f: {  	s18 =	sshrl.u32 s31, $0x3  }
0x20: {  	[sflag:s13] =	ssyncadd.s32 $0xFFFFE700;
	s9 =	sadd.s32 $0x19000, s9;
	p1 =	sne.s32 s29, $0x1  }
0x21: {  	[spmem:s18], [sflag:s15] =	dma.local [hbm:s9], $0x1900  }
.Ltmp1:
0x22: {  	_ = 	snop;
	(pc) =	sbr.rel @p1 .LBB2_2-.Ltmp1, $4  }
0x23: {  	_ = 	snop  }
0x24: {  	s29 =	sadd.s32 $0xFFFFFFFF, s29  }
0x25: {  	_ =	swait.ge [sflag:s13], $0x1900  }
0x26: {  	s31 =	sadd.s32 $0xC8000, s31;
	[sflag:s13] =	ssyncset.done $0x0  }
.LBB2_3:
0x27: {  	[sflag:s13] =	ssyncadd.s32 $0xFFFFE700  }
0x28: {  	[bflag:$0x0] =	sbarrier.arrive $0xFFFF  }
0x29: {  	[tilespmem:s17], [sflag:$0x1] =	stream.indirect.gather [hbm4b:s4+s16], $0x80, s12, s16, $0xb8;
	v63 =	vld [tilespmem:$0x0]  }
0x2a: {  	s9 =	simm.s32 $0x13950  }
0x2b: {  	[tilespmem:s19], [sflag:$0x2] =	stream.indirect.gather [hbm4b:s4+s16], $0x80, s9, s16, $0xb8;
	v63 =	vld [tilespmem:$0x0]  }
0x2c: {  	_ =	swait.ge [sflag:s20], $0x2800  }
0x2d: {  	[sflag:s20] =	ssyncset.done $0x0  }
0x2e: {  	[sflag:s20] =	ssyncadd.s32 $0xFFFFD800  }
0x2f: {  	[spmem:s2] =	stream.indirect.scatter.add.f32 [tilespmem:s17], [sflag:$0x4], $0x80, s14, s16, $0xb8;
	v63 =	vld [tilespmem:$0x0]  }
0x30: {  	s18 =	simm.s32 $0x139A0  }
0x31: {  	[tilespmem:s22], [sflag:$0x3] =	stream.indirect.gather [hbm4b:s4+s16], $0x80, s18, s16, $0xb8;
	v63 =	vld [tilespmem:$0x0]  }
0x32: {  	_ =	swait.ge [sflag:s23], $0x2800  }
0x33: {  	[sflag:s23] =	ssyncset.done $0x0  }
0x34: {  	s31 =	simm.s32 $0x160B0;
	[sflag:s23] =	ssyncadd.s32 $0xFFFFD800  }
0x35: {  	[spmem:s2] =	stream.indirect.scatter.add.f32 [tilespmem:s19], [sflag:$0x5], $0x80, s31, s16, $0xb8;
	v63 =	vld [tilespmem:$0x0]  }
0x36: {  	_ =	swait.ge [sflag:s25], $0x2800  }
0x37: {  	[sflag:s25] =	ssyncset.done $0x0  }
0x38: {  	s18 =	simm.s32 $0x139F0;
	[sflag:s25] =	ssyncadd.s32 $0xFFFFD800  }
0x39: {  	[tilespmem:s17], [sflag:$0x1] =	stream.indirect.gather [hbm4b:s4+s16], $0x80, s18, s16, $0xb8;
	v63 =	vld [tilespmem:$0x0]  }
0x3a: {  	_ =	swait.ge [sflag:s28], $0x2800  }
0x3b: {  	[sflag:s28] =	ssyncset.done $0x0  }
0x3c: {  	s31 =	simm.s32 $0x16100;
	[sflag:s28] =	ssyncadd.s32 $0xFFFFD800  }
0x3d: {  	[spmem:s2] =	stream.indirect.scatter.add.f32 [tilespmem:s22], [sflag:$0x6], $0x80, s31, s16, $0xb8;
	v63 =	vld [tilespmem:$0x0]  }
0x3e: {  	_ =	swait.ge [sflag:s30], $0x2800  }
0x3f: {  	[sflag:s30] =	ssyncset.done $0x0  }
0x40: {  	s18 =	simm.s32 $0x13A40;
	[sflag:s30] =	ssyncadd.s32 $0xFFFFD800  }
0x41: {  	[tilespmem:s19], [sflag:$0x2] =	stream.indirect.gather [hbm4b:s4+s16], $0x80, s18, s16, $0xb8;
	v63 =	vld [tilespmem:$0x0]  }
0x42: {  	_ =	swait.ge [sflag:s20], $0x2800  }
0x43: {  	[sflag:s20] =	ssyncset.done $0x0  }
0x44: {  	s31 =	simm.s32 $0x16150;
	[sflag:s20] =	ssyncadd.s32 $0xFFFFD800  }
0x45: {  	[spmem:s2] =	stream.indirect.scatter.add.f32 [tilespmem:s17], [sflag:$0x4], $0x80, s31, s16, $0xb8;
	v63 =	vld [tilespmem:$0x0]  }
0x46: {  	_ =	swait.ge [sflag:s1], $0x2800  }
0x47: {  	[sflag:s1] =	ssyncset.done $0x0  }
0x48: {  	s18 =	simm.s32 $0x13A90;
	[sflag:s1] =	ssyncadd.s32 $0xFFFFD800  }
0x49: {  	[tilespmem:s22], [sflag:$0x3] =	stream.indirect.gather [hbm4b:s4+s16], $0x80, s18, s16, $0xb8;
	v63 =	vld [tilespmem:$0x0]  }
0x4a: {  	_ =	swait.ge [sflag:s23], $0x2800  }
0x4b: {  	[sflag:s23] =	ssyncset.done $0x0  }
0x4c: {  	[sflag:s23] =	ssyncadd.s32 $0xFFFFD800  }
0x4d: {  	[spmem:s2] =	stream.indirect.scatter.add.f32 [tilespmem:s19], [sflag:$0x5], $0x80, s21, s16, $0xb8;
	v63 =	vld [tilespmem:$0x0]  }
0x4e: {  	_ =	swait.ge [sflag:s25], $0x2800  }
0x4f: {  	[sflag:s25] =	ssyncset.done $0x0  }
0x50: {  	s31 =	simm.s32 $0x13AE0;
	[sflag:s25] =	ssyncadd.s32 $0xFFFFD800  }
0x51: {  	[tilespmem:s17], [sflag:$0x1] =	stream.indirect.gather [hbm4b:s4+s16], $0x80, s31, s16, $0xb8;
	v63 =	vld [tilespmem:$0x0]  }
0x52: {  	_ =	swait.ge [sflag:s28], $0x2800  }
0x53: {  	[sflag:s28] =	ssyncset.done $0x0  }
0x54: {  	s18 =	simm.s32 $0x161F0;
	[sflag:s28] =	ssyncadd.s32 $0xFFFFD800  }
0x55: {  	[spmem:s2] =	stream.indirect.scatter.add.f32 [tilespmem:s22], [sflag:$0x6], $0x80, s18, s16, $0xb8;
	v63 =	vld [tilespmem:$0x0]  }
0x56: {  	_ =	swait.ge [sflag:s30], $0x2800  }
0x57: {  	[sflag:s30] =	ssyncset.done $0x0  }
0x58: {  	s31 =	simm.s32 $0x13B30;
	[sflag:s30] =	ssyncadd.s32 $0xFFFFD800  }
0x59: {  	[tilespmem:s19], [sflag:$0x2] =	stream.indirect.gather [hbm4b:s4+s16], $0x80, s31, s16, $0xb8;
	v63 =	vld [tilespmem:$0x0]  }
0x5a: {  	_ =	swait.ge [sflag:s20], $0x2800  }
0x5b: {  	[sflag:s20] =	ssyncset.done $0x0  }
0x5c: {  	s18 =	simm.s32 $0x16240;
	[sflag:s20] =	ssyncadd.s32 $0xFFFFD800  }
0x5d: {  	[spmem:s2] =	stream.indirect.scatter.add.f32 [tilespmem:s17], [sflag:$0x4], $0x80, s18, s16, $0xb8;
	v63 =	vld [tilespmem:$0x0]  }
0x5e: {  	_ =	swait.ge [sflag:s1], $0x2800  }
0x5f: {  	[sflag:s1] =	ssyncset.done $0x0  }
0x60: {  	s31 =	simm.s32 $0x13B80;
	[sflag:s1] =	ssyncadd.s32 $0xFFFFD800  }
0x61: {  	[tilespmem:s22], [sflag:$0x3] =	stream.indirect.gather [hbm4b:s4+s16], $0x80, s31, s16, $0xb8;
	v63 =	vld [tilespmem:$0x0]  }
0x62: {  	_ =	swait.ge [sflag:s23], $0x2800  }
0x63: {  	[sflag:s23] =	ssyncset.done $0x0  }
0x64: {  	s29 =	simm.s32 $0x3C0;
	s9 =	simm.s32 $0x16290;
	[sflag:s23] =	ssyncadd.s32 $0xFFFFD800  }
.LBB2_4:
0x65: {  	[spmem:s2] =	stream.indirect.scatter.add.f32 [tilespmem:s19], [sflag:$0x5], $0x80, s9, s16, $0xb8;
	v63 =	vld [tilespmem:$0x0]  }
0x66: {  	s9 =	smov.u32 s29;
	s29 =	sadd.s32 $0x3C0, s29;
	_ =	swait.ge [sflag:s25], $0x2800  }
0x67: {  	s9 =	sshra.s32 s9, $0x2;
	p1 =	sne.s32 s29, $0x9600;
	[sflag:s25] =	ssyncset.done $0x0  }
0x68: {  	s18 =	sadd.s32 $0x13AE0, s9;
	[sflag:s25] =	ssyncadd.s32 $0xFFFFD800  }
0x69: {  	[tilespmem:s17], [sflag:$0x1] =	stream.indirect.gather [hbm4b:s4+s16], $0x80, s18, s16, $0xb8;
	v63 =	vld [tilespmem:$0x0]  }
0x6a: {  	_ =	swait.ge [sflag:s28], $0x2800  }
0x6b: {  	[sflag:s28] =	ssyncset.done $0x0  }
0x6c: {  	s18 =	sadd.s32 $0x161F0, s9;
	[sflag:s28] =	ssyncadd.s32 $0xFFFFD800  }
0x6d: {  	[spmem:s2] =	stream.indirect.scatter.add.f32 [tilespmem:s22], [sflag:$0x6], $0x80, s18, s16, $0xb8;
	v63 =	vld [tilespmem:$0x0]  }
0x6e: {  	_ =	swait.ge [sflag:s30], $0x2800  }
0x6f: {  	[sflag:s30] =	ssyncset.done $0x0  }
0x70: {  	s18 =	sadd.s32 $0x13B30, s9;
	[sflag:s30] =	ssyncadd.s32 $0xFFFFD800  }
0x71: {  	[tilespmem:s19], [sflag:$0x2] =	stream.indirect.gather [hbm4b:s4+s16], $0x80, s18, s16, $0xb8;
	v63 =	vld [tilespmem:$0x0]  }
0x72: {  	_ =	swait.ge [sflag:s20], $0x2800  }
0x73: {  	[sflag:s20] =	ssyncset.done $0x0  }
0x74: {  	s18 =	sadd.s32 $0x16240, s9;
	[sflag:s20] =	ssyncadd.s32 $0xFFFFD800  }
0x75: {  	[spmem:s2] =	stream.indirect.scatter.add.f32 [tilespmem:s17], [sflag:$0x4], $0x80, s18, s16, $0xb8;
	v63 =	vld [tilespmem:$0x0]  }
0x76: {  	_ =	swait.ge [sflag:s1], $0x2800  }
0x77: {  	[sflag:s1] =	ssyncset.done $0x0  }
.Ltmp2:
0x78: {  	s18 =	sadd.s32 $0x13B80, s9;
	[sflag:s1] =	ssyncadd.s32 $0xFFFFD800;
	(pc) =	sbr.rel @p1 .LBB2_4-.Ltmp2, $4  }
0x79: {  	[tilespmem:s22], [sflag:$0x3] =	stream.indirect.gather [hbm4b:s4+s16], $0x80, s18, s16, $0xb8;
	v63 =	vld [tilespmem:$0x0]  }
0x7a: {  	_ =	swait.ge [sflag:s23], $0x2800  }
0x7b: {  	[sflag:s23] =	ssyncset.done $0x0  }
0x7c: {  	s9 =	sadd.s32 $0x16290, s9;
	[sflag:s23] =	ssyncadd.s32 $0xFFFFD800  }
0x7d: {  	[spmem:s2] =	stream.indirect.scatter.add.f32 [tilespmem:s19], [sflag:$0x5], $0x80, s9, s16, $0xb8;
	v63 =	vld [tilespmem:$0x0]  }
0x7e: {  	_ =	swait.ge [sflag:s28], $0x2800  }
0x7f: {  	s31 =	sshra.s32 s29, $0x2;
	[sflag:s28] =	ssyncset.done $0x0  }
0x80: {  	s9 =	sadd.s32 $0x161F0, s31;
	[sflag:s28] =	ssyncadd.s32 $0xFFFFD800  }
0x81: {  	[spmem:s2] =	stream.indirect.scatter.add.f32 [tilespmem:s22], [sflag:$0x6], $0x80, s9, s16, $0xb8;
	v63 =	vld [tilespmem:$0x0]  }
0x82: {  	_ =	swait.ge [sflag:s25], $0x2800  }
0x83: {  	[sflag:s25] =	ssyncset.done $0x0  }
0x84: {  	[sflag:s25] =	ssyncadd.s32 $0xFFFFD800  }
0x85: {  	_ =	swait.ge [sflag:s30], $0x2800  }
0x86: {  	[sflag:s30] =	ssyncset.done $0x0  }
0x87: {  	[sflag:s30] =	ssyncadd.s32 $0xFFFFD800  }
0x88: {  	_ =	swait.ge [sflag:s1], $0x2800  }
0x89: {  	[sflag:s1] =	ssyncset.done $0x0  }
.Ltmp3:
0x8a: {  	[sflag:s1] =	ssyncadd.s32 $0xFFFFD800;
	(pc) =	sbr.rel @!p0 .LBB2_7-.Ltmp3, $4  }
0x8b: {  	[bflag:$0x0] =	sbarrier.arrive $0xFFFF  }
0x8c: {  	[hbm:s11], [sflag:s15] =	dma.local [spmem:s26], $0x1900  }
0x8d: {  	s29 =	sadd.s32 $0xC8000, s10;
	_ =	swait.ge [sflag:s13], $0x1900  }
0x8e: {  	s9 =	smov.u32 s11;
	s26 =	sadd.s32 $0xFFFFFFFF, s7;
	[sflag:s13] =	ssyncset.done $0x0  }
.LBB2_6:
0x8f: {  	s18 =	sshrl.u32 s29, $0x3  }
0x90: {  	[sflag:s13] =	ssyncadd.s32 $0xFFFFE700;
	s9 =	sadd.s32 $0x19000, s9;
	p0 =	sne.s32 s26, $0x1  }
0x91: {  	[hbm:s9], [sflag:s15] =	dma.local [spmem:s18], $0x1900  }
.Ltmp4:
0x92: {  	_ = 	snop;
	(pc) =	sbr.rel @p0 .LBB2_6-.Ltmp4, $4  }
0x93: {  	_ = 	snop  }
0x94: {  	s26 =	sadd.s32 $0xFFFFFFFF, s26  }
0x95: {  	_ =	swait.ge [sflag:s13], $0x1900  }
0x96: {  	s29 =	sadd.s32 $0xC8000, s29;
	[sflag:s13] =	ssyncset.done $0x0  }
.LBB2_7:
0x97: {  	s24 =	sadd.s32 $0x1, s24  }
0x98: {  	p0 =	sne.s32 s24, s8  }
.Ltmp5:
0x99: {  	_ = 	snop;
	(pc) =	sbr.rel @p0 .LBB2_1-.Ltmp5, $2  }
0x9a: {  	_ =	sdelay $0x2  }
0x9b: {  	[sflag:s13] =	ssyncadd.s32 $0xFFFFE700  }
0x9c: {  	_ =	sfence.sel $0x180000  }
0x9d: {  	[bflag:$0x0] =	sbarrier.arrive $0xFFFF  }
0x9e: {  	_ =	strace $0x9000004A  }
0x9f: {  	s0 =	stileid.u32;
	[bflag:$0x2] =	sbarrier.arrive $0xFFFF  }
0xa0: {  	p0 =	sne.s32 s0, $0x0;
	s0 =	rddreg [dreg:$0x3]  }
0xa1: {  	s0 =	sadd.s32 @!p0 $0x100000, s0  }
0xa2: {  	[sflag:s0] =	ssyncadd.tile.s32 @!p0 $0x1;
	_ =	shalt  }
.Lfunc_end2:
_tile_overlayer_lowered:
.L_overlay_start_2:
0xa3: {  	(tag) =	ssettag $0x2  }
0xa4: {  	s0 =	rddreg [dreg:$0x0];
	s2 =	stileid.u32  }
0xa5: {  	s1 =	rddreg [dreg:$0x1];
	p0 =	sne.s32 s2, $0x0  }
0xa6: {  	s3 =	rddreg [dreg:$0x2];
	[bflag:$0x3] =	sbarrier.arrive $0xFFFF;
	s2 =	simm.s32 @!p0 $0x1C07  }
0xa7: {  	[timem:s3], [sflag:s2] =	dma.local @!p0 [hbm:s0], s1  }
0xa8: {  	s0 =	simm.s32 @!p0 $0x7  }
0xa9: {  	_ =	swait.ge @!p0 [sflag:s0], s1  }
0xaa: {  	s1 =	ssub.s32 @!p0 $0x0, s1;
	[sflag:s0] =	ssyncset.done @!p0 $0x0  }
0xab: {  	[sflag:s0] =	ssyncadd.s32 @!p0 s1  }
0xac: {  	[bflag:$0x3] =	sbarrier.arrive $0xFFFF  }
0xad: {  	_ =	shalt  }

// kernel: gcn_prop_d128.7.cloned.1.call-start
scs
__scs_entry_jumppad:
0x0: {  	(pc) =	sbr.rel $0x88, $3  }
0x1: {  	(tag) =	ssettag $0x0;
	lr =	simm.s32 $0x1  }
0x2: {  	[smem:$0x3F8D] =	sst lr;
	_ =	strace $0xD0000000  }
0x3: {  	_ = 	snop  }
0x4: {  	_ = 	snop  }
0x5: {  	_ = 	snop  }
0x6: {  	_ = 	snop  }
0x7: {  	_ = 	snop  }
__scs_overlays_trampoline_lowered:
0x8: {  	[smem:$0x3F9C] =	sst s0  }
0x9: {  	[smem:$0x3F9D] =	sst s1  }
0xa: {  	[smem:$0x3F9E] =	sst s2  }
0xb: {  	[smem:$0x3F9F] =	sst s3  }
0xc: {  	[smem:$0x3FA0] =	sst s4  }
0xd: {  	[smem:$0x3FA1] =	sst s5  }
0xe: {  	[smem:$0x3FA2] =	sst s6  }
0xf: {  	[smem:$0x3FA3] =	sst s7  }
0x10: {  	[smem:$0x3FA4] =	sst s8  }
0x11: {  	[smem:$0x3FA5] =	sst s9;
	s0 =	simm.s32 @!p0 $0x0  }
0x12: {  	s1 =	sld [smem:$0x3F8B];
	s0 =	simm.s32 @p0 $0x1  }
0x13: {  	[smem:$0x3FA6] =	sst s0;
	s0 =	simm.s32 @!p1 $0x0  }
0x14: {  	s2 =	sld [smem:$0x3F8A];
	s0 =	simm.s32 @p1 $0x1  }
0x15: {  	[smem:$0x3FA7] =	sst s0;
	s0 =	simm.s32 @!p2 $0x0  }
0x16: {  	s3 =	sld [smem:$0x3FDB];
	s0 =	simm.s32 @p2 $0x1  }
0x17: {  	s4 =	simm.s32 $0x1BF5;
	[smem:$0x3FA9] =	sst s0  }
0x18: {  	s0 =	sld [smem:$0x3F8C];
	_ =	swait.ge [sflag:s4], $0x0  }
0x19: {  	s7 =	sld [smem:$0x3F8D]  }
0x1a: {  	s8 =	sadd.s32 $0xFFFFE003, lr  }
0x1b: {  	s9 =	sadd.s32 $0xFFFFFEF7, lr;
	s5 =	simm.s32 $0xFFFFFFFF;
	p2 =	slt.u32 s8, $0xFFFFF086  }
0x1c: {  	p1 =	slt.u32 s9, $0xF7A;
	s5 =	simm.s32 @!p2 $0x0  }
0x1d: {  	s5 =	simm.s32 @p1 $0x1;
	p0 =	seq.s32 s7, s2  }
0x1e: {  	s7 =	smul.u32 @!p0 $0xF7A, s2;
	p2 =	seq.s32 @!p0 s5, $0x0  }
0x1f: {  	s9 =	smul.u32 $0xF7A, s1;
	s8 =	simm.s32 @!p0 $0x1BF5;
	p2 =	por !p2, p0  }
0x20: {  	[sflag:s8] =	ssyncset.s32 @!p0 $0xFFFFF086;
	s6 =	sadd.s32 @!p0 s3, s7;
	s7 =	simm.s32 @!p0 $0x108  }
0x21: {  	s3 =	sadd.s32 s3, s9;
	s6 =	sadd.s32 @!p0 $0x88, s6;
	s7 =	simm.s32 @p2 $0x1082  }
0x22: {  	[simem:s7], [sflag:s8] =	dma.local @!p0 [hbm:s6], $0xF7A  }
0x23: {  	s9 =	sor.u32 $0xD0000000, s2;
	s6 =	simm.s32 $0x108;
	_ =	swait.ge @!p0 [sflag:s8], $0x0  }
0x24: {  	s3 =	sadd.s32 $0x88, s3;
	s6 =	simm.s32 @!p1 $0x1082;
	[sflag:s4] =	ssyncset.s32 $0xFFFFF086  }
0x25: {  	[simem:s6], [sflag:s4] =	dma.local [hbm:s3], $0xF7A  }
0x26: {  	[smem:$0x3F8D] =	sst s1;
	(tag) =	ssettag s2;
	_ =	strace s9  }
0x27: {  	s1 =	sld [smem:$0x3F9D]  }
0x28: {  	s2 =	sld [smem:$0x3F9E]  }
0x29: {  	s4 =	sld [smem:$0x3FA0]  }
0x2a: {  	p0 =	seq.s32 s5, $0x0;
	s5 =	sld [smem:$0x3FA1]  }
0x2b: {  	s6 =	sld [smem:$0x3FA2]  }
0x2c: {  	s7 =	sld [smem:$0x3FA3]  }
0x2d: {  	s3 =	simm.s32 $0x108;
	s8 =	sld [smem:$0x3FA4]  }
0x2e: {  	s3 =	simm.s32 @!p0 $0x1082;
	s9 =	sld [smem:$0x3FA5]  }
0x2f: {  	lr =	sadd.s32 s0, s3;
	s0 =	sld [smem:$0x3F9C]  }
0x30: {  	s3 =	sld [smem:$0x3F9F]  }
0x31: {  	[smem:$0x3FA8] =	sst s10  }
0x32: {  	s10 =	sld [smem:$0x3FA6];
	_ =	sdelay $0x3  }
0x33: {  	p0 =	seq.s32 s10, $0x1;
	s10 =	sld [smem:$0x3FA8];
	_ =	sdelay $0x3  }
0x34: {  	[smem:$0x3FA8] =	sst s10  }
0x35: {  	s10 =	sld [smem:$0x3FA7];
	_ =	sdelay $0x3  }
0x36: {  	p1 =	seq.s32 s10, $0x1;
	s10 =	sld [smem:$0x3FA8];
	_ =	sdelay $0x3  }
0x37: {  	[smem:$0x3FA8] =	sst s10  }
0x38: {  	s10 =	sld [smem:$0x3FA9]  }
0x39: {  	_ = 	snop;
	(pc) =	sbr.ind lr, $3  }
0x3a: {  	_ = 	snop  }
0x3b: {  	_ = 	snop  }
0x3c: {  	p2 =	seq.s32 s10, $0x1;
	s10 =	sld [smem:$0x3FA8]  }
0x3d: {  	_ =	shalt  }
0x3e: {  	_ =	shalt  }
0x3f: {  	_ =	shalt  }
0x40: {  	_ =	shalt  }
0x41: {  	_ =	shalt  }
0x42: {  	_ =	shalt  }
0x43: {  	_ =	shalt  }
0x44: {  	_ =	shalt  }
0x45: {  	_ =	shalt  }
0x46: {  	_ =	shalt  }
0x47: {  	_ =	shalt  }
0x48: {  	_ =	shalt  }
0x49: {  	_ =	shalt  }
0x4a: {  	_ =	shalt  }
0x4b: {  	_ =	shalt  }
0x4c: {  	_ =	shalt  }
0x4d: {  	_ =	shalt  }
0x4e: {  	_ =	shalt  }
0x4f: {  	_ =	shalt  }
0x50: {  	_ =	shalt  }
0x51: {  	_ =	shalt  }
0x52: {  	_ =	shalt  }
0x53: {  	_ =	shalt  }
0x54: {  	_ =	shalt  }
0x55: {  	_ =	shalt  }
0x56: {  	_ =	shalt  }
0x57: {  	_ =	shalt  }
0x58: {  	_ =	shalt  }
0x59: {  	_ =	shalt  }
0x5a: {  	_ =	shalt  }
0x5b: {  	_ =	shalt  }
0x5c: {  	_ =	shalt  }
0x5d: {  	_ =	shalt  }
0x5e: {  	_ =	shalt  }
0x5f: {  	_ =	shalt  }
0x60: {  	_ =	shalt  }
0x61: {  	_ =	shalt  }
0x62: {  	_ =	shalt  }
0x63: {  	_ =	shalt  }
0x64: {  	_ =	shalt  }
0x65: {  	_ =	shalt  }
0x66: {  	_ =	shalt  }
0x67: {  	_ =	shalt  }
0x68: {  	_ =	shalt  }
0x69: {  	_ =	shalt  }
0x6a: {  	_ =	shalt  }
0x6b: {  	_ =	shalt  }
0x6c: {  	_ =	shalt  }
0x6d: {  	_ =	shalt  }
0x6e: {  	_ =	shalt  }
0x6f: {  	_ =	shalt  }
0x70: {  	_ =	shalt  }
0x71: {  	_ =	shalt  }
0x72: {  	_ =	shalt  }
0x73: {  	_ =	shalt  }
0x74: {  	_ =	shalt  }
0x75: {  	_ =	shalt  }
0x76: {  	_ =	shalt  }
0x77: {  	_ =	shalt  }
0x78: {  	_ =	shalt  }
0x79: {  	_ =	shalt  }
0x7a: {  	_ =	shalt  }
0x7b: {  	_ =	shalt  }
0x7c: {  	_ =	shalt  }
0x7d: {  	_ =	shalt  }
0x7e: {  	_ =	shalt  }
0x7f: {  	_ =	shalt  }
0x80: {  	_ =	shalt  }
0x81: {  	_ =	shalt  }
0x82: {  	_ =	shalt  }
0x83: {  	_ =	shalt  }
0x84: {  	_ =	shalt  }
0x85: {  	_ =	shalt  }
0x86: {  	_ =	shalt  }
0x87: {  	_ =	shalt  }
.Lfunc_end0:
.L_simem_size_0:
called_computation.2_lowered:
.L_overlay_start_0:
0x88: {  	s2 =	sld [smem:$0x3FD9]  }
0x89: {  	s3 =	sld [smem:$0x3FFE];
	_ =	sdelay $0x1  }
0x8a: {  	s1 =	srdreg.scid  }
0x8b: {  	s0 =	sand.u32 $0x1, s1  }
0x8c: {  	s17 =	sshll.u32 s0, $0xA;
	s2 =	sadd.s32 s3, s2  }
0x8d: {  	s2 =	sadd.s32 s2, s17  }
0x8e: {  	[smem:$0x3FB4] =	sst s2  }
0x8f: {  	_ = 	snop  }
0x90: {  	s2 =	sld [smem:$0x3FD0];
	(tm) =	ssettm $0x1  }
0x91: {  	s18 =	sld [smem:$0x3FFB];
	_ =	sdelay $0x3  }
0x92: {  	_ =	strace s18  }
0x93: {  	s3 =	sld [smem:$0x3FFC];
	_ =	sdelay $0x3  }
0x94: {  	_ =	strace s3  }
0x95: {  	s3 =	sld [smem:$0x3FFD];
	_ =	sdelay $0x3  }
0x96: {  	_ =	strace s3  }
0x97: {  	_ =	strace $0x8FFFFFFF  }
0x98: {  	s19 =	sld [smem:$0x3FDB];
	_ =	sdelay $0x1  }
0x99: {  	s4 =	simm.s32 $_scs_section_size  }
0x9a: {  	s5 =	simm.s32 $_size__tile_overlayer_lowered;
	s6 =	simm.s32 $_tile_overlayer_lowered  }
0x9b: {  	s22 =	simm.s32 $0x1BFF;
	s21 =	sshll.u32 s6, $0x1;
	s3 =	sadd.s32 s4, s19  }
0x9c: {  	s7 =	simm.s32 $0x0;
	s20 =	sshll.u32 s5, $0x1;
	s5 =	sadd.s32 s21, s3  }
0x9d: {  	[timem:s7], [sflag:s22] =	dma.local [hbm:s5], s20  }
0x9e: {  	_ =	swait.ge [sflag:s22], s20  }
0x9f: {  	s4 =	ssub.s32 $0x0, s20;
	[sflag:s22] =	ssyncset.done $0x0  }
0xa0: {  	[sflag:s22] =	ssyncadd.s32 s4;
	_ =	sdelay $0x1  }
0xa1: {  	s23 =	simm.s32 $0x1B8B  }
0xa2: {  	_ =	swait.ge [sflag:s23], $0x1  }
0xa3: {  	[sflag:s23] =	ssyncset.done $0x0  }
0xa4: {  	s25 =	simm.s32 $0x1B8E;
	s24 =	sld [smem:$0x3FFE];
	[sflag:s23] =	ssyncadd.s32 $0xFFFFFFFF  }
0xa5: {  	s26 =	simm.s32 $execute0_lowered;
	[smem:$0x3FD2] =	sst s25  }
0xa6: {  	s5 =	sshll.u32 s26, $0x1;
	_ =	strace $0x8000004C;
	[dreg:$0x1] =	wrdreg $0xFFFFFFFF  }
0xa7: {  	s28 =	simm.s32 $_size_execute0_lowered;
	s3 =	sadd.s32 s3, s5;
	[dreg:$0x0] =	wrdreg $0x0  }
0xa8: {  	s5 =	sshll.u32 s28, $0x1;
	[dreg:$0x2] =	wrdreg s3  }
0xa9: {  	[dreg:$0x3] =	wrdreg s5  }
0xaa: {  	[dreg:$0x4] =	wrdreg $0xC0  }
0xab: {  	_ =	task [dreg:s7], $0x5FFFF  }
0xac: {  	[dreg:$0x1] =	wrdreg $0xFFFFFFFF  }
0xad: {  	[dreg:$0x0] =	wrdreg $0x60  }
0xae: {  	[dreg:$0x2] =	wrdreg s24  }
0xaf: {  	[dreg:$0x3] =	wrdreg s2  }
0xb0: {  	[dreg:$0x4] =	wrdreg $0x0  }
0xb1: {  	[dreg:$0x5] =	wrdreg $0x9  }
0xb2: {  	_ =	task.clear_ibuf [dreg:s7], $0x6FFFF;
	_ =	strace $0x9000004C  }
0xb3: {  	s29 =	simm.s32 $0x9;
	_ =	strace $0x8000004E  }
0xb4: {  	_ =	swait.ge [sflag:s29], $0x1  }
0xb5: {  	[sflag:s29] =	ssyncadd.s32 $0xFFFFFFFF  }
0xb6: {  	_ =	strace $0x9000004E  }
0xb7: {  	_ =	sfence  }
0xb8: {  	s30 =	sld [smem:$0x0];
	_ =	sdelay $0x2  }
0xb9: {  	s31 =	sshll.u32 s1, $0xD;
	s1 =	sshrl.u32 s1, $0x2  }
0xba: {  	s3 =	sand.u32 $0x4000, s31;
	s1 =	sadd.s32 s1, s30  }
0xbb: {  	s0 =	sor.u32 s3, s0;
	s1 =	sshll.u32 s1, $0x11  }
0xbc: {  	s0 =	sor.u32 s1, s0  }
0xbd: {  	s0 =	sadd.s32 $0x8F2B, s0  }
0xbe: {  	[sflag:s0] =	ssyncadd.remote.s32 $0x1  }
0xbf: {  	_ =	sfence.sel $0xFFFF  }
0xc0: {  	[dreg:$0x0] =	wrdreg $0xFFFFFFFF;
	(pc) =	sbr.abs _section_cstart, $3  }
0xc1: {  	[dreg:$0x1] =	wrdreg $0xFFFFFFFF  }
0xc2: {  	_ =	task.clear_ibuf [dreg:s7], $0x2FFFF;
	_ =	strace $0x9FFFFFFF  }
0xc3: {  	(tm) =	ssettm $0x7FFFFFFF  }
tec
execute0_lowered:
.L_overlay_start_1:
0x0: {  	(tag) =	ssettag $0x1  }
0x1: {  	s0 =	rddreg [dreg:$0x0]  }
0x2: {  	s1 =	rddreg [dreg:$0x1]  }
0x3: {  	s2 =	rddreg [dreg:$0x2]  }
0x4: {  	s3 =	srdreg.scid;
	s15 =	stileid.u32  }
0x5: {  	s13 =	simm.s32 $0x7;
	s14 =	simm.s32 $0x16060;
	s16 =	simm.s32 $0x50  }
0x6: {  	s17 =	simm.s32 $0x187C0;
	s19 =	simm.s32 $0x1AFC0;
	s20 =	simm.s32 $0x1  }
0x7: {  	s22 =	simm.s32 $0x1D7C0;
	s23 =	simm.s32 $0x2;
	s28 =	simm.s32 $0x3  }
0x8: {  	s30 =	simm.s32 $0x5;
	s21 =	simm.s32 $0x161A0;
	s7 =	smul.u32 $0xC800, s15  }
0x9: {  	s24 =	simm.s32 $0x0;
	s5 =	sand.u32 $0x1, s3;
	s10 =	smul.u32 $0x1900, s15  }
0xa: {  	s3 =	simm.s32 $0x0;
	s11 =	ssub.s32 $0x28, s15;
	s12 =	smul.u32 $0x32000, s15  }
0xb: {  	s31 =	sshll.u32 s15, $0x6;
	s4 =	sshll.u32 s5, $0x4;
	s6 =	smul.u32 $0x138800, s5  }
0xc: {  	[smem:$0x7FF] =	sst s3;
	s5 =	ssub.s32 $0x2, s5;
	s4 =	sor.u32 s15, s4  }
0xd: {  	_ =	strace $0x8000004D;
	s26 =	sshrl.u32 s5, $0x1;
	s29 =	sshrl.u32 s12, $0x2  }
0xe: {  	s12 =	simm.s32 $0x13900;
	s8 =	smul.u32 $0x4EC, s4;
	s6 =	sadd.s32 s7, s6  }
0xf: {  	s15 =	sor.u32 $0x1C07, s31;
	s4 =	sadd.s32 $0x78C00, s0;
	s6 =	sshrl.u32 s6, $0x3  }
0x10: {  	s7 =	sshrl.u32 s11, $0x4;
	s25 =	sadd.s32 s8, s0;
	s9 =	sadd.s32 s6, s0  }
0x11: {  	s0 =	ssub.s32 s5, s26;
	s5 =	sadd.s32 s1, s8;
	s1 =	simm.s32 $0x6  }
0x12: {  	s6 =	sadd.s32 $0x20C00, s25;
	s8 =	smax.u32 s0, $0x1;
	s0 =	sadd.s32 s10, s4  }
0x13: {  	s10 =	sadd.s32 s29, s2;
	s11 =	sadd.s32 $0x9FE00, s9;
	s25 =	simm.s32 $0x4  }
.LBB2_1:
0x14: {  	[tilespmem:s12], [sflag:$0x7] =	stream.linear.gather [hbm4b:s5+s3], $0x2760, $0x38;
	v63 =	vld [tilespmem:$0x0]  }
0x15: {  	_ =	swait.ge [sflag:s13], $0x2760  }
0x16: {  	[sflag:s13] =	ssyncset.done $0x0  }
0x17: {  	[sflag:s13] =	ssyncadd.s32 $0xFFFFD8A0  }
0x18: {  	[tilespmem:s14], [sflag:$0x7] =	stream.linear.gather [hbm4b:s6+s3], $0x2760, $0x38;
	v63 =	vld [tilespmem:$0x0]  }
0x19: {  	p0 =	sne.s32 s7, $0x1;
	_ =	swait.ge [sflag:s13], $0x2760  }
.Ltmp0:
0x1a: {  	[sflag:s13] =	ssyncset.done $0x0;
	(pc) =	sbr.rel @!p0 .LBB2_3-.Ltmp0, $4  }
0x1b: {  	s26 =	sshrl.u32 s10, $0x3;
	[sflag:s13] =	ssyncadd.s32 $0xFFFFD8A0  }
0x1c: {  	[spmem:s26], [sflag:s15] =	dma.local [hbm:s0], $0x1900  }
0x1d: {  	s29 =	sadd.s32 $0xFFFFFFFF, s7;
	_ =	swait.ge [sflag:s13], $0x1900  }
0x1e: {  	s31 =	sadd.s32 $0xC8000, s10;
	s9 =	smov.u32 s0;
	[sflag:s13] =	ssyncset.done $0x0  }
.LBB2_2:
0x1f: {  	s18 =	sshrl.u32 s31, $0x3  }
0x20: {  	[sflag:s13] =	ssyncadd.s32 $0xFFFFE700;
	s9 =	sadd.s32 $0x19000, s9;
	p1 =	sne.s32 s29, $0x1  }
0x21: {  	[spmem:s18], [sflag:s15] =	dma.local [hbm:s9], $0x1900  }
.Ltmp1:
0x22: {  	_ = 	snop;
	(pc) =	sbr.rel @p1 .LBB2_2-.Ltmp1, $4  }
0x23: {  	_ = 	snop  }
0x24: {  	s29 =	sadd.s32 $0xFFFFFFFF, s29  }
0x25: {  	_ =	swait.ge [sflag:s13], $0x1900  }
0x26: {  	s31 =	sadd.s32 $0xC8000, s31;
	[sflag:s13] =	ssyncset.done $0x0  }
.LBB2_3:
0x27: {  	[sflag:s13] =	ssyncadd.s32 $0xFFFFE700  }
0x28: {  	[bflag:$0x0] =	sbarrier.arrive $0xFFFF  }
0x29: {  	[tilespmem:s17], [sflag:$0x1] =	stream.indirect.gather [hbm4b:s4+s16], $0x80, s12, s16, $0xb8;
	v63 =	vld [tilespmem:$0x0]  }
0x2a: {  	s9 =	simm.s32 $0x13950  }
0x2b: {  	[tilespmem:s19], [sflag:$0x2] =	stream.indirect.gather [hbm4b:s4+s16], $0x80, s9, s16, $0xb8;
	v63 =	vld [tilespmem:$0x0]  }
0x2c: {  	_ =	swait.ge [sflag:s20], $0x2800  }
0x2d: {  	[sflag:s20] =	ssyncset.done $0x0  }
0x2e: {  	[sflag:s20] =	ssyncadd.s32 $0xFFFFD800  }
0x2f: {  	[spmem:s2] =	stream.indirect.scatter.add.f32 [tilespmem:s17], [sflag:$0x4], $0x80, s14, s16, $0xb8;
	v63 =	vld [tilespmem:$0x0]  }
0x30: {  	s18 =	simm.s32 $0x139A0  }
0x31: {  	[tilespmem:s22], [sflag:$0x3] =	stream.indirect.gather [hbm4b:s4+s16], $0x80, s18, s16, $0xb8;
	v63 =	vld [tilespmem:$0x0]  }
0x32: {  	_ =	swait.ge [sflag:s23], $0x2800  }
0x33: {  	[sflag:s23] =	ssyncset.done $0x0  }
0x34: {  	s31 =	simm.s32 $0x160B0;
	[sflag:s23] =	ssyncadd.s32 $0xFFFFD800  }
0x35: {  	[spmem:s2] =	stream.indirect.scatter.add.f32 [tilespmem:s19], [sflag:$0x5], $0x80, s31, s16, $0xb8;
	v63 =	vld [tilespmem:$0x0]  }
0x36: {  	_ =	swait.ge [sflag:s25], $0x2800  }
0x37: {  	[sflag:s25] =	ssyncset.done $0x0  }
0x38: {  	s18 =	simm.s32 $0x139F0;
	[sflag:s25] =	ssyncadd.s32 $0xFFFFD800  }
0x39: {  	[tilespmem:s17], [sflag:$0x1] =	stream.indirect.gather [hbm4b:s4+s16], $0x80, s18, s16, $0xb8;
	v63 =	vld [tilespmem:$0x0]  }
0x3a: {  	_ =	swait.ge [sflag:s28], $0x2800  }
0x3b: {  	[sflag:s28] =	ssyncset.done $0x0  }
0x3c: {  	s31 =	simm.s32 $0x16100;
	[sflag:s28] =	ssyncadd.s32 $0xFFFFD800  }
0x3d: {  	[spmem:s2] =	stream.indirect.scatter.add.f32 [tilespmem:s22], [sflag:$0x6], $0x80, s31, s16, $0xb8;
	v63 =	vld [tilespmem:$0x0]  }
0x3e: {  	_ =	swait.ge [sflag:s30], $0x2800  }
0x3f: {  	[sflag:s30] =	ssyncset.done $0x0  }
0x40: {  	s18 =	simm.s32 $0x13A40;
	[sflag:s30] =	ssyncadd.s32 $0xFFFFD800  }
0x41: {  	[tilespmem:s19], [sflag:$0x2] =	stream.indirect.gather [hbm4b:s4+s16], $0x80, s18, s16, $0xb8;
	v63 =	vld [tilespmem:$0x0]  }
0x42: {  	_ =	swait.ge [sflag:s20], $0x2800  }
0x43: {  	[sflag:s20] =	ssyncset.done $0x0  }
0x44: {  	s31 =	simm.s32 $0x16150;
	[sflag:s20] =	ssyncadd.s32 $0xFFFFD800  }
0x45: {  	[spmem:s2] =	stream.indirect.scatter.add.f32 [tilespmem:s17], [sflag:$0x4], $0x80, s31, s16, $0xb8;
	v63 =	vld [tilespmem:$0x0]  }
0x46: {  	_ =	swait.ge [sflag:s1], $0x2800  }
0x47: {  	[sflag:s1] =	ssyncset.done $0x0  }
0x48: {  	s18 =	simm.s32 $0x13A90;
	[sflag:s1] =	ssyncadd.s32 $0xFFFFD800  }
0x49: {  	[tilespmem:s22], [sflag:$0x3] =	stream.indirect.gather [hbm4b:s4+s16], $0x80, s18, s16, $0xb8;
	v63 =	vld [tilespmem:$0x0]  }
0x4a: {  	_ =	swait.ge [sflag:s23], $0x2800  }
0x4b: {  	[sflag:s23] =	ssyncset.done $0x0  }
0x4c: {  	[sflag:s23] =	ssyncadd.s32 $0xFFFFD800  }
0x4d: {  	[spmem:s2] =	stream.indirect.scatter.add.f32 [tilespmem:s19], [sflag:$0x5], $0x80, s21, s16, $0xb8;
	v63 =	vld [tilespmem:$0x0]  }
0x4e: {  	_ =	swait.ge [sflag:s25], $0x2800  }
0x4f: {  	[sflag:s25] =	ssyncset.done $0x0  }
0x50: {  	s31 =	simm.s32 $0x13AE0;
	[sflag:s25] =	ssyncadd.s32 $0xFFFFD800  }
0x51: {  	[tilespmem:s17], [sflag:$0x1] =	stream.indirect.gather [hbm4b:s4+s16], $0x80, s31, s16, $0xb8;
	v63 =	vld [tilespmem:$0x0]  }
0x52: {  	_ =	swait.ge [sflag:s28], $0x2800  }
0x53: {  	[sflag:s28] =	ssyncset.done $0x0  }
0x54: {  	s18 =	simm.s32 $0x161F0;
	[sflag:s28] =	ssyncadd.s32 $0xFFFFD800  }
0x55: {  	[spmem:s2] =	stream.indirect.scatter.add.f32 [tilespmem:s22], [sflag:$0x6], $0x80, s18, s16, $0xb8;
	v63 =	vld [tilespmem:$0x0]  }
0x56: {  	_ =	swait.ge [sflag:s30], $0x2800  }
0x57: {  	[sflag:s30] =	ssyncset.done $0x0  }
0x58: {  	s31 =	simm.s32 $0x13B30;
	[sflag:s30] =	ssyncadd.s32 $0xFFFFD800  }
0x59: {  	[tilespmem:s19], [sflag:$0x2] =	stream.indirect.gather [hbm4b:s4+s16], $0x80, s31, s16, $0xb8;
	v63 =	vld [tilespmem:$0x0]  }
0x5a: {  	_ =	swait.ge [sflag:s20], $0x2800  }
0x5b: {  	[sflag:s20] =	ssyncset.done $0x0  }
0x5c: {  	s18 =	simm.s32 $0x16240;
	[sflag:s20] =	ssyncadd.s32 $0xFFFFD800  }
0x5d: {  	[spmem:s2] =	stream.indirect.scatter.add.f32 [tilespmem:s17], [sflag:$0x4], $0x80, s18, s16, $0xb8;
	v63 =	vld [tilespmem:$0x0]  }
0x5e: {  	_ =	swait.ge [sflag:s1], $0x2800  }
0x5f: {  	[sflag:s1] =	ssyncset.done $0x0  }
0x60: {  	s31 =	simm.s32 $0x13B80;
	[sflag:s1] =	ssyncadd.s32 $0xFFFFD800  }
0x61: {  	[tilespmem:s22], [sflag:$0x3] =	stream.indirect.gather [hbm4b:s4+s16], $0x80, s31, s16, $0xb8;
	v63 =	vld [tilespmem:$0x0]  }
0x62: {  	_ =	swait.ge [sflag:s23], $0x2800  }
0x63: {  	[sflag:s23] =	ssyncset.done $0x0  }
0x64: {  	s29 =	simm.s32 $0x3C0;
	s9 =	simm.s32 $0x16290;
	[sflag:s23] =	ssyncadd.s32 $0xFFFFD800  }
.LBB2_4:
0x65: {  	[spmem:s2] =	stream.indirect.scatter.add.f32 [tilespmem:s19], [sflag:$0x5], $0x80, s9, s16, $0xb8;
	v63 =	vld [tilespmem:$0x0]  }
0x66: {  	s9 =	smov.u32 s29;
	s29 =	sadd.s32 $0x3C0, s29;
	_ =	swait.ge [sflag:s25], $0x2800  }
0x67: {  	s9 =	sshra.s32 s9, $0x2;
	p1 =	sne.s32 s29, $0x9600;
	[sflag:s25] =	ssyncset.done $0x0  }
0x68: {  	s18 =	sadd.s32 $0x13AE0, s9;
	[sflag:s25] =	ssyncadd.s32 $0xFFFFD800  }
0x69: {  	[tilespmem:s17], [sflag:$0x1] =	stream.indirect.gather [hbm4b:s4+s16], $0x80, s18, s16, $0xb8;
	v63 =	vld [tilespmem:$0x0]  }
0x6a: {  	_ =	swait.ge [sflag:s28], $0x2800  }
0x6b: {  	[sflag:s28] =	ssyncset.done $0x0  }
0x6c: {  	s18 =	sadd.s32 $0x161F0, s9;
	[sflag:s28] =	ssyncadd.s32 $0xFFFFD800  }
0x6d: {  	[spmem:s2] =	stream.indirect.scatter.add.f32 [tilespmem:s22], [sflag:$0x6], $0x80, s18, s16, $0xb8;
	v63 =	vld [tilespmem:$0x0]  }
0x6e: {  	_ =	swait.ge [sflag:s30], $0x2800  }
0x6f: {  	[sflag:s30] =	ssyncset.done $0x0  }
0x70: {  	s18 =	sadd.s32 $0x13B30, s9;
	[sflag:s30] =	ssyncadd.s32 $0xFFFFD800  }
0x71: {  	[tilespmem:s19], [sflag:$0x2] =	stream.indirect.gather [hbm4b:s4+s16], $0x80, s18, s16, $0xb8;
	v63 =	vld [tilespmem:$0x0]  }
0x72: {  	_ =	swait.ge [sflag:s20], $0x2800  }
0x73: {  	[sflag:s20] =	ssyncset.done $0x0  }
0x74: {  	s18 =	sadd.s32 $0x16240, s9;
	[sflag:s20] =	ssyncadd.s32 $0xFFFFD800  }
0x75: {  	[spmem:s2] =	stream.indirect.scatter.add.f32 [tilespmem:s17], [sflag:$0x4], $0x80, s18, s16, $0xb8;
	v63 =	vld [tilespmem:$0x0]  }
0x76: {  	_ =	swait.ge [sflag:s1], $0x2800  }
0x77: {  	[sflag:s1] =	ssyncset.done $0x0  }
.Ltmp2:
0x78: {  	s18 =	sadd.s32 $0x13B80, s9;
	[sflag:s1] =	ssyncadd.s32 $0xFFFFD800;
	(pc) =	sbr.rel @p1 .LBB2_4-.Ltmp2, $4  }
0x79: {  	[tilespmem:s22], [sflag:$0x3] =	stream.indirect.gather [hbm4b:s4+s16], $0x80, s18, s16, $0xb8;
	v63 =	vld [tilespmem:$0x0]  }
0x7a: {  	_ =	swait.ge [sflag:s23], $0x2800  }
0x7b: {  	[sflag:s23] =	ssyncset.done $0x0  }
0x7c: {  	s9 =	sadd.s32 $0x16290, s9;
	[sflag:s23] =	ssyncadd.s32 $0xFFFFD800  }
0x7d: {  	[spmem:s2] =	stream.indirect.scatter.add.f32 [tilespmem:s19], [sflag:$0x5], $0x80, s9, s16, $0xb8;
	v63 =	vld [tilespmem:$0x0]  }
0x7e: {  	_ =	swait.ge [sflag:s28], $0x2800  }
0x7f: {  	s31 =	sshra.s32 s29, $0x2;
	[sflag:s28] =	ssyncset.done $0x0  }
0x80: {  	s9 =	sadd.s32 $0x161F0, s31;
	[sflag:s28] =	ssyncadd.s32 $0xFFFFD800  }
0x81: {  	[spmem:s2] =	stream.indirect.scatter.add.f32 [tilespmem:s22], [sflag:$0x6], $0x80, s9, s16, $0xb8;
	v63 =	vld [tilespmem:$0x0]  }
0x82: {  	_ =	swait.ge [sflag:s25], $0x2800  }
0x83: {  	[sflag:s25] =	ssyncset.done $0x0  }
0x84: {  	[sflag:s25] =	ssyncadd.s32 $0xFFFFD800  }
0x85: {  	_ =	swait.ge [sflag:s30], $0x2800  }
0x86: {  	[sflag:s30] =	ssyncset.done $0x0  }
0x87: {  	[sflag:s30] =	ssyncadd.s32 $0xFFFFD800  }
0x88: {  	_ =	swait.ge [sflag:s1], $0x2800  }
0x89: {  	[sflag:s1] =	ssyncset.done $0x0  }
.Ltmp3:
0x8a: {  	[sflag:s1] =	ssyncadd.s32 $0xFFFFD800;
	(pc) =	sbr.rel @!p0 .LBB2_7-.Ltmp3, $4  }
0x8b: {  	[bflag:$0x0] =	sbarrier.arrive $0xFFFF  }
0x8c: {  	[hbm:s11], [sflag:s15] =	dma.local [spmem:s26], $0x1900  }
0x8d: {  	s29 =	sadd.s32 $0xC8000, s10;
	_ =	swait.ge [sflag:s13], $0x1900  }
0x8e: {  	s9 =	smov.u32 s11;
	s26 =	sadd.s32 $0xFFFFFFFF, s7;
	[sflag:s13] =	ssyncset.done $0x0  }
.LBB2_6:
0x8f: {  	s18 =	sshrl.u32 s29, $0x3  }
0x90: {  	[sflag:s13] =	ssyncadd.s32 $0xFFFFE700;
	s9 =	sadd.s32 $0x19000, s9;
	p0 =	sne.s32 s26, $0x1  }
0x91: {  	[hbm:s9], [sflag:s15] =	dma.local [spmem:s18], $0x1900  }
.Ltmp4:
0x92: {  	_ = 	snop;
	(pc) =	sbr.rel @p0 .LBB2_6-.Ltmp4, $4  }
0x93: {  	_ = 	snop  }
0x94: {  	s26 =	sadd.s32 $0xFFFFFFFF, s26  }
0x95: {  	_ =	swait.ge [sflag:s13], $0x1900  }
0x96: {  	s29 =	sadd.s32 $0xC8000, s29;
	[sflag:s13] =	ssyncset.done $0x0  }
.LBB2_7:
0x97: {  	s24 =	sadd.s32 $0x1, s24  }
0x98: {  	p0 =	sne.s32 s24, s8  }
.Ltmp5:
0x99: {  	_ = 	snop;
	(pc) =	sbr.rel @p0 .LBB2_1-.Ltmp5, $2  }
0x9a: {  	_ =	sdelay $0x2  }
0x9b: {  	[sflag:s13] =	ssyncadd.s32 $0xFFFFE700  }
0x9c: {  	_ =	sfence.sel $0x180000  }
0x9d: {  	[bflag:$0x0] =	sbarrier.arrive $0xFFFF  }
0x9e: {  	_ =	strace $0x9000004D  }
0x9f: {  	s0 =	stileid.u32;
	[bflag:$0x2] =	sbarrier.arrive $0xFFFF  }
0xa0: {  	p0 =	sne.s32 s0, $0x0;
	s0 =	rddreg [dreg:$0x3]  }
0xa1: {  	s0 =	sadd.s32 @!p0 $0x100000, s0  }
0xa2: {  	[sflag:s0] =	ssyncadd.tile.s32 @!p0 $0x1;
	_ =	shalt  }
.Lfunc_end2:
_tile_overlayer_lowered:
.L_overlay_start_2:
0xa3: {  	(tag) =	ssettag $0x2  }
0xa4: {  	s0 =	rddreg [dreg:$0x0];
	s2 =	stileid.u32  }
0xa5: {  	s1 =	rddreg [dreg:$0x1];
	p0 =	sne.s32 s2, $0x0  }
0xa6: {  	s3 =	rddreg [dreg:$0x2];
	[bflag:$0x3] =	sbarrier.arrive $0xFFFF;
	s2 =	simm.s32 @!p0 $0x1C07  }
0xa7: {  	[timem:s3], [sflag:s2] =	dma.local @!p0 [hbm:s0], s1  }
0xa8: {  	s0 =	simm.s32 @!p0 $0x7  }
0xa9: {  	_ =	swait.ge @!p0 [sflag:s0], s1  }
0xaa: {  	s1 =	ssub.s32 @!p0 $0x0, s1;
	[sflag:s0] =	ssyncset.done @!p0 $0x0  }
0xab: {  	[sflag:s0] =	ssyncadd.s32 @!p0 s1  }
0xac: {  	[bflag:$0x3] =	sbarrier.arrive $0xFFFF  }
0xad: {  	_ =	shalt  }

// kernel: gcn_prop_d40.3.cloned.1.call-start
scs
__scs_entry_jumppad:
0x0: {  	(pc) =	sbr.rel $0x88, $3  }
0x1: {  	(tag) =	ssettag $0x0;
	lr =	simm.s32 $0x1  }
0x2: {  	[smem:$0x3F8D] =	sst lr;
	_ =	strace $0xD0000000  }
0x3: {  	_ = 	snop  }
0x4: {  	_ = 	snop  }
0x5: {  	_ = 	snop  }
0x6: {  	_ = 	snop  }
0x7: {  	_ = 	snop  }
__scs_overlays_trampoline_lowered:
0x8: {  	[smem:$0x3F9C] =	sst s0  }
0x9: {  	[smem:$0x3F9D] =	sst s1  }
0xa: {  	[smem:$0x3F9E] =	sst s2  }
0xb: {  	[smem:$0x3F9F] =	sst s3  }
0xc: {  	[smem:$0x3FA0] =	sst s4  }
0xd: {  	[smem:$0x3FA1] =	sst s5  }
0xe: {  	[smem:$0x3FA2] =	sst s6  }
0xf: {  	[smem:$0x3FA3] =	sst s7  }
0x10: {  	[smem:$0x3FA4] =	sst s8  }
0x11: {  	[smem:$0x3FA5] =	sst s9;
	s0 =	simm.s32 @!p0 $0x0  }
0x12: {  	s1 =	sld [smem:$0x3F8B];
	s0 =	simm.s32 @p0 $0x1  }
0x13: {  	[smem:$0x3FA6] =	sst s0;
	s0 =	simm.s32 @!p1 $0x0  }
0x14: {  	s2 =	sld [smem:$0x3F8A];
	s0 =	simm.s32 @p1 $0x1  }
0x15: {  	[smem:$0x3FA7] =	sst s0;
	s0 =	simm.s32 @!p2 $0x0  }
0x16: {  	s3 =	sld [smem:$0x3FDB];
	s0 =	simm.s32 @p2 $0x1  }
0x17: {  	s4 =	simm.s32 $0x1BF5;
	[smem:$0x3FA9] =	sst s0  }
0x18: {  	s0 =	sld [smem:$0x3F8C];
	_ =	swait.ge [sflag:s4], $0x0  }
0x19: {  	s7 =	sld [smem:$0x3F8D]  }
0x1a: {  	s8 =	sadd.s32 $0xFFFFE003, lr  }
0x1b: {  	s9 =	sadd.s32 $0xFFFFFEF7, lr;
	s5 =	simm.s32 $0xFFFFFFFF;
	p2 =	slt.u32 s8, $0xFFFFF086  }
0x1c: {  	p1 =	slt.u32 s9, $0xF7A;
	s5 =	simm.s32 @!p2 $0x0  }
0x1d: {  	s5 =	simm.s32 @p1 $0x1;
	p0 =	seq.s32 s7, s2  }
0x1e: {  	s7 =	smul.u32 @!p0 $0xF7A, s2;
	p2 =	seq.s32 @!p0 s5, $0x0  }
0x1f: {  	s9 =	smul.u32 $0xF7A, s1;
	s8 =	simm.s32 @!p0 $0x1BF5;
	p2 =	por !p2, p0  }
0x20: {  	[sflag:s8] =	ssyncset.s32 @!p0 $0xFFFFF086;
	s6 =	sadd.s32 @!p0 s3, s7;
	s7 =	simm.s32 @!p0 $0x108  }
0x21: {  	s3 =	sadd.s32 s3, s9;
	s6 =	sadd.s32 @!p0 $0x88, s6;
	s7 =	simm.s32 @p2 $0x1082  }
0x22: {  	[simem:s7], [sflag:s8] =	dma.local @!p0 [hbm:s6], $0xF7A  }
0x23: {  	s9 =	sor.u32 $0xD0000000, s2;
	s6 =	simm.s32 $0x108;
	_ =	swait.ge @!p0 [sflag:s8], $0x0  }
0x24: {  	s3 =	sadd.s32 $0x88, s3;
	s6 =	simm.s32 @!p1 $0x1082;
	[sflag:s4] =	ssyncset.s32 $0xFFFFF086  }
0x25: {  	[simem:s6], [sflag:s4] =	dma.local [hbm:s3], $0xF7A  }
0x26: {  	[smem:$0x3F8D] =	sst s1;
	(tag) =	ssettag s2;
	_ =	strace s9  }
0x27: {  	s1 =	sld [smem:$0x3F9D]  }
0x28: {  	s2 =	sld [smem:$0x3F9E]  }
0x29: {  	s4 =	sld [smem:$0x3FA0]  }
0x2a: {  	p0 =	seq.s32 s5, $0x0;
	s5 =	sld [smem:$0x3FA1]  }
0x2b: {  	s6 =	sld [smem:$0x3FA2]  }
0x2c: {  	s7 =	sld [smem:$0x3FA3]  }
0x2d: {  	s3 =	simm.s32 $0x108;
	s8 =	sld [smem:$0x3FA4]  }
0x2e: {  	s3 =	simm.s32 @!p0 $0x1082;
	s9 =	sld [smem:$0x3FA5]  }
0x2f: {  	lr =	sadd.s32 s0, s3;
	s0 =	sld [smem:$0x3F9C]  }
0x30: {  	s3 =	sld [smem:$0x3F9F]  }
0x31: {  	[smem:$0x3FA8] =	sst s10  }
0x32: {  	s10 =	sld [smem:$0x3FA6];
	_ =	sdelay $0x3  }
0x33: {  	p0 =	seq.s32 s10, $0x1;
	s10 =	sld [smem:$0x3FA8];
	_ =	sdelay $0x3  }
0x34: {  	[smem:$0x3FA8] =	sst s10  }
0x35: {  	s10 =	sld [smem:$0x3FA7];
	_ =	sdelay $0x3  }
0x36: {  	p1 =	seq.s32 s10, $0x1;
	s10 =	sld [smem:$0x3FA8];
	_ =	sdelay $0x3  }
0x37: {  	[smem:$0x3FA8] =	sst s10  }
0x38: {  	s10 =	sld [smem:$0x3FA9]  }
0x39: {  	_ = 	snop;
	(pc) =	sbr.ind lr, $3  }
0x3a: {  	_ = 	snop  }
0x3b: {  	_ = 	snop  }
0x3c: {  	p2 =	seq.s32 s10, $0x1;
	s10 =	sld [smem:$0x3FA8]  }
0x3d: {  	_ =	shalt  }
0x3e: {  	_ =	shalt  }
0x3f: {  	_ =	shalt  }
0x40: {  	_ =	shalt  }
0x41: {  	_ =	shalt  }
0x42: {  	_ =	shalt  }
0x43: {  	_ =	shalt  }
0x44: {  	_ =	shalt  }
0x45: {  	_ =	shalt  }
0x46: {  	_ =	shalt  }
0x47: {  	_ =	shalt  }
0x48: {  	_ =	shalt  }
0x49: {  	_ =	shalt  }
0x4a: {  	_ =	shalt  }
0x4b: {  	_ =	shalt  }
0x4c: {  	_ =	shalt  }
0x4d: {  	_ =	shalt  }
0x4e: {  	_ =	shalt  }
0x4f: {  	_ =	shalt  }
0x50: {  	_ =	shalt  }
0x51: {  	_ =	shalt  }
0x52: {  	_ =	shalt  }
0x53: {  	_ =	shalt  }
0x54: {  	_ =	shalt  }
0x55: {  	_ =	shalt  }
0x56: {  	_ =	shalt  }
0x57: {  	_ =	shalt  }
0x58: {  	_ =	shalt  }
0x59: {  	_ =	shalt  }
0x5a: {  	_ =	shalt  }
0x5b: {  	_ =	shalt  }
0x5c: {  	_ =	shalt  }
0x5d: {  	_ =	shalt  }
0x5e: {  	_ =	shalt  }
0x5f: {  	_ =	shalt  }
0x60: {  	_ =	shalt  }
0x61: {  	_ =	shalt  }
0x62: {  	_ =	shalt  }
0x63: {  	_ =	shalt  }
0x64: {  	_ =	shalt  }
0x65: {  	_ =	shalt  }
0x66: {  	_ =	shalt  }
0x67: {  	_ =	shalt  }
0x68: {  	_ =	shalt  }
0x69: {  	_ =	shalt  }
0x6a: {  	_ =	shalt  }
0x6b: {  	_ =	shalt  }
0x6c: {  	_ =	shalt  }
0x6d: {  	_ =	shalt  }
0x6e: {  	_ =	shalt  }
0x6f: {  	_ =	shalt  }
0x70: {  	_ =	shalt  }
0x71: {  	_ =	shalt  }
0x72: {  	_ =	shalt  }
0x73: {  	_ =	shalt  }
0x74: {  	_ =	shalt  }
0x75: {  	_ =	shalt  }
0x76: {  	_ =	shalt  }
0x77: {  	_ =	shalt  }
0x78: {  	_ =	shalt  }
0x79: {  	_ =	shalt  }
0x7a: {  	_ =	shalt  }
0x7b: {  	_ =	shalt  }
0x7c: {  	_ =	shalt  }
0x7d: {  	_ =	shalt  }
0x7e: {  	_ =	shalt  }
0x7f: {  	_ =	shalt  }
0x80: {  	_ =	shalt  }
0x81: {  	_ =	shalt  }
0x82: {  	_ =	shalt  }
0x83: {  	_ =	shalt  }
0x84: {  	_ =	shalt  }
0x85: {  	_ =	shalt  }
0x86: {  	_ =	shalt  }
0x87: {  	_ =	shalt  }
.Lfunc_end0:
.L_simem_size_0:
called_computation.3_lowered:
.L_overlay_start_0:
0x88: {  	s2 =	sld [smem:$0x3FD9]  }
0x89: {  	s3 =	sld [smem:$0x3FFE];
	_ =	sdelay $0x1  }
0x8a: {  	s1 =	srdreg.scid  }
0x8b: {  	s0 =	sand.u32 $0x1, s1  }
0x8c: {  	s17 =	sshll.u32 s0, $0xA;
	s2 =	sadd.s32 s3, s2  }
0x8d: {  	s2 =	sadd.s32 s2, s17  }
0x8e: {  	[smem:$0x3FB4] =	sst s2  }
0x8f: {  	_ = 	snop  }
0x90: {  	s2 =	sld [smem:$0x3FD0];
	(tm) =	ssettm $0x1  }
0x91: {  	s18 =	sld [smem:$0x3FFB];
	_ =	sdelay $0x3  }
0x92: {  	_ =	strace s18  }
0x93: {  	s3 =	sld [smem:$0x3FFC];
	_ =	sdelay $0x3  }
0x94: {  	_ =	strace s3  }
0x95: {  	s3 =	sld [smem:$0x3FFD];
	_ =	sdelay $0x3  }
0x96: {  	_ =	strace s3  }
0x97: {  	_ =	strace $0x8FFFFFFF  }
0x98: {  	s19 =	sld [smem:$0x3FDB];
	_ =	sdelay $0x1  }
0x99: {  	s4 =	simm.s32 $_scs_section_size  }
0x9a: {  	s5 =	simm.s32 $_size__tile_overlayer_lowered;
	s6 =	simm.s32 $_tile_overlayer_lowered  }
0x9b: {  	s22 =	simm.s32 $0x1BFF;
	s21 =	sshll.u32 s6, $0x1;
	s3 =	sadd.s32 s4, s19  }
0x9c: {  	s7 =	simm.s32 $0x0;
	s20 =	sshll.u32 s5, $0x1;
	s5 =	sadd.s32 s21, s3  }
0x9d: {  	[timem:s7], [sflag:s22] =	dma.local [hbm:s5], s20  }
0x9e: {  	_ =	swait.ge [sflag:s22], s20  }
0x9f: {  	s4 =	ssub.s32 $0x0, s20;
	[sflag:s22] =	ssyncset.done $0x0  }
0xa0: {  	[sflag:s22] =	ssyncadd.s32 s4;
	_ =	sdelay $0x1  }
0xa1: {  	s23 =	simm.s32 $0x1B8B  }
0xa2: {  	_ =	swait.ge [sflag:s23], $0x1  }
0xa3: {  	[sflag:s23] =	ssyncset.done $0x0  }
0xa4: {  	s25 =	simm.s32 $0x1B8E;
	s24 =	sld [smem:$0x3FFE];
	[sflag:s23] =	ssyncadd.s32 $0xFFFFFFFF  }
0xa5: {  	s26 =	simm.s32 $execute0_lowered;
	[smem:$0x3FD2] =	sst s25  }
0xa6: {  	s5 =	sshll.u32 s26, $0x1;
	_ =	strace $0x8000004F;
	[dreg:$0x1] =	wrdreg $0xFFFFFFFF  }
0xa7: {  	s28 =	simm.s32 $_size_execute0_lowered;
	s3 =	sadd.s32 s3, s5;
	[dreg:$0x0] =	wrdreg $0x0  }
0xa8: {  	s5 =	sshll.u32 s28, $0x1;
	[dreg:$0x2] =	wrdreg s3  }
0xa9: {  	[dreg:$0x3] =	wrdreg s5  }
0xaa: {  	[dreg:$0x4] =	wrdreg $0xC0  }
0xab: {  	_ =	task [dreg:s7], $0x5FFFF  }
0xac: {  	[dreg:$0x1] =	wrdreg $0xFFFFFFFF  }
0xad: {  	[dreg:$0x0] =	wrdreg $0x60  }
0xae: {  	[dreg:$0x2] =	wrdreg s2  }
0xaf: {  	[dreg:$0x3] =	wrdreg s24  }
0xb0: {  	[dreg:$0x4] =	wrdreg $0x0  }
0xb1: {  	[dreg:$0x5] =	wrdreg $0x9  }
0xb2: {  	_ =	task.clear_ibuf [dreg:s7], $0x6FFFF;
	_ =	strace $0x9000004F  }
0xb3: {  	s29 =	simm.s32 $0x9;
	_ =	strace $0x80000051  }
0xb4: {  	_ =	swait.ge [sflag:s29], $0x1  }
0xb5: {  	[sflag:s29] =	ssyncadd.s32 $0xFFFFFFFF  }
0xb6: {  	_ =	strace $0x90000051  }
0xb7: {  	_ =	sfence  }
0xb8: {  	s30 =	sld [smem:$0x0];
	_ =	sdelay $0x2  }
0xb9: {  	s31 =	sshll.u32 s1, $0xD;
	s1 =	sshrl.u32 s1, $0x2  }
0xba: {  	s3 =	sand.u32 $0x4000, s31;
	s1 =	sadd.s32 s1, s30  }
0xbb: {  	s0 =	sor.u32 s3, s0;
	s1 =	sshll.u32 s1, $0x11  }
0xbc: {  	s0 =	sor.u32 s1, s0  }
0xbd: {  	s0 =	sadd.s32 $0x8F2B, s0  }
0xbe: {  	[sflag:s0] =	ssyncadd.remote.s32 $0x1  }
0xbf: {  	_ =	sfence.sel $0xFFFF  }
0xc0: {  	[dreg:$0x0] =	wrdreg $0xFFFFFFFF;
	(pc) =	sbr.abs _section_cstart, $3  }
0xc1: {  	[dreg:$0x1] =	wrdreg $0xFFFFFFFF  }
0xc2: {  	_ =	task.clear_ibuf [dreg:s7], $0x2FFFF;
	_ =	strace $0x9FFFFFFF  }
0xc3: {  	(tm) =	ssettm $0x7FFFFFFF  }
tec
execute0_lowered:
.L_overlay_start_1:
0x0: {  	(tag) =	ssettag $0x1  }
0x1: {  	s1 =	rddreg [dreg:$0x0]  }
0x2: {  	s0 =	rddreg [dreg:$0x1]  }
0x3: {  	s3 =	rddreg [dreg:$0x2];
	s2 =	srdreg.scid  }
0x4: {  	s8 =	stileid.u32;
	s7 =	simm.s32 $0x0;
	s12 =	simm.s32 $0x61D0  }
0x5: {  	s13 =	simm.s32 $0x9;
	s14 =	simm.s32 $0x89D0;
	s16 =	simm.s32 $0x80  }
0x6: {  	s17 =	simm.s32 $0xB1D0;
	s19 =	simm.s32 $0xC5D0;
	s28 =	simm.s32 $0x5  }
0x7: {  	s30 =	simm.s32 $0x3;
	s18 =	simm.s32 $0x4;
	s29 =	simm.s32 $0x8  }
0x8: {  	s31 =	simm.s32 $0x10;
	s2 =	sand.u32 $0x1, s2;
	s6 =	smul.u32 $0xC800, s8  }
0x9: {  	[smem:$0x7FF] =	sst s7;
	s22 =	smul.u32 $0xFA00, s8;
	s24 =	ssub.s32 $0x28, s8  }
0xa: {  	s9 =	smul.u32 $0x7D0, s8;
	s26 =	sshll.u32 s8, $0x6;
	s4 =	sshll.u32 s2, $0x4  }
0xb: {  	s5 =	smul.u32 $0x138800, s2;
	_ =	strace $0x80000050;
	s2 =	ssub.s32 $0x2, s2  }
0xc: {  	s7 =	sshrl.u32 s24, $0x4;
	s15 =	sor.u32 $0x1C09, s26;
	s24 =	simm.s32 $0xEDD0  }
0xd: {  	s4 =	sor.u32 s8, s4;
	s21 =	sshrl.u32 s2, $0x1;
	s25 =	sshrl.u32 s22, $0x2  }
0xe: {  	s22 =	simm.s32 $0x1;
	s4 =	smul.u32 $0x500, s4;
	s5 =	sadd.s32 s6, s5  }
0xf: {  	s2 =	ssub.s32 s2, s21;
	s10 =	sadd.s32 s25, s3;
	s21 =	simm.s32 $0xD9D0  }
0x10: {  	s25 =	simm.s32 $0x2;
	s5 =	sshrl.u32 s5, $0x3;
	s2 =	smax.u32 s2, $0x1  }
0x11: {  	s4 =	sadd.s32 s4, s0;
	s0 =	sadd.s32 s5, s0;
	[dreg:$0x6] =	wrdreg s2  }
0x12: {  	s5 =	sadd.s32 s9, s1;
	s2 =	simm.s32 $0x0;
	s23 =	sadd.s32 $0xF400, s4  }
0x13: {  	s4 =	sadd.s32 $0x5400, s4;
	s11 =	sadd.s32 $0x78C00, s0;
	[dreg:$0x4] =	wrdreg s23  }
0x14: {  	s0 =	simm.s32 $0x6;
	[dreg:$0x5] =	wrdreg s4;
	s23 =	simm.s32 $0x7  }
.LBB2_1:
0x15: {  	s4 =	simm.s32 $0x0;
	s6 =	rddreg [dreg:$0x4]  }
0x16: {  	[tilespmem:s12], [sflag:$0x9] =	stream.linear.gather [hbm4b:s6+s4], $0x2800, $0x38;
	[tilespmem:$0x101D0] =	vst v63  }
0x17: {  	_ =	swait.ge [sflag:s13], $0x2800  }
0x18: {  	[sflag:s13] =	ssyncset.done $0x0  }
0x19: {  	s26 =	rddreg [dreg:$0x5];
	[sflag:s13] =	ssyncadd.s32 $0xFFFFD800  }
0x1a: {  	[tilespmem:s14], [sflag:$0x9] =	stream.linear.gather [hbm4b:s26+s4], $0x2800, $0x38;
	[tilespmem:$0x101D0] =	vst v63  }
0x1b: {  	p0 =	sne.s32 s7, $0x1;
	_ =	swait.ge [sflag:s13], $0x2800  }
.Ltmp0:
0x1c: {  	[sflag:s13] =	ssyncset.done $0x0;
	(pc) =	sbr.rel @!p0 .LBB2_3-.Ltmp0, $4  }
0x1d: {  	s20 =	sshrl.u32 s10, $0x3;
	[sflag:s13] =	ssyncadd.s32 $0xFFFFD800  }
0x1e: {  	[spmem:s20], [sflag:s15] =	dma.local [hbm:s5], $0x7D0  }
0x1f: {  	s9 =	smov.u32 s5;
	_ =	swait.ge [sflag:s13], $0x7D0  }
0x20: {  	s4 =	sadd.s32 $0xFFFFFFFF, s7;
	s26 =	sadd.s32 $0x3E800, s10;
	[sflag:s13] =	ssyncset.done $0x0  }
.LBB2_2:
0x21: {  	s6 =	sshrl.u32 s26, $0x3  }
0x22: {  	[sflag:s13] =	ssyncadd.s32 $0xFFFFF830;
	s9 =	sadd.s32 $0x7D00, s9;
	p1 =	sne.s32 s4, $0x1  }
0x23: {  	[spmem:s6], [sflag:s15] =	dma.local [hbm:s9], $0x7D0  }
.Ltmp1:
0x24: {  	_ = 	snop;
	(pc) =	sbr.rel @p1 .LBB2_2-.Ltmp1, $4  }
0x25: {  	_ = 	snop  }
0x26: {  	s4 =	sadd.s32 $0xFFFFFFFF, s4  }
0x27: {  	_ =	swait.ge [sflag:s13], $0x7D0  }
0x28: {  	s26 =	sadd.s32 $0x3E800, s26;
	[sflag:s13] =	ssyncset.done $0x0  }
.LBB2_3:
0x29: {  	[sflag:s13] =	ssyncadd.s32 $0xFFFFF830  }
0x2a: {  	[bflag:$0x0] =	sbarrier.arrive $0xFFFF  }
0x2b: {  	[tilespmem:s17], [sflag:$0x1] =	stream.indirect.gather [hbm4b:s1+s16], $0x28, s12, s16, $0xb8;
	[tilespmem:$0x101D0] =	vst v63  }
0x2c: {  	s4 =	simm.s32 $0x6250  }
0x2d: {  	[tilespmem:s19], [sflag:$0x2] =	stream.indirect.gather [hbm4b:s1+s16], $0x28, s4, s16, $0xb8;
	[tilespmem:$0x101D0] =	vst v63  }
0x2e: {  	s9 =	simm.s32 $0x62D0  }
0x2f: {  	[tilespmem:s21], [sflag:$0x3] =	stream.indirect.gather [hbm4b:s1+s16], $0x28, s9, s16, $0xb8;
	[tilespmem:$0x101D0] =	vst v63  }
0x30: {  	_ =	swait.ge [sflag:s22], $0x1400  }
0x31: {  	[sflag:s22] =	ssyncset.done $0x0  }
0x32: {  	[sflag:s22] =	ssyncadd.s32 $0xFFFFEC00  }
0x33: {  	[spmem:s3] =	stream.indirect.scatter.add.f32 [tilespmem:s17], [sflag:$0x5], $0x28, s14, s16, $0xb8;
	[tilespmem:$0x101D0] =	vst v63  }
0x34: {  	s12 =	simm.s32 $0x6350  }
0x35: {  	[tilespmem:s24], [sflag:$0x4] =	stream.indirect.gather [hbm4b:s1+s16], $0x28, s12, s16, $0xb8;
	[tilespmem:$0x101D0] =	vst v63  }
0x36: {  	_ =	swait.ge [sflag:s25], $0x1400  }
0x37: {  	[sflag:s25] =	ssyncset.done $0x0  }
0x38: {  	s26 =	simm.s32 $0x8A50;
	[sflag:s25] =	ssyncadd.s32 $0xFFFFEC00  }
0x39: {  	[spmem:s3] =	stream.indirect.scatter.add.f32 [tilespmem:s19], [sflag:$0x6], $0x28, s26, s16, $0xb8;
	[tilespmem:$0x101D0] =	vst v63  }
0x3a: {  	_ =	swait.ge [sflag:s28], $0x1400  }
0x3b: {  	[sflag:s28] =	ssyncset.done $0x0  }
0x3c: {  	s6 =	simm.s32 $0x63D0;
	[sflag:s28] =	ssyncadd.s32 $0xFFFFEC00  }
0x3d: {  	[tilespmem:s17], [sflag:$0x1] =	stream.indirect.gather [hbm4b:s1+s16], $0x28, s6, s16, $0xb8;
	[tilespmem:$0x101D0] =	vst v63  }
0x3e: {  	_ =	swait.ge [sflag:s30], $0x1400  }
0x3f: {  	[sflag:s30] =	ssyncset.done $0x0  }
0x40: {  	s8 =	simm.s32 $0x8AD0;
	[sflag:s30] =	ssyncadd.s32 $0xFFFFEC00  }
0x41: {  	[spmem:s3] =	stream.indirect.scatter.add.f32 [tilespmem:s21], [sflag:$0x7], $0x28, s8, s16, $0xb8;
	[tilespmem:$0x101D0] =	vst v63  }
0x42: {  	_ =	swait.ge [sflag:s0], $0x1400  }
0x43: {  	[sflag:s0] =	ssyncset.done $0x0  }
0x44: {  	s9 =	simm.s32 $0x6450;
	[sflag:s0] =	ssyncadd.s32 $0xFFFFEC00  }
0x45: {  	[tilespmem:s19], [sflag:$0x2] =	stream.indirect.gather [hbm4b:s1+s16], $0x28, s9, s16, $0xb8;
	[tilespmem:$0x101D0] =	vst v63  }
0x46: {  	_ =	swait.ge [sflag:s18], $0x1400  }
0x47: {  	[sflag:s18] =	ssyncset.done $0x0  }
0x48: {  	s12 =	simm.s32 $0x8B50;
	[sflag:s18] =	ssyncadd.s32 $0xFFFFEC00  }
0x49: {  	[spmem:s3] =	stream.indirect.scatter.add.f32 [tilespmem:s24], [sflag:$0x8], $0x28, s12, s16, $0xb8;
	[tilespmem:$0x101D0] =	vst v63  }
0x4a: {  	_ =	swait.ge [sflag:s23], $0x1400  }
0x4b: {  	[sflag:s23] =	ssyncset.done $0x0  }
0x4c: {  	s26 =	simm.s32 $0x64D0;
	[sflag:s23] =	ssyncadd.s32 $0xFFFFEC00  }
0x4d: {  	[tilespmem:s21], [sflag:$0x3] =	stream.indirect.gather [hbm4b:s1+s16], $0x28, s26, s16, $0xb8;
	[tilespmem:$0x101D0] =	vst v63  }
0x4e: {  	s26 =	simm.s32 $0x0  }
.LBB2_4:
0x4f: {  	_ =	swait.ge [sflag:s22], $0x1400  }
0x50: {  	s4 =	sshra.s32 s26, $0x2;
	[sflag:s22] =	ssyncset.done $0x0  }
0x51: {  	s6 =	sadd.s32 $0x8BD0, s4;
	[sflag:s22] =	ssyncadd.s32 $0xFFFFEC00  }
0x52: {  	[spmem:s3] =	stream.indirect.scatter.add.f32 [tilespmem:s17], [sflag:$0x5], $0x28, s6, s16, $0xb8;
	[tilespmem:$0x101D0] =	vst v63  }
0x53: {  	_ =	swait.ge [sflag:s29], $0x1400  }
0x54: {  	[sflag:s29] =	ssyncset.done $0x0  }
0x55: {  	s8 =	sadd.s32 $0x6550, s4;
	[sflag:s29] =	ssyncadd.s32 $0xFFFFEC00  }
0x56: {  	[tilespmem:s24], [sflag:$0x4] =	stream.indirect.gather [hbm4b:s1+s16], $0x28, s8, s16, $0xb8;
	[tilespmem:$0x101D0] =	vst v63  }
0x57: {  	_ =	swait.ge [sflag:s25], $0x1400  }
0x58: {  	p1 =	seq.s32 s26, $0x9000;
	[sflag:s25] =	ssyncset.done $0x0  }
0x59: {  	s9 =	sadd.s32 $0x8C50, s4;
	s6 =	simm.s32 @p1 $0x3;
	[sflag:s25] =	ssyncadd.s32 $0xFFFFEC00  }
0x5a: {  	[spmem:s3] =	stream.indirect.scatter.add.f32 [tilespmem:s19], [sflag:$0x6], $0x28, s9, s16, $0xb8;
	[tilespmem:$0x101D0] =	vst v63  }
0x5b: {  	_ =	swait.ge @p1 [sflag:s6], $0x1400  }
0x5c: {  	[sflag:s6] =	ssyncset.done @p1 $0x0  }
0x5d: {  	[sflag:s6] =	ssyncadd.s32 @p1 $0xFFFFEC00;
	s6 =	sshra.s32 @p1 s26, $0x2  }
0x5e: {  	s8 =	simm.s32 @p1 $0xD9D0;
	s9 =	simm.s32 @p1 $0x80;
	s6 =	sadd.s32 @p1 $0x8CD0, s6  }
0x5f: {  	[spmem:s3] =	stream.indirect.scatter.add.f32 @p1 [tilespmem:s8], [sflag:$0x7], $0x28, s6, s9, $0xb8;
	[tilespmem:$0x101D0] =	vst v63  }
0x60: {  	s6 =	simm.s32 @!p1 $0x5  }
0x61: {  	_ =	swait.ge @!p1 [sflag:s6], $0x1400  }
0x62: {  	[sflag:s6] =	ssyncset.done @!p1 $0x0  }
0x63: {  	[sflag:s6] =	ssyncadd.s32 @!p1 $0xFFFFEC00;
	s6 =	sshra.s32 @!p1 s26, $0x2  }
0x64: {  	s12 =	simm.s32 @!p1 $0xB1D0;
	s9 =	simm.s32 @!p1 $0x80;
	s8 =	sadd.s32 @!p1 $0x65D0, s6  }
0x65: {  	[tilespmem:s12], [sflag:$0x1] =	stream.indirect.gather @!p1 [hbm4b:s1+s9], $0x28, s8, s9, $0xb8;
	[tilespmem:$0x101D0] =	vst v63  }
0x66: {  	s8 =	simm.s32 @!p1 $0x3  }
0x67: {  	_ =	swait.ge @!p1 [sflag:s8], $0x1400  }
0x68: {  	[sflag:s8] =	ssyncset.done @!p1 $0x0  }
0x69: {  	s12 =	simm.s32 @!p1 $0xD9D0;
	[sflag:s8] =	ssyncadd.s32 @!p1 $0xFFFFEC00;
	s8 =	sadd.s32 @!p1 $0x8CD0, s6  }
0x6a: {  	[spmem:s3] =	stream.indirect.scatter.add.f32 @!p1 [tilespmem:s12], [sflag:$0x7], $0x28, s8, s9, $0xb8;
	[tilespmem:$0x101D0] =	vst v63  }
0x6b: {  	s8 =	simm.s32 @!p1 $0x6  }
0x6c: {  	_ =	swait.ge @!p1 [sflag:s8], $0x1400  }
0x6d: {  	[sflag:s8] =	ssyncset.done @!p1 $0x0  }
0x6e: {  	s6 =	sadd.s32 @!p1 $0x6650, s6;
	[sflag:s8] =	ssyncadd.s32 @!p1 $0xFFFFEC00;
	s8 =	simm.s32 @!p1 $0xC5D0  }
0x6f: {  	[tilespmem:s8], [sflag:$0x2] =	stream.indirect.gather @!p1 [hbm4b:s1+s9], $0x28, s6, s9, $0xb8;
	[tilespmem:$0x101D0] =	vst v63  }
.Ltmp2:
0x70: {  	_ = 	snop;
	(pc) =	sbr.rel @p1 .LBB2_6-.Ltmp2, $4  }
0x71: {  	_ =	swait.ge [sflag:s18], $0x1400  }
0x72: {  	[sflag:s18] =	ssyncset.done $0x0  }
0x73: {  	s12 =	sadd.s32 $0x8D50, s4;
	[sflag:s18] =	ssyncadd.s32 $0xFFFFEC00  }
0x74: {  	[spmem:s3] =	stream.indirect.scatter.add.f32 [tilespmem:s24], [sflag:$0x8], $0x28, s12, s16, $0xb8;
	[tilespmem:$0x101D0] =	vst v63  }
.Ltmp3:
0x75: {  	(pc) =	sbr.rel .LBB2_4-.Ltmp3, $4  }
0x76: {  	_ =	swait.ge [sflag:s23], $0x1400  }
0x77: {  	[sflag:s23] =	ssyncset.done $0x0  }
0x78: {  	s4 =	sadd.s32 $0x66D0, s4;
	s26 =	sadd.s32 $0x800, s26;
	[sflag:s23] =	ssyncadd.s32 $0xFFFFEC00  }
0x79: {  	[tilespmem:s21], [sflag:$0x3] =	stream.indirect.gather [hbm4b:s1+s16], $0x28, s4, s16, $0xb8;
	[tilespmem:$0x101D0] =	vst v63  }
.LBB2_6:
0x7a: {  	_ =	swait.ge [sflag:s28], $0x1400  }
0x7b: {  	[sflag:s28] =	ssyncset.done $0x0  }
0x7c: {  	[sflag:s28] =	ssyncadd.s32 $0xFFFFEC00  }
0x7d: {  	_ =	swait.ge [sflag:s0], $0x1400  }
0x7e: {  	[sflag:s0] =	ssyncset.done $0x0  }
0x7f: {  	[sflag:s0] =	ssyncadd.s32 $0xFFFFEC00  }
0x80: {  	_ =	swait.ge [sflag:s23], $0x1400  }
0x81: {  	[sflag:s23] =	ssyncset.done $0x0  }
0x82: {  	[sflag:s23] =	ssyncadd.s32 $0xFFFFEC00  }
0x83: {  	_ =	swait.ge [sflag:s29], $0x1400  }
0x84: {  	[sflag:s29] =	ssyncset.done $0x0  }
.Ltmp4:
0x85: {  	[sflag:s29] =	ssyncadd.s32 $0xFFFFEC00;
	(pc) =	sbr.rel @!p0 .LBB2_8-.Ltmp4, $4  }
0x86: {  	[bflag:$0x0] =	sbarrier.arrive $0xFFFF  }
0x87: {  	[hbm:s11@s31], [sflag:s15] =	dma.strided [spmem:s20@s28], $0x7D0, s22, $0x5   }
0x88: {  	s4 =	sadd.s32 $0xFFFFFFFF, s7;
	_ =	swait.ge [sflag:s13], $0x7D0  }
0x89: {  	s9 =	smov.u32 s11;
	s20 =	sadd.s32 $0x3E800, s10;
	[sflag:s13] =	ssyncset.done $0x0  }
.LBB2_7:
0x8a: {  	s6 =	sshrl.u32 s20, $0x3  }
0x8b: {  	[sflag:s13] =	ssyncadd.s32 $0xFFFFF830;
	s9 =	sadd.s32 $0x19000, s9;
	p0 =	sne.s32 s4, $0x1  }
0x8c: {  	[hbm:s9@s31], [sflag:s15] =	dma.strided [spmem:s6@s28], $0x7D0, s22, $0x5   }
.Ltmp5:
0x8d: {  	_ = 	snop;
	(pc) =	sbr.rel @p0 .LBB2_7-.Ltmp5, $4  }
0x8e: {  	_ = 	snop  }
0x8f: {  	s4 =	sadd.s32 $0xFFFFFFFF, s4  }
0x90: {  	_ =	swait.ge [sflag:s13], $0x7D0  }
0x91: {  	s20 =	sadd.s32 $0x3E800, s20;
	[sflag:s13] =	ssyncset.done $0x0  }
.LBB2_8:
0x92: {  	s2 =	sadd.s32 $0x1, s2;
	s4 =	rddreg [dreg:$0x6]  }
0x93: {  	p0 =	sne.s32 s2, s4  }
.Ltmp6:
0x94: {  	_ = 	snop;
	(pc) =	sbr.rel @p0 .LBB2_1-.Ltmp6, $2  }
0x95: {  	_ =	sdelay $0x2  }
0x96: {  	[sflag:s13] =	ssyncadd.s32 $0xFFFFF830;
	s12 =	simm.s32 $0x61D0  }
0x97: {  	_ =	sfence.sel $0x180000  }
0x98: {  	[bflag:$0x0] =	sbarrier.arrive $0xFFFF  }
0x99: {  	_ =	strace $0x90000050  }
0x9a: {  	s0 =	stileid.u32;
	[bflag:$0x2] =	sbarrier.arrive $0xFFFF  }
0x9b: {  	p0 =	sne.s32 s0, $0x0;
	s0 =	rddreg [dreg:$0x3]  }
0x9c: {  	s0 =	sadd.s32 @!p0 $0x100000, s0  }
0x9d: {  	[sflag:s0] =	ssyncadd.tile.s32 @!p0 $0x1;
	_ =	shalt  }
.Lfunc_end2:
_tile_overlayer_lowered:
.L_overlay_start_2:
0x9e: {  	(tag) =	ssettag $0x2  }
0x9f: {  	s0 =	rddreg [dreg:$0x0];
	s2 =	stileid.u32  }
0xa0: {  	s1 =	rddreg [dreg:$0x1];
	p0 =	sne.s32 s2, $0x0  }
0xa1: {  	s3 =	rddreg [dreg:$0x2];
	[bflag:$0x3] =	sbarrier.arrive $0xFFFF;
	s2 =	simm.s32 @!p0 $0x1C09  }
0xa2: {  	[timem:s3], [sflag:s2] =	dma.local @!p0 [hbm:s0], s1  }
0xa3: {  	s0 =	simm.s32 @!p0 $0x9  }
0xa4: {  	_ =	swait.ge @!p0 [sflag:s0], s1  }
0xa5: {  	s1 =	ssub.s32 @!p0 $0x0, s1;
	[sflag:s0] =	ssyncset.done @!p0 $0x0  }
0xa6: {  	[sflag:s0] =	ssyncadd.s32 @!p0 s1  }
0xa7: {  	[bflag:$0x3] =	sbarrier.arrive $0xFFFF  }
0xa8: {  	_ =	shalt  }

</sc_bundles>
